<compile_context>
chip_gen: v7x
topology: tpu7x:2x2x1
jax: 0.10.2.dev20260603
libtpu: 0.0.44.dev20260713+nightly
codegen_flags: <defaults>
</compile_context>

<pallas_src>
import functools

import jax
import jax.numpy as jnp
from jax import lax
from jax.experimental import pallas as pl
from jax.experimental.pallas import tpu as pltpu
from jax.experimental.pallas import tpu_sc as plsc

N = 50000
E = 1600000
OUT_CH = 32
MAX_VALUE = 2.0 * float(int(0.01 * 640 + 2) / 640)
SCALE = 1.0 / (2.0 * MAX_VALUE)
QMAX = 65535.0
CQ = SCALE / QMAX

L = 16
NC = 1
NS = 16
NW = NC * NS

N_PAD = 51200
ZR = N_PAD // NS
E_PAD = 1638400
EPW = E_PAD // NW
K = 3200
NCHUNK = EPW // K
GROUPS = K // L

BN = 1024


_sc_mesh = plsc.VectorSubcoreMesh(core_axis_name="c", subcore_axis_name="s",
                                  num_cores=1)


@functools.partial(
    pl.kernel,
    out_type=jax.ShapeDtypeStruct((NC * 2 * N_PAD,), jnp.float32),
    mesh=_sc_mesh,
    scratch_types=[
        [pltpu.VMEM((K,), jnp.int32)] * 4,
        [pltpu.VMEM((K,), jnp.int32)] * 4,
        [pltpu.VMEM((K,), jnp.int32)] * 2,
        [pltpu.VMEM((K,), jnp.int32)] * 2,
        [pltpu.VMEM((K,), jnp.float32)] * 2,
        [pltpu.VMEM((K,), jnp.float32)] * 2,
        [pltpu.VMEM((K,), jnp.float32)] * 2,
        pltpu.VMEM_SHARED((N_PAD,), jnp.float32),
        pltpu.VMEM_SHARED((N_PAD,), jnp.float32),
        pltpu.VMEM_SHARED((N_PAD,), jnp.int32),
        pltpu.VMEM_SHARED((N_PAD,), jnp.float32),
        [pltpu.SemaphoreType.DMA] * 2,
        [pltpu.SemaphoreType.DMA] * 2,
        [pltpu.SemaphoreType.DMA] * 2,
    ],
)
def _sc_accumulate(pq_h, xx_h, src_h, dst_h, zero_h, out_h,
                   sidx, didx, spq_v, dpq_v, xx_v, a_v, b_v,
                   acc_a, acc_b, pq_sh, xx_sh, gsem, ssem, isem):
    c = lax.axis_index("c")
    s = lax.axis_index("s")
    wid = c * NS + s

    tsl = pl.ds(s * ZR, ZR)
    pltpu.sync_copy(zero_h, acc_a.at[tsl])
    pltpu.sync_copy(zero_h, acc_b.at[tsl])
    pltpu.sync_copy(pq_h.at[tsl], pq_sh.at[tsl])
    pltpu.sync_copy(xx_h.at[tsl], xx_sh.at[tsl])
    plsc.subcore_barrier()

    def fetch_idx(i, bi):
        base = wid * EPW + i * K
        pltpu.async_copy(src_h.at[pl.ds(base, K)], sidx[bi], isem[bi % 2])
        pltpu.async_copy(dst_h.at[pl.ds(base, K)], didx[bi], isem[bi % 2])

    def fire_gathers(bi, bf):
        for dummy in (sidx[bi], didx[bi]):
            pltpu.make_async_copy(src_h.at[pl.ds(0, K)], dummy,
                                  isem[bi % 2]).wait()
        pltpu.async_copy(pq_sh.at[sidx[bi]], spq_v[bf], gsem[bf])
        pltpu.async_copy(pq_sh.at[didx[bi]], dpq_v[bf], gsem[bf])
        pltpu.async_copy(xx_sh.at[sidx[bi]], xx_v[bf], gsem[bf])

    def drain_gather(bf):
        for dst in (xx_v[bf], a_v[bf], b_v[bf]):
            pltpu.make_async_copy(xx_h.at[pl.ds(0, K)], dst, gsem[bf]).wait()

    def drain_scatter(bf):
        pltpu.make_async_copy(xx_h.at[pl.ds(0, K)], a_v[bf], ssem[bf]).wait()
        pltpu.make_async_copy(xx_h.at[pl.ds(0, K)], b_v[bf], ssem[bf]).wait()

    mask16 = jnp.full((L,), 0xFFFF, jnp.int32)

    def compute(bi, bf):
        def grp(j, carry2):
            for u4 in range(4):
                sl = pl.ds((4 * j + u4) * L, L)
                ws = spq_v[bf][sl]
                wd = dpq_v[bf][sl]
                dxi = (wd & mask16) - (ws & mask16)
                dyi = (lax.shift_right_logical(wd, 16)
                       - lax.shift_right_logical(ws, 16))
                p = jnp.clip(dxi.astype(jnp.float32) * CQ + 0.5, 0.0, 1.0)
                q = jnp.clip(dyi.astype(jnp.float32) * CQ + 0.5, 0.0, 1.0)
                xv = xx_v[bf][sl]
                a_v[bf][sl] = xv * p
                b_v[bf][sl] = xv * q
            return carry2

        lax.fori_loop(0, GROUPS // 4, grp, None)
        pltpu.async_copy(a_v[bf], acc_a.at[didx[bi]], ssem[bf], add=True)
        pltpu.async_copy(b_v[bf], acc_b.at[didx[bi]], ssem[bf], add=True)

    fetch_idx(0, 0)
    fetch_idx(1, 1)
    fire_gathers(0, 0)
    for i in range(4):
        if i >= 2:
            drain_scatter(i % 2)
        fetch_idx(i + 2, (i + 2) % 4)
        fire_gathers((i + 1) % 4, (i + 1) % 2)
        drain_gather(i % 2)
        compute(i % 4, i % 2)

    def quad_body(t, carry):
        for u in range(4):
            i = 4 * t + u
            drain_scatter(u % 2)
            fetch_idx(jnp.minimum(i + 2, NCHUNK - 1), (u + 2) % 4)
            fire_gathers((u + 1) % 4, (u + 1) % 2)
            drain_gather(u % 2)
            compute(u % 4, u % 2)
        return carry

    lax.fori_loop(1, NCHUNK // 4, quad_body, None)
    drain_scatter(0)
    drain_scatter(1)
    drain_gather(0)
    for dummy in (sidx[1], didx[1]):
        pltpu.make_async_copy(src_h.at[pl.ds(0, K)], dummy, isem[1]).wait()

    plsc.subcore_barrier()
    base_out = c * 2 * N_PAD + s * ZR
    pltpu.sync_copy(acc_a.at[pl.ds(s * ZR, ZR)],
                    out_h.at[pl.ds(base_out, ZR)])
    pltpu.sync_copy(acc_b.at[pl.ds(s * ZR, ZR)],
                    out_h.at[pl.ds(base_out + N_PAD, ZR)])


def _tc_expand_body(ab_ref, w4_ref, o_ref):
    o_ref[...] = lax.dot_general(
        ab_ref[:, :N], w4_ref[...],
        dimension_numbers=(((0,), (0,)), ((), ())),
        preferred_element_type=jnp.float32)


_tc_expand = pl.pallas_call(
    _tc_expand_body,
    out_shape=jax.ShapeDtypeStruct((N, OUT_CH), jnp.float32),
)


@jax.jit
def kernel(x, pos, edge_index, W):
    qx = jnp.clip(jnp.round(pos[:, 0] * QMAX), 0.0, QMAX).astype(jnp.int32)
    qy = jnp.clip(jnp.round(pos[:, 1] * QMAX), 0.0, QMAX).astype(jnp.int32)
    pq = jnp.pad(qx | (qy << 16), (0, N_PAD - N))
    xx = jnp.pad(x[:, 0], (0, N_PAD - N))
    pad_idx = jnp.full((E_PAD - E,), N, jnp.int32)
    src = jnp.concatenate([edge_index[0], pad_idx])
    dst = jnp.concatenate([edge_index[1], pad_idx])
    zeros = jnp.zeros((ZR,), jnp.float32)

    ab = _sc_accumulate(pq, xx, src, dst, zeros)
    ab4 = ab.reshape(2 * NC, N_PAD)
    w4 = jnp.concatenate([W] * NC, axis=0)
    return _tc_expand(ab4, w4)

# --- scband reference (transcript-rebuilt; emitter-appended) ---
"""Pipeline reference for scband-evgnn-72086731096311 (READ-ONLY COPY).

The authoritative reference and input builder live on the scoring server;
editing this copy changes nothing except your own understanding.
"""

import jax, jax.numpy as jnp
import numpy as np

N = 50000
E = 1600000
OUT_CH = 32
# effective_radius = 2 * float(int(cfg.ev_graph.radius * width + 2) / width)
#                  = 2 * float(int(0.01 * 640 + 2) / 640) = 2 * (8 / 640) = 0.025
MAX_VALUE = 2.0 * float(int(0.01 * 640 + 2) / 640)


def setup_inputs(seed: int = 0) -> dict:
    key = jax.random.key(seed)
    k1, k2, k3, k4 = jax.random.split(key, 4)
    x = jax.random.normal(k1, (N, 1), dtype=jnp.float32)
    pos = jax.random.uniform(k2, (N, 3), dtype=jnp.float32)  # (x, y, t) normalized event coords
    edge_index = jax.random.randint(k3, (2, E), 0, N, dtype=jnp.int32)
    W = jax.random.normal(k4, (2, OUT_CH), dtype=jnp.float32) * 0.1  # spline/continuous-conv weight on edge pseudo-coords
    return {"x": x, "pos": pos, "edge_index": edge_index, "W": W}


def reference(x, pos, edge_index, W):
    # EV_TGN builds the event graph (here: edge_index given), then
    # Cartesian(norm=True, cat=False, max_value=effective_radius) computes edge attrs:
    #   cart = pos[dst][:, :2] - pos[src][:, :2]
    #   pseudo = clip(cart / (2 * max_value) + 0.5, 0, 1)
    # followed by the first message-passing layer (1 -> 32 channels):
    #   msg_e = x[src_e] * (pseudo_e @ W); out = scatter_add(msg, dst)
    src = edge_index[0]
    dst = edge_index[1]
    cart = pos[dst, :2] - pos[src, :2]                      # gather: [E, 2]
    pseudo = jnp.clip(cart / (2.0 * MAX_VALUE) + 0.5, 0.0, 1.0)
    msg = x[src] * (pseudo @ W)                             # [E, 1] * [E, 32] -> [E, 32]
    out = jnp.zeros((x.shape[0], W.shape[1]), dtype=x.dtype).at[dst].add(msg)  # scatter-add
    return out

if __name__ == "__main__":
    import jax
    _d = setup_inputs()
    print(jax.jit(kernel)(*tuple(_d.values())))

</pallas_src>

<mosaic_0001>
#map = affine_map<(d0, d1) -> (0)>
module attributes {stable_mosaic.version = 14 : i64} {
  func.func @_sc_accumulate(%arg0: i32, %arg1: i32, %arg2: memref<51200xi32, #tpu.memory_space<hbm>>, %arg3: memref<51200xf32, #tpu.memory_space<hbm>>, %arg4: memref<1638400xi32, #tpu.memory_space<hbm>>, %arg5: memref<1638400xi32, #tpu.memory_space<hbm>>, %arg6: memref<3200xf32, #tpu.memory_space<hbm>>, %arg7: memref<102400xf32, #tpu.memory_space<hbm>>, %arg8: memref<3200xi32, #tpu.memory_space<vmem>>, %arg9: memref<3200xi32, #tpu.memory_space<vmem>>, %arg10: memref<3200xi32, #tpu.memory_space<vmem>>, %arg11: memref<3200xi32, #tpu.memory_space<vmem>>, %arg12: memref<3200xi32, #tpu.memory_space<vmem>>, %arg13: memref<3200xi32, #tpu.memory_space<vmem>>, %arg14: memref<3200xi32, #tpu.memory_space<vmem>>, %arg15: memref<3200xi32, #tpu.memory_space<vmem>>, %arg16: memref<3200xi32, #tpu.memory_space<vmem>>, %arg17: memref<3200xi32, #tpu.memory_space<vmem>>, %arg18: memref<3200xi32, #tpu.memory_space<vmem>>, %arg19: memref<3200xi32, #tpu.memory_space<vmem>>, %arg20: memref<3200xf32, #tpu.memory_space<vmem>>, %arg21: memref<3200xf32, #tpu.memory_space<vmem>>, %arg22: memref<3200xf32, #tpu.memory_space<vmem>>, %arg23: memref<3200xf32, #tpu.memory_space<vmem>>, %arg24: memref<3200xf32, #tpu.memory_space<vmem>>, %arg25: memref<3200xf32, #tpu.memory_space<vmem>>, %arg26: memref<51200xf32, #tpu.memory_space<vmem_shared>>, %arg27: memref<51200xf32, #tpu.memory_space<vmem_shared>>, %arg28: memref<51200xi32, #tpu.memory_space<vmem_shared>>, %arg29: memref<51200xf32, #tpu.memory_space<vmem_shared>>, %arg30: memref<!tpu.dma_semaphore, #tpu.memory_space<semaphore_mem>>, %arg31: memref<!tpu.dma_semaphore, #tpu.memory_space<semaphore_mem>>, %arg32: memref<!tpu.dma_semaphore, #tpu.memory_space<semaphore_mem>>, %arg33: memref<!tpu.dma_semaphore, #tpu.memory_space<semaphore_mem>>, %arg34: memref<!tpu.dma_semaphore, #tpu.memory_space<semaphore_mem>>, %arg35: memref<!tpu.dma_semaphore, #tpu.memory_space<semaphore_mem>>) attributes {dimension_semantics = [#tpu.dimension_semantics<core_parallel>, #tpu.dimension_semantics<subcore_parallel>], iteration_bounds = array<i64: 1, 16>, scalar_prefetch = 0 : i64, scratch_operands = 28 : i64, tpu.core_type = #tpu.core_type<sc_vector_subcore>, window_params = [{transform_indices = #map}, {transform_indices = #map}, {transform_indices = #map}, {transform_indices = #map}, {transform_indices = #map}, {transform_indices = #map}]} {
    %mul3A = arith.constant 16 : i32
    %mul3A_0 = arith.muli %arg0, %mul3A : i32
    %add3A = arith.addi %mul3A_0, %arg1 : i32
    %mul3A_1 = arith.constant 3200 : i32
    %mul3A_2 = arith.muli %arg1, %mul3A_1 : i32
    "tpu.region"() ({
      %run_scoped3A = tpu.sem_alloc : memref<!tpu.dma_semaphore, #tpu.memory_space<semaphore_mem>>
      %dma_start3A_274 = tpu.memref_slice %arg26[%mul3A_2] : memref<51200xf32, #tpu.memory_space<vmem_shared>> -> memref<3200xf32, #tpu.memory_space<vmem_shared>>
      tpu.enqueue_dma source(%arg6 : memref<3200xf32, #tpu.memory_space<hbm>>) target(%dma_start3A_274 : memref<3200xf32, #tpu.memory_space<vmem_shared>>) target_semaphore(%run_scoped3A : memref<!tpu.dma_semaphore, #tpu.memory_space<semaphore_mem>>)
      %dma_wait3A_275 = tpu.memref_slice %arg26[%mul3A_2] : memref<51200xf32, #tpu.memory_space<vmem_shared>> -> memref<3200xf32, #tpu.memory_space<vmem_shared>>
      tpu.wait_dma2 semaphore(%run_scoped3A : memref<!tpu.dma_semaphore, #tpu.memory_space<semaphore_mem>>) src(%arg6 : memref<3200xf32, #tpu.memory_space<hbm>>) dst(%dma_wait3A_275 : memref<3200xf32, #tpu.memory_space<vmem_shared>>)
      tpu.yield
    }) : () -> ()
    "tpu.region"() ({
      %run_scoped3A = tpu.sem_alloc : memref<!tpu.dma_semaphore, #tpu.memory_space<semaphore_mem>>
      %dma_start3A_274 = tpu.memref_slice %arg27[%mul3A_2] : memref<51200xf32, #tpu.memory_space<vmem_shared>> -> memref<3200xf32, #tpu.memory_space<vmem_shared>>
      tpu.enqueue_dma source(%arg6 : memref<3200xf32, #tpu.memory_space<hbm>>) target(%dma_start3A_274 : memref<3200xf32, #tpu.memory_space<vmem_shared>>) target_semaphore(%run_scoped3A : memref<!tpu.dma_semaphore, #tpu.memory_space<semaphore_mem>>)
      %dma_wait3A_275 = tpu.memref_slice %arg27[%mul3A_2] : memref<51200xf32, #tpu.memory_space<vmem_shared>> -> memref<3200xf32, #tpu.memory_space<vmem_shared>>
      tpu.wait_dma2 semaphore(%run_scoped3A : memref<!tpu.dma_semaphore, #tpu.memory_space<semaphore_mem>>) src(%arg6 : memref<3200xf32, #tpu.memory_space<hbm>>) dst(%dma_wait3A_275 : memref<3200xf32, #tpu.memory_space<vmem_shared>>)
      tpu.yield
    }) : () -> ()
    "tpu.region"() ({
      %run_scoped3A = tpu.sem_alloc : memref<!tpu.dma_semaphore, #tpu.memory_space<semaphore_mem>>
      %dma_start3A_274 = tpu.memref_slice %arg28[%mul3A_2] : memref<51200xi32, #tpu.memory_space<vmem_shared>> -> memref<3200xi32, #tpu.memory_space<vmem_shared>>
      %dma_start3A_275 = tpu.memref_slice %arg2[%mul3A_2] : memref<51200xi32, #tpu.memory_space<hbm>> -> memref<3200xi32, #tpu.memory_space<hbm>>
      tpu.enqueue_dma source(%dma_start3A_275 : memref<3200xi32, #tpu.memory_space<hbm>>) target(%dma_start3A_274 : memref<3200xi32, #tpu.memory_space<vmem_shared>>) target_semaphore(%run_scoped3A : memref<!tpu.dma_semaphore, #tpu.memory_space<semaphore_mem>>)
      %dma_wait3A_276 = tpu.memref_slice %arg28[%mul3A_2] : memref<51200xi32, #tpu.memory_space<vmem_shared>> -> memref<3200xi32, #tpu.memory_space<vmem_shared>>
      %dma_wait3A_277 = tpu.memref_slice %arg2[%mul3A_2] : memref<51200xi32, #tpu.memory_space<hbm>> -> memref<3200xi32, #tpu.memory_space<hbm>>
      tpu.wait_dma2 semaphore(%run_scoped3A : memref<!tpu.dma_semaphore, #tpu.memory_space<semaphore_mem>>) src(%dma_wait3A_277 : memref<3200xi32, #tpu.memory_space<hbm>>) dst(%dma_wait3A_276 : memref<3200xi32, #tpu.memory_space<vmem_shared>>)
      tpu.yield
    }) : () -> ()
    "tpu.region"() ({
      %run_scoped3A = tpu.sem_alloc : memref<!tpu.dma_semaphore, #tpu.memory_space<semaphore_mem>>
      %dma_start3A_274 = tpu.memref_slice %arg29[%mul3A_2] : memref<51200xf32, #tpu.memory_space<vmem_shared>> -> memref<3200xf32, #tpu.memory_space<vmem_shared>>
      %dma_start3A_275 = tpu.memref_slice %arg3[%mul3A_2] : memref<51200xf32, #tpu.memory_space<hbm>> -> memref<3200xf32, #tpu.memory_space<hbm>>
      tpu.enqueue_dma source(%dma_start3A_275 : memref<3200xf32, #tpu.memory_space<hbm>>) target(%dma_start3A_274 : memref<3200xf32, #tpu.memory_space<vmem_shared>>) target_semaphore(%run_scoped3A : memref<!tpu.dma_semaphore, #tpu.memory_space<semaphore_mem>>)
      %dma_wait3A_276 = tpu.memref_slice %arg29[%mul3A_2] : memref<51200xf32, #tpu.memory_space<vmem_shared>> -> memref<3200xf32, #tpu.memory_space<vmem_shared>>
      %dma_wait3A_277 = tpu.memref_slice %arg3[%mul3A_2] : memref<51200xf32, #tpu.memory_space<hbm>> -> memref<3200xf32, #tpu.memory_space<hbm>>
      tpu.wait_dma2 semaphore(%run_scoped3A : memref<!tpu.dma_semaphore, #tpu.memory_space<semaphore_mem>>) src(%dma_wait3A_277 : memref<3200xf32, #tpu.memory_space<hbm>>) dst(%dma_wait3A_276 : memref<3200xf32, #tpu.memory_space<vmem_shared>>)
      tpu.yield
    }) : () -> ()
    %barrier3A = arith.constant 0 : index
    tpu.barrier barrier_id(%barrier3A)
    %broadcast_in_dim3A = arith.constant 65535 : i32
    %broadcast_in_dim3A_3 = vector.broadcast %broadcast_in_dim3A : i32 to vector<16xi32>
    %mul3A_4 = arith.constant 102400 : i32
    %mul3A_5 = arith.muli %add3A, %mul3A_4 : i32
    %add3A_6 = arith.constant 0 : i32
    %add3A_7 = arith.addi %mul3A_5, %add3A_6 : i32
    %dma_start3A = tpu.memref_slice %arg4[%add3A_7] : memref<1638400xi32, #tpu.memory_space<hbm>> -> memref<3200xi32, #tpu.memory_space<hbm>>
    %dma_start3A_8 = tpu.memref_slice %arg4[%add3A_7] : memref<1638400xi32, #tpu.memory_space<hbm>> -> memref<3200xi32, #tpu.memory_space<hbm>>
    tpu.enqueue_dma source(%dma_start3A_8 : memref<3200xi32, #tpu.memory_space<hbm>>) target(%arg8 : memref<3200xi32, #tpu.memory_space<vmem>>) target_semaphore(%arg34 : memref<!tpu.dma_semaphore, #tpu.memory_space<semaphore_mem>>)
    %dma_start3A_9 = tpu.memref_slice %arg5[%add3A_7] : memref<1638400xi32, #tpu.memory_space<hbm>> -> memref<3200xi32, #tpu.memory_space<hbm>>
    %dma_start3A_10 = tpu.memref_slice %arg5[%add3A_7] : memref<1638400xi32, #tpu.memory_space<hbm>> -> memref<3200xi32, #tpu.memory_space<hbm>>
    tpu.enqueue_dma source(%dma_start3A_10 : memref<3200xi32, #tpu.memory_space<hbm>>) target(%arg12 : memref<3200xi32, #tpu.memory_space<vmem>>) target_semaphore(%arg34 : memref<!tpu.dma_semaphore, #tpu.memory_space<semaphore_mem>>)
    %mul3A_11 = arith.constant 102400 : i32
    %mul3A_12 = arith.muli %add3A, %mul3A_11 : i32
    %add3A_13 = arith.constant 3200 : i32
    %add3A_14 = arith.addi %mul3A_12, %add3A_13 : i32
    %dma_start3A_15 = tpu.memref_slice %arg4[%add3A_14] : memref<1638400xi32, #tpu.memory_space<hbm>> -> memref<3200xi32, #tpu.memory_space<hbm>>
    %dma_start3A_16 = tpu.memref_slice %arg4[%add3A_14] : memref<1638400xi32, #tpu.memory_space<hbm>> -> memref<3200xi32, #tpu.memory_space<hbm>>
    tpu.enqueue_dma source(%dma_start3A_16 : memref<3200xi32, #tpu.memory_space<hbm>>) target(%arg9 : memref<3200xi32, #tpu.memory_space<vmem>>) target_semaphore(%arg35 : memref<!tpu.dma_semaphore, #tpu.memory_space<semaphore_mem>>)
    %dma_start3A_17 = tpu.memref_slice %arg5[%add3A_14] : memref<1638400xi32, #tpu.memory_space<hbm>> -> memref<3200xi32, #tpu.memory_space<hbm>>
    %dma_start3A_18 = tpu.memref_slice %arg5[%add3A_14] : memref<1638400xi32, #tpu.memory_space<hbm>> -> memref<3200xi32, #tpu.memory_space<hbm>>
    tpu.enqueue_dma source(%dma_start3A_18 : memref<3200xi32, #tpu.memory_space<hbm>>) target(%arg13 : memref<3200xi32, #tpu.memory_space<vmem>>) target_semaphore(%arg35 : memref<!tpu.dma_semaphore, #tpu.memory_space<semaphore_mem>>)
    %dma_wait3A = arith.constant 0 : i32
    %dma_wait3A_19 = tpu.memref_slice %arg4[%dma_wait3A] : memref<1638400xi32, #tpu.memory_space<hbm>> -> memref<3200xi32, #tpu.memory_space<hbm>>
    %dma_wait3A_20 = arith.constant 0 : i32
    %dma_wait3A_21 = tpu.memref_slice %arg4[%dma_wait3A_20] : memref<1638400xi32, #tpu.memory_space<hbm>> -> memref<3200xi32, #tpu.memory_space<hbm>>
    tpu.wait_dma2 semaphore(%arg34 : memref<!tpu.dma_semaphore, #tpu.memory_space<semaphore_mem>>) src(%dma_wait3A_21 : memref<3200xi32, #tpu.memory_space<hbm>>) dst(%arg8 : memref<3200xi32, #tpu.memory_space<vmem>>)
    %dma_wait3A_22 = arith.constant 0 : i32
    %dma_wait3A_23 = tpu.memref_slice %arg4[%dma_wait3A_22] : memref<1638400xi32, #tpu.memory_space<hbm>> -> memref<3200xi32, #tpu.memory_space<hbm>>
    %dma_wait3A_24 = arith.constant 0 : i32
    %dma_wait3A_25 = tpu.memref_slice %arg4[%dma_wait3A_24] : memref<1638400xi32, #tpu.memory_space<hbm>> -> memref<3200xi32, #tpu.memory_space<hbm>>
    tpu.wait_dma2 semaphore(%arg34 : memref<!tpu.dma_semaphore, #tpu.memory_space<semaphore_mem>>) src(%dma_wait3A_25 : memref<3200xi32, #tpu.memory_space<hbm>>) dst(%arg12 : memref<3200xi32, #tpu.memory_space<vmem>>)
    %dma_start3A_26 = arith.constant 0 : i32
    %dma_start3A_27 = tpu.memref_slice %arg28[%dma_start3A_26] : memref<51200xi32, #tpu.memory_space<vmem_shared>> -> memref<51200xi32, #tpu.memory_space<vmem_shared>>
    tpu.enqueue_indirect_dma source(%dma_start3A_27 : memref<51200xi32, #tpu.memory_space<vmem_shared>>) target(%arg16 : memref<3200xi32, #tpu.memory_space<vmem>>) offsets(%arg8 : memref<3200xi32, #tpu.memory_space<vmem>>) semaphore(%arg30 : memref<!tpu.dma_semaphore, #tpu.memory_space<semaphore_mem>>)
    %dma_start3A_28 = arith.constant 0 : i32
    %dma_start3A_29 = tpu.memref_slice %arg28[%dma_start3A_28] : memref<51200xi32, #tpu.memory_space<vmem_shared>> -> memref<51200xi32, #tpu.memory_space<vmem_shared>>
    tpu.enqueue_indirect_dma source(%dma_start3A_29 : memref<51200xi32, #tpu.memory_space<vmem_shared>>) target(%arg18 : memref<3200xi32, #tpu.memory_space<vmem>>) offsets(%arg12 : memref<3200xi32, #tpu.memory_space<vmem>>) semaphore(%arg30 : memref<!tpu.dma_semaphore, #tpu.memory_space<semaphore_mem>>)
    %dma_start3A_30 = arith.constant 0 : i32
    %dma_start3A_31 = tpu.memref_slice %arg29[%dma_start3A_30] : memref<51200xf32, #tpu.memory_space<vmem_shared>> -> memref<51200xf32, #tpu.memory_space<vmem_shared>>
    tpu.enqueue_indirect_dma source(%dma_start3A_31 : memref<51200xf32, #tpu.memory_space<vmem_shared>>) target(%arg20 : memref<3200xf32, #tpu.memory_space<vmem>>) offsets(%arg8 : memref<3200xi32, #tpu.memory_space<vmem>>) semaphore(%arg30 : memref<!tpu.dma_semaphore, #tpu.memory_space<semaphore_mem>>)
    %mul3A_32 = arith.constant 102400 : i32
    %mul3A_33 = arith.muli %add3A, %mul3A_32 : i32
    %add3A_34 = arith.constant 6400 : i32
    %add3A_35 = arith.addi %mul3A_33, %add3A_34 : i32
    %dma_start3A_36 = tpu.memref_slice %arg4[%add3A_35] : memref<1638400xi32, #tpu.memory_space<hbm>> -> memref<3200xi32, #tpu.memory_space<hbm>>
    %dma_start3A_37 = tpu.memref_slice %arg4[%add3A_35] : memref<1638400xi32, #tpu.memory_space<hbm>> -> memref<3200xi32, #tpu.memory_space<hbm>>
    tpu.enqueue_dma source(%dma_start3A_37 : memref<3200xi32, #tpu.memory_space<hbm>>) target(%arg10 : memref<3200xi32, #tpu.memory_space<vmem>>) target_semaphore(%arg34 : memref<!tpu.dma_semaphore, #tpu.memory_space<semaphore_mem>>)
    %dma_start3A_38 = tpu.memref_slice %arg5[%add3A_35] : memref<1638400xi32, #tpu.memory_space<hbm>> -> memref<3200xi32, #tpu.memory_space<hbm>>
    %dma_start3A_39 = tpu.memref_slice %arg5[%add3A_35] : memref<1638400xi32, #tpu.memory_space<hbm>> -> memref<3200xi32, #tpu.memory_space<hbm>>
    tpu.enqueue_dma source(%dma_start3A_39 : memref<3200xi32, #tpu.memory_space<hbm>>) target(%arg14 : memref<3200xi32, #tpu.memory_space<vmem>>) target_semaphore(%arg34 : memref<!tpu.dma_semaphore, #tpu.memory_space<semaphore_mem>>)
    %dma_wait3A_40 = arith.constant 0 : i32
    %dma_wait3A_41 = tpu.memref_slice %arg4[%dma_wait3A_40] : memref<1638400xi32, #tpu.memory_space<hbm>> -> memref<3200xi32, #tpu.memory_space<hbm>>
    %dma_wait3A_42 = arith.constant 0 : i32
    %dma_wait3A_43 = tpu.memref_slice %arg4[%dma_wait3A_42] : memref<1638400xi32, #tpu.memory_space<hbm>> -> memref<3200xi32, #tpu.memory_space<hbm>>
    tpu.wait_dma2 semaphore(%arg35 : memref<!tpu.dma_semaphore, #tpu.memory_space<semaphore_mem>>) src(%dma_wait3A_43 : memref<3200xi32, #tpu.memory_space<hbm>>) dst(%arg9 : memref<3200xi32, #tpu.memory_space<vmem>>)
    %dma_wait3A_44 = arith.constant 0 : i32
    %dma_wait3A_45 = tpu.memref_slice %arg4[%dma_wait3A_44] : memref<1638400xi32, #tpu.memory_space<hbm>> -> memref<3200xi32, #tpu.memory_space<hbm>>
    %dma_wait3A_46 = arith.constant 0 : i32
    %dma_wait3A_47 = tpu.memref_slice %arg4[%dma_wait3A_46] : memref<1638400xi32, #tpu.memory_space<hbm>> -> memref<3200xi32, #tpu.memory_space<hbm>>
    tpu.wait_dma2 semaphore(%arg35 : memref<!tpu.dma_semaphore, #tpu.memory_space<semaphore_mem>>) src(%dma_wait3A_47 : memref<3200xi32, #tpu.memory_space<hbm>>) dst(%arg13 : memref<3200xi32, #tpu.memory_space<vmem>>)
    %dma_start3A_48 = arith.constant 0 : i32
    %dma_start3A_49 = tpu.memref_slice %arg28[%dma_start3A_48] : memref<51200xi32, #tpu.memory_space<vmem_shared>> -> memref<51200xi32, #tpu.memory_space<vmem_shared>>
    tpu.enqueue_indirect_dma source(%dma_start3A_49 : memref<51200xi32, #tpu.memory_space<vmem_shared>>) target(%arg17 : memref<3200xi32, #tpu.memory_space<vmem>>) offsets(%arg9 : memref<3200xi32, #tpu.memory_space<vmem>>) semaphore(%arg31 : memref<!tpu.dma_semaphore, #tpu.memory_space<semaphore_mem>>)
    %dma_start3A_50 = arith.constant 0 : i32
    %dma_start3A_51 = tpu.memref_slice %arg28[%dma_start3A_50] : memref<51200xi32, #tpu.memory_space<vmem_shared>> -> memref<51200xi32, #tpu.memory_space<vmem_shared>>
    tpu.enqueue_indirect_dma source(%dma_start3A_51 : memref<51200xi32, #tpu.memory_space<vmem_shared>>) target(%arg19 : memref<3200xi32, #tpu.memory_space<vmem>>) offsets(%arg13 : memref<3200xi32, #tpu.memory_space<vmem>>) semaphore(%arg31 : memref<!tpu.dma_semaphore, #tpu.memory_space<semaphore_mem>>)
    %dma_start3A_52 = arith.constant 0 : i32
    %dma_start3A_53 = tpu.memref_slice %arg29[%dma_start3A_52] : memref<51200xf32, #tpu.memory_space<vmem_shared>> -> memref<51200xf32, #tpu.memory_space<vmem_shared>>
    tpu.enqueue_indirect_dma source(%dma_start3A_53 : memref<51200xf32, #tpu.memory_space<vmem_shared>>) target(%arg21 : memref<3200xf32, #tpu.memory_space<vmem>>) offsets(%arg9 : memref<3200xi32, #tpu.memory_space<vmem>>) semaphore(%arg31 : memref<!tpu.dma_semaphore, #tpu.memory_space<semaphore_mem>>)
    %dma_wait3A_54 = arith.constant 0 : i32
    %dma_wait3A_55 = tpu.memref_slice %arg3[%dma_wait3A_54] : memref<51200xf32, #tpu.memory_space<hbm>> -> memref<3200xf32, #tpu.memory_space<hbm>>
    %dma_wait3A_56 = arith.constant 0 : i32
    %dma_wait3A_57 = tpu.memref_slice %arg3[%dma_wait3A_56] : memref<51200xf32, #tpu.memory_space<hbm>> -> memref<3200xf32, #tpu.memory_space<hbm>>
    tpu.wait_dma2 semaphore(%arg30 : memref<!tpu.dma_semaphore, #tpu.memory_space<semaphore_mem>>) src(%dma_wait3A_57 : memref<3200xf32, #tpu.memory_space<hbm>>) dst(%arg20 : memref<3200xf32, #tpu.memory_space<vmem>>)
    %dma_wait3A_58 = arith.constant 0 : i32
    %dma_wait3A_59 = tpu.memref_slice %arg3[%dma_wait3A_58] : memref<51200xf32, #tpu.memory_space<hbm>> -> memref<3200xf32, #tpu.memory_space<hbm>>
    %dma_wait3A_60 = arith.constant 0 : i32
    %dma_wait3A_61 = tpu.memref_slice %arg3[%dma_wait3A_60] : memref<51200xf32, #tpu.memory_space<hbm>> -> memref<3200xf32, #tpu.memory_space<hbm>>
    tpu.wait_dma2 semaphore(%arg30 : memref<!tpu.dma_semaphore, #tpu.memory_space<semaphore_mem>>) src(%dma_wait3A_61 : memref<3200xf32, #tpu.memory_space<hbm>>) dst(%arg22 : memref<3200xf32, #tpu.memory_space<vmem>>)
    %dma_wait3A_62 = arith.constant 0 : i32
    %dma_wait3A_63 = tpu.memref_slice %arg3[%dma_wait3A_62] : memref<51200xf32, #tpu.memory_space<hbm>> -> memref<3200xf32, #tpu.memory_space<hbm>>
    %dma_wait3A_64 = arith.constant 0 : i32
    %dma_wait3A_65 = tpu.memref_slice %arg3[%dma_wait3A_64] : memref<51200xf32, #tpu.memory_space<hbm>> -> memref<3200xf32, #tpu.memory_space<hbm>>
    tpu.wait_dma2 semaphore(%arg30 : memref<!tpu.dma_semaphore, #tpu.memory_space<semaphore_mem>>) src(%dma_wait3A_65 : memref<3200xf32, #tpu.memory_space<hbm>>) dst(%arg24 : memref<3200xf32, #tpu.memory_space<vmem>>)
    %scan3A = arith.constant 0 : i32
    %scan3A_66 = arith.constant 50 : i32
    %scan3A_67 = arith.addi %scan3A, %scan3A_66 : i32
    %scan3A_68 = arith.constant 1 : i32
    scf.for %scan3A_274 = %scan3A to %scan3A_67 step %scan3A_68  : i32 {
      %mul3A_275 = arith.constant 4 : i32
      %mul3A_276 = arith.muli %mul3A_275, %scan3A_274 : i32
      %add3A_277 = arith.constant 0 : i32
      %add3A_278 = arith.addi %mul3A_276, %add3A_277 : i32
      %mul3A_279 = arith.constant 16 : i32
      %mul3A_280 = arith.muli %add3A_278, %mul3A_279 : i32
      %get3A = arith.index_cast %mul3A_280 : i32 to index
      %get3A_281 = tpu.vector_load %arg16[%get3A] {strides = array<i32>} : memref<3200xi32, #tpu.memory_space<vmem>>, vector<16xi32>,
      %get3A_282 = vector.shape_cast %get3A_281 : vector<16xi32> to vector<16xi32>
      %get3A_283 = arith.index_cast %mul3A_280 : i32 to index
      %get3A_284 = tpu.vector_load %arg18[%get3A_283] {strides = array<i32>} : memref<3200xi32, #tpu.memory_space<vmem>>, vector<16xi32>,
      %get3A_285 = vector.shape_cast %get3A_284 : vector<16xi32> to vector<16xi32>
      %and3A = arith.andi %get3A_285, %broadcast_in_dim3A_3 : vector<16xi32>
      %and3A_286 = arith.andi %get3A_282, %broadcast_in_dim3A_3 : vector<16xi32>
      %sub3A = arith.subi %and3A, %and3A_286 : vector<16xi32>
      %shift_right_logical3A = arith.constant 16 : i32
      %shift_right_logical3A_287 = vector.broadcast %shift_right_logical3A : i32 to vector<16xi32>
      %shift_right_logical3A_288 = arith.shrui %get3A_285, %shift_right_logical3A_287 : vector<16xi32>
      %shift_right_logical3A_289 = arith.constant 16 : i32
      %shift_right_logical3A_290 = vector.broadcast %shift_right_logical3A_289 : i32 to vector<16xi32>
      %shift_right_logical3A_291 = arith.shrui %get3A_282, %shift_right_logical3A_290 : vector<16xi32>
      %sub3A_292 = arith.subi %shift_right_logical3A_288, %shift_right_logical3A_291 : vector<16xi32>
      %convert_element_type3A = arith.sitofp %sub3A : vector<16xi32> to vector<16xf32>
      %mul3A_293 = arith.constant 3.05180438E-4 : f32
      %mul3A_294 = vector.broadcast %mul3A_293 : f32 to vector<16xf32>
      %mul3A_295 = arith.mulf %convert_element_type3A, %mul3A_294 : vector<16xf32>
      %add3A_296 = arith.constant 5.000000e-01 : f32
      %add3A_297 = vector.broadcast %add3A_296 : f32 to vector<16xf32>
      %add3A_298 = arith.addf %mul3A_295, %add3A_297 : vector<16xf32>
      %jit3A = arith.constant 0.000000e+00 : f32
      %jit3A_299 = arith.constant 1.000000e+00 : f32
      %max3A = vector.broadcast %jit3A : f32 to vector<16xf32>
      %max3A_300 = arith.maximumf %max3A, %add3A_298 : vector<16xf32>
      %min3A = vector.broadcast %jit3A_299 : f32 to vector<16xf32>
      %min3A_301 = arith.minimumf %min3A, %max3A_300 : vector<16xf32>
      %convert_element_type3A_302 = arith.sitofp %sub3A_292 : vector<16xi32> to vector<16xf32>
      %mul3A_303 = arith.constant 3.05180438E-4 : f32
      %mul3A_304 = vector.broadcast %mul3A_303 : f32 to vector<16xf32>
      %mul3A_305 = arith.mulf %convert_element_type3A_302, %mul3A_304 : vector<16xf32>
      %add3A_306 = arith.constant 5.000000e-01 : f32
      %add3A_307 = vector.broadcast %add3A_306 : f32 to vector<16xf32>
      %add3A_308 = arith.addf %mul3A_305, %add3A_307 : vector<16xf32>
      %jit3A_309 = arith.constant 0.000000e+00 : f32
      %jit3A_310 = arith.constant 1.000000e+00 : f32
      %max3A_311 = vector.broadcast %jit3A_309 : f32 to vector<16xf32>
      %max3A_312 = arith.maximumf %max3A_311, %add3A_308 : vector<16xf32>
      %min3A_313 = vector.broadcast %jit3A_310 : f32 to vector<16xf32>
      %min3A_314 = arith.minimumf %min3A_313, %max3A_312 : vector<16xf32>
      %get3A_315 = arith.index_cast %mul3A_280 : i32 to index
      %get3A_316 = tpu.vector_load %arg20[%get3A_315] {strides = array<i32>} : memref<3200xf32, #tpu.memory_space<vmem>>, vector<16xf32>,
      %get3A_317 = vector.shape_cast %get3A_316 : vector<16xf32> to vector<16xf32>
      %mul3A_318 = arith.mulf %get3A_317, %min3A_301 : vector<16xf32>
      %swap3A = arith.index_cast %mul3A_280 : i32 to index
      %swap3A_319 = tpu.vector_load %arg22[%swap3A] {strides = array<i32>} : memref<3200xf32, #tpu.memory_space<vmem>>, vector<16xf32>,
      %swap3A_320 = vector.shape_cast %swap3A_319 : vector<16xf32> to vector<16xf32>
      %swap3A_321 = vector.shape_cast %mul3A_318 : vector<16xf32> to vector<16xf32>
      tpu.vector_store %arg22[%swap3A], %swap3A_321 {strides = array<i32>} : memref<3200xf32, #tpu.memory_space<vmem>>, vector<16xf32>,
      %mul3A_322 = arith.mulf %get3A_317, %min3A_314 : vector<16xf32>
      %swap3A_323 = arith.index_cast %mul3A_280 : i32 to index
      %swap3A_324 = tpu.vector_load %arg24[%swap3A_323] {strides = array<i32>} : memref<3200xf32, #tpu.memory_space<vmem>>, vector<16xf32>,
      %swap3A_325 = vector.shape_cast %swap3A_324 : vector<16xf32> to vector<16xf32>
      %swap3A_326 = vector.shape_cast %mul3A_322 : vector<16xf32> to vector<16xf32>
      tpu.vector_store %arg24[%swap3A_323], %swap3A_326 {strides = array<i32>} : memref<3200xf32, #tpu.memory_space<vmem>>, vector<16xf32>,
      %mul3A_327 = arith.constant 4 : i32
      %mul3A_328 = arith.muli %mul3A_327, %scan3A_274 : i32
      %add3A_329 = arith.constant 1 : i32
      %add3A_330 = arith.addi %mul3A_328, %add3A_329 : i32
      %mul3A_331 = arith.constant 16 : i32
      %mul3A_332 = arith.muli %add3A_330, %mul3A_331 : i32
      %get3A_333 = arith.index_cast %mul3A_332 : i32 to index
      %get3A_334 = tpu.vector_load %arg16[%get3A_333] {strides = array<i32>} : memref<3200xi32, #tpu.memory_space<vmem>>, vector<16xi32>,
      %get3A_335 = vector.shape_cast %get3A_334 : vector<16xi32> to vector<16xi32>
      %get3A_336 = arith.index_cast %mul3A_332 : i32 to index
      %get3A_337 = tpu.vector_load %arg18[%get3A_336] {strides = array<i32>} : memref<3200xi32, #tpu.memory_space<vmem>>, vector<16xi32>,
      %get3A_338 = vector.shape_cast %get3A_337 : vector<16xi32> to vector<16xi32>
      %and3A_339 = arith.andi %get3A_338, %broadcast_in_dim3A_3 : vector<16xi32>
      %and3A_340 = arith.andi %get3A_335, %broadcast_in_dim3A_3 : vector<16xi32>
      %sub3A_341 = arith.subi %and3A_339, %and3A_340 : vector<16xi32>
      %shift_right_logical3A_342 = arith.constant 16 : i32
      %shift_right_logical3A_343 = vector.broadcast %shift_right_logical3A_342 : i32 to vector<16xi32>
      %shift_right_logical3A_344 = arith.shrui %get3A_338, %shift_right_logical3A_343 : vector<16xi32>
      %shift_right_logical3A_345 = arith.constant 16 : i32
      %shift_right_logical3A_346 = vector.broadcast %shift_right_logical3A_345 : i32 to vector<16xi32>
      %shift_right_logical3A_347 = arith.shrui %get3A_335, %shift_right_logical3A_346 : vector<16xi32>
      %sub3A_348 = arith.subi %shift_right_logical3A_344, %shift_right_logical3A_347 : vector<16xi32>
      %convert_element_type3A_349 = arith.sitofp %sub3A_341 : vector<16xi32> to vector<16xf32>
      %mul3A_350 = arith.constant 3.05180438E-4 : f32
      %mul3A_351 = vector.broadcast %mul3A_350 : f32 to vector<16xf32>
      %mul3A_352 = arith.mulf %convert_element_type3A_349, %mul3A_351 : vector<16xf32>
      %add3A_353 = arith.constant 5.000000e-01 : f32
      %add3A_354 = vector.broadcast %add3A_353 : f32 to vector<16xf32>
      %add3A_355 = arith.addf %mul3A_352, %add3A_354 : vector<16xf32>
      %jit3A_356 = arith.constant 0.000000e+00 : f32
      %jit3A_357 = arith.constant 1.000000e+00 : f32
      %max3A_358 = vector.broadcast %jit3A_356 : f32 to vector<16xf32>
      %max3A_359 = arith.maximumf %max3A_358, %add3A_355 : vector<16xf32>
      %min3A_360 = vector.broadcast %jit3A_357 : f32 to vector<16xf32>
      %min3A_361 = arith.minimumf %min3A_360, %max3A_359 : vector<16xf32>
      %convert_element_type3A_362 = arith.sitofp %sub3A_348 : vector<16xi32> to vector<16xf32>
      %mul3A_363 = arith.constant 3.05180438E-4 : f32
      %mul3A_364 = vector.broadcast %mul3A_363 : f32 to vector<16xf32>
      %mul3A_365 = arith.mulf %convert_element_type3A_362, %mul3A_364 : vector<16xf32>
      %add3A_366 = arith.constant 5.000000e-01 : f32
      %add3A_367 = vector.broadcast %add3A_366 : f32 to vector<16xf32>
      %add3A_368 = arith.addf %mul3A_365, %add3A_367 : vector<16xf32>
      %jit3A_369 = arith.constant 0.000000e+00 : f32
      %jit3A_370 = arith.constant 1.000000e+00 : f32
      %max3A_371 = vector.broadcast %jit3A_369 : f32 to vector<16xf32>
      %max3A_372 = arith.maximumf %max3A_371, %add3A_368 : vector<16xf32>
      %min3A_373 = vector.broadcast %jit3A_370 : f32 to vector<16xf32>
      %min3A_374 = arith.minimumf %min3A_373, %max3A_372 : vector<16xf32>
      %get3A_375 = arith.index_cast %mul3A_332 : i32 to index
      %get3A_376 = tpu.vector_load %arg20[%get3A_375] {strides = array<i32>} : memref<3200xf32, #tpu.memory_space<vmem>>, vector<16xf32>,
      %get3A_377 = vector.shape_cast %get3A_376 : vector<16xf32> to vector<16xf32>
      %mul3A_378 = arith.mulf %get3A_377, %min3A_361 : vector<16xf32>
      %swap3A_379 = arith.index_cast %mul3A_332 : i32 to index
      %swap3A_380 = tpu.vector_load %arg22[%swap3A_379] {strides = array<i32>} : memref<3200xf32, #tpu.memory_space<vmem>>, vector<16xf32>,
      %swap3A_381 = vector.shape_cast %swap3A_380 : vector<16xf32> to vector<16xf32>
      %swap3A_382 = vector.shape_cast %mul3A_378 : vector<16xf32> to vector<16xf32>
      tpu.vector_store %arg22[%swap3A_379], %swap3A_382 {strides = array<i32>} : memref<3200xf32, #tpu.memory_space<vmem>>, vector<16xf32>,
      %mul3A_383 = arith.mulf %get3A_377, %min3A_374 : vector<16xf32>
      %swap3A_384 = arith.index_cast %mul3A_332 : i32 to index
      %swap3A_385 = tpu.vector_load %arg24[%swap3A_384] {strides = array<i32>} : memref<3200xf32, #tpu.memory_space<vmem>>, vector<16xf32>,
      %swap3A_386 = vector.shape_cast %swap3A_385 : vector<16xf32> to vector<16xf32>
      %swap3A_387 = vector.shape_cast %mul3A_383 : vector<16xf32> to vector<16xf32>
      tpu.vector_store %arg24[%swap3A_384], %swap3A_387 {strides = array<i32>} : memref<3200xf32, #tpu.memory_space<vmem>>, vector<16xf32>,
      %mul3A_388 = arith.constant 4 : i32
      %mul3A_389 = arith.muli %mul3A_388, %scan3A_274 : i32
      %add3A_390 = arith.constant 2 : i32
      %add3A_391 = arith.addi %mul3A_389, %add3A_390 : i32
      %mul3A_392 = arith.constant 16 : i32
      %mul3A_393 = arith.muli %add3A_391, %mul3A_392 : i32
      %get3A_394 = arith.index_cast %mul3A_393 : i32 to index
      %get3A_395 = tpu.vector_load %arg16[%get3A_394] {strides = array<i32>} : memref<3200xi32, #tpu.memory_space<vmem>>, vector<16xi32>,
      %get3A_396 = vector.shape_cast %get3A_395 : vector<16xi32> to vector<16xi32>
      %get3A_397 = arith.index_cast %mul3A_393 : i32 to index
      %get3A_398 = tpu.vector_load %arg18[%get3A_397] {strides = array<i32>} : memref<3200xi32, #tpu.memory_space<vmem>>, vector<16xi32>,
      %get3A_399 = vector.shape_cast %get3A_398 : vector<16xi32> to vector<16xi32>
      %and3A_400 = arith.andi %get3A_399, %broadcast_in_dim3A_3 : vector<16xi32>
      %and3A_401 = arith.andi %get3A_396, %broadcast_in_dim3A_3 : vector<16xi32>
      %sub3A_402 = arith.subi %and3A_400, %and3A_401 : vector<16xi32>
      %shift_right_logical3A_403 = arith.constant 16 : i32
      %shift_right_logical3A_404 = vector.broadcast %shift_right_logical3A_403 : i32 to vector<16xi32>
      %shift_right_logical3A_405 = arith.shrui %get3A_399, %shift_right_logical3A_404 : vector<16xi32>
      %shift_right_logical3A_406 = arith.constant 16 : i32
      %shift_right_logical3A_407 = vector.broadcast %shift_right_logical3A_406 : i32 to vector<16xi32>
      %shift_right_logical3A_408 = arith.shrui %get3A_396, %shift_right_logical3A_407 : vector<16xi32>
      %sub3A_409 = arith.subi %shift_right_logical3A_405, %shift_right_logical3A_408 : vector<16xi32>
      %convert_element_type3A_410 = arith.sitofp %sub3A_402 : vector<16xi32> to vector<16xf32>
      %mul3A_411 = arith.constant 3.05180438E-4 : f32
      %mul3A_412 = vector.broadcast %mul3A_411 : f32 to vector<16xf32>
      %mul3A_413 = arith.mulf %convert_element_type3A_410, %mul3A_412 : vector<16xf32>
      %add3A_414 = arith.constant 5.000000e-01 : f32
      %add3A_415 = vector.broadcast %add3A_414 : f32 to vector<16xf32>
      %add3A_416 = arith.addf %mul3A_413, %add3A_415 : vector<16xf32>
      %jit3A_417 = arith.constant 0.000000e+00 : f32
      %jit3A_418 = arith.constant 1.000000e+00 : f32
      %max3A_419 = vector.broadcast %jit3A_417 : f32 to vector<16xf32>
      %max3A_420 = arith.maximumf %max3A_419, %add3A_416 : vector<16xf32>
      %min3A_421 = vector.broadcast %jit3A_418 : f32 to vector<16xf32>
      %min3A_422 = arith.minimumf %min3A_421, %max3A_420 : vector<16xf32>
      %convert_element_type3A_423 = arith.sitofp %sub3A_409 : vector<16xi32> to vector<16xf32>
      %mul3A_424 = arith.constant 3.05180438E-4 : f32
      %mul3A_425 = vector.broadcast %mul3A_424 : f32 to vector<16xf32>
      %mul3A_426 = arith.mulf %convert_element_type3A_423, %mul3A_425 : vector<16xf32>
      %add3A_427 = arith.constant 5.000000e-01 : f32
      %add3A_428 = vector.broadcast %add3A_427 : f32 to vector<16xf32>
      %add3A_429 = arith.addf %mul3A_426, %add3A_428 : vector<16xf32>
      %jit3A_430 = arith.constant 0.000000e+00 : f32
      %jit3A_431 = arith.constant 1.000000e+00 : f32
      %max3A_432 = vector.broadcast %jit3A_430 : f32 to vector<16xf32>
      %max3A_433 = arith.maximumf %max3A_432, %add3A_429 : vector<16xf32>
      %min3A_434 = vector.broadcast %jit3A_431 : f32 to vector<16xf32>
      %min3A_435 = arith.minimumf %min3A_434, %max3A_433 : vector<16xf32>
      %get3A_436 = arith.index_cast %mul3A_393 : i32 to index
      %get3A_437 = tpu.vector_load %arg20[%get3A_436] {strides = array<i32>} : memref<3200xf32, #tpu.memory_space<vmem>>, vector<16xf32>,
      %get3A_438 = vector.shape_cast %get3A_437 : vector<16xf32> to vector<16xf32>
      %mul3A_439 = arith.mulf %get3A_438, %min3A_422 : vector<16xf32>
      %swap3A_440 = arith.index_cast %mul3A_393 : i32 to index
      %swap3A_441 = tpu.vector_load %arg22[%swap3A_440] {strides = array<i32>} : memref<3200xf32, #tpu.memory_space<vmem>>, vector<16xf32>,
      %swap3A_442 = vector.shape_cast %swap3A_441 : vector<16xf32> to vector<16xf32>
      %swap3A_443 = vector.shape_cast %mul3A_439 : vector<16xf32> to vector<16xf32>
      tpu.vector_store %arg22[%swap3A_440], %swap3A_443 {strides = array<i32>} : memref<3200xf32, #tpu.memory_space<vmem>>, vector<16xf32>,
      %mul3A_444 = arith.mulf %get3A_438, %min3A_435 : vector<16xf32>
      %swap3A_445 = arith.index_cast %mul3A_393 : i32 to index
      %swap3A_446 = tpu.vector_load %arg24[%swap3A_445] {strides = array<i32>} : memref<3200xf32, #tpu.memory_space<vmem>>, vector<16xf32>,
      %swap3A_447 = vector.shape_cast %swap3A_446 : vector<16xf32> to vector<16xf32>
      %swap3A_448 = vector.shape_cast %mul3A_444 : vector<16xf32> to vector<16xf32>
      tpu.vector_store %arg24[%swap3A_445], %swap3A_448 {strides = array<i32>} : memref<3200xf32, #tpu.memory_space<vmem>>, vector<16xf32>,
      %mul3A_449 = arith.constant 4 : i32
      %mul3A_450 = arith.muli %mul3A_449, %scan3A_274 : i32
      %add3A_451 = arith.constant 3 : i32
      %add3A_452 = arith.addi %mul3A_450, %add3A_451 : i32
      %mul3A_453 = arith.constant 16 : i32
      %mul3A_454 = arith.muli %add3A_452, %mul3A_453 : i32
      %get3A_455 = arith.index_cast %mul3A_454 : i32 to index
      %get3A_456 = tpu.vector_load %arg16[%get3A_455] {strides = array<i32>} : memref<3200xi32, #tpu.memory_space<vmem>>, vector<16xi32>,
      %get3A_457 = vector.shape_cast %get3A_456 : vector<16xi32> to vector<16xi32>
      %get3A_458 = arith.index_cast %mul3A_454 : i32 to index
      %get3A_459 = tpu.vector_load %arg18[%get3A_458] {strides = array<i32>} : memref<3200xi32, #tpu.memory_space<vmem>>, vector<16xi32>,
      %get3A_460 = vector.shape_cast %get3A_459 : vector<16xi32> to vector<16xi32>
      %and3A_461 = arith.andi %get3A_460, %broadcast_in_dim3A_3 : vector<16xi32>
      %and3A_462 = arith.andi %get3A_457, %broadcast_in_dim3A_3 : vector<16xi32>
      %sub3A_463 = arith.subi %and3A_461, %and3A_462 : vector<16xi32>
      %shift_right_logical3A_464 = arith.constant 16 : i32
      %shift_right_logical3A_465 = vector.broadcast %shift_right_logical3A_464 : i32 to vector<16xi32>
      %shift_right_logical3A_466 = arith.shrui %get3A_460, %shift_right_logical3A_465 : vector<16xi32>
      %shift_right_logical3A_467 = arith.constant 16 : i32
      %shift_right_logical3A_468 = vector.broadcast %shift_right_logical3A_467 : i32 to vector<16xi32>
      %shift_right_logical3A_469 = arith.shrui %get3A_457, %shift_right_logical3A_468 : vector<16xi32>
      %sub3A_470 = arith.subi %shift_right_logical3A_466, %shift_right_logical3A_469 : vector<16xi32>
      %convert_element_type3A_471 = arith.sitofp %sub3A_463 : vector<16xi32> to vector<16xf32>
      %mul3A_472 = arith.constant 3.05180438E-4 : f32
      %mul3A_473 = vector.broadcast %mul3A_472 : f32 to vector<16xf32>
      %mul3A_474 = arith.mulf %convert_element_type3A_471, %mul3A_473 : vector<16xf32>
      %add3A_475 = arith.constant 5.000000e-01 : f32
      %add3A_476 = vector.broadcast %add3A_475 : f32 to vector<16xf32>
      %add3A_477 = arith.addf %mul3A_474, %add3A_476 : vector<16xf32>
      %jit3A_478 = arith.constant 0.000000e+00 : f32
      %jit3A_479 = arith.constant 1.000000e+00 : f32
      %max3A_480 = vector.broadcast %jit3A_478 : f32 to vector<16xf32>
      %max3A_481 = arith.maximumf %max3A_480, %add3A_477 : vector<16xf32>
      %min3A_482 = vector.broadcast %jit3A_479 : f32 to vector<16xf32>
      %min3A_483 = arith.minimumf %min3A_482, %max3A_481 : vector<16xf32>
      %convert_element_type3A_484 = arith.sitofp %sub3A_470 : vector<16xi32> to vector<16xf32>
      %mul3A_485 = arith.constant 3.05180438E-4 : f32
      %mul3A_486 = vector.broadcast %mul3A_485 : f32 to vector<16xf32>
      %mul3A_487 = arith.mulf %convert_element_type3A_484, %mul3A_486 : vector<16xf32>
      %add3A_488 = arith.constant 5.000000e-01 : f32
      %add3A_489 = vector.broadcast %add3A_488 : f32 to vector<16xf32>
      %add3A_490 = arith.addf %mul3A_487, %add3A_489 : vector<16xf32>
      %jit3A_491 = arith.constant 0.000000e+00 : f32
      %jit3A_492 = arith.constant 1.000000e+00 : f32
      %max3A_493 = vector.broadcast %jit3A_491 : f32 to vector<16xf32>
      %max3A_494 = arith.maximumf %max3A_493, %add3A_490 : vector<16xf32>
      %min3A_495 = vector.broadcast %jit3A_492 : f32 to vector<16xf32>
      %min3A_496 = arith.minimumf %min3A_495, %max3A_494 : vector<16xf32>
      %get3A_497 = arith.index_cast %mul3A_454 : i32 to index
      %get3A_498 = tpu.vector_load %arg20[%get3A_497] {strides = array<i32>} : memref<3200xf32, #tpu.memory_space<vmem>>, vector<16xf32>,
      %get3A_499 = vector.shape_cast %get3A_498 : vector<16xf32> to vector<16xf32>
      %mul3A_500 = arith.mulf %get3A_499, %min3A_483 : vector<16xf32>
      %swap3A_501 = arith.index_cast %mul3A_454 : i32 to index
      %swap3A_502 = tpu.vector_load %arg22[%swap3A_501] {strides = array<i32>} : memref<3200xf32, #tpu.memory_space<vmem>>, vector<16xf32>,
      %swap3A_503 = vector.shape_cast %swap3A_502 : vector<16xf32> to vector<16xf32>
      %swap3A_504 = vector.shape_cast %mul3A_500 : vector<16xf32> to vector<16xf32>
      tpu.vector_store %arg22[%swap3A_501], %swap3A_504 {strides = array<i32>} : memref<3200xf32, #tpu.memory_space<vmem>>, vector<16xf32>,
      %mul3A_505 = arith.mulf %get3A_499, %min3A_496 : vector<16xf32>
      %swap3A_506 = arith.index_cast %mul3A_454 : i32 to index
      %swap3A_507 = tpu.vector_load %arg24[%swap3A_506] {strides = array<i32>} : memref<3200xf32, #tpu.memory_space<vmem>>, vector<16xf32>,
      %swap3A_508 = vector.shape_cast %swap3A_507 : vector<16xf32> to vector<16xf32>
      %swap3A_509 = vector.shape_cast %mul3A_505 : vector<16xf32> to vector<16xf32>
      tpu.vector_store %arg24[%swap3A_506], %swap3A_509 {strides = array<i32>} : memref<3200xf32, #tpu.memory_space<vmem>>, vector<16xf32>,
    }
    %scan3A_69 = arith.constant 50 : i32
    %dma_start3A_70 = arith.constant 0 : i32
    %dma_start3A_71 = tpu.memref_slice %arg26[%dma_start3A_70] : memref<51200xf32, #tpu.memory_space<vmem_shared>> -> memref<51200xf32, #tpu.memory_space<vmem_shared>>
    tpu.enqueue_indirect_dma source(%arg22 : memref<3200xf32, #tpu.memory_space<vmem>>) target(%dma_start3A_71 : memref<51200xf32, #tpu.memory_space<vmem_shared>>) offsets(%arg12 : memref<3200xi32, #tpu.memory_space<vmem>>) semaphore(%arg32 : memref<!tpu.dma_semaphore, #tpu.memory_space<semaphore_mem>>) {add = true}
    %dma_start3A_72 = arith.constant 0 : i32
    %dma_start3A_73 = tpu.memref_slice %arg27[%dma_start3A_72] : memref<51200xf32, #tpu.memory_space<vmem_shared>> -> memref<51200xf32, #tpu.memory_space<vmem_shared>>
    tpu.enqueue_indirect_dma source(%arg24 : memref<3200xf32, #tpu.memory_space<vmem>>) target(%dma_start3A_73 : memref<51200xf32, #tpu.memory_space<vmem_shared>>) offsets(%arg12 : memref<3200xi32, #tpu.memory_space<vmem>>) semaphore(%arg32 : memref<!tpu.dma_semaphore, #tpu.memory_space<semaphore_mem>>) {add = true}
    %mul3A_74 = arith.constant 102400 : i32
    %mul3A_75 = arith.muli %add3A, %mul3A_74 : i32
    %add3A_76 = arith.constant 9600 : i32
    %add3A_77 = arith.addi %mul3A_75, %add3A_76 : i32
    %dma_start3A_78 = tpu.memref_slice %arg4[%add3A_77] : memref<1638400xi32, #tpu.memory_space<hbm>> -> memref<3200xi32, #tpu.memory_space<hbm>>
    %dma_start3A_79 = tpu.memref_slice %arg4[%add3A_77] : memref<1638400xi32, #tpu.memory_space<hbm>> -> memref<3200xi32, #tpu.memory_space<hbm>>
    tpu.enqueue_dma source(%dma_start3A_79 : memref<3200xi32, #tpu.memory_space<hbm>>) target(%arg11 : memref<3200xi32, #tpu.memory_space<vmem>>) target_semaphore(%arg35 : memref<!tpu.dma_semaphore, #tpu.memory_space<semaphore_mem>>)
    %dma_start3A_80 = tpu.memref_slice %arg5[%add3A_77] : memref<1638400xi32, #tpu.memory_space<hbm>> -> memref<3200xi32, #tpu.memory_space<hbm>>
    %dma_start3A_81 = tpu.memref_slice %arg5[%add3A_77] : memref<1638400xi32, #tpu.memory_space<hbm>> -> memref<3200xi32, #tpu.memory_space<hbm>>
    tpu.enqueue_dma source(%dma_start3A_81 : memref<3200xi32, #tpu.memory_space<hbm>>) target(%arg15 : memref<3200xi32, #tpu.memory_space<vmem>>) target_semaphore(%arg35 : memref<!tpu.dma_semaphore, #tpu.memory_space<semaphore_mem>>)
    %dma_wait3A_82 = arith.constant 0 : i32
    %dma_wait3A_83 = tpu.memref_slice %arg4[%dma_wait3A_82] : memref<1638400xi32, #tpu.memory_space<hbm>> -> memref<3200xi32, #tpu.memory_space<hbm>>
    %dma_wait3A_84 = arith.constant 0 : i32
    %dma_wait3A_85 = tpu.memref_slice %arg4[%dma_wait3A_84] : memref<1638400xi32, #tpu.memory_space<hbm>> -> memref<3200xi32, #tpu.memory_space<hbm>>
    tpu.wait_dma2 semaphore(%arg34 : memref<!tpu.dma_semaphore, #tpu.memory_space<semaphore_mem>>) src(%dma_wait3A_85 : memref<3200xi32, #tpu.memory_space<hbm>>) dst(%arg10 : memref<3200xi32, #tpu.memory_space<vmem>>)
    %dma_wait3A_86 = arith.constant 0 : i32
    %dma_wait3A_87 = tpu.memref_slice %arg4[%dma_wait3A_86] : memref<1638400xi32, #tpu.memory_space<hbm>> -> memref<3200xi32, #tpu.memory_space<hbm>>
    %dma_wait3A_88 = arith.constant 0 : i32
    %dma_wait3A_89 = tpu.memref_slice %arg4[%dma_wait3A_88] : memref<1638400xi32, #tpu.memory_space<hbm>> -> memref<3200xi32, #tpu.memory_space<hbm>>
    tpu.wait_dma2 semaphore(%arg34 : memref<!tpu.dma_semaphore, #tpu.memory_space<semaphore_mem>>) src(%dma_wait3A_89 : memref<3200xi32, #tpu.memory_space<hbm>>) dst(%arg14 : memref<3200xi32, #tpu.memory_space<vmem>>)
    %dma_start3A_90 = arith.constant 0 : i32
    %dma_start3A_91 = tpu.memref_slice %arg28[%dma_start3A_90] : memref<51200xi32, #tpu.memory_space<vmem_shared>> -> memref<51200xi32, #tpu.memory_space<vmem_shared>>
    tpu.enqueue_indirect_dma source(%dma_start3A_91 : memref<51200xi32, #tpu.memory_space<vmem_shared>>) target(%arg16 : memref<3200xi32, #tpu.memory_space<vmem>>) offsets(%arg10 : memref<3200xi32, #tpu.memory_space<vmem>>) semaphore(%arg30 : memref<!tpu.dma_semaphore, #tpu.memory_space<semaphore_mem>>)
    %dma_start3A_92 = arith.constant 0 : i32
    %dma_start3A_93 = tpu.memref_slice %arg28[%dma_start3A_92] : memref<51200xi32, #tpu.memory_space<vmem_shared>> -> memref<51200xi32, #tpu.memory_space<vmem_shared>>
    tpu.enqueue_indirect_dma source(%dma_start3A_93 : memref<51200xi32, #tpu.memory_space<vmem_shared>>) target(%arg18 : memref<3200xi32, #tpu.memory_space<vmem>>) offsets(%arg14 : memref<3200xi32, #tpu.memory_space<vmem>>) semaphore(%arg30 : memref<!tpu.dma_semaphore, #tpu.memory_space<semaphore_mem>>)
    %dma_start3A_94 = arith.constant 0 : i32
    %dma_start3A_95 = tpu.memref_slice %arg29[%dma_start3A_94] : memref<51200xf32, #tpu.memory_space<vmem_shared>> -> memref<51200xf32, #tpu.memory_space<vmem_shared>>
    tpu.enqueue_indirect_dma source(%dma_start3A_95 : memref<51200xf32, #tpu.memory_space<vmem_shared>>) target(%arg20 : memref<3200xf32, #tpu.memory_space<vmem>>) offsets(%arg10 : memref<3200xi32, #tpu.memory_space<vmem>>) semaphore(%arg30 : memref<!tpu.dma_semaphore, #tpu.memory_space<semaphore_mem>>)
    %dma_wait3A_96 = arith.constant 0 : i32
    %dma_wait3A_97 = tpu.memref_slice %arg3[%dma_wait3A_96] : memref<51200xf32, #tpu.memory_space<hbm>> -> memref<3200xf32, #tpu.memory_space<hbm>>
    %dma_wait3A_98 = arith.constant 0 : i32
    %dma_wait3A_99 = tpu.memref_slice %arg3[%dma_wait3A_98] : memref<51200xf32, #tpu.memory_space<hbm>> -> memref<3200xf32, #tpu.memory_space<hbm>>
    tpu.wait_dma2 semaphore(%arg31 : memref<!tpu.dma_semaphore, #tpu.memory_space<semaphore_mem>>) src(%dma_wait3A_99 : memref<3200xf32, #tpu.memory_space<hbm>>) dst(%arg21 : memref<3200xf32, #tpu.memory_space<vmem>>)
    %dma_wait3A_100 = arith.constant 0 : i32
    %dma_wait3A_101 = tpu.memref_slice %arg3[%dma_wait3A_100] : memref<51200xf32, #tpu.memory_space<hbm>> -> memref<3200xf32, #tpu.memory_space<hbm>>
    %dma_wait3A_102 = arith.constant 0 : i32
    %dma_wait3A_103 = tpu.memref_slice %arg3[%dma_wait3A_102] : memref<51200xf32, #tpu.memory_space<hbm>> -> memref<3200xf32, #tpu.memory_space<hbm>>
    tpu.wait_dma2 semaphore(%arg31 : memref<!tpu.dma_semaphore, #tpu.memory_space<semaphore_mem>>) src(%dma_wait3A_103 : memref<3200xf32, #tpu.memory_space<hbm>>) dst(%arg23 : memref<3200xf32, #tpu.memory_space<vmem>>)
    %dma_wait3A_104 = arith.constant 0 : i32
    %dma_wait3A_105 = tpu.memref_slice %arg3[%dma_wait3A_104] : memref<51200xf32, #tpu.memory_space<hbm>> -> memref<3200xf32, #tpu.memory_space<hbm>>
    %dma_wait3A_106 = arith.constant 0 : i32
    %dma_wait3A_107 = tpu.memref_slice %arg3[%dma_wait3A_106] : memref<51200xf32, #tpu.memory_space<hbm>> -> memref<3200xf32, #tpu.memory_space<hbm>>
    tpu.wait_dma2 semaphore(%arg31 : memref<!tpu.dma_semaphore, #tpu.memory_space<semaphore_mem>>) src(%dma_wait3A_107 : memref<3200xf32, #tpu.memory_space<hbm>>) dst(%arg25 : memref<3200xf32, #tpu.memory_space<vmem>>)
    %scan3A_108 = arith.constant 0 : i32
    %scan3A_109 = arith.constant 50 : i32
    %scan3A_110 = arith.addi %scan3A_108, %scan3A_109 : i32
    %scan3A_111 = arith.constant 1 : i32
    scf.for %scan3A_274 = %scan3A_108 to %scan3A_110 step %scan3A_111  : i32 {
      %mul3A_275 = arith.constant 4 : i32
      %mul3A_276 = arith.muli %mul3A_275, %scan3A_274 : i32
      %add3A_277 = arith.constant 0 : i32
      %add3A_278 = arith.addi %mul3A_276, %add3A_277 : i32
      %mul3A_279 = arith.constant 16 : i32
      %mul3A_280 = arith.muli %add3A_278, %mul3A_279 : i32
      %get3A = arith.index_cast %mul3A_280 : i32 to index
      %get3A_281 = tpu.vector_load %arg17[%get3A] {strides = array<i32>} : memref<3200xi32, #tpu.memory_space<vmem>>, vector<16xi32>,
      %get3A_282 = vector.shape_cast %get3A_281 : vector<16xi32> to vector<16xi32>
      %get3A_283 = arith.index_cast %mul3A_280 : i32 to index
      %get3A_284 = tpu.vector_load %arg19[%get3A_283] {strides = array<i32>} : memref<3200xi32, #tpu.memory_space<vmem>>, vector<16xi32>,
      %get3A_285 = vector.shape_cast %get3A_284 : vector<16xi32> to vector<16xi32>
      %and3A = arith.andi %get3A_285, %broadcast_in_dim3A_3 : vector<16xi32>
      %and3A_286 = arith.andi %get3A_282, %broadcast_in_dim3A_3 : vector<16xi32>
      %sub3A = arith.subi %and3A, %and3A_286 : vector<16xi32>
      %shift_right_logical3A = arith.constant 16 : i32
      %shift_right_logical3A_287 = vector.broadcast %shift_right_logical3A : i32 to vector<16xi32>
      %shift_right_logical3A_288 = arith.shrui %get3A_285, %shift_right_logical3A_287 : vector<16xi32>
      %shift_right_logical3A_289 = arith.constant 16 : i32
      %shift_right_logical3A_290 = vector.broadcast %shift_right_logical3A_289 : i32 to vector<16xi32>
      %shift_right_logical3A_291 = arith.shrui %get3A_282, %shift_right_logical3A_290 : vector<16xi32>
      %sub3A_292 = arith.subi %shift_right_logical3A_288, %shift_right_logical3A_291 : vector<16xi32>
      %convert_element_type3A = arith.sitofp %sub3A : vector<16xi32> to vector<16xf32>
      %mul3A_293 = arith.constant 3.05180438E-4 : f32
      %mul3A_294 = vector.broadcast %mul3A_293 : f32 to vector<16xf32>
      %mul3A_295 = arith.mulf %convert_element_type3A, %mul3A_294 : vector<16xf32>
      %add3A_296 = arith.constant 5.000000e-01 : f32
      %add3A_297 = vector.broadcast %add3A_296 : f32 to vector<16xf32>
      %add3A_298 = arith.addf %mul3A_295, %add3A_297 : vector<16xf32>
      %jit3A = arith.constant 0.000000e+00 : f32
      %jit3A_299 = arith.constant 1.000000e+00 : f32
      %max3A = vector.broadcast %jit3A : f32 to vector<16xf32>
      %max3A_300 = arith.maximumf %max3A, %add3A_298 : vector<16xf32>
      %min3A = vector.broadcast %jit3A_299 : f32 to vector<16xf32>
      %min3A_301 = arith.minimumf %min3A, %max3A_300 : vector<16xf32>
      %convert_element_type3A_302 = arith.sitofp %sub3A_292 : vector<16xi32> to vector<16xf32>
      %mul3A_303 = arith.constant 3.05180438E-4 : f32
      %mul3A_304 = vector.broadcast %mul3A_303 : f32 to vector<16xf32>
      %mul3A_305 = arith.mulf %convert_element_type3A_302, %mul3A_304 : vector<16xf32>
      %add3A_306 = arith.constant 5.000000e-01 : f32
      %add3A_307 = vector.broadcast %add3A_306 : f32 to vector<16xf32>
      %add3A_308 = arith.addf %mul3A_305, %add3A_307 : vector<16xf32>
      %jit3A_309 = arith.constant 0.000000e+00 : f32
      %jit3A_310 = arith.constant 1.000000e+00 : f32
      %max3A_311 = vector.broadcast %jit3A_309 : f32 to vector<16xf32>
      %max3A_312 = arith.maximumf %max3A_311, %add3A_308 : vector<16xf32>
      %min3A_313 = vector.broadcast %jit3A_310 : f32 to vector<16xf32>
      %min3A_314 = arith.minimumf %min3A_313, %max3A_312 : vector<16xf32>
      %get3A_315 = arith.index_cast %mul3A_280 : i32 to index
      %get3A_316 = tpu.vector_load %arg21[%get3A_315] {strides = array<i32>} : memref<3200xf32, #tpu.memory_space<vmem>>, vector<16xf32>,
      %get3A_317 = vector.shape_cast %get3A_316 : vector<16xf32> to vector<16xf32>
      %mul3A_318 = arith.mulf %get3A_317, %min3A_301 : vector<16xf32>
      %swap3A = arith.index_cast %mul3A_280 : i32 to index
      %swap3A_319 = tpu.vector_load %arg23[%swap3A] {strides = array<i32>} : memref<3200xf32, #tpu.memory_space<vmem>>, vector<16xf32>,
      %swap3A_320 = vector.shape_cast %swap3A_319 : vector<16xf32> to vector<16xf32>
      %swap3A_321 = vector.shape_cast %mul3A_318 : vector<16xf32> to vector<16xf32>
      tpu.vector_store %arg23[%swap3A], %swap3A_321 {strides = array<i32>} : memref<3200xf32, #tpu.memory_space<vmem>>, vector<16xf32>,
      %mul3A_322 = arith.mulf %get3A_317, %min3A_314 : vector<16xf32>
      %swap3A_323 = arith.index_cast %mul3A_280 : i32 to index
      %swap3A_324 = tpu.vector_load %arg25[%swap3A_323] {strides = array<i32>} : memref<3200xf32, #tpu.memory_space<vmem>>, vector<16xf32>,
      %swap3A_325 = vector.shape_cast %swap3A_324 : vector<16xf32> to vector<16xf32>
      %swap3A_326 = vector.shape_cast %mul3A_322 : vector<16xf32> to vector<16xf32>
      tpu.vector_store %arg25[%swap3A_323], %swap3A_326 {strides = array<i32>} : memref<3200xf32, #tpu.memory_space<vmem>>, vector<16xf32>,
      %mul3A_327 = arith.constant 4 : i32
      %mul3A_328 = arith.muli %mul3A_327, %scan3A_274 : i32
      %add3A_329 = arith.constant 1 : i32
      %add3A_330 = arith.addi %mul3A_328, %add3A_329 : i32
      %mul3A_331 = arith.constant 16 : i32
      %mul3A_332 = arith.muli %add3A_330, %mul3A_331 : i32
      %get3A_333 = arith.index_cast %mul3A_332 : i32 to index
      %get3A_334 = tpu.vector_load %arg17[%get3A_333] {strides = array<i32>} : memref<3200xi32, #tpu.memory_space<vmem>>, vector<16xi32>,
      %get3A_335 = vector.shape_cast %get3A_334 : vector<16xi32> to vector<16xi32>
      %get3A_336 = arith.index_cast %mul3A_332 : i32 to index
      %get3A_337 = tpu.vector_load %arg19[%get3A_336] {strides = array<i32>} : memref<3200xi32, #tpu.memory_space<vmem>>, vector<16xi32>,
      %get3A_338 = vector.shape_cast %get3A_337 : vector<16xi32> to vector<16xi32>
      %and3A_339 = arith.andi %get3A_338, %broadcast_in_dim3A_3 : vector<16xi32>
      %and3A_340 = arith.andi %get3A_335, %broadcast_in_dim3A_3 : vector<16xi32>
      %sub3A_341 = arith.subi %and3A_339, %and3A_340 : vector<16xi32>
      %shift_right_logical3A_342 = arith.constant 16 : i32
      %shift_right_logical3A_343 = vector.broadcast %shift_right_logical3A_342 : i32 to vector<16xi32>
      %shift_right_logical3A_344 = arith.shrui %get3A_338, %shift_right_logical3A_343 : vector<16xi32>
      %shift_right_logical3A_345 = arith.constant 16 : i32
      %shift_right_logical3A_346 = vector.broadcast %shift_right_logical3A_345 : i32 to vector<16xi32>
      %shift_right_logical3A_347 = arith.shrui %get3A_335, %shift_right_logical3A_346 : vector<16xi32>
      %sub3A_348 = arith.subi %shift_right_logical3A_344, %shift_right_logical3A_347 : vector<16xi32>
      %convert_element_type3A_349 = arith.sitofp %sub3A_341 : vector<16xi32> to vector<16xf32>
      %mul3A_350 = arith.constant 3.05180438E-4 : f32
      %mul3A_351 = vector.broadcast %mul3A_350 : f32 to vector<16xf32>
      %mul3A_352 = arith.mulf %convert_element_type3A_349, %mul3A_351 : vector<16xf32>
      %add3A_353 = arith.constant 5.000000e-01 : f32
      %add3A_354 = vector.broadcast %add3A_353 : f32 to vector<16xf32>
      %add3A_355 = arith.addf %mul3A_352, %add3A_354 : vector<16xf32>
      %jit3A_356 = arith.constant 0.000000e+00 : f32
      %jit3A_357 = arith.constant 1.000000e+00 : f32
      %max3A_358 = vector.broadcast %jit3A_356 : f32 to vector<16xf32>
      %max3A_359 = arith.maximumf %max3A_358, %add3A_355 : vector<16xf32>
      %min3A_360 = vector.broadcast %jit3A_357 : f32 to vector<16xf32>
      %min3A_361 = arith.minimumf %min3A_360, %max3A_359 : vector<16xf32>
      %convert_element_type3A_362 = arith.sitofp %sub3A_348 : vector<16xi32> to vector<16xf32>
      %mul3A_363 = arith.constant 3.05180438E-4 : f32
      %mul3A_364 = vector.broadcast %mul3A_363 : f32 to vector<16xf32>
      %mul3A_365 = arith.mulf %convert_element_type3A_362, %mul3A_364 : vector<16xf32>
      %add3A_366 = arith.constant 5.000000e-01 : f32
      %add3A_367 = vector.broadcast %add3A_366 : f32 to vector<16xf32>
      %add3A_368 = arith.addf %mul3A_365, %add3A_367 : vector<16xf32>
      %jit3A_369 = arith.constant 0.000000e+00 : f32
      %jit3A_370 = arith.constant 1.000000e+00 : f32
      %max3A_371 = vector.broadcast %jit3A_369 : f32 to vector<16xf32>
      %max3A_372 = arith.maximumf %max3A_371, %add3A_368 : vector<16xf32>
      %min3A_373 = vector.broadcast %jit3A_370 : f32 to vector<16xf32>
      %min3A_374 = arith.minimumf %min3A_373, %max3A_372 : vector<16xf32>
      %get3A_375 = arith.index_cast %mul3A_332 : i32 to index
      %get3A_376 = tpu.vector_load %arg21[%get3A_375] {strides = array<i32>} : memref<3200xf32, #tpu.memory_space<vmem>>, vector<16xf32>,
      %get3A_377 = vector.shape_cast %get3A_376 : vector<16xf32> to vector<16xf32>
      %mul3A_378 = arith.mulf %get3A_377, %min3A_361 : vector<16xf32>
      %swap3A_379 = arith.index_cast %mul3A_332 : i32 to index
      %swap3A_380 = tpu.vector_load %arg23[%swap3A_379] {strides = array<i32>} : memref<3200xf32, #tpu.memory_space<vmem>>, vector<16xf32>,
      %swap3A_381 = vector.shape_cast %swap3A_380 : vector<16xf32> to vector<16xf32>
      %swap3A_382 = vector.shape_cast %mul3A_378 : vector<16xf32> to vector<16xf32>
      tpu.vector_store %arg23[%swap3A_379], %swap3A_382 {strides = array<i32>} : memref<3200xf32, #tpu.memory_space<vmem>>, vector<16xf32>,
      %mul3A_383 = arith.mulf %get3A_377, %min3A_374 : vector<16xf32>
      %swap3A_384 = arith.index_cast %mul3A_332 : i32 to index
      %swap3A_385 = tpu.vector_load %arg25[%swap3A_384] {strides = array<i32>} : memref<3200xf32, #tpu.memory_space<vmem>>, vector<16xf32>,
      %swap3A_386 = vector.shape_cast %swap3A_385 : vector<16xf32> to vector<16xf32>
      %swap3A_387 = vector.shape_cast %mul3A_383 : vector<16xf32> to vector<16xf32>
      tpu.vector_store %arg25[%swap3A_384], %swap3A_387 {strides = array<i32>} : memref<3200xf32, #tpu.memory_space<vmem>>, vector<16xf32>,
      %mul3A_388 = arith.constant 4 : i32
      %mul3A_389 = arith.muli %mul3A_388, %scan3A_274 : i32
      %add3A_390 = arith.constant 2 : i32
      %add3A_391 = arith.addi %mul3A_389, %add3A_390 : i32
      %mul3A_392 = arith.constant 16 : i32
      %mul3A_393 = arith.muli %add3A_391, %mul3A_392 : i32
      %get3A_394 = arith.index_cast %mul3A_393 : i32 to index
      %get3A_395 = tpu.vector_load %arg17[%get3A_394] {strides = array<i32>} : memref<3200xi32, #tpu.memory_space<vmem>>, vector<16xi32>,
      %get3A_396 = vector.shape_cast %get3A_395 : vector<16xi32> to vector<16xi32>
      %get3A_397 = arith.index_cast %mul3A_393 : i32 to index
      %get3A_398 = tpu.vector_load %arg19[%get3A_397] {strides = array<i32>} : memref<3200xi32, #tpu.memory_space<vmem>>, vector<16xi32>,
      %get3A_399 = vector.shape_cast %get3A_398 : vector<16xi32> to vector<16xi32>
      %and3A_400 = arith.andi %get3A_399, %broadcast_in_dim3A_3 : vector<16xi32>
      %and3A_401 = arith.andi %get3A_396, %broadcast_in_dim3A_3 : vector<16xi32>
      %sub3A_402 = arith.subi %and3A_400, %and3A_401 : vector<16xi32>
      %shift_right_logical3A_403 = arith.constant 16 : i32
      %shift_right_logical3A_404 = vector.broadcast %shift_right_logical3A_403 : i32 to vector<16xi32>
      %shift_right_logical3A_405 = arith.shrui %get3A_399, %shift_right_logical3A_404 : vector<16xi32>
      %shift_right_logical3A_406 = arith.constant 16 : i32
      %shift_right_logical3A_407 = vector.broadcast %shift_right_logical3A_406 : i32 to vector<16xi32>
      %shift_right_logical3A_408 = arith.shrui %get3A_396, %shift_right_logical3A_407 : vector<16xi32>
      %sub3A_409 = arith.subi %shift_right_logical3A_405, %shift_right_logical3A_408 : vector<16xi32>
      %convert_element_type3A_410 = arith.sitofp %sub3A_402 : vector<16xi32> to vector<16xf32>
      %mul3A_411 = arith.constant 3.05180438E-4 : f32
      %mul3A_412 = vector.broadcast %mul3A_411 : f32 to vector<16xf32>
      %mul3A_413 = arith.mulf %convert_element_type3A_410, %mul3A_412 : vector<16xf32>
      %add3A_414 = arith.constant 5.000000e-01 : f32
      %add3A_415 = vector.broadcast %add3A_414 : f32 to vector<16xf32>
      %add3A_416 = arith.addf %mul3A_413, %add3A_415 : vector<16xf32>
      %jit3A_417 = arith.constant 0.000000e+00 : f32
      %jit3A_418 = arith.constant 1.000000e+00 : f32
      %max3A_419 = vector.broadcast %jit3A_417 : f32 to vector<16xf32>
      %max3A_420 = arith.maximumf %max3A_419, %add3A_416 : vector<16xf32>
      %min3A_421 = vector.broadcast %jit3A_418 : f32 to vector<16xf32>
      %min3A_422 = arith.minimumf %min3A_421, %max3A_420 : vector<16xf32>
      %convert_element_type3A_423 = arith.sitofp %sub3A_409 : vector<16xi32> to vector<16xf32>
      %mul3A_424 = arith.constant 3.05180438E-4 : f32
      %mul3A_425 = vector.broadcast %mul3A_424 : f32 to vector<16xf32>
      %mul3A_426 = arith.mulf %convert_element_type3A_423, %mul3A_425 : vector<16xf32>
      %add3A_427 = arith.constant 5.000000e-01 : f32
      %add3A_428 = vector.broadcast %add3A_427 : f32 to vector<16xf32>
      %add3A_429 = arith.addf %mul3A_426, %add3A_428 : vector<16xf32>
      %jit3A_430 = arith.constant 0.000000e+00 : f32
      %jit3A_431 = arith.constant 1.000000e+00 : f32
      %max3A_432 = vector.broadcast %jit3A_430 : f32 to vector<16xf32>
      %max3A_433 = arith.maximumf %max3A_432, %add3A_429 : vector<16xf32>
      %min3A_434 = vector.broadcast %jit3A_431 : f32 to vector<16xf32>
      %min3A_435 = arith.minimumf %min3A_434, %max3A_433 : vector<16xf32>
      %get3A_436 = arith.index_cast %mul3A_393 : i32 to index
      %get3A_437 = tpu.vector_load %arg21[%get3A_436] {strides = array<i32>} : memref<3200xf32, #tpu.memory_space<vmem>>, vector<16xf32>,
      %get3A_438 = vector.shape_cast %get3A_437 : vector<16xf32> to vector<16xf32>
      %mul3A_439 = arith.mulf %get3A_438, %min3A_422 : vector<16xf32>
      %swap3A_440 = arith.index_cast %mul3A_393 : i32 to index
      %swap3A_441 = tpu.vector_load %arg23[%swap3A_440] {strides = array<i32>} : memref<3200xf32, #tpu.memory_space<vmem>>, vector<16xf32>,
      %swap3A_442 = vector.shape_cast %swap3A_441 : vector<16xf32> to vector<16xf32>
      %swap3A_443 = vector.shape_cast %mul3A_439 : vector<16xf32> to vector<16xf32>
      tpu.vector_store %arg23[%swap3A_440], %swap3A_443 {strides = array<i32>} : memref<3200xf32, #tpu.memory_space<vmem>>, vector<16xf32>,
      %mul3A_444 = arith.mulf %get3A_438, %min3A_435 : vector<16xf32>
      %swap3A_445 = arith.index_cast %mul3A_393 : i32 to index
      %swap3A_446 = tpu.vector_load %arg25[%swap3A_445] {strides = array<i32>} : memref<3200xf32, #tpu.memory_space<vmem>>, vector<16xf32>,
      %swap3A_447 = vector.shape_cast %swap3A_446 : vector<16xf32> to vector<16xf32>
      %swap3A_448 = vector.shape_cast %mul3A_444 : vector<16xf32> to vector<16xf32>
      tpu.vector_store %arg25[%swap3A_445], %swap3A_448 {strides = array<i32>} : memref<3200xf32, #tpu.memory_space<vmem>>, vector<16xf32>,
      %mul3A_449 = arith.constant 4 : i32
      %mul3A_450 = arith.muli %mul3A_449, %scan3A_274 : i32
      %add3A_451 = arith.constant 3 : i32
      %add3A_452 = arith.addi %mul3A_450, %add3A_451 : i32
      %mul3A_453 = arith.constant 16 : i32
      %mul3A_454 = arith.muli %add3A_452, %mul3A_453 : i32
      %get3A_455 = arith.index_cast %mul3A_454 : i32 to index
      %get3A_456 = tpu.vector_load %arg17[%get3A_455] {strides = array<i32>} : memref<3200xi32, #tpu.memory_space<vmem>>, vector<16xi32>,
      %get3A_457 = vector.shape_cast %get3A_456 : vector<16xi32> to vector<16xi32>
      %get3A_458 = arith.index_cast %mul3A_454 : i32 to index
      %get3A_459 = tpu.vector_load %arg19[%get3A_458] {strides = array<i32>} : memref<3200xi32, #tpu.memory_space<vmem>>, vector<16xi32>,
      %get3A_460 = vector.shape_cast %get3A_459 : vector<16xi32> to vector<16xi32>
      %and3A_461 = arith.andi %get3A_460, %broadcast_in_dim3A_3 : vector<16xi32>
      %and3A_462 = arith.andi %get3A_457, %broadcast_in_dim3A_3 : vector<16xi32>
      %sub3A_463 = arith.subi %and3A_461, %and3A_462 : vector<16xi32>
      %shift_right_logical3A_464 = arith.constant 16 : i32
      %shift_right_logical3A_465 = vector.broadcast %shift_right_logical3A_464 : i32 to vector<16xi32>
      %shift_right_logical3A_466 = arith.shrui %get3A_460, %shift_right_logical3A_465 : vector<16xi32>
      %shift_right_logical3A_467 = arith.constant 16 : i32
      %shift_right_logical3A_468 = vector.broadcast %shift_right_logical3A_467 : i32 to vector<16xi32>
      %shift_right_logical3A_469 = arith.shrui %get3A_457, %shift_right_logical3A_468 : vector<16xi32>
      %sub3A_470 = arith.subi %shift_right_logical3A_466, %shift_right_logical3A_469 : vector<16xi32>
      %convert_element_type3A_471 = arith.sitofp %sub3A_463 : vector<16xi32> to vector<16xf32>
      %mul3A_472 = arith.constant 3.05180438E-4 : f32
      %mul3A_473 = vector.broadcast %mul3A_472 : f32 to vector<16xf32>
      %mul3A_474 = arith.mulf %convert_element_type3A_471, %mul3A_473 : vector<16xf32>
      %add3A_475 = arith.constant 5.000000e-01 : f32
      %add3A_476 = vector.broadcast %add3A_475 : f32 to vector<16xf32>
      %add3A_477 = arith.addf %mul3A_474, %add3A_476 : vector<16xf32>
      %jit3A_478 = arith.constant 0.000000e+00 : f32
      %jit3A_479 = arith.constant 1.000000e+00 : f32
      %max3A_480 = vector.broadcast %jit3A_478 : f32 to vector<16xf32>
      %max3A_481 = arith.maximumf %max3A_480, %add3A_477 : vector<16xf32>
      %min3A_482 = vector.broadcast %jit3A_479 : f32 to vector<16xf32>
      %min3A_483 = arith.minimumf %min3A_482, %max3A_481 : vector<16xf32>
      %convert_element_type3A_484 = arith.sitofp %sub3A_470 : vector<16xi32> to vector<16xf32>
      %mul3A_485 = arith.constant 3.05180438E-4 : f32
      %mul3A_486 = vector.broadcast %mul3A_485 : f32 to vector<16xf32>
      %mul3A_487 = arith.mulf %convert_element_type3A_484, %mul3A_486 : vector<16xf32>
      %add3A_488 = arith.constant 5.000000e-01 : f32
      %add3A_489 = vector.broadcast %add3A_488 : f32 to vector<16xf32>
      %add3A_490 = arith.addf %mul3A_487, %add3A_489 : vector<16xf32>
      %jit3A_491 = arith.constant 0.000000e+00 : f32
      %jit3A_492 = arith.constant 1.000000e+00 : f32
      %max3A_493 = vector.broadcast %jit3A_491 : f32 to vector<16xf32>
      %max3A_494 = arith.maximumf %max3A_493, %add3A_490 : vector<16xf32>
      %min3A_495 = vector.broadcast %jit3A_492 : f32 to vector<16xf32>
      %min3A_496 = arith.minimumf %min3A_495, %max3A_494 : vector<16xf32>
      %get3A_497 = arith.index_cast %mul3A_454 : i32 to index
      %get3A_498 = tpu.vector_load %arg21[%get3A_497] {strides = array<i32>} : memref<3200xf32, #tpu.memory_space<vmem>>, vector<16xf32>,
      %get3A_499 = vector.shape_cast %get3A_498 : vector<16xf32> to vector<16xf32>
      %mul3A_500 = arith.mulf %get3A_499, %min3A_483 : vector<16xf32>
      %swap3A_501 = arith.index_cast %mul3A_454 : i32 to index
      %swap3A_502 = tpu.vector_load %arg23[%swap3A_501] {strides = array<i32>} : memref<3200xf32, #tpu.memory_space<vmem>>, vector<16xf32>,
      %swap3A_503 = vector.shape_cast %swap3A_502 : vector<16xf32> to vector<16xf32>
      %swap3A_504 = vector.shape_cast %mul3A_500 : vector<16xf32> to vector<16xf32>
      tpu.vector_store %arg23[%swap3A_501], %swap3A_504 {strides = array<i32>} : memref<3200xf32, #tpu.memory_space<vmem>>, vector<16xf32>,
      %mul3A_505 = arith.mulf %get3A_499, %min3A_496 : vector<16xf32>
      %swap3A_506 = arith.index_cast %mul3A_454 : i32 to index
      %swap3A_507 = tpu.vector_load %arg25[%swap3A_506] {strides = array<i32>} : memref<3200xf32, #tpu.memory_space<vmem>>, vector<16xf32>,
      %swap3A_508 = vector.shape_cast %swap3A_507 : vector<16xf32> to vector<16xf32>
      %swap3A_509 = vector.shape_cast %mul3A_505 : vector<16xf32> to vector<16xf32>
      tpu.vector_store %arg25[%swap3A_506], %swap3A_509 {strides = array<i32>} : memref<3200xf32, #tpu.memory_space<vmem>>, vector<16xf32>,
    }
    %scan3A_112 = arith.constant 50 : i32
    %dma_start3A_113 = arith.constant 0 : i32
    %dma_start3A_114 = tpu.memref_slice %arg26[%dma_start3A_113] : memref<51200xf32, #tpu.memory_space<vmem_shared>> -> memref<51200xf32, #tpu.memory_space<vmem_shared>>
    tpu.enqueue_indirect_dma source(%arg23 : memref<3200xf32, #tpu.memory_space<vmem>>) target(%dma_start3A_114 : memref<51200xf32, #tpu.memory_space<vmem_shared>>) offsets(%arg13 : memref<3200xi32, #tpu.memory_space<vmem>>) semaphore(%arg33 : memref<!tpu.dma_semaphore, #tpu.memory_space<semaphore_mem>>) {add = true}
    %dma_start3A_115 = arith.constant 0 : i32
    %dma_start3A_116 = tpu.memref_slice %arg27[%dma_start3A_115] : memref<51200xf32, #tpu.memory_space<vmem_shared>> -> memref<51200xf32, #tpu.memory_space<vmem_shared>>
    tpu.enqueue_indirect_dma source(%arg25 : memref<3200xf32, #tpu.memory_space<vmem>>) target(%dma_start3A_116 : memref<51200xf32, #tpu.memory_space<vmem_shared>>) offsets(%arg13 : memref<3200xi32, #tpu.memory_space<vmem>>) semaphore(%arg33 : memref<!tpu.dma_semaphore, #tpu.memory_space<semaphore_mem>>) {add = true}
    %dma_wait3A_117 = arith.constant 0 : i32
    %dma_wait3A_118 = tpu.memref_slice %arg3[%dma_wait3A_117] : memref<51200xf32, #tpu.memory_space<hbm>> -> memref<3200xf32, #tpu.memory_space<hbm>>
    %dma_wait3A_119 = arith.constant 0 : i32
    %dma_wait3A_120 = tpu.memref_slice %arg3[%dma_wait3A_119] : memref<51200xf32, #tpu.memory_space<hbm>> -> memref<3200xf32, #tpu.memory_space<hbm>>
    tpu.wait_dma2 semaphore(%arg32 : memref<!tpu.dma_semaphore, #tpu.memory_space<semaphore_mem>>) src(%dma_wait3A_120 : memref<3200xf32, #tpu.memory_space<hbm>>) dst(%arg22 : memref<3200xf32, #tpu.memory_space<vmem>>)
    %dma_wait3A_121 = arith.constant 0 : i32
    %dma_wait3A_122 = tpu.memref_slice %arg3[%dma_wait3A_121] : memref<51200xf32, #tpu.memory_space<hbm>> -> memref<3200xf32, #tpu.memory_space<hbm>>
    %dma_wait3A_123 = arith.constant 0 : i32
    %dma_wait3A_124 = tpu.memref_slice %arg3[%dma_wait3A_123] : memref<51200xf32, #tpu.memory_space<hbm>> -> memref<3200xf32, #tpu.memory_space<hbm>>
    tpu.wait_dma2 semaphore(%arg32 : memref<!tpu.dma_semaphore, #tpu.memory_space<semaphore_mem>>) src(%dma_wait3A_124 : memref<3200xf32, #tpu.memory_space<hbm>>) dst(%arg24 : memref<3200xf32, #tpu.memory_space<vmem>>)
    %mul3A_125 = arith.constant 102400 : i32
    %mul3A_126 = arith.muli %add3A, %mul3A_125 : i32
    %add3A_127 = arith.constant 12800 : i32
    %add3A_128 = arith.addi %mul3A_126, %add3A_127 : i32
    %dma_start3A_129 = tpu.memref_slice %arg4[%add3A_128] : memref<1638400xi32, #tpu.memory_space<hbm>> -> memref<3200xi32, #tpu.memory_space<hbm>>
    %dma_start3A_130 = tpu.memref_slice %arg4[%add3A_128] : memref<1638400xi32, #tpu.memory_space<hbm>> -> memref<3200xi32, #tpu.memory_space<hbm>>
    tpu.enqueue_dma source(%dma_start3A_130 : memref<3200xi32, #tpu.memory_space<hbm>>) target(%arg8 : memref<3200xi32, #tpu.memory_space<vmem>>) target_semaphore(%arg34 : memref<!tpu.dma_semaphore, #tpu.memory_space<semaphore_mem>>)
    %dma_start3A_131 = tpu.memref_slice %arg5[%add3A_128] : memref<1638400xi32, #tpu.memory_space<hbm>> -> memref<3200xi32, #tpu.memory_space<hbm>>
    %dma_start3A_132 = tpu.memref_slice %arg5[%add3A_128] : memref<1638400xi32, #tpu.memory_space<hbm>> -> memref<3200xi32, #tpu.memory_space<hbm>>
    tpu.enqueue_dma source(%dma_start3A_132 : memref<3200xi32, #tpu.memory_space<hbm>>) target(%arg12 : memref<3200xi32, #tpu.memory_space<vmem>>) target_semaphore(%arg34 : memref<!tpu.dma_semaphore, #tpu.memory_space<semaphore_mem>>)
    %dma_wait3A_133 = arith.constant 0 : i32
    %dma_wait3A_134 = tpu.memref_slice %arg4[%dma_wait3A_133] : memref<1638400xi32, #tpu.memory_space<hbm>> -> memref<3200xi32, #tpu.memory_space<hbm>>
    %dma_wait3A_135 = arith.constant 0 : i32
    %dma_wait3A_136 = tpu.memref_slice %arg4[%dma_wait3A_135] : memref<1638400xi32, #tpu.memory_space<hbm>> -> memref<3200xi32, #tpu.memory_space<hbm>>
    tpu.wait_dma2 semaphore(%arg35 : memref<!tpu.dma_semaphore, #tpu.memory_space<semaphore_mem>>) src(%dma_wait3A_136 : memref<3200xi32, #tpu.memory_space<hbm>>) dst(%arg11 : memref<3200xi32, #tpu.memory_space<vmem>>)
    %dma_wait3A_137 = arith.constant 0 : i32
    %dma_wait3A_138 = tpu.memref_slice %arg4[%dma_wait3A_137] : memref<1638400xi32, #tpu.memory_space<hbm>> -> memref<3200xi32, #tpu.memory_space<hbm>>
    %dma_wait3A_139 = arith.constant 0 : i32
    %dma_wait3A_140 = tpu.memref_slice %arg4[%dma_wait3A_139] : memref<1638400xi32, #tpu.memory_space<hbm>> -> memref<3200xi32, #tpu.memory_space<hbm>>
    tpu.wait_dma2 semaphore(%arg35 : memref<!tpu.dma_semaphore, #tpu.memory_space<semaphore_mem>>) src(%dma_wait3A_140 : memref<3200xi32, #tpu.memory_space<hbm>>) dst(%arg15 : memref<3200xi32, #tpu.memory_space<vmem>>)
    %dma_start3A_141 = arith.constant 0 : i32
    %dma_start3A_142 = tpu.memref_slice %arg28[%dma_start3A_141] : memref<51200xi32, #tpu.memory_space<vmem_shared>> -> memref<51200xi32, #tpu.memory_space<vmem_shared>>
    tpu.enqueue_indirect_dma source(%dma_start3A_142 : memref<51200xi32, #tpu.memory_space<vmem_shared>>) target(%arg17 : memref<3200xi32, #tpu.memory_space<vmem>>) offsets(%arg11 : memref<3200xi32, #tpu.memory_space<vmem>>) semaphore(%arg31 : memref<!tpu.dma_semaphore, #tpu.memory_space<semaphore_mem>>)
    %dma_start3A_143 = arith.constant 0 : i32
    %dma_start3A_144 = tpu.memref_slice %arg28[%dma_start3A_143] : memref<51200xi32, #tpu.memory_space<vmem_shared>> -> memref<51200xi32, #tpu.memory_space<vmem_shared>>
    tpu.enqueue_indirect_dma source(%dma_start3A_144 : memref<51200xi32, #tpu.memory_space<vmem_shared>>) target(%arg19 : memref<3200xi32, #tpu.memory_space<vmem>>) offsets(%arg15 : memref<3200xi32, #tpu.memory_space<vmem>>) semaphore(%arg31 : memref<!tpu.dma_semaphore, #tpu.memory_space<semaphore_mem>>)
    %dma_start3A_145 = arith.constant 0 : i32
    %dma_start3A_146 = tpu.memref_slice %arg29[%dma_start3A_145] : memref<51200xf32, #tpu.memory_space<vmem_shared>> -> memref<51200xf32, #tpu.memory_space<vmem_shared>>
    tpu.enqueue_indirect_dma source(%dma_start3A_146 : memref<51200xf32, #tpu.memory_space<vmem_shared>>) target(%arg21 : memref<3200xf32, #tpu.memory_space<vmem>>) offsets(%arg11 : memref<3200xi32, #tpu.memory_space<vmem>>) semaphore(%arg31 : memref<!tpu.dma_semaphore, #tpu.memory_space<semaphore_mem>>)
    %dma_wait3A_147 = arith.constant 0 : i32
    %dma_wait3A_148 = tpu.memref_slice %arg3[%dma_wait3A_147] : memref<51200xf32, #tpu.memory_space<hbm>> -> memref<3200xf32, #tpu.memory_space<hbm>>
    %dma_wait3A_149 = arith.constant 0 : i32
    %dma_wait3A_150 = tpu.memref_slice %arg3[%dma_wait3A_149] : memref<51200xf32, #tpu.memory_space<hbm>> -> memref<3200xf32, #tpu.memory_space<hbm>>
    tpu.wait_dma2 semaphore(%arg30 : memref<!tpu.dma_semaphore, #tpu.memory_space<semaphore_mem>>) src(%dma_wait3A_150 : memref<3200xf32, #tpu.memory_space<hbm>>) dst(%arg20 : memref<3200xf32, #tpu.memory_space<vmem>>)
    %dma_wait3A_151 = arith.constant 0 : i32
    %dma_wait3A_152 = tpu.memref_slice %arg3[%dma_wait3A_151] : memref<51200xf32, #tpu.memory_space<hbm>> -> memref<3200xf32, #tpu.memory_space<hbm>>
    %dma_wait3A_153 = arith.constant 0 : i32
    %dma_wait3A_154 = tpu.memref_slice %arg3[%dma_wait3A_153] : memref<51200xf32, #tpu.memory_space<hbm>> -> memref<3200xf32, #tpu.memory_space<hbm>>
    tpu.wait_dma2 semaphore(%arg30 : memref<!tpu.dma_semaphore, #tpu.memory_space<semaphore_mem>>) src(%dma_wait3A_154 : memref<3200xf32, #tpu.memory_space<hbm>>) dst(%arg22 : memref<3200xf32, #tpu.memory_space<vmem>>)
    %dma_wait3A_155 = arith.constant 0 : i32
    %dma_wait3A_156 = tpu.memref_slice %arg3[%dma_wait3A_155] : memref<51200xf32, #tpu.memory_space<hbm>> -> memref<3200xf32, #tpu.memory_space<hbm>>
    %dma_wait3A_157 = arith.constant 0 : i32
    %dma_wait3A_158 = tpu.memref_slice %arg3[%dma_wait3A_157] : memref<51200xf32, #tpu.memory_space<hbm>> -> memref<3200xf32, #tpu.memory_space<hbm>>
    tpu.wait_dma2 semaphore(%arg30 : memref<!tpu.dma_semaphore, #tpu.memory_space<semaphore_mem>>) src(%dma_wait3A_158 : memref<3200xf32, #tpu.memory_space<hbm>>) dst(%arg24 : memref<3200xf32, #tpu.memory_space<vmem>>)
    %scan3A_159 = arith.constant 0 : i32
    %scan3A_160 = arith.constant 50 : i32
    %scan3A_161 = arith.addi %scan3A_159, %scan3A_160 : i32
    %scan3A_162 = arith.constant 1 : i32
    scf.for %scan3A_274 = %scan3A_159 to %scan3A_161 step %scan3A_162  : i32 {
      %mul3A_275 = arith.constant 4 : i32
      %mul3A_276 = arith.muli %mul3A_275, %scan3A_274 : i32
      %add3A_277 = arith.constant 0 : i32
      %add3A_278 = arith.addi %mul3A_276, %add3A_277 : i32
      %mul3A_279 = arith.constant 16 : i32
      %mul3A_280 = arith.muli %add3A_278, %mul3A_279 : i32
      %get3A = arith.index_cast %mul3A_280 : i32 to index
      %get3A_281 = tpu.vector_load %arg16[%get3A] {strides = array<i32>} : memref<3200xi32, #tpu.memory_space<vmem>>, vector<16xi32>,
      %get3A_282 = vector.shape_cast %get3A_281 : vector<16xi32> to vector<16xi32>
      %get3A_283 = arith.index_cast %mul3A_280 : i32 to index
      %get3A_284 = tpu.vector_load %arg18[%get3A_283] {strides = array<i32>} : memref<3200xi32, #tpu.memory_space<vmem>>, vector<16xi32>,
      %get3A_285 = vector.shape_cast %get3A_284 : vector<16xi32> to vector<16xi32>
      %and3A = arith.andi %get3A_285, %broadcast_in_dim3A_3 : vector<16xi32>
      %and3A_286 = arith.andi %get3A_282, %broadcast_in_dim3A_3 : vector<16xi32>
      %sub3A = arith.subi %and3A, %and3A_286 : vector<16xi32>
      %shift_right_logical3A = arith.constant 16 : i32
      %shift_right_logical3A_287 = vector.broadcast %shift_right_logical3A : i32 to vector<16xi32>
      %shift_right_logical3A_288 = arith.shrui %get3A_285, %shift_right_logical3A_287 : vector<16xi32>
      %shift_right_logical3A_289 = arith.constant 16 : i32
      %shift_right_logical3A_290 = vector.broadcast %shift_right_logical3A_289 : i32 to vector<16xi32>
      %shift_right_logical3A_291 = arith.shrui %get3A_282, %shift_right_logical3A_290 : vector<16xi32>
      %sub3A_292 = arith.subi %shift_right_logical3A_288, %shift_right_logical3A_291 : vector<16xi32>
      %convert_element_type3A = arith.sitofp %sub3A : vector<16xi32> to vector<16xf32>
      %mul3A_293 = arith.constant 3.05180438E-4 : f32
      %mul3A_294 = vector.broadcast %mul3A_293 : f32 to vector<16xf32>
      %mul3A_295 = arith.mulf %convert_element_type3A, %mul3A_294 : vector<16xf32>
      %add3A_296 = arith.constant 5.000000e-01 : f32
      %add3A_297 = vector.broadcast %add3A_296 : f32 to vector<16xf32>
      %add3A_298 = arith.addf %mul3A_295, %add3A_297 : vector<16xf32>
      %jit3A = arith.constant 0.000000e+00 : f32
      %jit3A_299 = arith.constant 1.000000e+00 : f32
      %max3A = vector.broadcast %jit3A : f32 to vector<16xf32>
      %max3A_300 = arith.maximumf %max3A, %add3A_298 : vector<16xf32>
      %min3A = vector.broadcast %jit3A_299 : f32 to vector<16xf32>
      %min3A_301 = arith.minimumf %min3A, %max3A_300 : vector<16xf32>
      %convert_element_type3A_302 = arith.sitofp %sub3A_292 : vector<16xi32> to vector<16xf32>
      %mul3A_303 = arith.constant 3.05180438E-4 : f32
      %mul3A_304 = vector.broadcast %mul3A_303 : f32 to vector<16xf32>
      %mul3A_305 = arith.mulf %convert_element_type3A_302, %mul3A_304 : vector<16xf32>
      %add3A_306 = arith.constant 5.000000e-01 : f32
      %add3A_307 = vector.broadcast %add3A_306 : f32 to vector<16xf32>
      %add3A_308 = arith.addf %mul3A_305, %add3A_307 : vector<16xf32>
      %jit3A_309 = arith.constant 0.000000e+00 : f32
      %jit3A_310 = arith.constant 1.000000e+00 : f32
      %max3A_311 = vector.broadcast %jit3A_309 : f32 to vector<16xf32>
      %max3A_312 = arith.maximumf %max3A_311, %add3A_308 : vector<16xf32>
      %min3A_313 = vector.broadcast %jit3A_310 : f32 to vector<16xf32>
      %min3A_314 = arith.minimumf %min3A_313, %max3A_312 : vector<16xf32>
      %get3A_315 = arith.index_cast %mul3A_280 : i32 to index
      %get3A_316 = tpu.vector_load %arg20[%get3A_315] {strides = array<i32>} : memref<3200xf32, #tpu.memory_space<vmem>>, vector<16xf32>,
      %get3A_317 = vector.shape_cast %get3A_316 : vector<16xf32> to vector<16xf32>
      %mul3A_318 = arith.mulf %get3A_317, %min3A_301 : vector<16xf32>
      %swap3A = arith.index_cast %mul3A_280 : i32 to index
      %swap3A_319 = tpu.vector_load %arg22[%swap3A] {strides = array<i32>} : memref<3200xf32, #tpu.memory_space<vmem>>, vector<16xf32>,
      %swap3A_320 = vector.shape_cast %swap3A_319 : vector<16xf32> to vector<16xf32>
      %swap3A_321 = vector.shape_cast %mul3A_318 : vector<16xf32> to vector<16xf32>
      tpu.vector_store %arg22[%swap3A], %swap3A_321 {strides = array<i32>} : memref<3200xf32, #tpu.memory_space<vmem>>, vector<16xf32>,
      %mul3A_322 = arith.mulf %get3A_317, %min3A_314 : vector<16xf32>
      %swap3A_323 = arith.index_cast %mul3A_280 : i32 to index
      %swap3A_324 = tpu.vector_load %arg24[%swap3A_323] {strides = array<i32>} : memref<3200xf32, #tpu.memory_space<vmem>>, vector<16xf32>,
      %swap3A_325 = vector.shape_cast %swap3A_324 : vector<16xf32> to vector<16xf32>
      %swap3A_326 = vector.shape_cast %mul3A_322 : vector<16xf32> to vector<16xf32>
      tpu.vector_store %arg24[%swap3A_323], %swap3A_326 {strides = array<i32>} : memref<3200xf32, #tpu.memory_space<vmem>>, vector<16xf32>,
      %mul3A_327 = arith.constant 4 : i32
      %mul3A_328 = arith.muli %mul3A_327, %scan3A_274 : i32
      %add3A_329 = arith.constant 1 : i32
      %add3A_330 = arith.addi %mul3A_328, %add3A_329 : i32
      %mul3A_331 = arith.constant 16 : i32
      %mul3A_332 = arith.muli %add3A_330, %mul3A_331 : i32
      %get3A_333 = arith.index_cast %mul3A_332 : i32 to index
      %get3A_334 = tpu.vector_load %arg16[%get3A_333] {strides = array<i32>} : memref<3200xi32, #tpu.memory_space<vmem>>, vector<16xi32>,
      %get3A_335 = vector.shape_cast %get3A_334 : vector<16xi32> to vector<16xi32>
      %get3A_336 = arith.index_cast %mul3A_332 : i32 to index
      %get3A_337 = tpu.vector_load %arg18[%get3A_336] {strides = array<i32>} : memref<3200xi32, #tpu.memory_space<vmem>>, vector<16xi32>,
      %get3A_338 = vector.shape_cast %get3A_337 : vector<16xi32> to vector<16xi32>
      %and3A_339 = arith.andi %get3A_338, %broadcast_in_dim3A_3 : vector<16xi32>
      %and3A_340 = arith.andi %get3A_335, %broadcast_in_dim3A_3 : vector<16xi32>
      %sub3A_341 = arith.subi %and3A_339, %and3A_340 : vector<16xi32>
      %shift_right_logical3A_342 = arith.constant 16 : i32
      %shift_right_logical3A_343 = vector.broadcast %shift_right_logical3A_342 : i32 to vector<16xi32>
      %shift_right_logical3A_344 = arith.shrui %get3A_338, %shift_right_logical3A_343 : vector<16xi32>
      %shift_right_logical3A_345 = arith.constant 16 : i32
      %shift_right_logical3A_346 = vector.broadcast %shift_right_logical3A_345 : i32 to vector<16xi32>
      %shift_right_logical3A_347 = arith.shrui %get3A_335, %shift_right_logical3A_346 : vector<16xi32>
      %sub3A_348 = arith.subi %shift_right_logical3A_344, %shift_right_logical3A_347 : vector<16xi32>
      %convert_element_type3A_349 = arith.sitofp %sub3A_341 : vector<16xi32> to vector<16xf32>
      %mul3A_350 = arith.constant 3.05180438E-4 : f32
      %mul3A_351 = vector.broadcast %mul3A_350 : f32 to vector<16xf32>
      %mul3A_352 = arith.mulf %convert_element_type3A_349, %mul3A_351 : vector<16xf32>
      %add3A_353 = arith.constant 5.000000e-01 : f32
      %add3A_354 = vector.broadcast %add3A_353 : f32 to vector<16xf32>
      %add3A_355 = arith.addf %mul3A_352, %add3A_354 : vector<16xf32>
      %jit3A_356 = arith.constant 0.000000e+00 : f32
      %jit3A_357 = arith.constant 1.000000e+00 : f32
      %max3A_358 = vector.broadcast %jit3A_356 : f32 to vector<16xf32>
      %max3A_359 = arith.maximumf %max3A_358, %add3A_355 : vector<16xf32>
      %min3A_360 = vector.broadcast %jit3A_357 : f32 to vector<16xf32>
      %min3A_361 = arith.minimumf %min3A_360, %max3A_359 : vector<16xf32>
      %convert_element_type3A_362 = arith.sitofp %sub3A_348 : vector<16xi32> to vector<16xf32>
      %mul3A_363 = arith.constant 3.05180438E-4 : f32
      %mul3A_364 = vector.broadcast %mul3A_363 : f32 to vector<16xf32>
      %mul3A_365 = arith.mulf %convert_element_type3A_362, %mul3A_364 : vector<16xf32>
      %add3A_366 = arith.constant 5.000000e-01 : f32
      %add3A_367 = vector.broadcast %add3A_366 : f32 to vector<16xf32>
      %add3A_368 = arith.addf %mul3A_365, %add3A_367 : vector<16xf32>
      %jit3A_369 = arith.constant 0.000000e+00 : f32
      %jit3A_370 = arith.constant 1.000000e+00 : f32
      %max3A_371 = vector.broadcast %jit3A_369 : f32 to vector<16xf32>
      %max3A_372 = arith.maximumf %max3A_371, %add3A_368 : vector<16xf32>
      %min3A_373 = vector.broadcast %jit3A_370 : f32 to vector<16xf32>
      %min3A_374 = arith.minimumf %min3A_373, %max3A_372 : vector<16xf32>
      %get3A_375 = arith.index_cast %mul3A_332 : i32 to index
      %get3A_376 = tpu.vector_load %arg20[%get3A_375] {strides = array<i32>} : memref<3200xf32, #tpu.memory_space<vmem>>, vector<16xf32>,
      %get3A_377 = vector.shape_cast %get3A_376 : vector<16xf32> to vector<16xf32>
      %mul3A_378 = arith.mulf %get3A_377, %min3A_361 : vector<16xf32>
      %swap3A_379 = arith.index_cast %mul3A_332 : i32 to index
      %swap3A_380 = tpu.vector_load %arg22[%swap3A_379] {strides = array<i32>} : memref<3200xf32, #tpu.memory_space<vmem>>, vector<16xf32>,
      %swap3A_381 = vector.shape_cast %swap3A_380 : vector<16xf32> to vector<16xf32>
      %swap3A_382 = vector.shape_cast %mul3A_378 : vector<16xf32> to vector<16xf32>
      tpu.vector_store %arg22[%swap3A_379], %swap3A_382 {strides = array<i32>} : memref<3200xf32, #tpu.memory_space<vmem>>, vector<16xf32>,
      %mul3A_383 = arith.mulf %get3A_377, %min3A_374 : vector<16xf32>
      %swap3A_384 = arith.index_cast %mul3A_332 : i32 to index
      %swap3A_385 = tpu.vector_load %arg24[%swap3A_384] {strides = array<i32>} : memref<3200xf32, #tpu.memory_space<vmem>>, vector<16xf32>,
      %swap3A_386 = vector.shape_cast %swap3A_385 : vector<16xf32> to vector<16xf32>
      %swap3A_387 = vector.shape_cast %mul3A_383 : vector<16xf32> to vector<16xf32>
      tpu.vector_store %arg24[%swap3A_384], %swap3A_387 {strides = array<i32>} : memref<3200xf32, #tpu.memory_space<vmem>>, vector<16xf32>,
      %mul3A_388 = arith.constant 4 : i32
      %mul3A_389 = arith.muli %mul3A_388, %scan3A_274 : i32
      %add3A_390 = arith.constant 2 : i32
      %add3A_391 = arith.addi %mul3A_389, %add3A_390 : i32
      %mul3A_392 = arith.constant 16 : i32
      %mul3A_393 = arith.muli %add3A_391, %mul3A_392 : i32
      %get3A_394 = arith.index_cast %mul3A_393 : i32 to index
      %get3A_395 = tpu.vector_load %arg16[%get3A_394] {strides = array<i32>} : memref<3200xi32, #tpu.memory_space<vmem>>, vector<16xi32>,
      %get3A_396 = vector.shape_cast %get3A_395 : vector<16xi32> to vector<16xi32>
      %get3A_397 = arith.index_cast %mul3A_393 : i32 to index
      %get3A_398 = tpu.vector_load %arg18[%get3A_397] {strides = array<i32>} : memref<3200xi32, #tpu.memory_space<vmem>>, vector<16xi32>,
      %get3A_399 = vector.shape_cast %get3A_398 : vector<16xi32> to vector<16xi32>
      %and3A_400 = arith.andi %get3A_399, %broadcast_in_dim3A_3 : vector<16xi32>
      %and3A_401 = arith.andi %get3A_396, %broadcast_in_dim3A_3 : vector<16xi32>
      %sub3A_402 = arith.subi %and3A_400, %and3A_401 : vector<16xi32>
      %shift_right_logical3A_403 = arith.constant 16 : i32
      %shift_right_logical3A_404 = vector.broadcast %shift_right_logical3A_403 : i32 to vector<16xi32>
      %shift_right_logical3A_405 = arith.shrui %get3A_399, %shift_right_logical3A_404 : vector<16xi32>
      %shift_right_logical3A_406 = arith.constant 16 : i32
      %shift_right_logical3A_407 = vector.broadcast %shift_right_logical3A_406 : i32 to vector<16xi32>
      %shift_right_logical3A_408 = arith.shrui %get3A_396, %shift_right_logical3A_407 : vector<16xi32>
      %sub3A_409 = arith.subi %shift_right_logical3A_405, %shift_right_logical3A_408 : vector<16xi32>
      %convert_element_type3A_410 = arith.sitofp %sub3A_402 : vector<16xi32> to vector<16xf32>
      %mul3A_411 = arith.constant 3.05180438E-4 : f32
      %mul3A_412 = vector.broadcast %mul3A_411 : f32 to vector<16xf32>
      %mul3A_413 = arith.mulf %convert_element_type3A_410, %mul3A_412 : vector<16xf32>
      %add3A_414 = arith.constant 5.000000e-01 : f32
      %add3A_415 = vector.broadcast %add3A_414 : f32 to vector<16xf32>
      %add3A_416 = arith.addf %mul3A_413, %add3A_415 : vector<16xf32>
      %jit3A_417 = arith.constant 0.000000e+00 : f32
      %jit3A_418 = arith.constant 1.000000e+00 : f32
      %max3A_419 = vector.broadcast %jit3A_417 : f32 to vector<16xf32>
      %max3A_420 = arith.maximumf %max3A_419, %add3A_416 : vector<16xf32>
      %min3A_421 = vector.broadcast %jit3A_418 : f32 to vector<16xf32>
      %min3A_422 = arith.minimumf %min3A_421, %max3A_420 : vector<16xf32>
      %convert_element_type3A_423 = arith.sitofp %sub3A_409 : vector<16xi32> to vector<16xf32>
      %mul3A_424 = arith.constant 3.05180438E-4 : f32
      %mul3A_425 = vector.broadcast %mul3A_424 : f32 to vector<16xf32>
      %mul3A_426 = arith.mulf %convert_element_type3A_423, %mul3A_425 : vector<16xf32>
      %add3A_427 = arith.constant 5.000000e-01 : f32
      %add3A_428 = vector.broadcast %add3A_427 : f32 to vector<16xf32>
      %add3A_429 = arith.addf %mul3A_426, %add3A_428 : vector<16xf32>
      %jit3A_430 = arith.constant 0.000000e+00 : f32
      %jit3A_431 = arith.constant 1.000000e+00 : f32
      %max3A_432 = vector.broadcast %jit3A_430 : f32 to vector<16xf32>
      %max3A_433 = arith.maximumf %max3A_432, %add3A_429 : vector<16xf32>
      %min3A_434 = vector.broadcast %jit3A_431 : f32 to vector<16xf32>
      %min3A_435 = arith.minimumf %min3A_434, %max3A_433 : vector<16xf32>
      %get3A_436 = arith.index_cast %mul3A_393 : i32 to index
      %get3A_437 = tpu.vector_load %arg20[%get3A_436] {strides = array<i32>} : memref<3200xf32, #tpu.memory_space<vmem>>, vector<16xf32>,
      %get3A_438 = vector.shape_cast %get3A_437 : vector<16xf32> to vector<16xf32>
      %mul3A_439 = arith.mulf %get3A_438, %min3A_422 : vector<16xf32>
      %swap3A_440 = arith.index_cast %mul3A_393 : i32 to index
      %swap3A_441 = tpu.vector_load %arg22[%swap3A_440] {strides = array<i32>} : memref<3200xf32, #tpu.memory_space<vmem>>, vector<16xf32>,
      %swap3A_442 = vector.shape_cast %swap3A_441 : vector<16xf32> to vector<16xf32>
      %swap3A_443 = vector.shape_cast %mul3A_439 : vector<16xf32> to vector<16xf32>
      tpu.vector_store %arg22[%swap3A_440], %swap3A_443 {strides = array<i32>} : memref<3200xf32, #tpu.memory_space<vmem>>, vector<16xf32>,
      %mul3A_444 = arith.mulf %get3A_438, %min3A_435 : vector<16xf32>
      %swap3A_445 = arith.index_cast %mul3A_393 : i32 to index
      %swap3A_446 = tpu.vector_load %arg24[%swap3A_445] {strides = array<i32>} : memref<3200xf32, #tpu.memory_space<vmem>>, vector<16xf32>,
      %swap3A_447 = vector.shape_cast %swap3A_446 : vector<16xf32> to vector<16xf32>
      %swap3A_448 = vector.shape_cast %mul3A_444 : vector<16xf32> to vector<16xf32>
      tpu.vector_store %arg24[%swap3A_445], %swap3A_448 {strides = array<i32>} : memref<3200xf32, #tpu.memory_space<vmem>>, vector<16xf32>,
      %mul3A_449 = arith.constant 4 : i32
      %mul3A_450 = arith.muli %mul3A_449, %scan3A_274 : i32
      %add3A_451 = arith.constant 3 : i32
      %add3A_452 = arith.addi %mul3A_450, %add3A_451 : i32
      %mul3A_453 = arith.constant 16 : i32
      %mul3A_454 = arith.muli %add3A_452, %mul3A_453 : i32
      %get3A_455 = arith.index_cast %mul3A_454 : i32 to index
      %get3A_456 = tpu.vector_load %arg16[%get3A_455] {strides = array<i32>} : memref<3200xi32, #tpu.memory_space<vmem>>, vector<16xi32>,
      %get3A_457 = vector.shape_cast %get3A_456 : vector<16xi32> to vector<16xi32>
      %get3A_458 = arith.index_cast %mul3A_454 : i32 to index
      %get3A_459 = tpu.vector_load %arg18[%get3A_458] {strides = array<i32>} : memref<3200xi32, #tpu.memory_space<vmem>>, vector<16xi32>,
      %get3A_460 = vector.shape_cast %get3A_459 : vector<16xi32> to vector<16xi32>
      %and3A_461 = arith.andi %get3A_460, %broadcast_in_dim3A_3 : vector<16xi32>
      %and3A_462 = arith.andi %get3A_457, %broadcast_in_dim3A_3 : vector<16xi32>
      %sub3A_463 = arith.subi %and3A_461, %and3A_462 : vector<16xi32>
      %shift_right_logical3A_464 = arith.constant 16 : i32
      %shift_right_logical3A_465 = vector.broadcast %shift_right_logical3A_464 : i32 to vector<16xi32>
      %shift_right_logical3A_466 = arith.shrui %get3A_460, %shift_right_logical3A_465 : vector<16xi32>
      %shift_right_logical3A_467 = arith.constant 16 : i32
      %shift_right_logical3A_468 = vector.broadcast %shift_right_logical3A_467 : i32 to vector<16xi32>
      %shift_right_logical3A_469 = arith.shrui %get3A_457, %shift_right_logical3A_468 : vector<16xi32>
      %sub3A_470 = arith.subi %shift_right_logical3A_466, %shift_right_logical3A_469 : vector<16xi32>
      %convert_element_type3A_471 = arith.sitofp %sub3A_463 : vector<16xi32> to vector<16xf32>
      %mul3A_472 = arith.constant 3.05180438E-4 : f32
      %mul3A_473 = vector.broadcast %mul3A_472 : f32 to vector<16xf32>
      %mul3A_474 = arith.mulf %convert_element_type3A_471, %mul3A_473 : vector<16xf32>
      %add3A_475 = arith.constant 5.000000e-01 : f32
      %add3A_476 = vector.broadcast %add3A_475 : f32 to vector<16xf32>
      %add3A_477 = arith.addf %mul3A_474, %add3A_476 : vector<16xf32>
      %jit3A_478 = arith.constant 0.000000e+00 : f32
      %jit3A_479 = arith.constant 1.000000e+00 : f32
      %max3A_480 = vector.broadcast %jit3A_478 : f32 to vector<16xf32>
      %max3A_481 = arith.maximumf %max3A_480, %add3A_477 : vector<16xf32>
      %min3A_482 = vector.broadcast %jit3A_479 : f32 to vector<16xf32>
      %min3A_483 = arith.minimumf %min3A_482, %max3A_481 : vector<16xf32>
      %convert_element_type3A_484 = arith.sitofp %sub3A_470 : vector<16xi32> to vector<16xf32>
      %mul3A_485 = arith.constant 3.05180438E-4 : f32
      %mul3A_486 = vector.broadcast %mul3A_485 : f32 to vector<16xf32>
      %mul3A_487 = arith.mulf %convert_element_type3A_484, %mul3A_486 : vector<16xf32>
      %add3A_488 = arith.constant 5.000000e-01 : f32
      %add3A_489 = vector.broadcast %add3A_488 : f32 to vector<16xf32>
      %add3A_490 = arith.addf %mul3A_487, %add3A_489 : vector<16xf32>
      %jit3A_491 = arith.constant 0.000000e+00 : f32
      %jit3A_492 = arith.constant 1.000000e+00 : f32
      %max3A_493 = vector.broadcast %jit3A_491 : f32 to vector<16xf32>
      %max3A_494 = arith.maximumf %max3A_493, %add3A_490 : vector<16xf32>
      %min3A_495 = vector.broadcast %jit3A_492 : f32 to vector<16xf32>
      %min3A_496 = arith.minimumf %min3A_495, %max3A_494 : vector<16xf32>
      %get3A_497 = arith.index_cast %mul3A_454 : i32 to index
      %get3A_498 = tpu.vector_load %arg20[%get3A_497] {strides = array<i32>} : memref<3200xf32, #tpu.memory_space<vmem>>, vector<16xf32>,
      %get3A_499 = vector.shape_cast %get3A_498 : vector<16xf32> to vector<16xf32>
      %mul3A_500 = arith.mulf %get3A_499, %min3A_483 : vector<16xf32>
      %swap3A_501 = arith.index_cast %mul3A_454 : i32 to index
      %swap3A_502 = tpu.vector_load %arg22[%swap3A_501] {strides = array<i32>} : memref<3200xf32, #tpu.memory_space<vmem>>, vector<16xf32>,
      %swap3A_503 = vector.shape_cast %swap3A_502 : vector<16xf32> to vector<16xf32>
      %swap3A_504 = vector.shape_cast %mul3A_500 : vector<16xf32> to vector<16xf32>
      tpu.vector_store %arg22[%swap3A_501], %swap3A_504 {strides = array<i32>} : memref<3200xf32, #tpu.memory_space<vmem>>, vector<16xf32>,
      %mul3A_505 = arith.mulf %get3A_499, %min3A_496 : vector<16xf32>
      %swap3A_506 = arith.index_cast %mul3A_454 : i32 to index
      %swap3A_507 = tpu.vector_load %arg24[%swap3A_506] {strides = array<i32>} : memref<3200xf32, #tpu.memory_space<vmem>>, vector<16xf32>,
      %swap3A_508 = vector.shape_cast %swap3A_507 : vector<16xf32> to vector<16xf32>
      %swap3A_509 = vector.shape_cast %mul3A_505 : vector<16xf32> to vector<16xf32>
      tpu.vector_store %arg24[%swap3A_506], %swap3A_509 {strides = array<i32>} : memref<3200xf32, #tpu.memory_space<vmem>>, vector<16xf32>,
    }
    %scan3A_163 = arith.constant 50 : i32
    %dma_start3A_164 = arith.constant 0 : i32
    %dma_start3A_165 = tpu.memref_slice %arg26[%dma_start3A_164] : memref<51200xf32, #tpu.memory_space<vmem_shared>> -> memref<51200xf32, #tpu.memory_space<vmem_shared>>
    tpu.enqueue_indirect_dma source(%arg22 : memref<3200xf32, #tpu.memory_space<vmem>>) target(%dma_start3A_165 : memref<51200xf32, #tpu.memory_space<vmem_shared>>) offsets(%arg14 : memref<3200xi32, #tpu.memory_space<vmem>>) semaphore(%arg32 : memref<!tpu.dma_semaphore, #tpu.memory_space<semaphore_mem>>) {add = true}
    %dma_start3A_166 = arith.constant 0 : i32
    %dma_start3A_167 = tpu.memref_slice %arg27[%dma_start3A_166] : memref<51200xf32, #tpu.memory_space<vmem_shared>> -> memref<51200xf32, #tpu.memory_space<vmem_shared>>
    tpu.enqueue_indirect_dma source(%arg24 : memref<3200xf32, #tpu.memory_space<vmem>>) target(%dma_start3A_167 : memref<51200xf32, #tpu.memory_space<vmem_shared>>) offsets(%arg14 : memref<3200xi32, #tpu.memory_space<vmem>>) semaphore(%arg32 : memref<!tpu.dma_semaphore, #tpu.memory_space<semaphore_mem>>) {add = true}
    %dma_wait3A_168 = arith.constant 0 : i32
    %dma_wait3A_169 = tpu.memref_slice %arg3[%dma_wait3A_168] : memref<51200xf32, #tpu.memory_space<hbm>> -> memref<3200xf32, #tpu.memory_space<hbm>>
    %dma_wait3A_170 = arith.constant 0 : i32
    %dma_wait3A_171 = tpu.memref_slice %arg3[%dma_wait3A_170] : memref<51200xf32, #tpu.memory_space<hbm>> -> memref<3200xf32, #tpu.memory_space<hbm>>
    tpu.wait_dma2 semaphore(%arg33 : memref<!tpu.dma_semaphore, #tpu.memory_space<semaphore_mem>>) src(%dma_wait3A_171 : memref<3200xf32, #tpu.memory_space<hbm>>) dst(%arg23 : memref<3200xf32, #tpu.memory_space<vmem>>)
    %dma_wait3A_172 = arith.constant 0 : i32
    %dma_wait3A_173 = tpu.memref_slice %arg3[%dma_wait3A_172] : memref<51200xf32, #tpu.memory_space<hbm>> -> memref<3200xf32, #tpu.memory_space<hbm>>
    %dma_wait3A_174 = arith.constant 0 : i32
    %dma_wait3A_175 = tpu.memref_slice %arg3[%dma_wait3A_174] : memref<51200xf32, #tpu.memory_space<hbm>> -> memref<3200xf32, #tpu.memory_space<hbm>>
    tpu.wait_dma2 semaphore(%arg33 : memref<!tpu.dma_semaphore, #tpu.memory_space<semaphore_mem>>) src(%dma_wait3A_175 : memref<3200xf32, #tpu.memory_space<hbm>>) dst(%arg25 : memref<3200xf32, #tpu.memory_space<vmem>>)
    %mul3A_176 = arith.constant 102400 : i32
    %mul3A_177 = arith.muli %add3A, %mul3A_176 : i32
    %add3A_178 = arith.constant 16000 : i32
    %add3A_179 = arith.addi %mul3A_177, %add3A_178 : i32
    %dma_start3A_180 = tpu.memref_slice %arg4[%add3A_179] : memref<1638400xi32, #tpu.memory_space<hbm>> -> memref<3200xi32, #tpu.memory_space<hbm>>
    %dma_start3A_181 = tpu.memref_slice %arg4[%add3A_179] : memref<1638400xi32, #tpu.memory_space<hbm>> -> memref<3200xi32, #tpu.memory_space<hbm>>
    tpu.enqueue_dma source(%dma_start3A_181 : memref<3200xi32, #tpu.memory_space<hbm>>) target(%arg9 : memref<3200xi32, #tpu.memory_space<vmem>>) target_semaphore(%arg35 : memref<!tpu.dma_semaphore, #tpu.memory_space<semaphore_mem>>)
    %dma_start3A_182 = tpu.memref_slice %arg5[%add3A_179] : memref<1638400xi32, #tpu.memory_space<hbm>> -> memref<3200xi32, #tpu.memory_space<hbm>>
    %dma_start3A_183 = tpu.memref_slice %arg5[%add3A_179] : memref<1638400xi32, #tpu.memory_space<hbm>> -> memref<3200xi32, #tpu.memory_space<hbm>>
    tpu.enqueue_dma source(%dma_start3A_183 : memref<3200xi32, #tpu.memory_space<hbm>>) target(%arg13 : memref<3200xi32, #tpu.memory_space<vmem>>) target_semaphore(%arg35 : memref<!tpu.dma_semaphore, #tpu.memory_space<semaphore_mem>>)
    %dma_wait3A_184 = arith.constant 0 : i32
    %dma_wait3A_185 = tpu.memref_slice %arg4[%dma_wait3A_184] : memref<1638400xi32, #tpu.memory_space<hbm>> -> memref<3200xi32, #tpu.memory_space<hbm>>
    %dma_wait3A_186 = arith.constant 0 : i32
    %dma_wait3A_187 = tpu.memref_slice %arg4[%dma_wait3A_186] : memref<1638400xi32, #tpu.memory_space<hbm>> -> memref<3200xi32, #tpu.memory_space<hbm>>
    tpu.wait_dma2 semaphore(%arg34 : memref<!tpu.dma_semaphore, #tpu.memory_space<semaphore_mem>>) src(%dma_wait3A_187 : memref<3200xi32, #tpu.memory_space<hbm>>) dst(%arg8 : memref<3200xi32, #tpu.memory_space<vmem>>)
    %dma_wait3A_188 = arith.constant 0 : i32
    %dma_wait3A_189 = tpu.memref_slice %arg4[%dma_wait3A_188] : memref<1638400xi32, #tpu.memory_space<hbm>> -> memref<3200xi32, #tpu.memory_space<hbm>>
    %dma_wait3A_190 = arith.constant 0 : i32
    %dma_wait3A_191 = tpu.memref_slice %arg4[%dma_wait3A_190] : memref<1638400xi32, #tpu.memory_space<hbm>> -> memref<3200xi32, #tpu.memory_space<hbm>>
    tpu.wait_dma2 semaphore(%arg34 : memref<!tpu.dma_semaphore, #tpu.memory_space<semaphore_mem>>) src(%dma_wait3A_191 : memref<3200xi32, #tpu.memory_space<hbm>>) dst(%arg12 : memref<3200xi32, #tpu.memory_space<vmem>>)
    %dma_start3A_192 = arith.constant 0 : i32
    %dma_start3A_193 = tpu.memref_slice %arg28[%dma_start3A_192] : memref<51200xi32, #tpu.memory_space<vmem_shared>> -> memref<51200xi32, #tpu.memory_space<vmem_shared>>
    tpu.enqueue_indirect_dma source(%dma_start3A_193 : memref<51200xi32, #tpu.memory_space<vmem_shared>>) target(%arg16 : memref<3200xi32, #tpu.memory_space<vmem>>) offsets(%arg8 : memref<3200xi32, #tpu.memory_space<vmem>>) semaphore(%arg30 : memref<!tpu.dma_semaphore, #tpu.memory_space<semaphore_mem>>)
    %dma_start3A_194 = arith.constant 0 : i32
    %dma_start3A_195 = tpu.memref_slice %arg28[%dma_start3A_194] : memref<51200xi32, #tpu.memory_space<vmem_shared>> -> memref<51200xi32, #tpu.memory_space<vmem_shared>>
    tpu.enqueue_indirect_dma source(%dma_start3A_195 : memref<51200xi32, #tpu.memory_space<vmem_shared>>) target(%arg18 : memref<3200xi32, #tpu.memory_space<vmem>>) offsets(%arg12 : memref<3200xi32, #tpu.memory_space<vmem>>) semaphore(%arg30 : memref<!tpu.dma_semaphore, #tpu.memory_space<semaphore_mem>>)
    %dma_start3A_196 = arith.constant 0 : i32
    %dma_start3A_197 = tpu.memref_slice %arg29[%dma_start3A_196] : memref<51200xf32, #tpu.memory_space<vmem_shared>> -> memref<51200xf32, #tpu.memory_space<vmem_shared>>
    tpu.enqueue_indirect_dma source(%dma_start3A_197 : memref<51200xf32, #tpu.memory_space<vmem_shared>>) target(%arg20 : memref<3200xf32, #tpu.memory_space<vmem>>) offsets(%arg8 : memref<3200xi32, #tpu.memory_space<vmem>>) semaphore(%arg30 : memref<!tpu.dma_semaphore, #tpu.memory_space<semaphore_mem>>)
    %dma_wait3A_198 = arith.constant 0 : i32
    %dma_wait3A_199 = tpu.memref_slice %arg3[%dma_wait3A_198] : memref<51200xf32, #tpu.memory_space<hbm>> -> memref<3200xf32, #tpu.memory_space<hbm>>
    %dma_wait3A_200 = arith.constant 0 : i32
    %dma_wait3A_201 = tpu.memref_slice %arg3[%dma_wait3A_200] : memref<51200xf32, #tpu.memory_space<hbm>> -> memref<3200xf32, #tpu.memory_space<hbm>>
    tpu.wait_dma2 semaphore(%arg31 : memref<!tpu.dma_semaphore, #tpu.memory_space<semaphore_mem>>) src(%dma_wait3A_201 : memref<3200xf32, #tpu.memory_space<hbm>>) dst(%arg21 : memref<3200xf32, #tpu.memory_space<vmem>>)
    %dma_wait3A_202 = arith.constant 0 : i32
    %dma_wait3A_203 = tpu.memref_slice %arg3[%dma_wait3A_202] : memref<51200xf32, #tpu.memory_space<hbm>> -> memref<3200xf32, #tpu.memory_space<hbm>>
    %dma_wait3A_204 = arith.constant 0 : i32
    %dma_wait3A_205 = tpu.memref_slice %arg3[%dma_wait3A_204] : memref<51200xf32, #tpu.memory_space<hbm>> -> memref<3200xf32, #tpu.memory_space<hbm>>
    tpu.wait_dma2 semaphore(%arg31 : memref<!tpu.dma_semaphore, #tpu.memory_space<semaphore_mem>>) src(%dma_wait3A_205 : memref<3200xf32, #tpu.memory_space<hbm>>) dst(%arg23 : memref<3200xf32, #tpu.memory_space<vmem>>)
    %dma_wait3A_206 = arith.constant 0 : i32
    %dma_wait3A_207 = tpu.memref_slice %arg3[%dma_wait3A_206] : memref<51200xf32, #tpu.memory_space<hbm>> -> memref<3200xf32, #tpu.memory_space<hbm>>
    %dma_wait3A_208 = arith.constant 0 : i32
    %dma_wait3A_209 = tpu.memref_slice %arg3[%dma_wait3A_208] : memref<51200xf32, #tpu.memory_space<hbm>> -> memref<3200xf32, #tpu.memory_space<hbm>>
    tpu.wait_dma2 semaphore(%arg31 : memref<!tpu.dma_semaphore, #tpu.memory_space<semaphore_mem>>) src(%dma_wait3A_209 : memref<3200xf32, #tpu.memory_space<hbm>>) dst(%arg25 : memref<3200xf32, #tpu.memory_space<vmem>>)
    %scan3A_210 = arith.constant 0 : i32
    %scan3A_211 = arith.constant 50 : i32
    %scan3A_212 = arith.addi %scan3A_210, %scan3A_211 : i32
    %scan3A_213 = arith.constant 1 : i32
    scf.for %scan3A_274 = %scan3A_210 to %scan3A_212 step %scan3A_213  : i32 {
      %mul3A_275 = arith.constant 4 : i32
      %mul3A_276 = arith.muli %mul3A_275, %scan3A_274 : i32
      %add3A_277 = arith.constant 0 : i32
      %add3A_278 = arith.addi %mul3A_276, %add3A_277 : i32
      %mul3A_279 = arith.constant 16 : i32
      %mul3A_280 = arith.muli %add3A_278, %mul3A_279 : i32
      %get3A = arith.index_cast %mul3A_280 : i32 to index
      %get3A_281 = tpu.vector_load %arg17[%get3A] {strides = array<i32>} : memref<3200xi32, #tpu.memory_space<vmem>>, vector<16xi32>,
      %get3A_282 = vector.shape_cast %get3A_281 : vector<16xi32> to vector<16xi32>
      %get3A_283 = arith.index_cast %mul3A_280 : i32 to index
      %get3A_284 = tpu.vector_load %arg19[%get3A_283] {strides = array<i32>} : memref<3200xi32, #tpu.memory_space<vmem>>, vector<16xi32>,
      %get3A_285 = vector.shape_cast %get3A_284 : vector<16xi32> to vector<16xi32>
      %and3A = arith.andi %get3A_285, %broadcast_in_dim3A_3 : vector<16xi32>
      %and3A_286 = arith.andi %get3A_282, %broadcast_in_dim3A_3 : vector<16xi32>
      %sub3A = arith.subi %and3A, %and3A_286 : vector<16xi32>
      %shift_right_logical3A = arith.constant 16 : i32
      %shift_right_logical3A_287 = vector.broadcast %shift_right_logical3A : i32 to vector<16xi32>
      %shift_right_logical3A_288 = arith.shrui %get3A_285, %shift_right_logical3A_287 : vector<16xi32>
      %shift_right_logical3A_289 = arith.constant 16 : i32
      %shift_right_logical3A_290 = vector.broadcast %shift_right_logical3A_289 : i32 to vector<16xi32>
      %shift_right_logical3A_291 = arith.shrui %get3A_282, %shift_right_logical3A_290 : vector<16xi32>
      %sub3A_292 = arith.subi %shift_right_logical3A_288, %shift_right_logical3A_291 : vector<16xi32>
      %convert_element_type3A = arith.sitofp %sub3A : vector<16xi32> to vector<16xf32>
      %mul3A_293 = arith.constant 3.05180438E-4 : f32
      %mul3A_294 = vector.broadcast %mul3A_293 : f32 to vector<16xf32>
      %mul3A_295 = arith.mulf %convert_element_type3A, %mul3A_294 : vector<16xf32>
      %add3A_296 = arith.constant 5.000000e-01 : f32
      %add3A_297 = vector.broadcast %add3A_296 : f32 to vector<16xf32>
      %add3A_298 = arith.addf %mul3A_295, %add3A_297 : vector<16xf32>
      %jit3A = arith.constant 0.000000e+00 : f32
      %jit3A_299 = arith.constant 1.000000e+00 : f32
      %max3A = vector.broadcast %jit3A : f32 to vector<16xf32>
      %max3A_300 = arith.maximumf %max3A, %add3A_298 : vector<16xf32>
      %min3A = vector.broadcast %jit3A_299 : f32 to vector<16xf32>
      %min3A_301 = arith.minimumf %min3A, %max3A_300 : vector<16xf32>
      %convert_element_type3A_302 = arith.sitofp %sub3A_292 : vector<16xi32> to vector<16xf32>
      %mul3A_303 = arith.constant 3.05180438E-4 : f32
      %mul3A_304 = vector.broadcast %mul3A_303 : f32 to vector<16xf32>
      %mul3A_305 = arith.mulf %convert_element_type3A_302, %mul3A_304 : vector<16xf32>
      %add3A_306 = arith.constant 5.000000e-01 : f32
      %add3A_307 = vector.broadcast %add3A_306 : f32 to vector<16xf32>
      %add3A_308 = arith.addf %mul3A_305, %add3A_307 : vector<16xf32>
      %jit3A_309 = arith.constant 0.000000e+00 : f32
      %jit3A_310 = arith.constant 1.000000e+00 : f32
      %max3A_311 = vector.broadcast %jit3A_309 : f32 to vector<16xf32>
      %max3A_312 = arith.maximumf %max3A_311, %add3A_308 : vector<16xf32>
      %min3A_313 = vector.broadcast %jit3A_310 : f32 to vector<16xf32>
      %min3A_314 = arith.minimumf %min3A_313, %max3A_312 : vector<16xf32>
      %get3A_315 = arith.index_cast %mul3A_280 : i32 to index
      %get3A_316 = tpu.vector_load %arg21[%get3A_315] {strides = array<i32>} : memref<3200xf32, #tpu.memory_space<vmem>>, vector<16xf32>,
      %get3A_317 = vector.shape_cast %get3A_316 : vector<16xf32> to vector<16xf32>
      %mul3A_318 = arith.mulf %get3A_317, %min3A_301 : vector<16xf32>
      %swap3A = arith.index_cast %mul3A_280 : i32 to index
      %swap3A_319 = tpu.vector_load %arg23[%swap3A] {strides = array<i32>} : memref<3200xf32, #tpu.memory_space<vmem>>, vector<16xf32>,
      %swap3A_320 = vector.shape_cast %swap3A_319 : vector<16xf32> to vector<16xf32>
      %swap3A_321 = vector.shape_cast %mul3A_318 : vector<16xf32> to vector<16xf32>
      tpu.vector_store %arg23[%swap3A], %swap3A_321 {strides = array<i32>} : memref<3200xf32, #tpu.memory_space<vmem>>, vector<16xf32>,
      %mul3A_322 = arith.mulf %get3A_317, %min3A_314 : vector<16xf32>
      %swap3A_323 = arith.index_cast %mul3A_280 : i32 to index
      %swap3A_324 = tpu.vector_load %arg25[%swap3A_323] {strides = array<i32>} : memref<3200xf32, #tpu.memory_space<vmem>>, vector<16xf32>,
      %swap3A_325 = vector.shape_cast %swap3A_324 : vector<16xf32> to vector<16xf32>
      %swap3A_326 = vector.shape_cast %mul3A_322 : vector<16xf32> to vector<16xf32>
      tpu.vector_store %arg25[%swap3A_323], %swap3A_326 {strides = array<i32>} : memref<3200xf32, #tpu.memory_space<vmem>>, vector<16xf32>,
      %mul3A_327 = arith.constant 4 : i32
      %mul3A_328 = arith.muli %mul3A_327, %scan3A_274 : i32
      %add3A_329 = arith.constant 1 : i32
      %add3A_330 = arith.addi %mul3A_328, %add3A_329 : i32
      %mul3A_331 = arith.constant 16 : i32
      %mul3A_332 = arith.muli %add3A_330, %mul3A_331 : i32
      %get3A_333 = arith.index_cast %mul3A_332 : i32 to index
      %get3A_334 = tpu.vector_load %arg17[%get3A_333] {strides = array<i32>} : memref<3200xi32, #tpu.memory_space<vmem>>, vector<16xi32>,
      %get3A_335 = vector.shape_cast %get3A_334 : vector<16xi32> to vector<16xi32>
      %get3A_336 = arith.index_cast %mul3A_332 : i32 to index
      %get3A_337 = tpu.vector_load %arg19[%get3A_336] {strides = array<i32>} : memref<3200xi32, #tpu.memory_space<vmem>>, vector<16xi32>,
      %get3A_338 = vector.shape_cast %get3A_337 : vector<16xi32> to vector<16xi32>
      %and3A_339 = arith.andi %get3A_338, %broadcast_in_dim3A_3 : vector<16xi32>
      %and3A_340 = arith.andi %get3A_335, %broadcast_in_dim3A_3 : vector<16xi32>
      %sub3A_341 = arith.subi %and3A_339, %and3A_340 : vector<16xi32>
      %shift_right_logical3A_342 = arith.constant 16 : i32
      %shift_right_logical3A_343 = vector.broadcast %shift_right_logical3A_342 : i32 to vector<16xi32>
      %shift_right_logical3A_344 = arith.shrui %get3A_338, %shift_right_logical3A_343 : vector<16xi32>
      %shift_right_logical3A_345 = arith.constant 16 : i32
      %shift_right_logical3A_346 = vector.broadcast %shift_right_logical3A_345 : i32 to vector<16xi32>
      %shift_right_logical3A_347 = arith.shrui %get3A_335, %shift_right_logical3A_346 : vector<16xi32>
      %sub3A_348 = arith.subi %shift_right_logical3A_344, %shift_right_logical3A_347 : vector<16xi32>
      %convert_element_type3A_349 = arith.sitofp %sub3A_341 : vector<16xi32> to vector<16xf32>
      %mul3A_350 = arith.constant 3.05180438E-4 : f32
      %mul3A_351 = vector.broadcast %mul3A_350 : f32 to vector<16xf32>
      %mul3A_352 = arith.mulf %convert_element_type3A_349, %mul3A_351 : vector<16xf32>
      %add3A_353 = arith.constant 5.000000e-01 : f32
      %add3A_354 = vector.broadcast %add3A_353 : f32 to vector<16xf32>
      %add3A_355 = arith.addf %mul3A_352, %add3A_354 : vector<16xf32>
      %jit3A_356 = arith.constant 0.000000e+00 : f32
      %jit3A_357 = arith.constant 1.000000e+00 : f32
      %max3A_358 = vector.broadcast %jit3A_356 : f32 to vector<16xf32>
      %max3A_359 = arith.maximumf %max3A_358, %add3A_355 : vector<16xf32>
      %min3A_360 = vector.broadcast %jit3A_357 : f32 to vector<16xf32>
      %min3A_361 = arith.minimumf %min3A_360, %max3A_359 : vector<16xf32>
      %convert_element_type3A_362 = arith.sitofp %sub3A_348 : vector<16xi32> to vector<16xf32>
      %mul3A_363 = arith.constant 3.05180438E-4 : f32
      %mul3A_364 = vector.broadcast %mul3A_363 : f32 to vector<16xf32>
      %mul3A_365 = arith.mulf %convert_element_type3A_362, %mul3A_364 : vector<16xf32>
      %add3A_366 = arith.constant 5.000000e-01 : f32
      %add3A_367 = vector.broadcast %add3A_366 : f32 to vector<16xf32>
      %add3A_368 = arith.addf %mul3A_365, %add3A_367 : vector<16xf32>
      %jit3A_369 = arith.constant 0.000000e+00 : f32
      %jit3A_370 = arith.constant 1.000000e+00 : f32
      %max3A_371 = vector.broadcast %jit3A_369 : f32 to vector<16xf32>
      %max3A_372 = arith.maximumf %max3A_371, %add3A_368 : vector<16xf32>
      %min3A_373 = vector.broadcast %jit3A_370 : f32 to vector<16xf32>
      %min3A_374 = arith.minimumf %min3A_373, %max3A_372 : vector<16xf32>
      %get3A_375 = arith.index_cast %mul3A_332 : i32 to index
      %get3A_376 = tpu.vector_load %arg21[%get3A_375] {strides = array<i32>} : memref<3200xf32, #tpu.memory_space<vmem>>, vector<16xf32>,
      %get3A_377 = vector.shape_cast %get3A_376 : vector<16xf32> to vector<16xf32>
      %mul3A_378 = arith.mulf %get3A_377, %min3A_361 : vector<16xf32>
      %swap3A_379 = arith.index_cast %mul3A_332 : i32 to index
      %swap3A_380 = tpu.vector_load %arg23[%swap3A_379] {strides = array<i32>} : memref<3200xf32, #tpu.memory_space<vmem>>, vector<16xf32>,
      %swap3A_381 = vector.shape_cast %swap3A_380 : vector<16xf32> to vector<16xf32>
      %swap3A_382 = vector.shape_cast %mul3A_378 : vector<16xf32> to vector<16xf32>
      tpu.vector_store %arg23[%swap3A_379], %swap3A_382 {strides = array<i32>} : memref<3200xf32, #tpu.memory_space<vmem>>, vector<16xf32>,
      %mul3A_383 = arith.mulf %get3A_377, %min3A_374 : vector<16xf32>
      %swap3A_384 = arith.index_cast %mul3A_332 : i32 to index
      %swap3A_385 = tpu.vector_load %arg25[%swap3A_384] {strides = array<i32>} : memref<3200xf32, #tpu.memory_space<vmem>>, vector<16xf32>,
      %swap3A_386 = vector.shape_cast %swap3A_385 : vector<16xf32> to vector<16xf32>
      %swap3A_387 = vector.shape_cast %mul3A_383 : vector<16xf32> to vector<16xf32>
      tpu.vector_store %arg25[%swap3A_384], %swap3A_387 {strides = array<i32>} : memref<3200xf32, #tpu.memory_space<vmem>>, vector<16xf32>,
      %mul3A_388 = arith.constant 4 : i32
      %mul3A_389 = arith.muli %mul3A_388, %scan3A_274 : i32
      %add3A_390 = arith.constant 2 : i32
      %add3A_391 = arith.addi %mul3A_389, %add3A_390 : i32
      %mul3A_392 = arith.constant 16 : i32
      %mul3A_393 = arith.muli %add3A_391, %mul3A_392 : i32
      %get3A_394 = arith.index_cast %mul3A_393 : i32 to index
      %get3A_395 = tpu.vector_load %arg17[%get3A_394] {strides = array<i32>} : memref<3200xi32, #tpu.memory_space<vmem>>, vector<16xi32>,
      %get3A_396 = vector.shape_cast %get3A_395 : vector<16xi32> to vector<16xi32>
      %get3A_397 = arith.index_cast %mul3A_393 : i32 to index
      %get3A_398 = tpu.vector_load %arg19[%get3A_397] {strides = array<i32>} : memref<3200xi32, #tpu.memory_space<vmem>>, vector<16xi32>,
      %get3A_399 = vector.shape_cast %get3A_398 : vector<16xi32> to vector<16xi32>
      %and3A_400 = arith.andi %get3A_399, %broadcast_in_dim3A_3 : vector<16xi32>
      %and3A_401 = arith.andi %get3A_396, %broadcast_in_dim3A_3 : vector<16xi32>
      %sub3A_402 = arith.subi %and3A_400, %and3A_401 : vector<16xi32>
      %shift_right_logical3A_403 = arith.constant 16 : i32
      %shift_right_logical3A_404 = vector.broadcast %shift_right_logical3A_403 : i32 to vector<16xi32>
      %shift_right_logical3A_405 = arith.shrui %get3A_399, %shift_right_logical3A_404 : vector<16xi32>
      %shift_right_logical3A_406 = arith.constant 16 : i32
      %shift_right_logical3A_407 = vector.broadcast %shift_right_logical3A_406 : i32 to vector<16xi32>
      %shift_right_logical3A_408 = arith.shrui %get3A_396, %shift_right_logical3A_407 : vector<16xi32>
      %sub3A_409 = arith.subi %shift_right_logical3A_405, %shift_right_logical3A_408 : vector<16xi32>
      %convert_element_type3A_410 = arith.sitofp %sub3A_402 : vector<16xi32> to vector<16xf32>
      %mul3A_411 = arith.constant 3.05180438E-4 : f32
      %mul3A_412 = vector.broadcast %mul3A_411 : f32 to vector<16xf32>
      %mul3A_413 = arith.mulf %convert_element_type3A_410, %mul3A_412 : vector<16xf32>
      %add3A_414 = arith.constant 5.000000e-01 : f32
      %add3A_415 = vector.broadcast %add3A_414 : f32 to vector<16xf32>
      %add3A_416 = arith.addf %mul3A_413, %add3A_415 : vector<16xf32>
      %jit3A_417 = arith.constant 0.000000e+00 : f32
      %jit3A_418 = arith.constant 1.000000e+00 : f32
      %max3A_419 = vector.broadcast %jit3A_417 : f32 to vector<16xf32>
      %max3A_420 = arith.maximumf %max3A_419, %add3A_416 : vector<16xf32>
      %min3A_421 = vector.broadcast %jit3A_418 : f32 to vector<16xf32>
      %min3A_422 = arith.minimumf %min3A_421, %max3A_420 : vector<16xf32>
      %convert_element_type3A_423 = arith.sitofp %sub3A_409 : vector<16xi32> to vector<16xf32>
      %mul3A_424 = arith.constant 3.05180438E-4 : f32
      %mul3A_425 = vector.broadcast %mul3A_424 : f32 to vector<16xf32>
      %mul3A_426 = arith.mulf %convert_element_type3A_423, %mul3A_425 : vector<16xf32>
      %add3A_427 = arith.constant 5.000000e-01 : f32
      %add3A_428 = vector.broadcast %add3A_427 : f32 to vector<16xf32>
      %add3A_429 = arith.addf %mul3A_426, %add3A_428 : vector<16xf32>
      %jit3A_430 = arith.constant 0.000000e+00 : f32
      %jit3A_431 = arith.constant 1.000000e+00 : f32
      %max3A_432 = vector.broadcast %jit3A_430 : f32 to vector<16xf32>
      %max3A_433 = arith.maximumf %max3A_432, %add3A_429 : vector<16xf32>
      %min3A_434 = vector.broadcast %jit3A_431 : f32 to vector<16xf32>
      %min3A_435 = arith.minimumf %min3A_434, %max3A_433 : vector<16xf32>
      %get3A_436 = arith.index_cast %mul3A_393 : i32 to index
      %get3A_437 = tpu.vector_load %arg21[%get3A_436] {strides = array<i32>} : memref<3200xf32, #tpu.memory_space<vmem>>, vector<16xf32>,
      %get3A_438 = vector.shape_cast %get3A_437 : vector<16xf32> to vector<16xf32>
      %mul3A_439 = arith.mulf %get3A_438, %min3A_422 : vector<16xf32>
      %swap3A_440 = arith.index_cast %mul3A_393 : i32 to index
      %swap3A_441 = tpu.vector_load %arg23[%swap3A_440] {strides = array<i32>} : memref<3200xf32, #tpu.memory_space<vmem>>, vector<16xf32>,
      %swap3A_442 = vector.shape_cast %swap3A_441 : vector<16xf32> to vector<16xf32>
      %swap3A_443 = vector.shape_cast %mul3A_439 : vector<16xf32> to vector<16xf32>
      tpu.vector_store %arg23[%swap3A_440], %swap3A_443 {strides = array<i32>} : memref<3200xf32, #tpu.memory_space<vmem>>, vector<16xf32>,
      %mul3A_444 = arith.mulf %get3A_438, %min3A_435 : vector<16xf32>
      %swap3A_445 = arith.index_cast %mul3A_393 : i32 to index
      %swap3A_446 = tpu.vector_load %arg25[%swap3A_445] {strides = array<i32>} : memref<3200xf32, #tpu.memory_space<vmem>>, vector<16xf32>,
      %swap3A_447 = vector.shape_cast %swap3A_446 : vector<16xf32> to vector<16xf32>
      %swap3A_448 = vector.shape_cast %mul3A_444 : vector<16xf32> to vector<16xf32>
      tpu.vector_store %arg25[%swap3A_445], %swap3A_448 {strides = array<i32>} : memref<3200xf32, #tpu.memory_space<vmem>>, vector<16xf32>,
      %mul3A_449 = arith.constant 4 : i32
      %mul3A_450 = arith.muli %mul3A_449, %scan3A_274 : i32
      %add3A_451 = arith.constant 3 : i32
      %add3A_452 = arith.addi %mul3A_450, %add3A_451 : i32
      %mul3A_453 = arith.constant 16 : i32
      %mul3A_454 = arith.muli %add3A_452, %mul3A_453 : i32
      %get3A_455 = arith.index_cast %mul3A_454 : i32 to index
      %get3A_456 = tpu.vector_load %arg17[%get3A_455] {strides = array<i32>} : memref<3200xi32, #tpu.memory_space<vmem>>, vector<16xi32>,
      %get3A_457 = vector.shape_cast %get3A_456 : vector<16xi32> to vector<16xi32>
      %get3A_458 = arith.index_cast %mul3A_454 : i32 to index
      %get3A_459 = tpu.vector_load %arg19[%get3A_458] {strides = array<i32>} : memref<3200xi32, #tpu.memory_space<vmem>>, vector<16xi32>,
      %get3A_460 = vector.shape_cast %get3A_459 : vector<16xi32> to vector<16xi32>
      %and3A_461 = arith.andi %get3A_460, %broadcast_in_dim3A_3 : vector<16xi32>
      %and3A_462 = arith.andi %get3A_457, %broadcast_in_dim3A_3 : vector<16xi32>
      %sub3A_463 = arith.subi %and3A_461, %and3A_462 : vector<16xi32>
      %shift_right_logical3A_464 = arith.constant 16 : i32
      %shift_right_logical3A_465 = vector.broadcast %shift_right_logical3A_464 : i32 to vector<16xi32>
      %shift_right_logical3A_466 = arith.shrui %get3A_460, %shift_right_logical3A_465 : vector<16xi32>
      %shift_right_logical3A_467 = arith.constant 16 : i32
      %shift_right_logical3A_468 = vector.broadcast %shift_right_logical3A_467 : i32 to vector<16xi32>
      %shift_right_logical3A_469 = arith.shrui %get3A_457, %shift_right_logical3A_468 : vector<16xi32>
      %sub3A_470 = arith.subi %shift_right_logical3A_466, %shift_right_logical3A_469 : vector<16xi32>
      %convert_element_type3A_471 = arith.sitofp %sub3A_463 : vector<16xi32> to vector<16xf32>
      %mul3A_472 = arith.constant 3.05180438E-4 : f32
      %mul3A_473 = vector.broadcast %mul3A_472 : f32 to vector<16xf32>
      %mul3A_474 = arith.mulf %convert_element_type3A_471, %mul3A_473 : vector<16xf32>
      %add3A_475 = arith.constant 5.000000e-01 : f32
      %add3A_476 = vector.broadcast %add3A_475 : f32 to vector<16xf32>
      %add3A_477 = arith.addf %mul3A_474, %add3A_476 : vector<16xf32>
      %jit3A_478 = arith.constant 0.000000e+00 : f32
      %jit3A_479 = arith.constant 1.000000e+00 : f32
      %max3A_480 = vector.broadcast %jit3A_478 : f32 to vector<16xf32>
      %max3A_481 = arith.maximumf %max3A_480, %add3A_477 : vector<16xf32>
      %min3A_482 = vector.broadcast %jit3A_479 : f32 to vector<16xf32>
      %min3A_483 = arith.minimumf %min3A_482, %max3A_481 : vector<16xf32>
      %convert_element_type3A_484 = arith.sitofp %sub3A_470 : vector<16xi32> to vector<16xf32>
      %mul3A_485 = arith.constant 3.05180438E-4 : f32
      %mul3A_486 = vector.broadcast %mul3A_485 : f32 to vector<16xf32>
      %mul3A_487 = arith.mulf %convert_element_type3A_484, %mul3A_486 : vector<16xf32>
      %add3A_488 = arith.constant 5.000000e-01 : f32
      %add3A_489 = vector.broadcast %add3A_488 : f32 to vector<16xf32>
      %add3A_490 = arith.addf %mul3A_487, %add3A_489 : vector<16xf32>
      %jit3A_491 = arith.constant 0.000000e+00 : f32
      %jit3A_492 = arith.constant 1.000000e+00 : f32
      %max3A_493 = vector.broadcast %jit3A_491 : f32 to vector<16xf32>
      %max3A_494 = arith.maximumf %max3A_493, %add3A_490 : vector<16xf32>
      %min3A_495 = vector.broadcast %jit3A_492 : f32 to vector<16xf32>
      %min3A_496 = arith.minimumf %min3A_495, %max3A_494 : vector<16xf32>
      %get3A_497 = arith.index_cast %mul3A_454 : i32 to index
      %get3A_498 = tpu.vector_load %arg21[%get3A_497] {strides = array<i32>} : memref<3200xf32, #tpu.memory_space<vmem>>, vector<16xf32>,
      %get3A_499 = vector.shape_cast %get3A_498 : vector<16xf32> to vector<16xf32>
      %mul3A_500 = arith.mulf %get3A_499, %min3A_483 : vector<16xf32>
      %swap3A_501 = arith.index_cast %mul3A_454 : i32 to index
      %swap3A_502 = tpu.vector_load %arg23[%swap3A_501] {strides = array<i32>} : memref<3200xf32, #tpu.memory_space<vmem>>, vector<16xf32>,
      %swap3A_503 = vector.shape_cast %swap3A_502 : vector<16xf32> to vector<16xf32>
      %swap3A_504 = vector.shape_cast %mul3A_500 : vector<16xf32> to vector<16xf32>
      tpu.vector_store %arg23[%swap3A_501], %swap3A_504 {strides = array<i32>} : memref<3200xf32, #tpu.memory_space<vmem>>, vector<16xf32>,
      %mul3A_505 = arith.mulf %get3A_499, %min3A_496 : vector<16xf32>
      %swap3A_506 = arith.index_cast %mul3A_454 : i32 to index
      %swap3A_507 = tpu.vector_load %arg25[%swap3A_506] {strides = array<i32>} : memref<3200xf32, #tpu.memory_space<vmem>>, vector<16xf32>,
      %swap3A_508 = vector.shape_cast %swap3A_507 : vector<16xf32> to vector<16xf32>
      %swap3A_509 = vector.shape_cast %mul3A_505 : vector<16xf32> to vector<16xf32>
      tpu.vector_store %arg25[%swap3A_506], %swap3A_509 {strides = array<i32>} : memref<3200xf32, #tpu.memory_space<vmem>>, vector<16xf32>,
    }
    %scan3A_214 = arith.constant 50 : i32
    %dma_start3A_215 = arith.constant 0 : i32
    %dma_start3A_216 = tpu.memref_slice %arg26[%dma_start3A_215] : memref<51200xf32, #tpu.memory_space<vmem_shared>> -> memref<51200xf32, #tpu.memory_space<vmem_shared>>
    tpu.enqueue_indirect_dma source(%arg23 : memref<3200xf32, #tpu.memory_space<vmem>>) target(%dma_start3A_216 : memref<51200xf32, #tpu.memory_space<vmem_shared>>) offsets(%arg15 : memref<3200xi32, #tpu.memory_space<vmem>>) semaphore(%arg33 : memref<!tpu.dma_semaphore, #tpu.memory_space<semaphore_mem>>) {add = true}
    %dma_start3A_217 = arith.constant 0 : i32
    %dma_start3A_218 = tpu.memref_slice %arg27[%dma_start3A_217] : memref<51200xf32, #tpu.memory_space<vmem_shared>> -> memref<51200xf32, #tpu.memory_space<vmem_shared>>
    tpu.enqueue_indirect_dma source(%arg25 : memref<3200xf32, #tpu.memory_space<vmem>>) target(%dma_start3A_218 : memref<51200xf32, #tpu.memory_space<vmem_shared>>) offsets(%arg15 : memref<3200xi32, #tpu.memory_space<vmem>>) semaphore(%arg33 : memref<!tpu.dma_semaphore, #tpu.memory_space<semaphore_mem>>) {add = true}
    %scan3A_219 = arith.constant 1 : i32
    %scan3A_220 = arith.constant 7 : i32
    %scan3A_221 = arith.addi %scan3A_219, %scan3A_220 : i32
    %scan3A_222 = arith.constant 1 : i32
    scf.for %scan3A_274 = %scan3A_219 to %scan3A_221 step %scan3A_222  : i32 {
      %mul3A_275 = arith.constant 4 : i32
      %mul3A_276 = arith.muli %mul3A_275, %scan3A_274 : i32
      %add3A_277 = arith.constant 0 : i32
      %add3A_278 = arith.addi %mul3A_276, %add3A_277 : i32
      %dma_wait3A_279 = arith.constant 0 : i32
      %dma_wait3A_280 = tpu.memref_slice %arg3[%dma_wait3A_279] : memref<51200xf32, #tpu.memory_space<hbm>> -> memref<3200xf32, #tpu.memory_space<hbm>>
      %dma_wait3A_281 = arith.constant 0 : i32
      %dma_wait3A_282 = tpu.memref_slice %arg3[%dma_wait3A_281] : memref<51200xf32, #tpu.memory_space<hbm>> -> memref<3200xf32, #tpu.memory_space<hbm>>
      tpu.wait_dma2 semaphore(%arg32 : memref<!tpu.dma_semaphore, #tpu.memory_space<semaphore_mem>>) src(%dma_wait3A_282 : memref<3200xf32, #tpu.memory_space<hbm>>) dst(%arg22 : memref<3200xf32, #tpu.memory_space<vmem>>)
      %dma_wait3A_283 = arith.constant 0 : i32
      %dma_wait3A_284 = tpu.memref_slice %arg3[%dma_wait3A_283] : memref<51200xf32, #tpu.memory_space<hbm>> -> memref<3200xf32, #tpu.memory_space<hbm>>
      %dma_wait3A_285 = arith.constant 0 : i32
      %dma_wait3A_286 = tpu.memref_slice %arg3[%dma_wait3A_285] : memref<51200xf32, #tpu.memory_space<hbm>> -> memref<3200xf32, #tpu.memory_space<hbm>>
      tpu.wait_dma2 semaphore(%arg32 : memref<!tpu.dma_semaphore, #tpu.memory_space<semaphore_mem>>) src(%dma_wait3A_286 : memref<3200xf32, #tpu.memory_space<hbm>>) dst(%arg24 : memref<3200xf32, #tpu.memory_space<vmem>>)
      %add3A_287 = arith.constant 2 : i32
      %add3A_288 = arith.addi %add3A_278, %add3A_287 : i32
      %min3A = arith.constant 31 : i32
      %min3A_289 = arith.minsi %add3A_288, %min3A : i32
      %mul3A_290 = arith.constant 102400 : i32
      %mul3A_291 = arith.muli %add3A, %mul3A_290 : i32
      %mul3A_292 = arith.constant 3200 : i32
      %mul3A_293 = arith.muli %min3A_289, %mul3A_292 : i32
      %add3A_294 = arith.addi %mul3A_291, %mul3A_293 : i32
      %dma_start3A_295 = tpu.memref_slice %arg4[%add3A_294] : memref<1638400xi32, #tpu.memory_space<hbm>> -> memref<3200xi32, #tpu.memory_space<hbm>>
      %dma_start3A_296 = tpu.memref_slice %arg4[%add3A_294] : memref<1638400xi32, #tpu.memory_space<hbm>> -> memref<3200xi32, #tpu.memory_space<hbm>>
      tpu.enqueue_dma source(%dma_start3A_296 : memref<3200xi32, #tpu.memory_space<hbm>>) target(%arg10 : memref<3200xi32, #tpu.memory_space<vmem>>) target_semaphore(%arg34 : memref<!tpu.dma_semaphore, #tpu.memory_space<semaphore_mem>>)
      %dma_start3A_297 = tpu.memref_slice %arg5[%add3A_294] : memref<1638400xi32, #tpu.memory_space<hbm>> -> memref<3200xi32, #tpu.memory_space<hbm>>
      %dma_start3A_298 = tpu.memref_slice %arg5[%add3A_294] : memref<1638400xi32, #tpu.memory_space<hbm>> -> memref<3200xi32, #tpu.memory_space<hbm>>
      tpu.enqueue_dma source(%dma_start3A_298 : memref<3200xi32, #tpu.memory_space<hbm>>) target(%arg14 : memref<3200xi32, #tpu.memory_space<vmem>>) target_semaphore(%arg34 : memref<!tpu.dma_semaphore, #tpu.memory_space<semaphore_mem>>)
      %dma_wait3A_299 = arith.constant 0 : i32
      %dma_wait3A_300 = tpu.memref_slice %arg4[%dma_wait3A_299] : memref<1638400xi32, #tpu.memory_space<hbm>> -> memref<3200xi32, #tpu.memory_space<hbm>>
      %dma_wait3A_301 = arith.constant 0 : i32
      %dma_wait3A_302 = tpu.memref_slice %arg4[%dma_wait3A_301] : memref<1638400xi32, #tpu.memory_space<hbm>> -> memref<3200xi32, #tpu.memory_space<hbm>>
      tpu.wait_dma2 semaphore(%arg35 : memref<!tpu.dma_semaphore, #tpu.memory_space<semaphore_mem>>) src(%dma_wait3A_302 : memref<3200xi32, #tpu.memory_space<hbm>>) dst(%arg9 : memref<3200xi32, #tpu.memory_space<vmem>>)
      %dma_wait3A_303 = arith.constant 0 : i32
      %dma_wait3A_304 = tpu.memref_slice %arg4[%dma_wait3A_303] : memref<1638400xi32, #tpu.memory_space<hbm>> -> memref<3200xi32, #tpu.memory_space<hbm>>
      %dma_wait3A_305 = arith.constant 0 : i32
      %dma_wait3A_306 = tpu.memref_slice %arg4[%dma_wait3A_305] : memref<1638400xi32, #tpu.memory_space<hbm>> -> memref<3200xi32, #tpu.memory_space<hbm>>
      tpu.wait_dma2 semaphore(%arg35 : memref<!tpu.dma_semaphore, #tpu.memory_space<semaphore_mem>>) src(%dma_wait3A_306 : memref<3200xi32, #tpu.memory_space<hbm>>) dst(%arg13 : memref<3200xi32, #tpu.memory_space<vmem>>)
      %dma_start3A_307 = arith.constant 0 : i32
      %dma_start3A_308 = tpu.memref_slice %arg28[%dma_start3A_307] : memref<51200xi32, #tpu.memory_space<vmem_shared>> -> memref<51200xi32, #tpu.memory_space<vmem_shared>>
      tpu.enqueue_indirect_dma source(%dma_start3A_308 : memref<51200xi32, #tpu.memory_space<vmem_shared>>) target(%arg17 : memref<3200xi32, #tpu.memory_space<vmem>>) offsets(%arg9 : memref<3200xi32, #tpu.memory_space<vmem>>) semaphore(%arg31 : memref<!tpu.dma_semaphore, #tpu.memory_space<semaphore_mem>>)
      %dma_start3A_309 = arith.constant 0 : i32
      %dma_start3A_310 = tpu.memref_slice %arg28[%dma_start3A_309] : memref<51200xi32, #tpu.memory_space<vmem_shared>> -> memref<51200xi32, #tpu.memory_space<vmem_shared>>
      tpu.enqueue_indirect_dma source(%dma_start3A_310 : memref<51200xi32, #tpu.memory_space<vmem_shared>>) target(%arg19 : memref<3200xi32, #tpu.memory_space<vmem>>) offsets(%arg13 : memref<3200xi32, #tpu.memory_space<vmem>>) semaphore(%arg31 : memref<!tpu.dma_semaphore, #tpu.memory_space<semaphore_mem>>)
      %dma_start3A_311 = arith.constant 0 : i32
      %dma_start3A_312 = tpu.memref_slice %arg29[%dma_start3A_311] : memref<51200xf32, #tpu.memory_space<vmem_shared>> -> memref<51200xf32, #tpu.memory_space<vmem_shared>>
      tpu.enqueue_indirect_dma source(%dma_start3A_312 : memref<51200xf32, #tpu.memory_space<vmem_shared>>) target(%arg21 : memref<3200xf32, #tpu.memory_space<vmem>>) offsets(%arg9 : memref<3200xi32, #tpu.memory_space<vmem>>) semaphore(%arg31 : memref<!tpu.dma_semaphore, #tpu.memory_space<semaphore_mem>>)
      %dma_wait3A_313 = arith.constant 0 : i32
      %dma_wait3A_314 = tpu.memref_slice %arg3[%dma_wait3A_313] : memref<51200xf32, #tpu.memory_space<hbm>> -> memref<3200xf32, #tpu.memory_space<hbm>>
      %dma_wait3A_315 = arith.constant 0 : i32
      %dma_wait3A_316 = tpu.memref_slice %arg3[%dma_wait3A_315] : memref<51200xf32, #tpu.memory_space<hbm>> -> memref<3200xf32, #tpu.memory_space<hbm>>
      tpu.wait_dma2 semaphore(%arg30 : memref<!tpu.dma_semaphore, #tpu.memory_space<semaphore_mem>>) src(%dma_wait3A_316 : memref<3200xf32, #tpu.memory_space<hbm>>) dst(%arg20 : memref<3200xf32, #tpu.memory_space<vmem>>)
      %dma_wait3A_317 = arith.constant 0 : i32
      %dma_wait3A_318 = tpu.memref_slice %arg3[%dma_wait3A_317] : memref<51200xf32, #tpu.memory_space<hbm>> -> memref<3200xf32, #tpu.memory_space<hbm>>
      %dma_wait3A_319 = arith.constant 0 : i32
      %dma_wait3A_320 = tpu.memref_slice %arg3[%dma_wait3A_319] : memref<51200xf32, #tpu.memory_space<hbm>> -> memref<3200xf32, #tpu.memory_space<hbm>>
      tpu.wait_dma2 semaphore(%arg30 : memref<!tpu.dma_semaphore, #tpu.memory_space<semaphore_mem>>) src(%dma_wait3A_320 : memref<3200xf32, #tpu.memory_space<hbm>>) dst(%arg22 : memref<3200xf32, #tpu.memory_space<vmem>>)
      %dma_wait3A_321 = arith.constant 0 : i32
      %dma_wait3A_322 = tpu.memref_slice %arg3[%dma_wait3A_321] : memref<51200xf32, #tpu.memory_space<hbm>> -> memref<3200xf32, #tpu.memory_space<hbm>>
      %dma_wait3A_323 = arith.constant 0 : i32
      %dma_wait3A_324 = tpu.memref_slice %arg3[%dma_wait3A_323] : memref<51200xf32, #tpu.memory_space<hbm>> -> memref<3200xf32, #tpu.memory_space<hbm>>
      tpu.wait_dma2 semaphore(%arg30 : memref<!tpu.dma_semaphore, #tpu.memory_space<semaphore_mem>>) src(%dma_wait3A_324 : memref<3200xf32, #tpu.memory_space<hbm>>) dst(%arg24 : memref<3200xf32, #tpu.memory_space<vmem>>)
      %scan3A_325 = arith.constant 0 : i32
      %scan3A_326 = arith.constant 50 : i32
      %scan3A_327 = arith.addi %scan3A_325, %scan3A_326 : i32
      %scan3A_328 = arith.constant 1 : i32
      scf.for %scan3A_514 = %scan3A_325 to %scan3A_327 step %scan3A_328  : i32 {
        %mul3A_515 = arith.constant 4 : i32
        %mul3A_516 = arith.muli %mul3A_515, %scan3A_514 : i32
        %add3A_517 = arith.constant 0 : i32
        %add3A_518 = arith.addi %mul3A_516, %add3A_517 : i32
        %mul3A_519 = arith.constant 16 : i32
        %mul3A_520 = arith.muli %add3A_518, %mul3A_519 : i32
        %get3A = arith.index_cast %mul3A_520 : i32 to index
        %get3A_521 = tpu.vector_load %arg16[%get3A] {strides = array<i32>} : memref<3200xi32, #tpu.memory_space<vmem>>, vector<16xi32>,
        %get3A_522 = vector.shape_cast %get3A_521 : vector<16xi32> to vector<16xi32>
        %get3A_523 = arith.index_cast %mul3A_520 : i32 to index
        %get3A_524 = tpu.vector_load %arg18[%get3A_523] {strides = array<i32>} : memref<3200xi32, #tpu.memory_space<vmem>>, vector<16xi32>,
        %get3A_525 = vector.shape_cast %get3A_524 : vector<16xi32> to vector<16xi32>
        %and3A = arith.andi %get3A_525, %broadcast_in_dim3A_3 : vector<16xi32>
        %and3A_526 = arith.andi %get3A_522, %broadcast_in_dim3A_3 : vector<16xi32>
        %sub3A = arith.subi %and3A, %and3A_526 : vector<16xi32>
        %shift_right_logical3A = arith.constant 16 : i32
        %shift_right_logical3A_527 = vector.broadcast %shift_right_logical3A : i32 to vector<16xi32>
        %shift_right_logical3A_528 = arith.shrui %get3A_525, %shift_right_logical3A_527 : vector<16xi32>
        %shift_right_logical3A_529 = arith.constant 16 : i32
        %shift_right_logical3A_530 = vector.broadcast %shift_right_logical3A_529 : i32 to vector<16xi32>
        %shift_right_logical3A_531 = arith.shrui %get3A_522, %shift_right_logical3A_530 : vector<16xi32>
        %sub3A_532 = arith.subi %shift_right_logical3A_528, %shift_right_logical3A_531 : vector<16xi32>
        %convert_element_type3A = arith.sitofp %sub3A : vector<16xi32> to vector<16xf32>
        %mul3A_533 = arith.constant 3.05180438E-4 : f32
        %mul3A_534 = vector.broadcast %mul3A_533 : f32 to vector<16xf32>
        %mul3A_535 = arith.mulf %convert_element_type3A, %mul3A_534 : vector<16xf32>
        %add3A_536 = arith.constant 5.000000e-01 : f32
        %add3A_537 = vector.broadcast %add3A_536 : f32 to vector<16xf32>
        %add3A_538 = arith.addf %mul3A_535, %add3A_537 : vector<16xf32>
        %jit3A = arith.constant 0.000000e+00 : f32
        %jit3A_539 = arith.constant 1.000000e+00 : f32
        %max3A = vector.broadcast %jit3A : f32 to vector<16xf32>
        %max3A_540 = arith.maximumf %max3A, %add3A_538 : vector<16xf32>
        %min3A_541 = vector.broadcast %jit3A_539 : f32 to vector<16xf32>
        %min3A_542 = arith.minimumf %min3A_541, %max3A_540 : vector<16xf32>
        %convert_element_type3A_543 = arith.sitofp %sub3A_532 : vector<16xi32> to vector<16xf32>
        %mul3A_544 = arith.constant 3.05180438E-4 : f32
        %mul3A_545 = vector.broadcast %mul3A_544 : f32 to vector<16xf32>
        %mul3A_546 = arith.mulf %convert_element_type3A_543, %mul3A_545 : vector<16xf32>
        %add3A_547 = arith.constant 5.000000e-01 : f32
        %add3A_548 = vector.broadcast %add3A_547 : f32 to vector<16xf32>
        %add3A_549 = arith.addf %mul3A_546, %add3A_548 : vector<16xf32>
        %jit3A_550 = arith.constant 0.000000e+00 : f32
        %jit3A_551 = arith.constant 1.000000e+00 : f32
        %max3A_552 = vector.broadcast %jit3A_550 : f32 to vector<16xf32>
        %max3A_553 = arith.maximumf %max3A_552, %add3A_549 : vector<16xf32>
        %min3A_554 = vector.broadcast %jit3A_551 : f32 to vector<16xf32>
        %min3A_555 = arith.minimumf %min3A_554, %max3A_553 : vector<16xf32>
        %get3A_556 = arith.index_cast %mul3A_520 : i32 to index
        %get3A_557 = tpu.vector_load %arg20[%get3A_556] {strides = array<i32>} : memref<3200xf32, #tpu.memory_space<vmem>>, vector<16xf32>,
        %get3A_558 = vector.shape_cast %get3A_557 : vector<16xf32> to vector<16xf32>
        %mul3A_559 = arith.mulf %get3A_558, %min3A_542 : vector<16xf32>
        %swap3A = arith.index_cast %mul3A_520 : i32 to index
        %swap3A_560 = tpu.vector_load %arg22[%swap3A] {strides = array<i32>} : memref<3200xf32, #tpu.memory_space<vmem>>, vector<16xf32>,
        %swap3A_561 = vector.shape_cast %swap3A_560 : vector<16xf32> to vector<16xf32>
        %swap3A_562 = vector.shape_cast %mul3A_559 : vector<16xf32> to vector<16xf32>
        tpu.vector_store %arg22[%swap3A], %swap3A_562 {strides = array<i32>} : memref<3200xf32, #tpu.memory_space<vmem>>, vector<16xf32>,
        %mul3A_563 = arith.mulf %get3A_558, %min3A_555 : vector<16xf32>
        %swap3A_564 = arith.index_cast %mul3A_520 : i32 to index
        %swap3A_565 = tpu.vector_load %arg24[%swap3A_564] {strides = array<i32>} : memref<3200xf32, #tpu.memory_space<vmem>>, vector<16xf32>,
        %swap3A_566 = vector.shape_cast %swap3A_565 : vector<16xf32> to vector<16xf32>
        %swap3A_567 = vector.shape_cast %mul3A_563 : vector<16xf32> to vector<16xf32>
        tpu.vector_store %arg24[%swap3A_564], %swap3A_567 {strides = array<i32>} : memref<3200xf32, #tpu.memory_space<vmem>>, vector<16xf32>,
        %mul3A_568 = arith.constant 4 : i32
        %mul3A_569 = arith.muli %mul3A_568, %scan3A_514 : i32
        %add3A_570 = arith.constant 1 : i32
        %add3A_571 = arith.addi %mul3A_569, %add3A_570 : i32
        %mul3A_572 = arith.constant 16 : i32
        %mul3A_573 = arith.muli %add3A_571, %mul3A_572 : i32
        %get3A_574 = arith.index_cast %mul3A_573 : i32 to index
        %get3A_575 = tpu.vector_load %arg16[%get3A_574] {strides = array<i32>} : memref<3200xi32, #tpu.memory_space<vmem>>, vector<16xi32>,
        %get3A_576 = vector.shape_cast %get3A_575 : vector<16xi32> to vector<16xi32>
        %get3A_577 = arith.index_cast %mul3A_573 : i32 to index
        %get3A_578 = tpu.vector_load %arg18[%get3A_577] {strides = array<i32>} : memref<3200xi32, #tpu.memory_space<vmem>>, vector<16xi32>,
        %get3A_579 = vector.shape_cast %get3A_578 : vector<16xi32> to vector<16xi32>
        %and3A_580 = arith.andi %get3A_579, %broadcast_in_dim3A_3 : vector<16xi32>
        %and3A_581 = arith.andi %get3A_576, %broadcast_in_dim3A_3 : vector<16xi32>
        %sub3A_582 = arith.subi %and3A_580, %and3A_581 : vector<16xi32>
        %shift_right_logical3A_583 = arith.constant 16 : i32
        %shift_right_logical3A_584 = vector.broadcast %shift_right_logical3A_583 : i32 to vector<16xi32>
        %shift_right_logical3A_585 = arith.shrui %get3A_579, %shift_right_logical3A_584 : vector<16xi32>
        %shift_right_logical3A_586 = arith.constant 16 : i32
        %shift_right_logical3A_587 = vector.broadcast %shift_right_logical3A_586 : i32 to vector<16xi32>
        %shift_right_logical3A_588 = arith.shrui %get3A_576, %shift_right_logical3A_587 : vector<16xi32>
        %sub3A_589 = arith.subi %shift_right_logical3A_585, %shift_right_logical3A_588 : vector<16xi32>
        %convert_element_type3A_590 = arith.sitofp %sub3A_582 : vector<16xi32> to vector<16xf32>
        %mul3A_591 = arith.constant 3.05180438E-4 : f32
        %mul3A_592 = vector.broadcast %mul3A_591 : f32 to vector<16xf32>
        %mul3A_593 = arith.mulf %convert_element_type3A_590, %mul3A_592 : vector<16xf32>
        %add3A_594 = arith.constant 5.000000e-01 : f32
        %add3A_595 = vector.broadcast %add3A_594 : f32 to vector<16xf32>
        %add3A_596 = arith.addf %mul3A_593, %add3A_595 : vector<16xf32>
        %jit3A_597 = arith.constant 0.000000e+00 : f32
        %jit3A_598 = arith.constant 1.000000e+00 : f32
        %max3A_599 = vector.broadcast %jit3A_597 : f32 to vector<16xf32>
        %max3A_600 = arith.maximumf %max3A_599, %add3A_596 : vector<16xf32>
        %min3A_601 = vector.broadcast %jit3A_598 : f32 to vector<16xf32>
        %min3A_602 = arith.minimumf %min3A_601, %max3A_600 : vector<16xf32>
        %convert_element_type3A_603 = arith.sitofp %sub3A_589 : vector<16xi32> to vector<16xf32>
        %mul3A_604 = arith.constant 3.05180438E-4 : f32
        %mul3A_605 = vector.broadcast %mul3A_604 : f32 to vector<16xf32>
        %mul3A_606 = arith.mulf %convert_element_type3A_603, %mul3A_605 : vector<16xf32>
        %add3A_607 = arith.constant 5.000000e-01 : f32
        %add3A_608 = vector.broadcast %add3A_607 : f32 to vector<16xf32>
        %add3A_609 = arith.addf %mul3A_606, %add3A_608 : vector<16xf32>
        %jit3A_610 = arith.constant 0.000000e+00 : f32
        %jit3A_611 = arith.constant 1.000000e+00 : f32
        %max3A_612 = vector.broadcast %jit3A_610 : f32 to vector<16xf32>
        %max3A_613 = arith.maximumf %max3A_612, %add3A_609 : vector<16xf32>
        %min3A_614 = vector.broadcast %jit3A_611 : f32 to vector<16xf32>
        %min3A_615 = arith.minimumf %min3A_614, %max3A_613 : vector<16xf32>
        %get3A_616 = arith.index_cast %mul3A_573 : i32 to index
        %get3A_617 = tpu.vector_load %arg20[%get3A_616] {strides = array<i32>} : memref<3200xf32, #tpu.memory_space<vmem>>, vector<16xf32>,
        %get3A_618 = vector.shape_cast %get3A_617 : vector<16xf32> to vector<16xf32>
        %mul3A_619 = arith.mulf %get3A_618, %min3A_602 : vector<16xf32>
        %swap3A_620 = arith.index_cast %mul3A_573 : i32 to index
        %swap3A_621 = tpu.vector_load %arg22[%swap3A_620] {strides = array<i32>} : memref<3200xf32, #tpu.memory_space<vmem>>, vector<16xf32>,
        %swap3A_622 = vector.shape_cast %swap3A_621 : vector<16xf32> to vector<16xf32>
        %swap3A_623 = vector.shape_cast %mul3A_619 : vector<16xf32> to vector<16xf32>
        tpu.vector_store %arg22[%swap3A_620], %swap3A_623 {strides = array<i32>} : memref<3200xf32, #tpu.memory_space<vmem>>, vector<16xf32>,
        %mul3A_624 = arith.mulf %get3A_618, %min3A_615 : vector<16xf32>
        %swap3A_625 = arith.index_cast %mul3A_573 : i32 to index
        %swap3A_626 = tpu.vector_load %arg24[%swap3A_625] {strides = array<i32>} : memref<3200xf32, #tpu.memory_space<vmem>>, vector<16xf32>,
        %swap3A_627 = vector.shape_cast %swap3A_626 : vector<16xf32> to vector<16xf32>
        %swap3A_628 = vector.shape_cast %mul3A_624 : vector<16xf32> to vector<16xf32>
        tpu.vector_store %arg24[%swap3A_625], %swap3A_628 {strides = array<i32>} : memref<3200xf32, #tpu.memory_space<vmem>>, vector<16xf32>,
        %mul3A_629 = arith.constant 4 : i32
        %mul3A_630 = arith.muli %mul3A_629, %scan3A_514 : i32
        %add3A_631 = arith.constant 2 : i32
        %add3A_632 = arith.addi %mul3A_630, %add3A_631 : i32
        %mul3A_633 = arith.constant 16 : i32
        %mul3A_634 = arith.muli %add3A_632, %mul3A_633 : i32
        %get3A_635 = arith.index_cast %mul3A_634 : i32 to index
        %get3A_636 = tpu.vector_load %arg16[%get3A_635] {strides = array<i32>} : memref<3200xi32, #tpu.memory_space<vmem>>, vector<16xi32>,
        %get3A_637 = vector.shape_cast %get3A_636 : vector<16xi32> to vector<16xi32>
        %get3A_638 = arith.index_cast %mul3A_634 : i32 to index
        %get3A_639 = tpu.vector_load %arg18[%get3A_638] {strides = array<i32>} : memref<3200xi32, #tpu.memory_space<vmem>>, vector<16xi32>,
        %get3A_640 = vector.shape_cast %get3A_639 : vector<16xi32> to vector<16xi32>
        %and3A_641 = arith.andi %get3A_640, %broadcast_in_dim3A_3 : vector<16xi32>
        %and3A_642 = arith.andi %get3A_637, %broadcast_in_dim3A_3 : vector<16xi32>
        %sub3A_643 = arith.subi %and3A_641, %and3A_642 : vector<16xi32>
        %shift_right_logical3A_644 = arith.constant 16 : i32
        %shift_right_logical3A_645 = vector.broadcast %shift_right_logical3A_644 : i32 to vector<16xi32>
        %shift_right_logical3A_646 = arith.shrui %get3A_640, %shift_right_logical3A_645 : vector<16xi32>
        %shift_right_logical3A_647 = arith.constant 16 : i32
        %shift_right_logical3A_648 = vector.broadcast %shift_right_logical3A_647 : i32 to vector<16xi32>
        %shift_right_logical3A_649 = arith.shrui %get3A_637, %shift_right_logical3A_648 : vector<16xi32>
        %sub3A_650 = arith.subi %shift_right_logical3A_646, %shift_right_logical3A_649 : vector<16xi32>
        %convert_element_type3A_651 = arith.sitofp %sub3A_643 : vector<16xi32> to vector<16xf32>
        %mul3A_652 = arith.constant 3.05180438E-4 : f32
        %mul3A_653 = vector.broadcast %mul3A_652 : f32 to vector<16xf32>
        %mul3A_654 = arith.mulf %convert_element_type3A_651, %mul3A_653 : vector<16xf32>
        %add3A_655 = arith.constant 5.000000e-01 : f32
        %add3A_656 = vector.broadcast %add3A_655 : f32 to vector<16xf32>
        %add3A_657 = arith.addf %mul3A_654, %add3A_656 : vector<16xf32>
        %jit3A_658 = arith.constant 0.000000e+00 : f32
        %jit3A_659 = arith.constant 1.000000e+00 : f32
        %max3A_660 = vector.broadcast %jit3A_658 : f32 to vector<16xf32>
        %max3A_661 = arith.maximumf %max3A_660, %add3A_657 : vector<16xf32>
        %min3A_662 = vector.broadcast %jit3A_659 : f32 to vector<16xf32>
        %min3A_663 = arith.minimumf %min3A_662, %max3A_661 : vector<16xf32>
        %convert_element_type3A_664 = arith.sitofp %sub3A_650 : vector<16xi32> to vector<16xf32>
        %mul3A_665 = arith.constant 3.05180438E-4 : f32
        %mul3A_666 = vector.broadcast %mul3A_665 : f32 to vector<16xf32>
        %mul3A_667 = arith.mulf %convert_element_type3A_664, %mul3A_666 : vector<16xf32>
        %add3A_668 = arith.constant 5.000000e-01 : f32
        %add3A_669 = vector.broadcast %add3A_668 : f32 to vector<16xf32>
        %add3A_670 = arith.addf %mul3A_667, %add3A_669 : vector<16xf32>
        %jit3A_671 = arith.constant 0.000000e+00 : f32
        %jit3A_672 = arith.constant 1.000000e+00 : f32
        %max3A_673 = vector.broadcast %jit3A_671 : f32 to vector<16xf32>
        %max3A_674 = arith.maximumf %max3A_673, %add3A_670 : vector<16xf32>
        %min3A_675 = vector.broadcast %jit3A_672 : f32 to vector<16xf32>
        %min3A_676 = arith.minimumf %min3A_675, %max3A_674 : vector<16xf32>
        %get3A_677 = arith.index_cast %mul3A_634 : i32 to index
        %get3A_678 = tpu.vector_load %arg20[%get3A_677] {strides = array<i32>} : memref<3200xf32, #tpu.memory_space<vmem>>, vector<16xf32>,
        %get3A_679 = vector.shape_cast %get3A_678 : vector<16xf32> to vector<16xf32>
        %mul3A_680 = arith.mulf %get3A_679, %min3A_663 : vector<16xf32>
        %swap3A_681 = arith.index_cast %mul3A_634 : i32 to index
        %swap3A_682 = tpu.vector_load %arg22[%swap3A_681] {strides = array<i32>} : memref<3200xf32, #tpu.memory_space<vmem>>, vector<16xf32>,
        %swap3A_683 = vector.shape_cast %swap3A_682 : vector<16xf32> to vector<16xf32>
        %swap3A_684 = vector.shape_cast %mul3A_680 : vector<16xf32> to vector<16xf32>
        tpu.vector_store %arg22[%swap3A_681], %swap3A_684 {strides = array<i32>} : memref<3200xf32, #tpu.memory_space<vmem>>, vector<16xf32>,
        %mul3A_685 = arith.mulf %get3A_679, %min3A_676 : vector<16xf32>
        %swap3A_686 = arith.index_cast %mul3A_634 : i32 to index
        %swap3A_687 = tpu.vector_load %arg24[%swap3A_686] {strides = array<i32>} : memref<3200xf32, #tpu.memory_space<vmem>>, vector<16xf32>,
        %swap3A_688 = vector.shape_cast %swap3A_687 : vector<16xf32> to vector<16xf32>
        %swap3A_689 = vector.shape_cast %mul3A_685 : vector<16xf32> to vector<16xf32>
        tpu.vector_store %arg24[%swap3A_686], %swap3A_689 {strides = array<i32>} : memref<3200xf32, #tpu.memory_space<vmem>>, vector<16xf32>,
        %mul3A_690 = arith.constant 4 : i32
        %mul3A_691 = arith.muli %mul3A_690, %scan3A_514 : i32
        %add3A_692 = arith.constant 3 : i32
        %add3A_693 = arith.addi %mul3A_691, %add3A_692 : i32
        %mul3A_694 = arith.constant 16 : i32
        %mul3A_695 = arith.muli %add3A_693, %mul3A_694 : i32
        %get3A_696 = arith.index_cast %mul3A_695 : i32 to index
        %get3A_697 = tpu.vector_load %arg16[%get3A_696] {strides = array<i32>} : memref<3200xi32, #tpu.memory_space<vmem>>, vector<16xi32>,
        %get3A_698 = vector.shape_cast %get3A_697 : vector<16xi32> to vector<16xi32>
        %get3A_699 = arith.index_cast %mul3A_695 : i32 to index
        %get3A_700 = tpu.vector_load %arg18[%get3A_699] {strides = array<i32>} : memref<3200xi32, #tpu.memory_space<vmem>>, vector<16xi32>,
        %get3A_701 = vector.shape_cast %get3A_700 : vector<16xi32> to vector<16xi32>
        %and3A_702 = arith.andi %get3A_701, %broadcast_in_dim3A_3 : vector<16xi32>
        %and3A_703 = arith.andi %get3A_698, %broadcast_in_dim3A_3 : vector<16xi32>
        %sub3A_704 = arith.subi %and3A_702, %and3A_703 : vector<16xi32>
        %shift_right_logical3A_705 = arith.constant 16 : i32
        %shift_right_logical3A_706 = vector.broadcast %shift_right_logical3A_705 : i32 to vector<16xi32>
        %shift_right_logical3A_707 = arith.shrui %get3A_701, %shift_right_logical3A_706 : vector<16xi32>
        %shift_right_logical3A_708 = arith.constant 16 : i32
        %shift_right_logical3A_709 = vector.broadcast %shift_right_logical3A_708 : i32 to vector<16xi32>
        %shift_right_logical3A_710 = arith.shrui %get3A_698, %shift_right_logical3A_709 : vector<16xi32>
        %sub3A_711 = arith.subi %shift_right_logical3A_707, %shift_right_logical3A_710 : vector<16xi32>
        %convert_element_type3A_712 = arith.sitofp %sub3A_704 : vector<16xi32> to vector<16xf32>
        %mul3A_713 = arith.constant 3.05180438E-4 : f32
        %mul3A_714 = vector.broadcast %mul3A_713 : f32 to vector<16xf32>
        %mul3A_715 = arith.mulf %convert_element_type3A_712, %mul3A_714 : vector<16xf32>
        %add3A_716 = arith.constant 5.000000e-01 : f32
        %add3A_717 = vector.broadcast %add3A_716 : f32 to vector<16xf32>
        %add3A_718 = arith.addf %mul3A_715, %add3A_717 : vector<16xf32>
        %jit3A_719 = arith.constant 0.000000e+00 : f32
        %jit3A_720 = arith.constant 1.000000e+00 : f32
        %max3A_721 = vector.broadcast %jit3A_719 : f32 to vector<16xf32>
        %max3A_722 = arith.maximumf %max3A_721, %add3A_718 : vector<16xf32>
        %min3A_723 = vector.broadcast %jit3A_720 : f32 to vector<16xf32>
        %min3A_724 = arith.minimumf %min3A_723, %max3A_722 : vector<16xf32>
        %convert_element_type3A_725 = arith.sitofp %sub3A_711 : vector<16xi32> to vector<16xf32>
        %mul3A_726 = arith.constant 3.05180438E-4 : f32
        %mul3A_727 = vector.broadcast %mul3A_726 : f32 to vector<16xf32>
        %mul3A_728 = arith.mulf %convert_element_type3A_725, %mul3A_727 : vector<16xf32>
        %add3A_729 = arith.constant 5.000000e-01 : f32
        %add3A_730 = vector.broadcast %add3A_729 : f32 to vector<16xf32>
        %add3A_731 = arith.addf %mul3A_728, %add3A_730 : vector<16xf32>
        %jit3A_732 = arith.constant 0.000000e+00 : f32
        %jit3A_733 = arith.constant 1.000000e+00 : f32
        %max3A_734 = vector.broadcast %jit3A_732 : f32 to vector<16xf32>
        %max3A_735 = arith.maximumf %max3A_734, %add3A_731 : vector<16xf32>
        %min3A_736 = vector.broadcast %jit3A_733 : f32 to vector<16xf32>
        %min3A_737 = arith.minimumf %min3A_736, %max3A_735 : vector<16xf32>
        %get3A_738 = arith.index_cast %mul3A_695 : i32 to index
        %get3A_739 = tpu.vector_load %arg20[%get3A_738] {strides = array<i32>} : memref<3200xf32, #tpu.memory_space<vmem>>, vector<16xf32>,
        %get3A_740 = vector.shape_cast %get3A_739 : vector<16xf32> to vector<16xf32>
        %mul3A_741 = arith.mulf %get3A_740, %min3A_724 : vector<16xf32>
        %swap3A_742 = arith.index_cast %mul3A_695 : i32 to index
        %swap3A_743 = tpu.vector_load %arg22[%swap3A_742] {strides = array<i32>} : memref<3200xf32, #tpu.memory_space<vmem>>, vector<16xf32>,
        %swap3A_744 = vector.shape_cast %swap3A_743 : vector<16xf32> to vector<16xf32>
        %swap3A_745 = vector.shape_cast %mul3A_741 : vector<16xf32> to vector<16xf32>
        tpu.vector_store %arg22[%swap3A_742], %swap3A_745 {strides = array<i32>} : memref<3200xf32, #tpu.memory_space<vmem>>, vector<16xf32>,
        %mul3A_746 = arith.mulf %get3A_740, %min3A_737 : vector<16xf32>
        %swap3A_747 = arith.index_cast %mul3A_695 : i32 to index
        %swap3A_748 = tpu.vector_load %arg24[%swap3A_747] {strides = array<i32>} : memref<3200xf32, #tpu.memory_space<vmem>>, vector<16xf32>,
        %swap3A_749 = vector.shape_cast %swap3A_748 : vector<16xf32> to vector<16xf32>
        %swap3A_750 = vector.shape_cast %mul3A_746 : vector<16xf32> to vector<16xf32>
        tpu.vector_store %arg24[%swap3A_747], %swap3A_750 {strides = array<i32>} : memref<3200xf32, #tpu.memory_space<vmem>>, vector<16xf32>,
      }
      %scan3A_329 = arith.constant 50 : i32
      %dma_start3A_330 = arith.constant 0 : i32
      %dma_start3A_331 = tpu.memref_slice %arg26[%dma_start3A_330] : memref<51200xf32, #tpu.memory_space<vmem_shared>> -> memref<51200xf32, #tpu.memory_space<vmem_shared>>
      tpu.enqueue_indirect_dma source(%arg22 : memref<3200xf32, #tpu.memory_space<vmem>>) target(%dma_start3A_331 : memref<51200xf32, #tpu.memory_space<vmem_shared>>) offsets(%arg12 : memref<3200xi32, #tpu.memory_space<vmem>>) semaphore(%arg32 : memref<!tpu.dma_semaphore, #tpu.memory_space<semaphore_mem>>) {add = true}
      %dma_start3A_332 = arith.constant 0 : i32
      %dma_start3A_333 = tpu.memref_slice %arg27[%dma_start3A_332] : memref<51200xf32, #tpu.memory_space<vmem_shared>> -> memref<51200xf32, #tpu.memory_space<vmem_shared>>
      tpu.enqueue_indirect_dma source(%arg24 : memref<3200xf32, #tpu.memory_space<vmem>>) target(%dma_start3A_333 : memref<51200xf32, #tpu.memory_space<vmem_shared>>) offsets(%arg12 : memref<3200xi32, #tpu.memory_space<vmem>>) semaphore(%arg32 : memref<!tpu.dma_semaphore, #tpu.memory_space<semaphore_mem>>) {add = true}
      %mul3A_334 = arith.constant 4 : i32
      %mul3A_335 = arith.muli %mul3A_334, %scan3A_274 : i32
      %add3A_336 = arith.constant 1 : i32
      %add3A_337 = arith.addi %mul3A_335, %add3A_336 : i32
      %dma_wait3A_338 = arith.constant 0 : i32
      %dma_wait3A_339 = tpu.memref_slice %arg3[%dma_wait3A_338] : memref<51200xf32, #tpu.memory_space<hbm>> -> memref<3200xf32, #tpu.memory_space<hbm>>
      %dma_wait3A_340 = arith.constant 0 : i32
      %dma_wait3A_341 = tpu.memref_slice %arg3[%dma_wait3A_340] : memref<51200xf32, #tpu.memory_space<hbm>> -> memref<3200xf32, #tpu.memory_space<hbm>>
      tpu.wait_dma2 semaphore(%arg33 : memref<!tpu.dma_semaphore, #tpu.memory_space<semaphore_mem>>) src(%dma_wait3A_341 : memref<3200xf32, #tpu.memory_space<hbm>>) dst(%arg23 : memref<3200xf32, #tpu.memory_space<vmem>>)
      %dma_wait3A_342 = arith.constant 0 : i32
      %dma_wait3A_343 = tpu.memref_slice %arg3[%dma_wait3A_342] : memref<51200xf32, #tpu.memory_space<hbm>> -> memref<3200xf32, #tpu.memory_space<hbm>>
      %dma_wait3A_344 = arith.constant 0 : i32
      %dma_wait3A_345 = tpu.memref_slice %arg3[%dma_wait3A_344] : memref<51200xf32, #tpu.memory_space<hbm>> -> memref<3200xf32, #tpu.memory_space<hbm>>
      tpu.wait_dma2 semaphore(%arg33 : memref<!tpu.dma_semaphore, #tpu.memory_space<semaphore_mem>>) src(%dma_wait3A_345 : memref<3200xf32, #tpu.memory_space<hbm>>) dst(%arg25 : memref<3200xf32, #tpu.memory_space<vmem>>)
      %add3A_346 = arith.constant 2 : i32
      %add3A_347 = arith.addi %add3A_337, %add3A_346 : i32
      %min3A_348 = arith.constant 31 : i32
      %min3A_349 = arith.minsi %add3A_347, %min3A_348 : i32
      %mul3A_350 = arith.constant 102400 : i32
      %mul3A_351 = arith.muli %add3A, %mul3A_350 : i32
      %mul3A_352 = arith.constant 3200 : i32
      %mul3A_353 = arith.muli %min3A_349, %mul3A_352 : i32
      %add3A_354 = arith.addi %mul3A_351, %mul3A_353 : i32
      %dma_start3A_355 = tpu.memref_slice %arg4[%add3A_354] : memref<1638400xi32, #tpu.memory_space<hbm>> -> memref<3200xi32, #tpu.memory_space<hbm>>
      %dma_start3A_356 = tpu.memref_slice %arg4[%add3A_354] : memref<1638400xi32, #tpu.memory_space<hbm>> -> memref<3200xi32, #tpu.memory_space<hbm>>
      tpu.enqueue_dma source(%dma_start3A_356 : memref<3200xi32, #tpu.memory_space<hbm>>) target(%arg11 : memref<3200xi32, #tpu.memory_space<vmem>>) target_semaphore(%arg35 : memref<!tpu.dma_semaphore, #tpu.memory_space<semaphore_mem>>)
      %dma_start3A_357 = tpu.memref_slice %arg5[%add3A_354] : memref<1638400xi32, #tpu.memory_space<hbm>> -> memref<3200xi32, #tpu.memory_space<hbm>>
      %dma_start3A_358 = tpu.memref_slice %arg5[%add3A_354] : memref<1638400xi32, #tpu.memory_space<hbm>> -> memref<3200xi32, #tpu.memory_space<hbm>>
      tpu.enqueue_dma source(%dma_start3A_358 : memref<3200xi32, #tpu.memory_space<hbm>>) target(%arg15 : memref<3200xi32, #tpu.memory_space<vmem>>) target_semaphore(%arg35 : memref<!tpu.dma_semaphore, #tpu.memory_space<semaphore_mem>>)
      %dma_wait3A_359 = arith.constant 0 : i32
      %dma_wait3A_360 = tpu.memref_slice %arg4[%dma_wait3A_359] : memref<1638400xi32, #tpu.memory_space<hbm>> -> memref<3200xi32, #tpu.memory_space<hbm>>
      %dma_wait3A_361 = arith.constant 0 : i32
      %dma_wait3A_362 = tpu.memref_slice %arg4[%dma_wait3A_361] : memref<1638400xi32, #tpu.memory_space<hbm>> -> memref<3200xi32, #tpu.memory_space<hbm>>
      tpu.wait_dma2 semaphore(%arg34 : memref<!tpu.dma_semaphore, #tpu.memory_space<semaphore_mem>>) src(%dma_wait3A_362 : memref<3200xi32, #tpu.memory_space<hbm>>) dst(%arg10 : memref<3200xi32, #tpu.memory_space<vmem>>)
      %dma_wait3A_363 = arith.constant 0 : i32
      %dma_wait3A_364 = tpu.memref_slice %arg4[%dma_wait3A_363] : memref<1638400xi32, #tpu.memory_space<hbm>> -> memref<3200xi32, #tpu.memory_space<hbm>>
      %dma_wait3A_365 = arith.constant 0 : i32
      %dma_wait3A_366 = tpu.memref_slice %arg4[%dma_wait3A_365] : memref<1638400xi32, #tpu.memory_space<hbm>> -> memref<3200xi32, #tpu.memory_space<hbm>>
      tpu.wait_dma2 semaphore(%arg34 : memref<!tpu.dma_semaphore, #tpu.memory_space<semaphore_mem>>) src(%dma_wait3A_366 : memref<3200xi32, #tpu.memory_space<hbm>>) dst(%arg14 : memref<3200xi32, #tpu.memory_space<vmem>>)
      %dma_start3A_367 = arith.constant 0 : i32
      %dma_start3A_368 = tpu.memref_slice %arg28[%dma_start3A_367] : memref<51200xi32, #tpu.memory_space<vmem_shared>> -> memref<51200xi32, #tpu.memory_space<vmem_shared>>
      tpu.enqueue_indirect_dma source(%dma_start3A_368 : memref<51200xi32, #tpu.memory_space<vmem_shared>>) target(%arg16 : memref<3200xi32, #tpu.memory_space<vmem>>) offsets(%arg10 : memref<3200xi32, #tpu.memory_space<vmem>>) semaphore(%arg30 : memref<!tpu.dma_semaphore, #tpu.memory_space<semaphore_mem>>)
      %dma_start3A_369 = arith.constant 0 : i32
      %dma_start3A_370 = tpu.memref_slice %arg28[%dma_start3A_369] : memref<51200xi32, #tpu.memory_space<vmem_shared>> -> memref<51200xi32, #tpu.memory_space<vmem_shared>>
      tpu.enqueue_indirect_dma source(%dma_start3A_370 : memref<51200xi32, #tpu.memory_space<vmem_shared>>) target(%arg18 : memref<3200xi32, #tpu.memory_space<vmem>>) offsets(%arg14 : memref<3200xi32, #tpu.memory_space<vmem>>) semaphore(%arg30 : memref<!tpu.dma_semaphore, #tpu.memory_space<semaphore_mem>>)
      %dma_start3A_371 = arith.constant 0 : i32
      %dma_start3A_372 = tpu.memref_slice %arg29[%dma_start3A_371] : memref<51200xf32, #tpu.memory_space<vmem_shared>> -> memref<51200xf32, #tpu.memory_space<vmem_shared>>
      tpu.enqueue_indirect_dma source(%dma_start3A_372 : memref<51200xf32, #tpu.memory_space<vmem_shared>>) target(%arg20 : memref<3200xf32, #tpu.memory_space<vmem>>) offsets(%arg10 : memref<3200xi32, #tpu.memory_space<vmem>>) semaphore(%arg30 : memref<!tpu.dma_semaphore, #tpu.memory_space<semaphore_mem>>)
      %dma_wait3A_373 = arith.constant 0 : i32
      %dma_wait3A_374 = tpu.memref_slice %arg3[%dma_wait3A_373] : memref<51200xf32, #tpu.memory_space<hbm>> -> memref<3200xf32, #tpu.memory_space<hbm>>
      %dma_wait3A_375 = arith.constant 0 : i32
      %dma_wait3A_376 = tpu.memref_slice %arg3[%dma_wait3A_375] : memref<51200xf32, #tpu.memory_space<hbm>> -> memref<3200xf32, #tpu.memory_space<hbm>>
      tpu.wait_dma2 semaphore(%arg31 : memref<!tpu.dma_semaphore, #tpu.memory_space<semaphore_mem>>) src(%dma_wait3A_376 : memref<3200xf32, #tpu.memory_space<hbm>>) dst(%arg21 : memref<3200xf32, #tpu.memory_space<vmem>>)
      %dma_wait3A_377 = arith.constant 0 : i32
      %dma_wait3A_378 = tpu.memref_slice %arg3[%dma_wait3A_377] : memref<51200xf32, #tpu.memory_space<hbm>> -> memref<3200xf32, #tpu.memory_space<hbm>>
      %dma_wait3A_379 = arith.constant 0 : i32
      %dma_wait3A_380 = tpu.memref_slice %arg3[%dma_wait3A_379] : memref<51200xf32, #tpu.memory_space<hbm>> -> memref<3200xf32, #tpu.memory_space<hbm>>
      tpu.wait_dma2 semaphore(%arg31 : memref<!tpu.dma_semaphore, #tpu.memory_space<semaphore_mem>>) src(%dma_wait3A_380 : memref<3200xf32, #tpu.memory_space<hbm>>) dst(%arg23 : memref<3200xf32, #tpu.memory_space<vmem>>)
      %dma_wait3A_381 = arith.constant 0 : i32
      %dma_wait3A_382 = tpu.memref_slice %arg3[%dma_wait3A_381] : memref<51200xf32, #tpu.memory_space<hbm>> -> memref<3200xf32, #tpu.memory_space<hbm>>
      %dma_wait3A_383 = arith.constant 0 : i32
      %dma_wait3A_384 = tpu.memref_slice %arg3[%dma_wait3A_383] : memref<51200xf32, #tpu.memory_space<hbm>> -> memref<3200xf32, #tpu.memory_space<hbm>>
      tpu.wait_dma2 semaphore(%arg31 : memref<!tpu.dma_semaphore, #tpu.memory_space<semaphore_mem>>) src(%dma_wait3A_384 : memref<3200xf32, #tpu.memory_space<hbm>>) dst(%arg25 : memref<3200xf32, #tpu.memory_space<vmem>>)
      %scan3A_385 = arith.constant 0 : i32
      %scan3A_386 = arith.constant 50 : i32
      %scan3A_387 = arith.addi %scan3A_385, %scan3A_386 : i32
      %scan3A_388 = arith.constant 1 : i32
      scf.for %scan3A_514 = %scan3A_385 to %scan3A_387 step %scan3A_388  : i32 {
        %mul3A_515 = arith.constant 4 : i32
        %mul3A_516 = arith.muli %mul3A_515, %scan3A_514 : i32
        %add3A_517 = arith.constant 0 : i32
        %add3A_518 = arith.addi %mul3A_516, %add3A_517 : i32
        %mul3A_519 = arith.constant 16 : i32
        %mul3A_520 = arith.muli %add3A_518, %mul3A_519 : i32
        %get3A = arith.index_cast %mul3A_520 : i32 to index
        %get3A_521 = tpu.vector_load %arg17[%get3A] {strides = array<i32>} : memref<3200xi32, #tpu.memory_space<vmem>>, vector<16xi32>,
        %get3A_522 = vector.shape_cast %get3A_521 : vector<16xi32> to vector<16xi32>
        %get3A_523 = arith.index_cast %mul3A_520 : i32 to index
        %get3A_524 = tpu.vector_load %arg19[%get3A_523] {strides = array<i32>} : memref<3200xi32, #tpu.memory_space<vmem>>, vector<16xi32>,
        %get3A_525 = vector.shape_cast %get3A_524 : vector<16xi32> to vector<16xi32>
        %and3A = arith.andi %get3A_525, %broadcast_in_dim3A_3 : vector<16xi32>
        %and3A_526 = arith.andi %get3A_522, %broadcast_in_dim3A_3 : vector<16xi32>
        %sub3A = arith.subi %and3A, %and3A_526 : vector<16xi32>
        %shift_right_logical3A = arith.constant 16 : i32
        %shift_right_logical3A_527 = vector.broadcast %shift_right_logical3A : i32 to vector<16xi32>
        %shift_right_logical3A_528 = arith.shrui %get3A_525, %shift_right_logical3A_527 : vector<16xi32>
        %shift_right_logical3A_529 = arith.constant 16 : i32
        %shift_right_logical3A_530 = vector.broadcast %shift_right_logical3A_529 : i32 to vector<16xi32>
        %shift_right_logical3A_531 = arith.shrui %get3A_522, %shift_right_logical3A_530 : vector<16xi32>
        %sub3A_532 = arith.subi %shift_right_logical3A_528, %shift_right_logical3A_531 : vector<16xi32>
        %convert_element_type3A = arith.sitofp %sub3A : vector<16xi32> to vector<16xf32>
        %mul3A_533 = arith.constant 3.05180438E-4 : f32
        %mul3A_534 = vector.broadcast %mul3A_533 : f32 to vector<16xf32>
        %mul3A_535 = arith.mulf %convert_element_type3A, %mul3A_534 : vector<16xf32>
        %add3A_536 = arith.constant 5.000000e-01 : f32
        %add3A_537 = vector.broadcast %add3A_536 : f32 to vector<16xf32>
        %add3A_538 = arith.addf %mul3A_535, %add3A_537 : vector<16xf32>
        %jit3A = arith.constant 0.000000e+00 : f32
        %jit3A_539 = arith.constant 1.000000e+00 : f32
        %max3A = vector.broadcast %jit3A : f32 to vector<16xf32>
        %max3A_540 = arith.maximumf %max3A, %add3A_538 : vector<16xf32>
        %min3A_541 = vector.broadcast %jit3A_539 : f32 to vector<16xf32>
        %min3A_542 = arith.minimumf %min3A_541, %max3A_540 : vector<16xf32>
        %convert_element_type3A_543 = arith.sitofp %sub3A_532 : vector<16xi32> to vector<16xf32>
        %mul3A_544 = arith.constant 3.05180438E-4 : f32
        %mul3A_545 = vector.broadcast %mul3A_544 : f32 to vector<16xf32>
        %mul3A_546 = arith.mulf %convert_element_type3A_543, %mul3A_545 : vector<16xf32>
        %add3A_547 = arith.constant 5.000000e-01 : f32
        %add3A_548 = vector.broadcast %add3A_547 : f32 to vector<16xf32>
        %add3A_549 = arith.addf %mul3A_546, %add3A_548 : vector<16xf32>
        %jit3A_550 = arith.constant 0.000000e+00 : f32
        %jit3A_551 = arith.constant 1.000000e+00 : f32
        %max3A_552 = vector.broadcast %jit3A_550 : f32 to vector<16xf32>
        %max3A_553 = arith.maximumf %max3A_552, %add3A_549 : vector<16xf32>
        %min3A_554 = vector.broadcast %jit3A_551 : f32 to vector<16xf32>
        %min3A_555 = arith.minimumf %min3A_554, %max3A_553 : vector<16xf32>
        %get3A_556 = arith.index_cast %mul3A_520 : i32 to index
        %get3A_557 = tpu.vector_load %arg21[%get3A_556] {strides = array<i32>} : memref<3200xf32, #tpu.memory_space<vmem>>, vector<16xf32>,
        %get3A_558 = vector.shape_cast %get3A_557 : vector<16xf32> to vector<16xf32>
        %mul3A_559 = arith.mulf %get3A_558, %min3A_542 : vector<16xf32>
        %swap3A = arith.index_cast %mul3A_520 : i32 to index
        %swap3A_560 = tpu.vector_load %arg23[%swap3A] {strides = array<i32>} : memref<3200xf32, #tpu.memory_space<vmem>>, vector<16xf32>,
        %swap3A_561 = vector.shape_cast %swap3A_560 : vector<16xf32> to vector<16xf32>
        %swap3A_562 = vector.shape_cast %mul3A_559 : vector<16xf32> to vector<16xf32>
        tpu.vector_store %arg23[%swap3A], %swap3A_562 {strides = array<i32>} : memref<3200xf32, #tpu.memory_space<vmem>>, vector<16xf32>,
        %mul3A_563 = arith.mulf %get3A_558, %min3A_555 : vector<16xf32>
        %swap3A_564 = arith.index_cast %mul3A_520 : i32 to index
        %swap3A_565 = tpu.vector_load %arg25[%swap3A_564] {strides = array<i32>} : memref<3200xf32, #tpu.memory_space<vmem>>, vector<16xf32>,
        %swap3A_566 = vector.shape_cast %swap3A_565 : vector<16xf32> to vector<16xf32>
        %swap3A_567 = vector.shape_cast %mul3A_563 : vector<16xf32> to vector<16xf32>
        tpu.vector_store %arg25[%swap3A_564], %swap3A_567 {strides = array<i32>} : memref<3200xf32, #tpu.memory_space<vmem>>, vector<16xf32>,
        %mul3A_568 = arith.constant 4 : i32
        %mul3A_569 = arith.muli %mul3A_568, %scan3A_514 : i32
        %add3A_570 = arith.constant 1 : i32
        %add3A_571 = arith.addi %mul3A_569, %add3A_570 : i32
        %mul3A_572 = arith.constant 16 : i32
        %mul3A_573 = arith.muli %add3A_571, %mul3A_572 : i32
        %get3A_574 = arith.index_cast %mul3A_573 : i32 to index
        %get3A_575 = tpu.vector_load %arg17[%get3A_574] {strides = array<i32>} : memref<3200xi32, #tpu.memory_space<vmem>>, vector<16xi32>,
        %get3A_576 = vector.shape_cast %get3A_575 : vector<16xi32> to vector<16xi32>
        %get3A_577 = arith.index_cast %mul3A_573 : i32 to index
        %get3A_578 = tpu.vector_load %arg19[%get3A_577] {strides = array<i32>} : memref<3200xi32, #tpu.memory_space<vmem>>, vector<16xi32>,
        %get3A_579 = vector.shape_cast %get3A_578 : vector<16xi32> to vector<16xi32>
        %and3A_580 = arith.andi %get3A_579, %broadcast_in_dim3A_3 : vector<16xi32>
        %and3A_581 = arith.andi %get3A_576, %broadcast_in_dim3A_3 : vector<16xi32>
        %sub3A_582 = arith.subi %and3A_580, %and3A_581 : vector<16xi32>
        %shift_right_logical3A_583 = arith.constant 16 : i32
        %shift_right_logical3A_584 = vector.broadcast %shift_right_logical3A_583 : i32 to vector<16xi32>
        %shift_right_logical3A_585 = arith.shrui %get3A_579, %shift_right_logical3A_584 : vector<16xi32>
        %shift_right_logical3A_586 = arith.constant 16 : i32
        %shift_right_logical3A_587 = vector.broadcast %shift_right_logical3A_586 : i32 to vector<16xi32>
        %shift_right_logical3A_588 = arith.shrui %get3A_576, %shift_right_logical3A_587 : vector<16xi32>
        %sub3A_589 = arith.subi %shift_right_logical3A_585, %shift_right_logical3A_588 : vector<16xi32>
        %convert_element_type3A_590 = arith.sitofp %sub3A_582 : vector<16xi32> to vector<16xf32>
        %mul3A_591 = arith.constant 3.05180438E-4 : f32
        %mul3A_592 = vector.broadcast %mul3A_591 : f32 to vector<16xf32>
        %mul3A_593 = arith.mulf %convert_element_type3A_590, %mul3A_592 : vector<16xf32>
        %add3A_594 = arith.constant 5.000000e-01 : f32
        %add3A_595 = vector.broadcast %add3A_594 : f32 to vector<16xf32>
        %add3A_596 = arith.addf %mul3A_593, %add3A_595 : vector<16xf32>
        %jit3A_597 = arith.constant 0.000000e+00 : f32
        %jit3A_598 = arith.constant 1.000000e+00 : f32
        %max3A_599 = vector.broadcast %jit3A_597 : f32 to vector<16xf32>
        %max3A_600 = arith.maximumf %max3A_599, %add3A_596 : vector<16xf32>
        %min3A_601 = vector.broadcast %jit3A_598 : f32 to vector<16xf32>
        %min3A_602 = arith.minimumf %min3A_601, %max3A_600 : vector<16xf32>
        %convert_element_type3A_603 = arith.sitofp %sub3A_589 : vector<16xi32> to vector<16xf32>
        %mul3A_604 = arith.constant 3.05180438E-4 : f32
        %mul3A_605 = vector.broadcast %mul3A_604 : f32 to vector<16xf32>
        %mul3A_606 = arith.mulf %convert_element_type3A_603, %mul3A_605 : vector<16xf32>
        %add3A_607 = arith.constant 5.000000e-01 : f32
        %add3A_608 = vector.broadcast %add3A_607 : f32 to vector<16xf32>
        %add3A_609 = arith.addf %mul3A_606, %add3A_608 : vector<16xf32>
        %jit3A_610 = arith.constant 0.000000e+00 : f32
        %jit3A_611 = arith.constant 1.000000e+00 : f32
        %max3A_612 = vector.broadcast %jit3A_610 : f32 to vector<16xf32>
        %max3A_613 = arith.maximumf %max3A_612, %add3A_609 : vector<16xf32>
        %min3A_614 = vector.broadcast %jit3A_611 : f32 to vector<16xf32>
        %min3A_615 = arith.minimumf %min3A_614, %max3A_613 : vector<16xf32>
        %get3A_616 = arith.index_cast %mul3A_573 : i32 to index
        %get3A_617 = tpu.vector_load %arg21[%get3A_616] {strides = array<i32>} : memref<3200xf32, #tpu.memory_space<vmem>>, vector<16xf32>,
        %get3A_618 = vector.shape_cast %get3A_617 : vector<16xf32> to vector<16xf32>
        %mul3A_619 = arith.mulf %get3A_618, %min3A_602 : vector<16xf32>
        %swap3A_620 = arith.index_cast %mul3A_573 : i32 to index
        %swap3A_621 = tpu.vector_load %arg23[%swap3A_620] {strides = array<i32>} : memref<3200xf32, #tpu.memory_space<vmem>>, vector<16xf32>,
        %swap3A_622 = vector.shape_cast %swap3A_621 : vector<16xf32> to vector<16xf32>
        %swap3A_623 = vector.shape_cast %mul3A_619 : vector<16xf32> to vector<16xf32>
        tpu.vector_store %arg23[%swap3A_620], %swap3A_623 {strides = array<i32>} : memref<3200xf32, #tpu.memory_space<vmem>>, vector<16xf32>,
        %mul3A_624 = arith.mulf %get3A_618, %min3A_615 : vector<16xf32>
        %swap3A_625 = arith.index_cast %mul3A_573 : i32 to index
        %swap3A_626 = tpu.vector_load %arg25[%swap3A_625] {strides = array<i32>} : memref<3200xf32, #tpu.memory_space<vmem>>, vector<16xf32>,
        %swap3A_627 = vector.shape_cast %swap3A_626 : vector<16xf32> to vector<16xf32>
        %swap3A_628 = vector.shape_cast %mul3A_624 : vector<16xf32> to vector<16xf32>
        tpu.vector_store %arg25[%swap3A_625], %swap3A_628 {strides = array<i32>} : memref<3200xf32, #tpu.memory_space<vmem>>, vector<16xf32>,
        %mul3A_629 = arith.constant 4 : i32
        %mul3A_630 = arith.muli %mul3A_629, %scan3A_514 : i32
        %add3A_631 = arith.constant 2 : i32
        %add3A_632 = arith.addi %mul3A_630, %add3A_631 : i32
        %mul3A_633 = arith.constant 16 : i32
        %mul3A_634 = arith.muli %add3A_632, %mul3A_633 : i32
        %get3A_635 = arith.index_cast %mul3A_634 : i32 to index
        %get3A_636 = tpu.vector_load %arg17[%get3A_635] {strides = array<i32>} : memref<3200xi32, #tpu.memory_space<vmem>>, vector<16xi32>,
        %get3A_637 = vector.shape_cast %get3A_636 : vector<16xi32> to vector<16xi32>
        %get3A_638 = arith.index_cast %mul3A_634 : i32 to index
        %get3A_639 = tpu.vector_load %arg19[%get3A_638] {strides = array<i32>} : memref<3200xi32, #tpu.memory_space<vmem>>, vector<16xi32>,
        %get3A_640 = vector.shape_cast %get3A_639 : vector<16xi32> to vector<16xi32>
        %and3A_641 = arith.andi %get3A_640, %broadcast_in_dim3A_3 : vector<16xi32>
        %and3A_642 = arith.andi %get3A_637, %broadcast_in_dim3A_3 : vector<16xi32>
        %sub3A_643 = arith.subi %and3A_641, %and3A_642 : vector<16xi32>
        %shift_right_logical3A_644 = arith.constant 16 : i32
        %shift_right_logical3A_645 = vector.broadcast %shift_right_logical3A_644 : i32 to vector<16xi32>
        %shift_right_logical3A_646 = arith.shrui %get3A_640, %shift_right_logical3A_645 : vector<16xi32>
        %shift_right_logical3A_647 = arith.constant 16 : i32
        %shift_right_logical3A_648 = vector.broadcast %shift_right_logical3A_647 : i32 to vector<16xi32>
        %shift_right_logical3A_649 = arith.shrui %get3A_637, %shift_right_logical3A_648 : vector<16xi32>
        %sub3A_650 = arith.subi %shift_right_logical3A_646, %shift_right_logical3A_649 : vector<16xi32>
        %convert_element_type3A_651 = arith.sitofp %sub3A_643 : vector<16xi32> to vector<16xf32>
        %mul3A_652 = arith.constant 3.05180438E-4 : f32
        %mul3A_653 = vector.broadcast %mul3A_652 : f32 to vector<16xf32>
        %mul3A_654 = arith.mulf %convert_element_type3A_651, %mul3A_653 : vector<16xf32>
        %add3A_655 = arith.constant 5.000000e-01 : f32
        %add3A_656 = vector.broadcast %add3A_655 : f32 to vector<16xf32>
        %add3A_657 = arith.addf %mul3A_654, %add3A_656 : vector<16xf32>
        %jit3A_658 = arith.constant 0.000000e+00 : f32
        %jit3A_659 = arith.constant 1.000000e+00 : f32
        %max3A_660 = vector.broadcast %jit3A_658 : f32 to vector<16xf32>
        %max3A_661 = arith.maximumf %max3A_660, %add3A_657 : vector<16xf32>
        %min3A_662 = vector.broadcast %jit3A_659 : f32 to vector<16xf32>
        %min3A_663 = arith.minimumf %min3A_662, %max3A_661 : vector<16xf32>
        %convert_element_type3A_664 = arith.sitofp %sub3A_650 : vector<16xi32> to vector<16xf32>
        %mul3A_665 = arith.constant 3.05180438E-4 : f32
        %mul3A_666 = vector.broadcast %mul3A_665 : f32 to vector<16xf32>
        %mul3A_667 = arith.mulf %convert_element_type3A_664, %mul3A_666 : vector<16xf32>
        %add3A_668 = arith.constant 5.000000e-01 : f32
        %add3A_669 = vector.broadcast %add3A_668 : f32 to vector<16xf32>
        %add3A_670 = arith.addf %mul3A_667, %add3A_669 : vector<16xf32>
        %jit3A_671 = arith.constant 0.000000e+00 : f32
        %jit3A_672 = arith.constant 1.000000e+00 : f32
        %max3A_673 = vector.broadcast %jit3A_671 : f32 to vector<16xf32>
        %max3A_674 = arith.maximumf %max3A_673, %add3A_670 : vector<16xf32>
        %min3A_675 = vector.broadcast %jit3A_672 : f32 to vector<16xf32>
        %min3A_676 = arith.minimumf %min3A_675, %max3A_674 : vector<16xf32>
        %get3A_677 = arith.index_cast %mul3A_634 : i32 to index
        %get3A_678 = tpu.vector_load %arg21[%get3A_677] {strides = array<i32>} : memref<3200xf32, #tpu.memory_space<vmem>>, vector<16xf32>,
        %get3A_679 = vector.shape_cast %get3A_678 : vector<16xf32> to vector<16xf32>
        %mul3A_680 = arith.mulf %get3A_679, %min3A_663 : vector<16xf32>
        %swap3A_681 = arith.index_cast %mul3A_634 : i32 to index
        %swap3A_682 = tpu.vector_load %arg23[%swap3A_681] {strides = array<i32>} : memref<3200xf32, #tpu.memory_space<vmem>>, vector<16xf32>,
        %swap3A_683 = vector.shape_cast %swap3A_682 : vector<16xf32> to vector<16xf32>
        %swap3A_684 = vector.shape_cast %mul3A_680 : vector<16xf32> to vector<16xf32>
        tpu.vector_store %arg23[%swap3A_681], %swap3A_684 {strides = array<i32>} : memref<3200xf32, #tpu.memory_space<vmem>>, vector<16xf32>,
        %mul3A_685 = arith.mulf %get3A_679, %min3A_676 : vector<16xf32>
        %swap3A_686 = arith.index_cast %mul3A_634 : i32 to index
        %swap3A_687 = tpu.vector_load %arg25[%swap3A_686] {strides = array<i32>} : memref<3200xf32, #tpu.memory_space<vmem>>, vector<16xf32>,
        %swap3A_688 = vector.shape_cast %swap3A_687 : vector<16xf32> to vector<16xf32>
        %swap3A_689 = vector.shape_cast %mul3A_685 : vector<16xf32> to vector<16xf32>
        tpu.vector_store %arg25[%swap3A_686], %swap3A_689 {strides = array<i32>} : memref<3200xf32, #tpu.memory_space<vmem>>, vector<16xf32>,
        %mul3A_690 = arith.constant 4 : i32
        %mul3A_691 = arith.muli %mul3A_690, %scan3A_514 : i32
        %add3A_692 = arith.constant 3 : i32
        %add3A_693 = arith.addi %mul3A_691, %add3A_692 : i32
        %mul3A_694 = arith.constant 16 : i32
        %mul3A_695 = arith.muli %add3A_693, %mul3A_694 : i32
        %get3A_696 = arith.index_cast %mul3A_695 : i32 to index
        %get3A_697 = tpu.vector_load %arg17[%get3A_696] {strides = array<i32>} : memref<3200xi32, #tpu.memory_space<vmem>>, vector<16xi32>,
        %get3A_698 = vector.shape_cast %get3A_697 : vector<16xi32> to vector<16xi32>
        %get3A_699 = arith.index_cast %mul3A_695 : i32 to index
        %get3A_700 = tpu.vector_load %arg19[%get3A_699] {strides = array<i32>} : memref<3200xi32, #tpu.memory_space<vmem>>, vector<16xi32>,
        %get3A_701 = vector.shape_cast %get3A_700 : vector<16xi32> to vector<16xi32>
        %and3A_702 = arith.andi %get3A_701, %broadcast_in_dim3A_3 : vector<16xi32>
        %and3A_703 = arith.andi %get3A_698, %broadcast_in_dim3A_3 : vector<16xi32>
        %sub3A_704 = arith.subi %and3A_702, %and3A_703 : vector<16xi32>
        %shift_right_logical3A_705 = arith.constant 16 : i32
        %shift_right_logical3A_706 = vector.broadcast %shift_right_logical3A_705 : i32 to vector<16xi32>
        %shift_right_logical3A_707 = arith.shrui %get3A_701, %shift_right_logical3A_706 : vector<16xi32>
        %shift_right_logical3A_708 = arith.constant 16 : i32
        %shift_right_logical3A_709 = vector.broadcast %shift_right_logical3A_708 : i32 to vector<16xi32>
        %shift_right_logical3A_710 = arith.shrui %get3A_698, %shift_right_logical3A_709 : vector<16xi32>
        %sub3A_711 = arith.subi %shift_right_logical3A_707, %shift_right_logical3A_710 : vector<16xi32>
        %convert_element_type3A_712 = arith.sitofp %sub3A_704 : vector<16xi32> to vector<16xf32>
        %mul3A_713 = arith.constant 3.05180438E-4 : f32
        %mul3A_714 = vector.broadcast %mul3A_713 : f32 to vector<16xf32>
        %mul3A_715 = arith.mulf %convert_element_type3A_712, %mul3A_714 : vector<16xf32>
        %add3A_716 = arith.constant 5.000000e-01 : f32
        %add3A_717 = vector.broadcast %add3A_716 : f32 to vector<16xf32>
        %add3A_718 = arith.addf %mul3A_715, %add3A_717 : vector<16xf32>
        %jit3A_719 = arith.constant 0.000000e+00 : f32
        %jit3A_720 = arith.constant 1.000000e+00 : f32
        %max3A_721 = vector.broadcast %jit3A_719 : f32 to vector<16xf32>
        %max3A_722 = arith.maximumf %max3A_721, %add3A_718 : vector<16xf32>
        %min3A_723 = vector.broadcast %jit3A_720 : f32 to vector<16xf32>
        %min3A_724 = arith.minimumf %min3A_723, %max3A_722 : vector<16xf32>
        %convert_element_type3A_725 = arith.sitofp %sub3A_711 : vector<16xi32> to vector<16xf32>
        %mul3A_726 = arith.constant 3.05180438E-4 : f32
        %mul3A_727 = vector.broadcast %mul3A_726 : f32 to vector<16xf32>
        %mul3A_728 = arith.mulf %convert_element_type3A_725, %mul3A_727 : vector<16xf32>
        %add3A_729 = arith.constant 5.000000e-01 : f32
        %add3A_730 = vector.broadcast %add3A_729 : f32 to vector<16xf32>
        %add3A_731 = arith.addf %mul3A_728, %add3A_730 : vector<16xf32>
        %jit3A_732 = arith.constant 0.000000e+00 : f32
        %jit3A_733 = arith.constant 1.000000e+00 : f32
        %max3A_734 = vector.broadcast %jit3A_732 : f32 to vector<16xf32>
        %max3A_735 = arith.maximumf %max3A_734, %add3A_731 : vector<16xf32>
        %min3A_736 = vector.broadcast %jit3A_733 : f32 to vector<16xf32>
        %min3A_737 = arith.minimumf %min3A_736, %max3A_735 : vector<16xf32>
        %get3A_738 = arith.index_cast %mul3A_695 : i32 to index
        %get3A_739 = tpu.vector_load %arg21[%get3A_738] {strides = array<i32>} : memref<3200xf32, #tpu.memory_space<vmem>>, vector<16xf32>,
        %get3A_740 = vector.shape_cast %get3A_739 : vector<16xf32> to vector<16xf32>
        %mul3A_741 = arith.mulf %get3A_740, %min3A_724 : vector<16xf32>
        %swap3A_742 = arith.index_cast %mul3A_695 : i32 to index
        %swap3A_743 = tpu.vector_load %arg23[%swap3A_742] {strides = array<i32>} : memref<3200xf32, #tpu.memory_space<vmem>>, vector<16xf32>,
        %swap3A_744 = vector.shape_cast %swap3A_743 : vector<16xf32> to vector<16xf32>
        %swap3A_745 = vector.shape_cast %mul3A_741 : vector<16xf32> to vector<16xf32>
        tpu.vector_store %arg23[%swap3A_742], %swap3A_745 {strides = array<i32>} : memref<3200xf32, #tpu.memory_space<vmem>>, vector<16xf32>,
        %mul3A_746 = arith.mulf %get3A_740, %min3A_737 : vector<16xf32>
        %swap3A_747 = arith.index_cast %mul3A_695 : i32 to index
        %swap3A_748 = tpu.vector_load %arg25[%swap3A_747] {strides = array<i32>} : memref<3200xf32, #tpu.memory_space<vmem>>, vector<16xf32>,
        %swap3A_749 = vector.shape_cast %swap3A_748 : vector<16xf32> to vector<16xf32>
        %swap3A_750 = vector.shape_cast %mul3A_746 : vector<16xf32> to vector<16xf32>
        tpu.vector_store %arg25[%swap3A_747], %swap3A_750 {strides = array<i32>} : memref<3200xf32, #tpu.memory_space<vmem>>, vector<16xf32>,
      }
      %scan3A_389 = arith.constant 50 : i32
      %dma_start3A_390 = arith.constant 0 : i32
      %dma_start3A_391 = tpu.memref_slice %arg26[%dma_start3A_390] : memref<51200xf32, #tpu.memory_space<vmem_shared>> -> memref<51200xf32, #tpu.memory_space<vmem_shared>>
      tpu.enqueue_indirect_dma source(%arg23 : memref<3200xf32, #tpu.memory_space<vmem>>) target(%dma_start3A_391 : memref<51200xf32, #tpu.memory_space<vmem_shared>>) offsets(%arg13 : memref<3200xi32, #tpu.memory_space<vmem>>) semaphore(%arg33 : memref<!tpu.dma_semaphore, #tpu.memory_space<semaphore_mem>>) {add = true}
      %dma_start3A_392 = arith.constant 0 : i32
      %dma_start3A_393 = tpu.memref_slice %arg27[%dma_start3A_392] : memref<51200xf32, #tpu.memory_space<vmem_shared>> -> memref<51200xf32, #tpu.memory_space<vmem_shared>>
      tpu.enqueue_indirect_dma source(%arg25 : memref<3200xf32, #tpu.memory_space<vmem>>) target(%dma_start3A_393 : memref<51200xf32, #tpu.memory_space<vmem_shared>>) offsets(%arg13 : memref<3200xi32, #tpu.memory_space<vmem>>) semaphore(%arg33 : memref<!tpu.dma_semaphore, #tpu.memory_space<semaphore_mem>>) {add = true}
      %mul3A_394 = arith.constant 4 : i32
      %mul3A_395 = arith.muli %mul3A_394, %scan3A_274 : i32
      %add3A_396 = arith.constant 2 : i32
      %add3A_397 = arith.addi %mul3A_395, %add3A_396 : i32
      %dma_wait3A_398 = arith.constant 0 : i32
      %dma_wait3A_399 = tpu.memref_slice %arg3[%dma_wait3A_398] : memref<51200xf32, #tpu.memory_space<hbm>> -> memref<3200xf32, #tpu.memory_space<hbm>>
      %dma_wait3A_400 = arith.constant 0 : i32
      %dma_wait3A_401 = tpu.memref_slice %arg3[%dma_wait3A_400] : memref<51200xf32, #tpu.memory_space<hbm>> -> memref<3200xf32, #tpu.memory_space<hbm>>
      tpu.wait_dma2 semaphore(%arg32 : memref<!tpu.dma_semaphore, #tpu.memory_space<semaphore_mem>>) src(%dma_wait3A_401 : memref<3200xf32, #tpu.memory_space<hbm>>) dst(%arg22 : memref<3200xf32, #tpu.memory_space<vmem>>)
      %dma_wait3A_402 = arith.constant 0 : i32
      %dma_wait3A_403 = tpu.memref_slice %arg3[%dma_wait3A_402] : memref<51200xf32, #tpu.memory_space<hbm>> -> memref<3200xf32, #tpu.memory_space<hbm>>
      %dma_wait3A_404 = arith.constant 0 : i32
      %dma_wait3A_405 = tpu.memref_slice %arg3[%dma_wait3A_404] : memref<51200xf32, #tpu.memory_space<hbm>> -> memref<3200xf32, #tpu.memory_space<hbm>>
      tpu.wait_dma2 semaphore(%arg32 : memref<!tpu.dma_semaphore, #tpu.memory_space<semaphore_mem>>) src(%dma_wait3A_405 : memref<3200xf32, #tpu.memory_space<hbm>>) dst(%arg24 : memref<3200xf32, #tpu.memory_space<vmem>>)
      %add3A_406 = arith.constant 2 : i32
      %add3A_407 = arith.addi %add3A_397, %add3A_406 : i32
      %min3A_408 = arith.constant 31 : i32
      %min3A_409 = arith.minsi %add3A_407, %min3A_408 : i32
      %mul3A_410 = arith.constant 102400 : i32
      %mul3A_411 = arith.muli %add3A, %mul3A_410 : i32
      %mul3A_412 = arith.constant 3200 : i32
      %mul3A_413 = arith.muli %min3A_409, %mul3A_412 : i32
      %add3A_414 = arith.addi %mul3A_411, %mul3A_413 : i32
      %dma_start3A_415 = tpu.memref_slice %arg4[%add3A_414] : memref<1638400xi32, #tpu.memory_space<hbm>> -> memref<3200xi32, #tpu.memory_space<hbm>>
      %dma_start3A_416 = tpu.memref_slice %arg4[%add3A_414] : memref<1638400xi32, #tpu.memory_space<hbm>> -> memref<3200xi32, #tpu.memory_space<hbm>>
      tpu.enqueue_dma source(%dma_start3A_416 : memref<3200xi32, #tpu.memory_space<hbm>>) target(%arg8 : memref<3200xi32, #tpu.memory_space<vmem>>) target_semaphore(%arg34 : memref<!tpu.dma_semaphore, #tpu.memory_space<semaphore_mem>>)
      %dma_start3A_417 = tpu.memref_slice %arg5[%add3A_414] : memref<1638400xi32, #tpu.memory_space<hbm>> -> memref<3200xi32, #tpu.memory_space<hbm>>
      %dma_start3A_418 = tpu.memref_slice %arg5[%add3A_414] : memref<1638400xi32, #tpu.memory_space<hbm>> -> memref<3200xi32, #tpu.memory_space<hbm>>
      tpu.enqueue_dma source(%dma_start3A_418 : memref<3200xi32, #tpu.memory_space<hbm>>) target(%arg12 : memref<3200xi32, #tpu.memory_space<vmem>>) target_semaphore(%arg34 : memref<!tpu.dma_semaphore, #tpu.memory_space<semaphore_mem>>)
      %dma_wait3A_419 = arith.constant 0 : i32
      %dma_wait3A_420 = tpu.memref_slice %arg4[%dma_wait3A_419] : memref<1638400xi32, #tpu.memory_space<hbm>> -> memref<3200xi32, #tpu.memory_space<hbm>>
      %dma_wait3A_421 = arith.constant 0 : i32
      %dma_wait3A_422 = tpu.memref_slice %arg4[%dma_wait3A_421] : memref<1638400xi32, #tpu.memory_space<hbm>> -> memref<3200xi32, #tpu.memory_space<hbm>>
      tpu.wait_dma2 semaphore(%arg35 : memref<!tpu.dma_semaphore, #tpu.memory_space<semaphore_mem>>) src(%dma_wait3A_422 : memref<3200xi32, #tpu.memory_space<hbm>>) dst(%arg11 : memref<3200xi32, #tpu.memory_space<vmem>>)
      %dma_wait3A_423 = arith.constant 0 : i32
      %dma_wait3A_424 = tpu.memref_slice %arg4[%dma_wait3A_423] : memref<1638400xi32, #tpu.memory_space<hbm>> -> memref<3200xi32, #tpu.memory_space<hbm>>
      %dma_wait3A_425 = arith.constant 0 : i32
      %dma_wait3A_426 = tpu.memref_slice %arg4[%dma_wait3A_425] : memref<1638400xi32, #tpu.memory_space<hbm>> -> memref<3200xi32, #tpu.memory_space<hbm>>
      tpu.wait_dma2 semaphore(%arg35 : memref<!tpu.dma_semaphore, #tpu.memory_space<semaphore_mem>>) src(%dma_wait3A_426 : memref<3200xi32, #tpu.memory_space<hbm>>) dst(%arg15 : memref<3200xi32, #tpu.memory_space<vmem>>)
      %dma_start3A_427 = arith.constant 0 : i32
      %dma_start3A_428 = tpu.memref_slice %arg28[%dma_start3A_427] : memref<51200xi32, #tpu.memory_space<vmem_shared>> -> memref<51200xi32, #tpu.memory_space<vmem_shared>>
      tpu.enqueue_indirect_dma source(%dma_start3A_428 : memref<51200xi32, #tpu.memory_space<vmem_shared>>) target(%arg17 : memref<3200xi32, #tpu.memory_space<vmem>>) offsets(%arg11 : memref<3200xi32, #tpu.memory_space<vmem>>) semaphore(%arg31 : memref<!tpu.dma_semaphore, #tpu.memory_space<semaphore_mem>>)
      %dma_start3A_429 = arith.constant 0 : i32
      %dma_start3A_430 = tpu.memref_slice %arg28[%dma_start3A_429] : memref<51200xi32, #tpu.memory_space<vmem_shared>> -> memref<51200xi32, #tpu.memory_space<vmem_shared>>
      tpu.enqueue_indirect_dma source(%dma_start3A_430 : memref<51200xi32, #tpu.memory_space<vmem_shared>>) target(%arg19 : memref<3200xi32, #tpu.memory_space<vmem>>) offsets(%arg15 : memref<3200xi32, #tpu.memory_space<vmem>>) semaphore(%arg31 : memref<!tpu.dma_semaphore, #tpu.memory_space<semaphore_mem>>)
      %dma_start3A_431 = arith.constant 0 : i32
      %dma_start3A_432 = tpu.memref_slice %arg29[%dma_start3A_431] : memref<51200xf32, #tpu.memory_space<vmem_shared>> -> memref<51200xf32, #tpu.memory_space<vmem_shared>>
      tpu.enqueue_indirect_dma source(%dma_start3A_432 : memref<51200xf32, #tpu.memory_space<vmem_shared>>) target(%arg21 : memref<3200xf32, #tpu.memory_space<vmem>>) offsets(%arg11 : memref<3200xi32, #tpu.memory_space<vmem>>) semaphore(%arg31 : memref<!tpu.dma_semaphore, #tpu.memory_space<semaphore_mem>>)
      %dma_wait3A_433 = arith.constant 0 : i32
      %dma_wait3A_434 = tpu.memref_slice %arg3[%dma_wait3A_433] : memref<51200xf32, #tpu.memory_space<hbm>> -> memref<3200xf32, #tpu.memory_space<hbm>>
      %dma_wait3A_435 = arith.constant 0 : i32
      %dma_wait3A_436 = tpu.memref_slice %arg3[%dma_wait3A_435] : memref<51200xf32, #tpu.memory_space<hbm>> -> memref<3200xf32, #tpu.memory_space<hbm>>
      tpu.wait_dma2 semaphore(%arg30 : memref<!tpu.dma_semaphore, #tpu.memory_space<semaphore_mem>>) src(%dma_wait3A_436 : memref<3200xf32, #tpu.memory_space<hbm>>) dst(%arg20 : memref<3200xf32, #tpu.memory_space<vmem>>)
      %dma_wait3A_437 = arith.constant 0 : i32
      %dma_wait3A_438 = tpu.memref_slice %arg3[%dma_wait3A_437] : memref<51200xf32, #tpu.memory_space<hbm>> -> memref<3200xf32, #tpu.memory_space<hbm>>
      %dma_wait3A_439 = arith.constant 0 : i32
      %dma_wait3A_440 = tpu.memref_slice %arg3[%dma_wait3A_439] : memref<51200xf32, #tpu.memory_space<hbm>> -> memref<3200xf32, #tpu.memory_space<hbm>>
      tpu.wait_dma2 semaphore(%arg30 : memref<!tpu.dma_semaphore, #tpu.memory_space<semaphore_mem>>) src(%dma_wait3A_440 : memref<3200xf32, #tpu.memory_space<hbm>>) dst(%arg22 : memref<3200xf32, #tpu.memory_space<vmem>>)
      %dma_wait3A_441 = arith.constant 0 : i32
      %dma_wait3A_442 = tpu.memref_slice %arg3[%dma_wait3A_441] : memref<51200xf32, #tpu.memory_space<hbm>> -> memref<3200xf32, #tpu.memory_space<hbm>>
      %dma_wait3A_443 = arith.constant 0 : i32
      %dma_wait3A_444 = tpu.memref_slice %arg3[%dma_wait3A_443] : memref<51200xf32, #tpu.memory_space<hbm>> -> memref<3200xf32, #tpu.memory_space<hbm>>
      tpu.wait_dma2 semaphore(%arg30 : memref<!tpu.dma_semaphore, #tpu.memory_space<semaphore_mem>>) src(%dma_wait3A_444 : memref<3200xf32, #tpu.memory_space<hbm>>) dst(%arg24 : memref<3200xf32, #tpu.memory_space<vmem>>)
      %scan3A_445 = arith.constant 0 : i32
      %scan3A_446 = arith.constant 50 : i32
      %scan3A_447 = arith.addi %scan3A_445, %scan3A_446 : i32
      %scan3A_448 = arith.constant 1 : i32
      scf.for %scan3A_514 = %scan3A_445 to %scan3A_447 step %scan3A_448  : i32 {
        %mul3A_515 = arith.constant 4 : i32
        %mul3A_516 = arith.muli %mul3A_515, %scan3A_514 : i32
        %add3A_517 = arith.constant 0 : i32
        %add3A_518 = arith.addi %mul3A_516, %add3A_517 : i32
        %mul3A_519 = arith.constant 16 : i32
        %mul3A_520 = arith.muli %add3A_518, %mul3A_519 : i32
        %get3A = arith.index_cast %mul3A_520 : i32 to index
        %get3A_521 = tpu.vector_load %arg16[%get3A] {strides = array<i32>} : memref<3200xi32, #tpu.memory_space<vmem>>, vector<16xi32>,
        %get3A_522 = vector.shape_cast %get3A_521 : vector<16xi32> to vector<16xi32>
        %get3A_523 = arith.index_cast %mul3A_520 : i32 to index
        %get3A_524 = tpu.vector_load %arg18[%get3A_523] {strides = array<i32>} : memref<3200xi32, #tpu.memory_space<vmem>>, vector<16xi32>,
        %get3A_525 = vector.shape_cast %get3A_524 : vector<16xi32> to vector<16xi32>
        %and3A = arith.andi %get3A_525, %broadcast_in_dim3A_3 : vector<16xi32>
        %and3A_526 = arith.andi %get3A_522, %broadcast_in_dim3A_3 : vector<16xi32>
        %sub3A = arith.subi %and3A, %and3A_526 : vector<16xi32>
        %shift_right_logical3A = arith.constant 16 : i32
        %shift_right_logical3A_527 = vector.broadcast %shift_right_logical3A : i32 to vector<16xi32>
        %shift_right_logical3A_528 = arith.shrui %get3A_525, %shift_right_logical3A_527 : vector<16xi32>
        %shift_right_logical3A_529 = arith.constant 16 : i32
        %shift_right_logical3A_530 = vector.broadcast %shift_right_logical3A_529 : i32 to vector<16xi32>
        %shift_right_logical3A_531 = arith.shrui %get3A_522, %shift_right_logical3A_530 : vector<16xi32>
        %sub3A_532 = arith.subi %shift_right_logical3A_528, %shift_right_logical3A_531 : vector<16xi32>
        %convert_element_type3A = arith.sitofp %sub3A : vector<16xi32> to vector<16xf32>
        %mul3A_533 = arith.constant 3.05180438E-4 : f32
        %mul3A_534 = vector.broadcast %mul3A_533 : f32 to vector<16xf32>
        %mul3A_535 = arith.mulf %convert_element_type3A, %mul3A_534 : vector<16xf32>
        %add3A_536 = arith.constant 5.000000e-01 : f32
        %add3A_537 = vector.broadcast %add3A_536 : f32 to vector<16xf32>
        %add3A_538 = arith.addf %mul3A_535, %add3A_537 : vector<16xf32>
        %jit3A = arith.constant 0.000000e+00 : f32
        %jit3A_539 = arith.constant 1.000000e+00 : f32
        %max3A = vector.broadcast %jit3A : f32 to vector<16xf32>
        %max3A_540 = arith.maximumf %max3A, %add3A_538 : vector<16xf32>
        %min3A_541 = vector.broadcast %jit3A_539 : f32 to vector<16xf32>
        %min3A_542 = arith.minimumf %min3A_541, %max3A_540 : vector<16xf32>
        %convert_element_type3A_543 = arith.sitofp %sub3A_532 : vector<16xi32> to vector<16xf32>
        %mul3A_544 = arith.constant 3.05180438E-4 : f32
        %mul3A_545 = vector.broadcast %mul3A_544 : f32 to vector<16xf32>
        %mul3A_546 = arith.mulf %convert_element_type3A_543, %mul3A_545 : vector<16xf32>
        %add3A_547 = arith.constant 5.000000e-01 : f32
        %add3A_548 = vector.broadcast %add3A_547 : f32 to vector<16xf32>
        %add3A_549 = arith.addf %mul3A_546, %add3A_548 : vector<16xf32>
        %jit3A_550 = arith.constant 0.000000e+00 : f32
        %jit3A_551 = arith.constant 1.000000e+00 : f32
        %max3A_552 = vector.broadcast %jit3A_550 : f32 to vector<16xf32>
        %max3A_553 = arith.maximumf %max3A_552, %add3A_549 : vector<16xf32>
        %min3A_554 = vector.broadcast %jit3A_551 : f32 to vector<16xf32>
        %min3A_555 = arith.minimumf %min3A_554, %max3A_553 : vector<16xf32>
        %get3A_556 = arith.index_cast %mul3A_520 : i32 to index
        %get3A_557 = tpu.vector_load %arg20[%get3A_556] {strides = array<i32>} : memref<3200xf32, #tpu.memory_space<vmem>>, vector<16xf32>,
        %get3A_558 = vector.shape_cast %get3A_557 : vector<16xf32> to vector<16xf32>
        %mul3A_559 = arith.mulf %get3A_558, %min3A_542 : vector<16xf32>
        %swap3A = arith.index_cast %mul3A_520 : i32 to index
        %swap3A_560 = tpu.vector_load %arg22[%swap3A] {strides = array<i32>} : memref<3200xf32, #tpu.memory_space<vmem>>, vector<16xf32>,
        %swap3A_561 = vector.shape_cast %swap3A_560 : vector<16xf32> to vector<16xf32>
        %swap3A_562 = vector.shape_cast %mul3A_559 : vector<16xf32> to vector<16xf32>
        tpu.vector_store %arg22[%swap3A], %swap3A_562 {strides = array<i32>} : memref<3200xf32, #tpu.memory_space<vmem>>, vector<16xf32>,
        %mul3A_563 = arith.mulf %get3A_558, %min3A_555 : vector<16xf32>
        %swap3A_564 = arith.index_cast %mul3A_520 : i32 to index
        %swap3A_565 = tpu.vector_load %arg24[%swap3A_564] {strides = array<i32>} : memref<3200xf32, #tpu.memory_space<vmem>>, vector<16xf32>,
        %swap3A_566 = vector.shape_cast %swap3A_565 : vector<16xf32> to vector<16xf32>
        %swap3A_567 = vector.shape_cast %mul3A_563 : vector<16xf32> to vector<16xf32>
        tpu.vector_store %arg24[%swap3A_564], %swap3A_567 {strides = array<i32>} : memref<3200xf32, #tpu.memory_space<vmem>>, vector<16xf32>,
        %mul3A_568 = arith.constant 4 : i32
        %mul3A_569 = arith.muli %mul3A_568, %scan3A_514 : i32
        %add3A_570 = arith.constant 1 : i32
        %add3A_571 = arith.addi %mul3A_569, %add3A_570 : i32
        %mul3A_572 = arith.constant 16 : i32
        %mul3A_573 = arith.muli %add3A_571, %mul3A_572 : i32
        %get3A_574 = arith.index_cast %mul3A_573 : i32 to index
        %get3A_575 = tpu.vector_load %arg16[%get3A_574] {strides = array<i32>} : memref<3200xi32, #tpu.memory_space<vmem>>, vector<16xi32>,
        %get3A_576 = vector.shape_cast %get3A_575 : vector<16xi32> to vector<16xi32>
        %get3A_577 = arith.index_cast %mul3A_573 : i32 to index
        %get3A_578 = tpu.vector_load %arg18[%get3A_577] {strides = array<i32>} : memref<3200xi32, #tpu.memory_space<vmem>>, vector<16xi32>,
        %get3A_579 = vector.shape_cast %get3A_578 : vector<16xi32> to vector<16xi32>
        %and3A_580 = arith.andi %get3A_579, %broadcast_in_dim3A_3 : vector<16xi32>
        %and3A_581 = arith.andi %get3A_576, %broadcast_in_dim3A_3 : vector<16xi32>
        %sub3A_582 = arith.subi %and3A_580, %and3A_581 : vector<16xi32>
        %shift_right_logical3A_583 = arith.constant 16 : i32
        %shift_right_logical3A_584 = vector.broadcast %shift_right_logical3A_583 : i32 to vector<16xi32>
        %shift_right_logical3A_585 = arith.shrui %get3A_579, %shift_right_logical3A_584 : vector<16xi32>
        %shift_right_logical3A_586 = arith.constant 16 : i32
        %shift_right_logical3A_587 = vector.broadcast %shift_right_logical3A_586 : i32 to vector<16xi32>
        %shift_right_logical3A_588 = arith.shrui %get3A_576, %shift_right_logical3A_587 : vector<16xi32>
        %sub3A_589 = arith.subi %shift_right_logical3A_585, %shift_right_logical3A_588 : vector<16xi32>
        %convert_element_type3A_590 = arith.sitofp %sub3A_582 : vector<16xi32> to vector<16xf32>
        %mul3A_591 = arith.constant 3.05180438E-4 : f32
        %mul3A_592 = vector.broadcast %mul3A_591 : f32 to vector<16xf32>
        %mul3A_593 = arith.mulf %convert_element_type3A_590, %mul3A_592 : vector<16xf32>
        %add3A_594 = arith.constant 5.000000e-01 : f32
        %add3A_595 = vector.broadcast %add3A_594 : f32 to vector<16xf32>
        %add3A_596 = arith.addf %mul3A_593, %add3A_595 : vector<16xf32>
        %jit3A_597 = arith.constant 0.000000e+00 : f32
        %jit3A_598 = arith.constant 1.000000e+00 : f32
        %max3A_599 = vector.broadcast %jit3A_597 : f32 to vector<16xf32>
        %max3A_600 = arith.maximumf %max3A_599, %add3A_596 : vector<16xf32>
        %min3A_601 = vector.broadcast %jit3A_598 : f32 to vector<16xf32>
        %min3A_602 = arith.minimumf %min3A_601, %max3A_600 : vector<16xf32>
        %convert_element_type3A_603 = arith.sitofp %sub3A_589 : vector<16xi32> to vector<16xf32>
        %mul3A_604 = arith.constant 3.05180438E-4 : f32
        %mul3A_605 = vector.broadcast %mul3A_604 : f32 to vector<16xf32>
        %mul3A_606 = arith.mulf %convert_element_type3A_603, %mul3A_605 : vector<16xf32>
        %add3A_607 = arith.constant 5.000000e-01 : f32
        %add3A_608 = vector.broadcast %add3A_607 : f32 to vector<16xf32>
        %add3A_609 = arith.addf %mul3A_606, %add3A_608 : vector<16xf32>
        %jit3A_610 = arith.constant 0.000000e+00 : f32
        %jit3A_611 = arith.constant 1.000000e+00 : f32
        %max3A_612 = vector.broadcast %jit3A_610 : f32 to vector<16xf32>
        %max3A_613 = arith.maximumf %max3A_612, %add3A_609 : vector<16xf32>
        %min3A_614 = vector.broadcast %jit3A_611 : f32 to vector<16xf32>
        %min3A_615 = arith.minimumf %min3A_614, %max3A_613 : vector<16xf32>
        %get3A_616 = arith.index_cast %mul3A_573 : i32 to index
        %get3A_617 = tpu.vector_load %arg20[%get3A_616] {strides = array<i32>} : memref<3200xf32, #tpu.memory_space<vmem>>, vector<16xf32>,
        %get3A_618 = vector.shape_cast %get3A_617 : vector<16xf32> to vector<16xf32>
        %mul3A_619 = arith.mulf %get3A_618, %min3A_602 : vector<16xf32>
        %swap3A_620 = arith.index_cast %mul3A_573 : i32 to index
        %swap3A_621 = tpu.vector_load %arg22[%swap3A_620] {strides = array<i32>} : memref<3200xf32, #tpu.memory_space<vmem>>, vector<16xf32>,
        %swap3A_622 = vector.shape_cast %swap3A_621 : vector<16xf32> to vector<16xf32>
        %swap3A_623 = vector.shape_cast %mul3A_619 : vector<16xf32> to vector<16xf32>
        tpu.vector_store %arg22[%swap3A_620], %swap3A_623 {strides = array<i32>} : memref<3200xf32, #tpu.memory_space<vmem>>, vector<16xf32>,
        %mul3A_624 = arith.mulf %get3A_618, %min3A_615 : vector<16xf32>
        %swap3A_625 = arith.index_cast %mul3A_573 : i32 to index
        %swap3A_626 = tpu.vector_load %arg24[%swap3A_625] {strides = array<i32>} : memref<3200xf32, #tpu.memory_space<vmem>>, vector<16xf32>,
        %swap3A_627 = vector.shape_cast %swap3A_626 : vector<16xf32> to vector<16xf32>
        %swap3A_628 = vector.shape_cast %mul3A_624 : vector<16xf32> to vector<16xf32>
        tpu.vector_store %arg24[%swap3A_625], %swap3A_628 {strides = array<i32>} : memref<3200xf32, #tpu.memory_space<vmem>>, vector<16xf32>,
        %mul3A_629 = arith.constant 4 : i32
        %mul3A_630 = arith.muli %mul3A_629, %scan3A_514 : i32
        %add3A_631 = arith.constant 2 : i32
        %add3A_632 = arith.addi %mul3A_630, %add3A_631 : i32
        %mul3A_633 = arith.constant 16 : i32
        %mul3A_634 = arith.muli %add3A_632, %mul3A_633 : i32
        %get3A_635 = arith.index_cast %mul3A_634 : i32 to index
        %get3A_636 = tpu.vector_load %arg16[%get3A_635] {strides = array<i32>} : memref<3200xi32, #tpu.memory_space<vmem>>, vector<16xi32>,
        %get3A_637 = vector.shape_cast %get3A_636 : vector<16xi32> to vector<16xi32>
        %get3A_638 = arith.index_cast %mul3A_634 : i32 to index
        %get3A_639 = tpu.vector_load %arg18[%get3A_638] {strides = array<i32>} : memref<3200xi32, #tpu.memory_space<vmem>>, vector<16xi32>,
        %get3A_640 = vector.shape_cast %get3A_639 : vector<16xi32> to vector<16xi32>
        %and3A_641 = arith.andi %get3A_640, %broadcast_in_dim3A_3 : vector<16xi32>
        %and3A_642 = arith.andi %get3A_637, %broadcast_in_dim3A_3 : vector<16xi32>
        %sub3A_643 = arith.subi %and3A_641, %and3A_642 : vector<16xi32>
        %shift_right_logical3A_644 = arith.constant 16 : i32
        %shift_right_logical3A_645 = vector.broadcast %shift_right_logical3A_644 : i32 to vector<16xi32>
        %shift_right_logical3A_646 = arith.shrui %get3A_640, %shift_right_logical3A_645 : vector<16xi32>
        %shift_right_logical3A_647 = arith.constant 16 : i32
        %shift_right_logical3A_648 = vector.broadcast %shift_right_logical3A_647 : i32 to vector<16xi32>
        %shift_right_logical3A_649 = arith.shrui %get3A_637, %shift_right_logical3A_648 : vector<16xi32>
        %sub3A_650 = arith.subi %shift_right_logical3A_646, %shift_right_logical3A_649 : vector<16xi32>
        %convert_element_type3A_651 = arith.sitofp %sub3A_643 : vector<16xi32> to vector<16xf32>
        %mul3A_652 = arith.constant 3.05180438E-4 : f32
        %mul3A_653 = vector.broadcast %mul3A_652 : f32 to vector<16xf32>
        %mul3A_654 = arith.mulf %convert_element_type3A_651, %mul3A_653 : vector<16xf32>
        %add3A_655 = arith.constant 5.000000e-01 : f32
        %add3A_656 = vector.broadcast %add3A_655 : f32 to vector<16xf32>
        %add3A_657 = arith.addf %mul3A_654, %add3A_656 : vector<16xf32>
        %jit3A_658 = arith.constant 0.000000e+00 : f32
        %jit3A_659 = arith.constant 1.000000e+00 : f32
        %max3A_660 = vector.broadcast %jit3A_658 : f32 to vector<16xf32>
        %max3A_661 = arith.maximumf %max3A_660, %add3A_657 : vector<16xf32>
        %min3A_662 = vector.broadcast %jit3A_659 : f32 to vector<16xf32>
        %min3A_663 = arith.minimumf %min3A_662, %max3A_661 : vector<16xf32>
        %convert_element_type3A_664 = arith.sitofp %sub3A_650 : vector<16xi32> to vector<16xf32>
        %mul3A_665 = arith.constant 3.05180438E-4 : f32
        %mul3A_666 = vector.broadcast %mul3A_665 : f32 to vector<16xf32>
        %mul3A_667 = arith.mulf %convert_element_type3A_664, %mul3A_666 : vector<16xf32>
        %add3A_668 = arith.constant 5.000000e-01 : f32
        %add3A_669 = vector.broadcast %add3A_668 : f32 to vector<16xf32>
        %add3A_670 = arith.addf %mul3A_667, %add3A_669 : vector<16xf32>
        %jit3A_671 = arith.constant 0.000000e+00 : f32
        %jit3A_672 = arith.constant 1.000000e+00 : f32
        %max3A_673 = vector.broadcast %jit3A_671 : f32 to vector<16xf32>
        %max3A_674 = arith.maximumf %max3A_673, %add3A_670 : vector<16xf32>
        %min3A_675 = vector.broadcast %jit3A_672 : f32 to vector<16xf32>
        %min3A_676 = arith.minimumf %min3A_675, %max3A_674 : vector<16xf32>
        %get3A_677 = arith.index_cast %mul3A_634 : i32 to index
        %get3A_678 = tpu.vector_load %arg20[%get3A_677] {strides = array<i32>} : memref<3200xf32, #tpu.memory_space<vmem>>, vector<16xf32>,
        %get3A_679 = vector.shape_cast %get3A_678 : vector<16xf32> to vector<16xf32>
        %mul3A_680 = arith.mulf %get3A_679, %min3A_663 : vector<16xf32>
        %swap3A_681 = arith.index_cast %mul3A_634 : i32 to index
        %swap3A_682 = tpu.vector_load %arg22[%swap3A_681] {strides = array<i32>} : memref<3200xf32, #tpu.memory_space<vmem>>, vector<16xf32>,
        %swap3A_683 = vector.shape_cast %swap3A_682 : vector<16xf32> to vector<16xf32>
        %swap3A_684 = vector.shape_cast %mul3A_680 : vector<16xf32> to vector<16xf32>
        tpu.vector_store %arg22[%swap3A_681], %swap3A_684 {strides = array<i32>} : memref<3200xf32, #tpu.memory_space<vmem>>, vector<16xf32>,
        %mul3A_685 = arith.mulf %get3A_679, %min3A_676 : vector<16xf32>
        %swap3A_686 = arith.index_cast %mul3A_634 : i32 to index
        %swap3A_687 = tpu.vector_load %arg24[%swap3A_686] {strides = array<i32>} : memref<3200xf32, #tpu.memory_space<vmem>>, vector<16xf32>,
        %swap3A_688 = vector.shape_cast %swap3A_687 : vector<16xf32> to vector<16xf32>
        %swap3A_689 = vector.shape_cast %mul3A_685 : vector<16xf32> to vector<16xf32>
        tpu.vector_store %arg24[%swap3A_686], %swap3A_689 {strides = array<i32>} : memref<3200xf32, #tpu.memory_space<vmem>>, vector<16xf32>,
        %mul3A_690 = arith.constant 4 : i32
        %mul3A_691 = arith.muli %mul3A_690, %scan3A_514 : i32
        %add3A_692 = arith.constant 3 : i32
        %add3A_693 = arith.addi %mul3A_691, %add3A_692 : i32
        %mul3A_694 = arith.constant 16 : i32
        %mul3A_695 = arith.muli %add3A_693, %mul3A_694 : i32
        %get3A_696 = arith.index_cast %mul3A_695 : i32 to index
        %get3A_697 = tpu.vector_load %arg16[%get3A_696] {strides = array<i32>} : memref<3200xi32, #tpu.memory_space<vmem>>, vector<16xi32>,
        %get3A_698 = vector.shape_cast %get3A_697 : vector<16xi32> to vector<16xi32>
        %get3A_699 = arith.index_cast %mul3A_695 : i32 to index
        %get3A_700 = tpu.vector_load %arg18[%get3A_699] {strides = array<i32>} : memref<3200xi32, #tpu.memory_space<vmem>>, vector<16xi32>,
        %get3A_701 = vector.shape_cast %get3A_700 : vector<16xi32> to vector<16xi32>
        %and3A_702 = arith.andi %get3A_701, %broadcast_in_dim3A_3 : vector<16xi32>
        %and3A_703 = arith.andi %get3A_698, %broadcast_in_dim3A_3 : vector<16xi32>
        %sub3A_704 = arith.subi %and3A_702, %and3A_703 : vector<16xi32>
        %shift_right_logical3A_705 = arith.constant 16 : i32
        %shift_right_logical3A_706 = vector.broadcast %shift_right_logical3A_705 : i32 to vector<16xi32>
        %shift_right_logical3A_707 = arith.shrui %get3A_701, %shift_right_logical3A_706 : vector<16xi32>
        %shift_right_logical3A_708 = arith.constant 16 : i32
        %shift_right_logical3A_709 = vector.broadcast %shift_right_logical3A_708 : i32 to vector<16xi32>
        %shift_right_logical3A_710 = arith.shrui %get3A_698, %shift_right_logical3A_709 : vector<16xi32>
        %sub3A_711 = arith.subi %shift_right_logical3A_707, %shift_right_logical3A_710 : vector<16xi32>
        %convert_element_type3A_712 = arith.sitofp %sub3A_704 : vector<16xi32> to vector<16xf32>
        %mul3A_713 = arith.constant 3.05180438E-4 : f32
        %mul3A_714 = vector.broadcast %mul3A_713 : f32 to vector<16xf32>
        %mul3A_715 = arith.mulf %convert_element_type3A_712, %mul3A_714 : vector<16xf32>
        %add3A_716 = arith.constant 5.000000e-01 : f32
        %add3A_717 = vector.broadcast %add3A_716 : f32 to vector<16xf32>
        %add3A_718 = arith.addf %mul3A_715, %add3A_717 : vector<16xf32>
        %jit3A_719 = arith.constant 0.000000e+00 : f32
        %jit3A_720 = arith.constant 1.000000e+00 : f32
        %max3A_721 = vector.broadcast %jit3A_719 : f32 to vector<16xf32>
        %max3A_722 = arith.maximumf %max3A_721, %add3A_718 : vector<16xf32>
        %min3A_723 = vector.broadcast %jit3A_720 : f32 to vector<16xf32>
        %min3A_724 = arith.minimumf %min3A_723, %max3A_722 : vector<16xf32>
        %convert_element_type3A_725 = arith.sitofp %sub3A_711 : vector<16xi32> to vector<16xf32>
        %mul3A_726 = arith.constant 3.05180438E-4 : f32
        %mul3A_727 = vector.broadcast %mul3A_726 : f32 to vector<16xf32>
        %mul3A_728 = arith.mulf %convert_element_type3A_725, %mul3A_727 : vector<16xf32>
        %add3A_729 = arith.constant 5.000000e-01 : f32
        %add3A_730 = vector.broadcast %add3A_729 : f32 to vector<16xf32>
        %add3A_731 = arith.addf %mul3A_728, %add3A_730 : vector<16xf32>
        %jit3A_732 = arith.constant 0.000000e+00 : f32
        %jit3A_733 = arith.constant 1.000000e+00 : f32
        %max3A_734 = vector.broadcast %jit3A_732 : f32 to vector<16xf32>
        %max3A_735 = arith.maximumf %max3A_734, %add3A_731 : vector<16xf32>
        %min3A_736 = vector.broadcast %jit3A_733 : f32 to vector<16xf32>
        %min3A_737 = arith.minimumf %min3A_736, %max3A_735 : vector<16xf32>
        %get3A_738 = arith.index_cast %mul3A_695 : i32 to index
        %get3A_739 = tpu.vector_load %arg20[%get3A_738] {strides = array<i32>} : memref<3200xf32, #tpu.memory_space<vmem>>, vector<16xf32>,
        %get3A_740 = vector.shape_cast %get3A_739 : vector<16xf32> to vector<16xf32>
        %mul3A_741 = arith.mulf %get3A_740, %min3A_724 : vector<16xf32>
        %swap3A_742 = arith.index_cast %mul3A_695 : i32 to index
        %swap3A_743 = tpu.vector_load %arg22[%swap3A_742] {strides = array<i32>} : memref<3200xf32, #tpu.memory_space<vmem>>, vector<16xf32>,
        %swap3A_744 = vector.shape_cast %swap3A_743 : vector<16xf32> to vector<16xf32>
        %swap3A_745 = vector.shape_cast %mul3A_741 : vector<16xf32> to vector<16xf32>
        tpu.vector_store %arg22[%swap3A_742], %swap3A_745 {strides = array<i32>} : memref<3200xf32, #tpu.memory_space<vmem>>, vector<16xf32>,
        %mul3A_746 = arith.mulf %get3A_740, %min3A_737 : vector<16xf32>
        %swap3A_747 = arith.index_cast %mul3A_695 : i32 to index
        %swap3A_748 = tpu.vector_load %arg24[%swap3A_747] {strides = array<i32>} : memref<3200xf32, #tpu.memory_space<vmem>>, vector<16xf32>,
        %swap3A_749 = vector.shape_cast %swap3A_748 : vector<16xf32> to vector<16xf32>
        %swap3A_750 = vector.shape_cast %mul3A_746 : vector<16xf32> to vector<16xf32>
        tpu.vector_store %arg24[%swap3A_747], %swap3A_750 {strides = array<i32>} : memref<3200xf32, #tpu.memory_space<vmem>>, vector<16xf32>,
      }
      %scan3A_449 = arith.constant 50 : i32
      %dma_start3A_450 = arith.constant 0 : i32
      %dma_start3A_451 = tpu.memref_slice %arg26[%dma_start3A_450] : memref<51200xf32, #tpu.memory_space<vmem_shared>> -> memref<51200xf32, #tpu.memory_space<vmem_shared>>
      tpu.enqueue_indirect_dma source(%arg22 : memref<3200xf32, #tpu.memory_space<vmem>>) target(%dma_start3A_451 : memref<51200xf32, #tpu.memory_space<vmem_shared>>) offsets(%arg14 : memref<3200xi32, #tpu.memory_space<vmem>>) semaphore(%arg32 : memref<!tpu.dma_semaphore, #tpu.memory_space<semaphore_mem>>) {add = true}
      %dma_start3A_452 = arith.constant 0 : i32
      %dma_start3A_453 = tpu.memref_slice %arg27[%dma_start3A_452] : memref<51200xf32, #tpu.memory_space<vmem_shared>> -> memref<51200xf32, #tpu.memory_space<vmem_shared>>
      tpu.enqueue_indirect_dma source(%arg24 : memref<3200xf32, #tpu.memory_space<vmem>>) target(%dma_start3A_453 : memref<51200xf32, #tpu.memory_space<vmem_shared>>) offsets(%arg14 : memref<3200xi32, #tpu.memory_space<vmem>>) semaphore(%arg32 : memref<!tpu.dma_semaphore, #tpu.memory_space<semaphore_mem>>) {add = true}
      %mul3A_454 = arith.constant 4 : i32
      %mul3A_455 = arith.muli %mul3A_454, %scan3A_274 : i32
      %add3A_456 = arith.constant 3 : i32
      %add3A_457 = arith.addi %mul3A_455, %add3A_456 : i32
      %dma_wait3A_458 = arith.constant 0 : i32
      %dma_wait3A_459 = tpu.memref_slice %arg3[%dma_wait3A_458] : memref<51200xf32, #tpu.memory_space<hbm>> -> memref<3200xf32, #tpu.memory_space<hbm>>
      %dma_wait3A_460 = arith.constant 0 : i32
      %dma_wait3A_461 = tpu.memref_slice %arg3[%dma_wait3A_460] : memref<51200xf32, #tpu.memory_space<hbm>> -> memref<3200xf32, #tpu.memory_space<hbm>>
      tpu.wait_dma2 semaphore(%arg33 : memref<!tpu.dma_semaphore, #tpu.memory_space<semaphore_mem>>) src(%dma_wait3A_461 : memref<3200xf32, #tpu.memory_space<hbm>>) dst(%arg23 : memref<3200xf32, #tpu.memory_space<vmem>>)
      %dma_wait3A_462 = arith.constant 0 : i32
      %dma_wait3A_463 = tpu.memref_slice %arg3[%dma_wait3A_462] : memref<51200xf32, #tpu.memory_space<hbm>> -> memref<3200xf32, #tpu.memory_space<hbm>>
      %dma_wait3A_464 = arith.constant 0 : i32
      %dma_wait3A_465 = tpu.memref_slice %arg3[%dma_wait3A_464] : memref<51200xf32, #tpu.memory_space<hbm>> -> memref<3200xf32, #tpu.memory_space<hbm>>
      tpu.wait_dma2 semaphore(%arg33 : memref<!tpu.dma_semaphore, #tpu.memory_space<semaphore_mem>>) src(%dma_wait3A_465 : memref<3200xf32, #tpu.memory_space<hbm>>) dst(%arg25 : memref<3200xf32, #tpu.memory_space<vmem>>)
      %add3A_466 = arith.constant 2 : i32
      %add3A_467 = arith.addi %add3A_457, %add3A_466 : i32
      %min3A_468 = arith.constant 31 : i32
      %min3A_469 = arith.minsi %add3A_467, %min3A_468 : i32
      %mul3A_470 = arith.constant 102400 : i32
      %mul3A_471 = arith.muli %add3A, %mul3A_470 : i32
      %mul3A_472 = arith.constant 3200 : i32
      %mul3A_473 = arith.muli %min3A_469, %mul3A_472 : i32
      %add3A_474 = arith.addi %mul3A_471, %mul3A_473 : i32
      %dma_start3A_475 = tpu.memref_slice %arg4[%add3A_474] : memref<1638400xi32, #tpu.memory_space<hbm>> -> memref<3200xi32, #tpu.memory_space<hbm>>
      %dma_start3A_476 = tpu.memref_slice %arg4[%add3A_474] : memref<1638400xi32, #tpu.memory_space<hbm>> -> memref<3200xi32, #tpu.memory_space<hbm>>
      tpu.enqueue_dma source(%dma_start3A_476 : memref<3200xi32, #tpu.memory_space<hbm>>) target(%arg9 : memref<3200xi32, #tpu.memory_space<vmem>>) target_semaphore(%arg35 : memref<!tpu.dma_semaphore, #tpu.memory_space<semaphore_mem>>)
      %dma_start3A_477 = tpu.memref_slice %arg5[%add3A_474] : memref<1638400xi32, #tpu.memory_space<hbm>> -> memref<3200xi32, #tpu.memory_space<hbm>>
      %dma_start3A_478 = tpu.memref_slice %arg5[%add3A_474] : memref<1638400xi32, #tpu.memory_space<hbm>> -> memref<3200xi32, #tpu.memory_space<hbm>>
      tpu.enqueue_dma source(%dma_start3A_478 : memref<3200xi32, #tpu.memory_space<hbm>>) target(%arg13 : memref<3200xi32, #tpu.memory_space<vmem>>) target_semaphore(%arg35 : memref<!tpu.dma_semaphore, #tpu.memory_space<semaphore_mem>>)
      %dma_wait3A_479 = arith.constant 0 : i32
      %dma_wait3A_480 = tpu.memref_slice %arg4[%dma_wait3A_479] : memref<1638400xi32, #tpu.memory_space<hbm>> -> memref<3200xi32, #tpu.memory_space<hbm>>
      %dma_wait3A_481 = arith.constant 0 : i32
      %dma_wait3A_482 = tpu.memref_slice %arg4[%dma_wait3A_481] : memref<1638400xi32, #tpu.memory_space<hbm>> -> memref<3200xi32, #tpu.memory_space<hbm>>
      tpu.wait_dma2 semaphore(%arg34 : memref<!tpu.dma_semaphore, #tpu.memory_space<semaphore_mem>>) src(%dma_wait3A_482 : memref<3200xi32, #tpu.memory_space<hbm>>) dst(%arg8 : memref<3200xi32, #tpu.memory_space<vmem>>)
      %dma_wait3A_483 = arith.constant 0 : i32
      %dma_wait3A_484 = tpu.memref_slice %arg4[%dma_wait3A_483] : memref<1638400xi32, #tpu.memory_space<hbm>> -> memref<3200xi32, #tpu.memory_space<hbm>>
      %dma_wait3A_485 = arith.constant 0 : i32
      %dma_wait3A_486 = tpu.memref_slice %arg4[%dma_wait3A_485] : memref<1638400xi32, #tpu.memory_space<hbm>> -> memref<3200xi32, #tpu.memory_space<hbm>>
      tpu.wait_dma2 semaphore(%arg34 : memref<!tpu.dma_semaphore, #tpu.memory_space<semaphore_mem>>) src(%dma_wait3A_486 : memref<3200xi32, #tpu.memory_space<hbm>>) dst(%arg12 : memref<3200xi32, #tpu.memory_space<vmem>>)
      %dma_start3A_487 = arith.constant 0 : i32
      %dma_start3A_488 = tpu.memref_slice %arg28[%dma_start3A_487] : memref<51200xi32, #tpu.memory_space<vmem_shared>> -> memref<51200xi32, #tpu.memory_space<vmem_shared>>
      tpu.enqueue_indirect_dma source(%dma_start3A_488 : memref<51200xi32, #tpu.memory_space<vmem_shared>>) target(%arg16 : memref<3200xi32, #tpu.memory_space<vmem>>) offsets(%arg8 : memref<3200xi32, #tpu.memory_space<vmem>>) semaphore(%arg30 : memref<!tpu.dma_semaphore, #tpu.memory_space<semaphore_mem>>)
      %dma_start3A_489 = arith.constant 0 : i32
      %dma_start3A_490 = tpu.memref_slice %arg28[%dma_start3A_489] : memref<51200xi32, #tpu.memory_space<vmem_shared>> -> memref<51200xi32, #tpu.memory_space<vmem_shared>>
      tpu.enqueue_indirect_dma source(%dma_start3A_490 : memref<51200xi32, #tpu.memory_space<vmem_shared>>) target(%arg18 : memref<3200xi32, #tpu.memory_space<vmem>>) offsets(%arg12 : memref<3200xi32, #tpu.memory_space<vmem>>) semaphore(%arg30 : memref<!tpu.dma_semaphore, #tpu.memory_space<semaphore_mem>>)
      %dma_start3A_491 = arith.constant 0 : i32
      %dma_start3A_492 = tpu.memref_slice %arg29[%dma_start3A_491] : memref<51200xf32, #tpu.memory_space<vmem_shared>> -> memref<51200xf32, #tpu.memory_space<vmem_shared>>
      tpu.enqueue_indirect_dma source(%dma_start3A_492 : memref<51200xf32, #tpu.memory_space<vmem_shared>>) target(%arg20 : memref<3200xf32, #tpu.memory_space<vmem>>) offsets(%arg8 : memref<3200xi32, #tpu.memory_space<vmem>>) semaphore(%arg30 : memref<!tpu.dma_semaphore, #tpu.memory_space<semaphore_mem>>)
      %dma_wait3A_493 = arith.constant 0 : i32
      %dma_wait3A_494 = tpu.memref_slice %arg3[%dma_wait3A_493] : memref<51200xf32, #tpu.memory_space<hbm>> -> memref<3200xf32, #tpu.memory_space<hbm>>
      %dma_wait3A_495 = arith.constant 0 : i32
      %dma_wait3A_496 = tpu.memref_slice %arg3[%dma_wait3A_495] : memref<51200xf32, #tpu.memory_space<hbm>> -> memref<3200xf32, #tpu.memory_space<hbm>>
      tpu.wait_dma2 semaphore(%arg31 : memref<!tpu.dma_semaphore, #tpu.memory_space<semaphore_mem>>) src(%dma_wait3A_496 : memref<3200xf32, #tpu.memory_space<hbm>>) dst(%arg21 : memref<3200xf32, #tpu.memory_space<vmem>>)
      %dma_wait3A_497 = arith.constant 0 : i32
      %dma_wait3A_498 = tpu.memref_slice %arg3[%dma_wait3A_497] : memref<51200xf32, #tpu.memory_space<hbm>> -> memref<3200xf32, #tpu.memory_space<hbm>>
      %dma_wait3A_499 = arith.constant 0 : i32
      %dma_wait3A_500 = tpu.memref_slice %arg3[%dma_wait3A_499] : memref<51200xf32, #tpu.memory_space<hbm>> -> memref<3200xf32, #tpu.memory_space<hbm>>
      tpu.wait_dma2 semaphore(%arg31 : memref<!tpu.dma_semaphore, #tpu.memory_space<semaphore_mem>>) src(%dma_wait3A_500 : memref<3200xf32, #tpu.memory_space<hbm>>) dst(%arg23 : memref<3200xf32, #tpu.memory_space<vmem>>)
      %dma_wait3A_501 = arith.constant 0 : i32
      %dma_wait3A_502 = tpu.memref_slice %arg3[%dma_wait3A_501] : memref<51200xf32, #tpu.memory_space<hbm>> -> memref<3200xf32, #tpu.memory_space<hbm>>
      %dma_wait3A_503 = arith.constant 0 : i32
      %dma_wait3A_504 = tpu.memref_slice %arg3[%dma_wait3A_503] : memref<51200xf32, #tpu.memory_space<hbm>> -> memref<3200xf32, #tpu.memory_space<hbm>>
      tpu.wait_dma2 semaphore(%arg31 : memref<!tpu.dma_semaphore, #tpu.memory_space<semaphore_mem>>) src(%dma_wait3A_504 : memref<3200xf32, #tpu.memory_space<hbm>>) dst(%arg25 : memref<3200xf32, #tpu.memory_space<vmem>>)
      %scan3A_505 = arith.constant 0 : i32
      %scan3A_506 = arith.constant 50 : i32
      %scan3A_507 = arith.addi %scan3A_505, %scan3A_506 : i32
      %scan3A_508 = arith.constant 1 : i32
      scf.for %scan3A_514 = %scan3A_505 to %scan3A_507 step %scan3A_508  : i32 {
        %mul3A_515 = arith.constant 4 : i32
        %mul3A_516 = arith.muli %mul3A_515, %scan3A_514 : i32
        %add3A_517 = arith.constant 0 : i32
        %add3A_518 = arith.addi %mul3A_516, %add3A_517 : i32
        %mul3A_519 = arith.constant 16 : i32
        %mul3A_520 = arith.muli %add3A_518, %mul3A_519 : i32
        %get3A = arith.index_cast %mul3A_520 : i32 to index
        %get3A_521 = tpu.vector_load %arg17[%get3A] {strides = array<i32>} : memref<3200xi32, #tpu.memory_space<vmem>>, vector<16xi32>,
        %get3A_522 = vector.shape_cast %get3A_521 : vector<16xi32> to vector<16xi32>
        %get3A_523 = arith.index_cast %mul3A_520 : i32 to index
        %get3A_524 = tpu.vector_load %arg19[%get3A_523] {strides = array<i32>} : memref<3200xi32, #tpu.memory_space<vmem>>, vector<16xi32>,
        %get3A_525 = vector.shape_cast %get3A_524 : vector<16xi32> to vector<16xi32>
        %and3A = arith.andi %get3A_525, %broadcast_in_dim3A_3 : vector<16xi32>
        %and3A_526 = arith.andi %get3A_522, %broadcast_in_dim3A_3 : vector<16xi32>
        %sub3A = arith.subi %and3A, %and3A_526 : vector<16xi32>
        %shift_right_logical3A = arith.constant 16 : i32
        %shift_right_logical3A_527 = vector.broadcast %shift_right_logical3A : i32 to vector<16xi32>
        %shift_right_logical3A_528 = arith.shrui %get3A_525, %shift_right_logical3A_527 : vector<16xi32>
        %shift_right_logical3A_529 = arith.constant 16 : i32
        %shift_right_logical3A_530 = vector.broadcast %shift_right_logical3A_529 : i32 to vector<16xi32>
        %shift_right_logical3A_531 = arith.shrui %get3A_522, %shift_right_logical3A_530 : vector<16xi32>
        %sub3A_532 = arith.subi %shift_right_logical3A_528, %shift_right_logical3A_531 : vector<16xi32>
        %convert_element_type3A = arith.sitofp %sub3A : vector<16xi32> to vector<16xf32>
        %mul3A_533 = arith.constant 3.05180438E-4 : f32
        %mul3A_534 = vector.broadcast %mul3A_533 : f32 to vector<16xf32>
        %mul3A_535 = arith.mulf %convert_element_type3A, %mul3A_534 : vector<16xf32>
        %add3A_536 = arith.constant 5.000000e-01 : f32
        %add3A_537 = vector.broadcast %add3A_536 : f32 to vector<16xf32>
        %add3A_538 = arith.addf %mul3A_535, %add3A_537 : vector<16xf32>
        %jit3A = arith.constant 0.000000e+00 : f32
        %jit3A_539 = arith.constant 1.000000e+00 : f32
        %max3A = vector.broadcast %jit3A : f32 to vector<16xf32>
        %max3A_540 = arith.maximumf %max3A, %add3A_538 : vector<16xf32>
        %min3A_541 = vector.broadcast %jit3A_539 : f32 to vector<16xf32>
        %min3A_542 = arith.minimumf %min3A_541, %max3A_540 : vector<16xf32>
        %convert_element_type3A_543 = arith.sitofp %sub3A_532 : vector<16xi32> to vector<16xf32>
        %mul3A_544 = arith.constant 3.05180438E-4 : f32
        %mul3A_545 = vector.broadcast %mul3A_544 : f32 to vector<16xf32>
        %mul3A_546 = arith.mulf %convert_element_type3A_543, %mul3A_545 : vector<16xf32>
        %add3A_547 = arith.constant 5.000000e-01 : f32
        %add3A_548 = vector.broadcast %add3A_547 : f32 to vector<16xf32>
        %add3A_549 = arith.addf %mul3A_546, %add3A_548 : vector<16xf32>
        %jit3A_550 = arith.constant 0.000000e+00 : f32
        %jit3A_551 = arith.constant 1.000000e+00 : f32
        %max3A_552 = vector.broadcast %jit3A_550 : f32 to vector<16xf32>
        %max3A_553 = arith.maximumf %max3A_552, %add3A_549 : vector<16xf32>
        %min3A_554 = vector.broadcast %jit3A_551 : f32 to vector<16xf32>
        %min3A_555 = arith.minimumf %min3A_554, %max3A_553 : vector<16xf32>
        %get3A_556 = arith.index_cast %mul3A_520 : i32 to index
        %get3A_557 = tpu.vector_load %arg21[%get3A_556] {strides = array<i32>} : memref<3200xf32, #tpu.memory_space<vmem>>, vector<16xf32>,
        %get3A_558 = vector.shape_cast %get3A_557 : vector<16xf32> to vector<16xf32>
        %mul3A_559 = arith.mulf %get3A_558, %min3A_542 : vector<16xf32>
        %swap3A = arith.index_cast %mul3A_520 : i32 to index
        %swap3A_560 = tpu.vector_load %arg23[%swap3A] {strides = array<i32>} : memref<3200xf32, #tpu.memory_space<vmem>>, vector<16xf32>,
        %swap3A_561 = vector.shape_cast %swap3A_560 : vector<16xf32> to vector<16xf32>
        %swap3A_562 = vector.shape_cast %mul3A_559 : vector<16xf32> to vector<16xf32>
        tpu.vector_store %arg23[%swap3A], %swap3A_562 {strides = array<i32>} : memref<3200xf32, #tpu.memory_space<vmem>>, vector<16xf32>,
        %mul3A_563 = arith.mulf %get3A_558, %min3A_555 : vector<16xf32>
        %swap3A_564 = arith.index_cast %mul3A_520 : i32 to index
        %swap3A_565 = tpu.vector_load %arg25[%swap3A_564] {strides = array<i32>} : memref<3200xf32, #tpu.memory_space<vmem>>, vector<16xf32>,
        %swap3A_566 = vector.shape_cast %swap3A_565 : vector<16xf32> to vector<16xf32>
        %swap3A_567 = vector.shape_cast %mul3A_563 : vector<16xf32> to vector<16xf32>
        tpu.vector_store %arg25[%swap3A_564], %swap3A_567 {strides = array<i32>} : memref<3200xf32, #tpu.memory_space<vmem>>, vector<16xf32>,
        %mul3A_568 = arith.constant 4 : i32
        %mul3A_569 = arith.muli %mul3A_568, %scan3A_514 : i32
        %add3A_570 = arith.constant 1 : i32
        %add3A_571 = arith.addi %mul3A_569, %add3A_570 : i32
        %mul3A_572 = arith.constant 16 : i32
        %mul3A_573 = arith.muli %add3A_571, %mul3A_572 : i32
        %get3A_574 = arith.index_cast %mul3A_573 : i32 to index
        %get3A_575 = tpu.vector_load %arg17[%get3A_574] {strides = array<i32>} : memref<3200xi32, #tpu.memory_space<vmem>>, vector<16xi32>,
        %get3A_576 = vector.shape_cast %get3A_575 : vector<16xi32> to vector<16xi32>
        %get3A_577 = arith.index_cast %mul3A_573 : i32 to index
        %get3A_578 = tpu.vector_load %arg19[%get3A_577] {strides = array<i32>} : memref<3200xi32, #tpu.memory_space<vmem>>, vector<16xi32>,
        %get3A_579 = vector.shape_cast %get3A_578 : vector<16xi32> to vector<16xi32>
        %and3A_580 = arith.andi %get3A_579, %broadcast_in_dim3A_3 : vector<16xi32>
        %and3A_581 = arith.andi %get3A_576, %broadcast_in_dim3A_3 : vector<16xi32>
        %sub3A_582 = arith.subi %and3A_580, %and3A_581 : vector<16xi32>
        %shift_right_logical3A_583 = arith.constant 16 : i32
        %shift_right_logical3A_584 = vector.broadcast %shift_right_logical3A_583 : i32 to vector<16xi32>
        %shift_right_logical3A_585 = arith.shrui %get3A_579, %shift_right_logical3A_584 : vector<16xi32>
        %shift_right_logical3A_586 = arith.constant 16 : i32
        %shift_right_logical3A_587 = vector.broadcast %shift_right_logical3A_586 : i32 to vector<16xi32>
        %shift_right_logical3A_588 = arith.shrui %get3A_576, %shift_right_logical3A_587 : vector<16xi32>
        %sub3A_589 = arith.subi %shift_right_logical3A_585, %shift_right_logical3A_588 : vector<16xi32>
        %convert_element_type3A_590 = arith.sitofp %sub3A_582 : vector<16xi32> to vector<16xf32>
        %mul3A_591 = arith.constant 3.05180438E-4 : f32
        %mul3A_592 = vector.broadcast %mul3A_591 : f32 to vector<16xf32>
        %mul3A_593 = arith.mulf %convert_element_type3A_590, %mul3A_592 : vector<16xf32>
        %add3A_594 = arith.constant 5.000000e-01 : f32
        %add3A_595 = vector.broadcast %add3A_594 : f32 to vector<16xf32>
        %add3A_596 = arith.addf %mul3A_593, %add3A_595 : vector<16xf32>
        %jit3A_597 = arith.constant 0.000000e+00 : f32
        %jit3A_598 = arith.constant 1.000000e+00 : f32
        %max3A_599 = vector.broadcast %jit3A_597 : f32 to vector<16xf32>
        %max3A_600 = arith.maximumf %max3A_599, %add3A_596 : vector<16xf32>
        %min3A_601 = vector.broadcast %jit3A_598 : f32 to vector<16xf32>
        %min3A_602 = arith.minimumf %min3A_601, %max3A_600 : vector<16xf32>
        %convert_element_type3A_603 = arith.sitofp %sub3A_589 : vector<16xi32> to vector<16xf32>
        %mul3A_604 = arith.constant 3.05180438E-4 : f32
        %mul3A_605 = vector.broadcast %mul3A_604 : f32 to vector<16xf32>
        %mul3A_606 = arith.mulf %convert_element_type3A_603, %mul3A_605 : vector<16xf32>
        %add3A_607 = arith.constant 5.000000e-01 : f32
        %add3A_608 = vector.broadcast %add3A_607 : f32 to vector<16xf32>
        %add3A_609 = arith.addf %mul3A_606, %add3A_608 : vector<16xf32>
        %jit3A_610 = arith.constant 0.000000e+00 : f32
        %jit3A_611 = arith.constant 1.000000e+00 : f32
        %max3A_612 = vector.broadcast %jit3A_610 : f32 to vector<16xf32>
        %max3A_613 = arith.maximumf %max3A_612, %add3A_609 : vector<16xf32>
        %min3A_614 = vector.broadcast %jit3A_611 : f32 to vector<16xf32>
        %min3A_615 = arith.minimumf %min3A_614, %max3A_613 : vector<16xf32>
        %get3A_616 = arith.index_cast %mul3A_573 : i32 to index
        %get3A_617 = tpu.vector_load %arg21[%get3A_616] {strides = array<i32>} : memref<3200xf32, #tpu.memory_space<vmem>>, vector<16xf32>,
        %get3A_618 = vector.shape_cast %get3A_617 : vector<16xf32> to vector<16xf32>
        %mul3A_619 = arith.mulf %get3A_618, %min3A_602 : vector<16xf32>
        %swap3A_620 = arith.index_cast %mul3A_573 : i32 to index
        %swap3A_621 = tpu.vector_load %arg23[%swap3A_620] {strides = array<i32>} : memref<3200xf32, #tpu.memory_space<vmem>>, vector<16xf32>,
        %swap3A_622 = vector.shape_cast %swap3A_621 : vector<16xf32> to vector<16xf32>
        %swap3A_623 = vector.shape_cast %mul3A_619 : vector<16xf32> to vector<16xf32>
        tpu.vector_store %arg23[%swap3A_620], %swap3A_623 {strides = array<i32>} : memref<3200xf32, #tpu.memory_space<vmem>>, vector<16xf32>,
        %mul3A_624 = arith.mulf %get3A_618, %min3A_615 : vector<16xf32>
        %swap3A_625 = arith.index_cast %mul3A_573 : i32 to index
        %swap3A_626 = tpu.vector_load %arg25[%swap3A_625] {strides = array<i32>} : memref<3200xf32, #tpu.memory_space<vmem>>, vector<16xf32>,
        %swap3A_627 = vector.shape_cast %swap3A_626 : vector<16xf32> to vector<16xf32>
        %swap3A_628 = vector.shape_cast %mul3A_624 : vector<16xf32> to vector<16xf32>
        tpu.vector_store %arg25[%swap3A_625], %swap3A_628 {strides = array<i32>} : memref<3200xf32, #tpu.memory_space<vmem>>, vector<16xf32>,
        %mul3A_629 = arith.constant 4 : i32
        %mul3A_630 = arith.muli %mul3A_629, %scan3A_514 : i32
        %add3A_631 = arith.constant 2 : i32
        %add3A_632 = arith.addi %mul3A_630, %add3A_631 : i32
        %mul3A_633 = arith.constant 16 : i32
        %mul3A_634 = arith.muli %add3A_632, %mul3A_633 : i32
        %get3A_635 = arith.index_cast %mul3A_634 : i32 to index
        %get3A_636 = tpu.vector_load %arg17[%get3A_635] {strides = array<i32>} : memref<3200xi32, #tpu.memory_space<vmem>>, vector<16xi32>,
        %get3A_637 = vector.shape_cast %get3A_636 : vector<16xi32> to vector<16xi32>
        %get3A_638 = arith.index_cast %mul3A_634 : i32 to index
        %get3A_639 = tpu.vector_load %arg19[%get3A_638] {strides = array<i32>} : memref<3200xi32, #tpu.memory_space<vmem>>, vector<16xi32>,
        %get3A_640 = vector.shape_cast %get3A_639 : vector<16xi32> to vector<16xi32>
        %and3A_641 = arith.andi %get3A_640, %broadcast_in_dim3A_3 : vector<16xi32>
        %and3A_642 = arith.andi %get3A_637, %broadcast_in_dim3A_3 : vector<16xi32>
        %sub3A_643 = arith.subi %and3A_641, %and3A_642 : vector<16xi32>
        %shift_right_logical3A_644 = arith.constant 16 : i32
        %shift_right_logical3A_645 = vector.broadcast %shift_right_logical3A_644 : i32 to vector<16xi32>
        %shift_right_logical3A_646 = arith.shrui %get3A_640, %shift_right_logical3A_645 : vector<16xi32>
        %shift_right_logical3A_647 = arith.constant 16 : i32
        %shift_right_logical3A_648 = vector.broadcast %shift_right_logical3A_647 : i32 to vector<16xi32>
        %shift_right_logical3A_649 = arith.shrui %get3A_637, %shift_right_logical3A_648 : vector<16xi32>
        %sub3A_650 = arith.subi %shift_right_logical3A_646, %shift_right_logical3A_649 : vector<16xi32>
        %convert_element_type3A_651 = arith.sitofp %sub3A_643 : vector<16xi32> to vector<16xf32>
        %mul3A_652 = arith.constant 3.05180438E-4 : f32
        %mul3A_653 = vector.broadcast %mul3A_652 : f32 to vector<16xf32>
        %mul3A_654 = arith.mulf %convert_element_type3A_651, %mul3A_653 : vector<16xf32>
        %add3A_655 = arith.constant 5.000000e-01 : f32
        %add3A_656 = vector.broadcast %add3A_655 : f32 to vector<16xf32>
        %add3A_657 = arith.addf %mul3A_654, %add3A_656 : vector<16xf32>
        %jit3A_658 = arith.constant 0.000000e+00 : f32
        %jit3A_659 = arith.constant 1.000000e+00 : f32
        %max3A_660 = vector.broadcast %jit3A_658 : f32 to vector<16xf32>
        %max3A_661 = arith.maximumf %max3A_660, %add3A_657 : vector<16xf32>
        %min3A_662 = vector.broadcast %jit3A_659 : f32 to vector<16xf32>
        %min3A_663 = arith.minimumf %min3A_662, %max3A_661 : vector<16xf32>
        %convert_element_type3A_664 = arith.sitofp %sub3A_650 : vector<16xi32> to vector<16xf32>
        %mul3A_665 = arith.constant 3.05180438E-4 : f32
        %mul3A_666 = vector.broadcast %mul3A_665 : f32 to vector<16xf32>
        %mul3A_667 = arith.mulf %convert_element_type3A_664, %mul3A_666 : vector<16xf32>
        %add3A_668 = arith.constant 5.000000e-01 : f32
        %add3A_669 = vector.broadcast %add3A_668 : f32 to vector<16xf32>
        %add3A_670 = arith.addf %mul3A_667, %add3A_669 : vector<16xf32>
        %jit3A_671 = arith.constant 0.000000e+00 : f32
        %jit3A_672 = arith.constant 1.000000e+00 : f32
        %max3A_673 = vector.broadcast %jit3A_671 : f32 to vector<16xf32>
        %max3A_674 = arith.maximumf %max3A_673, %add3A_670 : vector<16xf32>
        %min3A_675 = vector.broadcast %jit3A_672 : f32 to vector<16xf32>
        %min3A_676 = arith.minimumf %min3A_675, %max3A_674 : vector<16xf32>
        %get3A_677 = arith.index_cast %mul3A_634 : i32 to index
        %get3A_678 = tpu.vector_load %arg21[%get3A_677] {strides = array<i32>} : memref<3200xf32, #tpu.memory_space<vmem>>, vector<16xf32>,
        %get3A_679 = vector.shape_cast %get3A_678 : vector<16xf32> to vector<16xf32>
        %mul3A_680 = arith.mulf %get3A_679, %min3A_663 : vector<16xf32>
        %swap3A_681 = arith.index_cast %mul3A_634 : i32 to index
        %swap3A_682 = tpu.vector_load %arg23[%swap3A_681] {strides = array<i32>} : memref<3200xf32, #tpu.memory_space<vmem>>, vector<16xf32>,
        %swap3A_683 = vector.shape_cast %swap3A_682 : vector<16xf32> to vector<16xf32>
        %swap3A_684 = vector.shape_cast %mul3A_680 : vector<16xf32> to vector<16xf32>
        tpu.vector_store %arg23[%swap3A_681], %swap3A_684 {strides = array<i32>} : memref<3200xf32, #tpu.memory_space<vmem>>, vector<16xf32>,
        %mul3A_685 = arith.mulf %get3A_679, %min3A_676 : vector<16xf32>
        %swap3A_686 = arith.index_cast %mul3A_634 : i32 to index
        %swap3A_687 = tpu.vector_load %arg25[%swap3A_686] {strides = array<i32>} : memref<3200xf32, #tpu.memory_space<vmem>>, vector<16xf32>,
        %swap3A_688 = vector.shape_cast %swap3A_687 : vector<16xf32> to vector<16xf32>
        %swap3A_689 = vector.shape_cast %mul3A_685 : vector<16xf32> to vector<16xf32>
        tpu.vector_store %arg25[%swap3A_686], %swap3A_689 {strides = array<i32>} : memref<3200xf32, #tpu.memory_space<vmem>>, vector<16xf32>,
        %mul3A_690 = arith.constant 4 : i32
        %mul3A_691 = arith.muli %mul3A_690, %scan3A_514 : i32
        %add3A_692 = arith.constant 3 : i32
        %add3A_693 = arith.addi %mul3A_691, %add3A_692 : i32
        %mul3A_694 = arith.constant 16 : i32
        %mul3A_695 = arith.muli %add3A_693, %mul3A_694 : i32
        %get3A_696 = arith.index_cast %mul3A_695 : i32 to index
        %get3A_697 = tpu.vector_load %arg17[%get3A_696] {strides = array<i32>} : memref<3200xi32, #tpu.memory_space<vmem>>, vector<16xi32>,
        %get3A_698 = vector.shape_cast %get3A_697 : vector<16xi32> to vector<16xi32>
        %get3A_699 = arith.index_cast %mul3A_695 : i32 to index
        %get3A_700 = tpu.vector_load %arg19[%get3A_699] {strides = array<i32>} : memref<3200xi32, #tpu.memory_space<vmem>>, vector<16xi32>,
        %get3A_701 = vector.shape_cast %get3A_700 : vector<16xi32> to vector<16xi32>
        %and3A_702 = arith.andi %get3A_701, %broadcast_in_dim3A_3 : vector<16xi32>
        %and3A_703 = arith.andi %get3A_698, %broadcast_in_dim3A_3 : vector<16xi32>
        %sub3A_704 = arith.subi %and3A_702, %and3A_703 : vector<16xi32>
        %shift_right_logical3A_705 = arith.constant 16 : i32
        %shift_right_logical3A_706 = vector.broadcast %shift_right_logical3A_705 : i32 to vector<16xi32>
        %shift_right_logical3A_707 = arith.shrui %get3A_701, %shift_right_logical3A_706 : vector<16xi32>
        %shift_right_logical3A_708 = arith.constant 16 : i32
        %shift_right_logical3A_709 = vector.broadcast %shift_right_logical3A_708 : i32 to vector<16xi32>
        %shift_right_logical3A_710 = arith.shrui %get3A_698, %shift_right_logical3A_709 : vector<16xi32>
        %sub3A_711 = arith.subi %shift_right_logical3A_707, %shift_right_logical3A_710 : vector<16xi32>
        %convert_element_type3A_712 = arith.sitofp %sub3A_704 : vector<16xi32> to vector<16xf32>
        %mul3A_713 = arith.constant 3.05180438E-4 : f32
        %mul3A_714 = vector.broadcast %mul3A_713 : f32 to vector<16xf32>
        %mul3A_715 = arith.mulf %convert_element_type3A_712, %mul3A_714 : vector<16xf32>
        %add3A_716 = arith.constant 5.000000e-01 : f32
        %add3A_717 = vector.broadcast %add3A_716 : f32 to vector<16xf32>
        %add3A_718 = arith.addf %mul3A_715, %add3A_717 : vector<16xf32>
        %jit3A_719 = arith.constant 0.000000e+00 : f32
        %jit3A_720 = arith.constant 1.000000e+00 : f32
        %max3A_721 = vector.broadcast %jit3A_719 : f32 to vector<16xf32>
        %max3A_722 = arith.maximumf %max3A_721, %add3A_718 : vector<16xf32>
        %min3A_723 = vector.broadcast %jit3A_720 : f32 to vector<16xf32>
        %min3A_724 = arith.minimumf %min3A_723, %max3A_722 : vector<16xf32>
        %convert_element_type3A_725 = arith.sitofp %sub3A_711 : vector<16xi32> to vector<16xf32>
        %mul3A_726 = arith.constant 3.05180438E-4 : f32
        %mul3A_727 = vector.broadcast %mul3A_726 : f32 to vector<16xf32>
        %mul3A_728 = arith.mulf %convert_element_type3A_725, %mul3A_727 : vector<16xf32>
        %add3A_729 = arith.constant 5.000000e-01 : f32
        %add3A_730 = vector.broadcast %add3A_729 : f32 to vector<16xf32>
        %add3A_731 = arith.addf %mul3A_728, %add3A_730 : vector<16xf32>
        %jit3A_732 = arith.constant 0.000000e+00 : f32
        %jit3A_733 = arith.constant 1.000000e+00 : f32
        %max3A_734 = vector.broadcast %jit3A_732 : f32 to vector<16xf32>
        %max3A_735 = arith.maximumf %max3A_734, %add3A_731 : vector<16xf32>
        %min3A_736 = vector.broadcast %jit3A_733 : f32 to vector<16xf32>
        %min3A_737 = arith.minimumf %min3A_736, %max3A_735 : vector<16xf32>
        %get3A_738 = arith.index_cast %mul3A_695 : i32 to index
        %get3A_739 = tpu.vector_load %arg21[%get3A_738] {strides = array<i32>} : memref<3200xf32, #tpu.memory_space<vmem>>, vector<16xf32>,
        %get3A_740 = vector.shape_cast %get3A_739 : vector<16xf32> to vector<16xf32>
        %mul3A_741 = arith.mulf %get3A_740, %min3A_724 : vector<16xf32>
        %swap3A_742 = arith.index_cast %mul3A_695 : i32 to index
        %swap3A_743 = tpu.vector_load %arg23[%swap3A_742] {strides = array<i32>} : memref<3200xf32, #tpu.memory_space<vmem>>, vector<16xf32>,
        %swap3A_744 = vector.shape_cast %swap3A_743 : vector<16xf32> to vector<16xf32>
        %swap3A_745 = vector.shape_cast %mul3A_741 : vector<16xf32> to vector<16xf32>
        tpu.vector_store %arg23[%swap3A_742], %swap3A_745 {strides = array<i32>} : memref<3200xf32, #tpu.memory_space<vmem>>, vector<16xf32>,
        %mul3A_746 = arith.mulf %get3A_740, %min3A_737 : vector<16xf32>
        %swap3A_747 = arith.index_cast %mul3A_695 : i32 to index
        %swap3A_748 = tpu.vector_load %arg25[%swap3A_747] {strides = array<i32>} : memref<3200xf32, #tpu.memory_space<vmem>>, vector<16xf32>,
        %swap3A_749 = vector.shape_cast %swap3A_748 : vector<16xf32> to vector<16xf32>
        %swap3A_750 = vector.shape_cast %mul3A_746 : vector<16xf32> to vector<16xf32>
        tpu.vector_store %arg25[%swap3A_747], %swap3A_750 {strides = array<i32>} : memref<3200xf32, #tpu.memory_space<vmem>>, vector<16xf32>,
      }
      %scan3A_509 = arith.constant 50 : i32
      %dma_start3A_510 = arith.constant 0 : i32
      %dma_start3A_511 = tpu.memref_slice %arg26[%dma_start3A_510] : memref<51200xf32, #tpu.memory_space<vmem_shared>> -> memref<51200xf32, #tpu.memory_space<vmem_shared>>
      tpu.enqueue_indirect_dma source(%arg23 : memref<3200xf32, #tpu.memory_space<vmem>>) target(%dma_start3A_511 : memref<51200xf32, #tpu.memory_space<vmem_shared>>) offsets(%arg15 : memref<3200xi32, #tpu.memory_space<vmem>>) semaphore(%arg33 : memref<!tpu.dma_semaphore, #tpu.memory_space<semaphore_mem>>) {add = true}
      %dma_start3A_512 = arith.constant 0 : i32
      %dma_start3A_513 = tpu.memref_slice %arg27[%dma_start3A_512] : memref<51200xf32, #tpu.memory_space<vmem_shared>> -> memref<51200xf32, #tpu.memory_space<vmem_shared>>
      tpu.enqueue_indirect_dma source(%arg25 : memref<3200xf32, #tpu.memory_space<vmem>>) target(%dma_start3A_513 : memref<51200xf32, #tpu.memory_space<vmem_shared>>) offsets(%arg15 : memref<3200xi32, #tpu.memory_space<vmem>>) semaphore(%arg33 : memref<!tpu.dma_semaphore, #tpu.memory_space<semaphore_mem>>) {add = true}
    }
    %scan3A_223 = arith.constant 7 : i32
    %dma_wait3A_224 = arith.constant 0 : i32
    %dma_wait3A_225 = tpu.memref_slice %arg3[%dma_wait3A_224] : memref<51200xf32, #tpu.memory_space<hbm>> -> memref<3200xf32, #tpu.memory_space<hbm>>
    %dma_wait3A_226 = arith.constant 0 : i32
    %dma_wait3A_227 = tpu.memref_slice %arg3[%dma_wait3A_226] : memref<51200xf32, #tpu.memory_space<hbm>> -> memref<3200xf32, #tpu.memory_space<hbm>>
    tpu.wait_dma2 semaphore(%arg32 : memref<!tpu.dma_semaphore, #tpu.memory_space<semaphore_mem>>) src(%dma_wait3A_227 : memref<3200xf32, #tpu.memory_space<hbm>>) dst(%arg22 : memref<3200xf32, #tpu.memory_space<vmem>>)
    %dma_wait3A_228 = arith.constant 0 : i32
    %dma_wait3A_229 = tpu.memref_slice %arg3[%dma_wait3A_228] : memref<51200xf32, #tpu.memory_space<hbm>> -> memref<3200xf32, #tpu.memory_space<hbm>>
    %dma_wait3A_230 = arith.constant 0 : i32
    %dma_wait3A_231 = tpu.memref_slice %arg3[%dma_wait3A_230] : memref<51200xf32, #tpu.memory_space<hbm>> -> memref<3200xf32, #tpu.memory_space<hbm>>
    tpu.wait_dma2 semaphore(%arg32 : memref<!tpu.dma_semaphore, #tpu.memory_space<semaphore_mem>>) src(%dma_wait3A_231 : memref<3200xf32, #tpu.memory_space<hbm>>) dst(%arg24 : memref<3200xf32, #tpu.memory_space<vmem>>)
    %dma_wait3A_232 = arith.constant 0 : i32
    %dma_wait3A_233 = tpu.memref_slice %arg3[%dma_wait3A_232] : memref<51200xf32, #tpu.memory_space<hbm>> -> memref<3200xf32, #tpu.memory_space<hbm>>
    %dma_wait3A_234 = arith.constant 0 : i32
    %dma_wait3A_235 = tpu.memref_slice %arg3[%dma_wait3A_234] : memref<51200xf32, #tpu.memory_space<hbm>> -> memref<3200xf32, #tpu.memory_space<hbm>>
    tpu.wait_dma2 semaphore(%arg33 : memref<!tpu.dma_semaphore, #tpu.memory_space<semaphore_mem>>) src(%dma_wait3A_235 : memref<3200xf32, #tpu.memory_space<hbm>>) dst(%arg23 : memref<3200xf32, #tpu.memory_space<vmem>>)
    %dma_wait3A_236 = arith.constant 0 : i32
    %dma_wait3A_237 = tpu.memref_slice %arg3[%dma_wait3A_236] : memref<51200xf32, #tpu.memory_space<hbm>> -> memref<3200xf32, #tpu.memory_space<hbm>>
    %dma_wait3A_238 = arith.constant 0 : i32
    %dma_wait3A_239 = tpu.memref_slice %arg3[%dma_wait3A_238] : memref<51200xf32, #tpu.memory_space<hbm>> -> memref<3200xf32, #tpu.memory_space<hbm>>
    tpu.wait_dma2 semaphore(%arg33 : memref<!tpu.dma_semaphore, #tpu.memory_space<semaphore_mem>>) src(%dma_wait3A_239 : memref<3200xf32, #tpu.memory_space<hbm>>) dst(%arg25 : memref<3200xf32, #tpu.memory_space<vmem>>)
    %dma_wait3A_240 = arith.constant 0 : i32
    %dma_wait3A_241 = tpu.memref_slice %arg3[%dma_wait3A_240] : memref<51200xf32, #tpu.memory_space<hbm>> -> memref<3200xf32, #tpu.memory_space<hbm>>
    %dma_wait3A_242 = arith.constant 0 : i32
    %dma_wait3A_243 = tpu.memref_slice %arg3[%dma_wait3A_242] : memref<51200xf32, #tpu.memory_space<hbm>> -> memref<3200xf32, #tpu.memory_space<hbm>>
    tpu.wait_dma2 semaphore(%arg30 : memref<!tpu.dma_semaphore, #tpu.memory_space<semaphore_mem>>) src(%dma_wait3A_243 : memref<3200xf32, #tpu.memory_space<hbm>>) dst(%arg20 : memref<3200xf32, #tpu.memory_space<vmem>>)
    %dma_wait3A_244 = arith.constant 0 : i32
    %dma_wait3A_245 = tpu.memref_slice %arg3[%dma_wait3A_244] : memref<51200xf32, #tpu.memory_space<hbm>> -> memref<3200xf32, #tpu.memory_space<hbm>>
    %dma_wait3A_246 = arith.constant 0 : i32
    %dma_wait3A_247 = tpu.memref_slice %arg3[%dma_wait3A_246] : memref<51200xf32, #tpu.memory_space<hbm>> -> memref<3200xf32, #tpu.memory_space<hbm>>
    tpu.wait_dma2 semaphore(%arg30 : memref<!tpu.dma_semaphore, #tpu.memory_space<semaphore_mem>>) src(%dma_wait3A_247 : memref<3200xf32, #tpu.memory_space<hbm>>) dst(%arg22 : memref<3200xf32, #tpu.memory_space<vmem>>)
    %dma_wait3A_248 = arith.constant 0 : i32
    %dma_wait3A_249 = tpu.memref_slice %arg3[%dma_wait3A_248] : memref<51200xf32, #tpu.memory_space<hbm>> -> memref<3200xf32, #tpu.memory_space<hbm>>
    %dma_wait3A_250 = arith.constant 0 : i32
    %dma_wait3A_251 = tpu.memref_slice %arg3[%dma_wait3A_250] : memref<51200xf32, #tpu.memory_space<hbm>> -> memref<3200xf32, #tpu.memory_space<hbm>>
    tpu.wait_dma2 semaphore(%arg30 : memref<!tpu.dma_semaphore, #tpu.memory_space<semaphore_mem>>) src(%dma_wait3A_251 : memref<3200xf32, #tpu.memory_space<hbm>>) dst(%arg24 : memref<3200xf32, #tpu.memory_space<vmem>>)
    %dma_wait3A_252 = arith.constant 0 : i32
    %dma_wait3A_253 = tpu.memref_slice %arg4[%dma_wait3A_252] : memref<1638400xi32, #tpu.memory_space<hbm>> -> memref<3200xi32, #tpu.memory_space<hbm>>
    %dma_wait3A_254 = arith.constant 0 : i32
    %dma_wait3A_255 = tpu.memref_slice %arg4[%dma_wait3A_254] : memref<1638400xi32, #tpu.memory_space<hbm>> -> memref<3200xi32, #tpu.memory_space<hbm>>
    tpu.wait_dma2 semaphore(%arg35 : memref<!tpu.dma_semaphore, #tpu.memory_space<semaphore_mem>>) src(%dma_wait3A_255 : memref<3200xi32, #tpu.memory_space<hbm>>) dst(%arg9 : memref<3200xi32, #tpu.memory_space<vmem>>)
    %dma_wait3A_256 = arith.constant 0 : i32
    %dma_wait3A_257 = tpu.memref_slice %arg4[%dma_wait3A_256] : memref<1638400xi32, #tpu.memory_space<hbm>> -> memref<3200xi32, #tpu.memory_space<hbm>>
    %dma_wait3A_258 = arith.constant 0 : i32
    %dma_wait3A_259 = tpu.memref_slice %arg4[%dma_wait3A_258] : memref<1638400xi32, #tpu.memory_space<hbm>> -> memref<3200xi32, #tpu.memory_space<hbm>>
    tpu.wait_dma2 semaphore(%arg35 : memref<!tpu.dma_semaphore, #tpu.memory_space<semaphore_mem>>) src(%dma_wait3A_259 : memref<3200xi32, #tpu.memory_space<hbm>>) dst(%arg13 : memref<3200xi32, #tpu.memory_space<vmem>>)
    %barrier3A_260 = arith.constant 0 : index
    tpu.barrier barrier_id(%barrier3A_260)
    %mul3A_261 = arith.constant 2 : i32
    %mul3A_262 = arith.muli %arg0, %mul3A_261 : i32
    %mul3A_263 = arith.constant 51200 : i32
    %mul3A_264 = arith.muli %mul3A_262, %mul3A_263 : i32
    %mul3A_265 = arith.constant 3200 : i32
    %mul3A_266 = arith.muli %arg1, %mul3A_265 : i32
    %add3A_267 = arith.addi %mul3A_264, %mul3A_266 : i32
    %mul3A_268 = arith.constant 3200 : i32
    %mul3A_269 = arith.muli %arg1, %mul3A_268 : i32
    "tpu.region"() ({
      %run_scoped3A = tpu.sem_alloc : memref<!tpu.dma_semaphore, #tpu.memory_space<semaphore_mem>>
      %dma_start3A_274 = tpu.memref_slice %arg7[%add3A_267] : memref<102400xf32, #tpu.memory_space<hbm>> -> memref<3200xf32, #tpu.memory_space<hbm>>
      %dma_start3A_275 = tpu.memref_slice %arg26[%mul3A_269] : memref<51200xf32, #tpu.memory_space<vmem_shared>> -> memref<3200xf32, #tpu.memory_space<vmem_shared>>
      tpu.enqueue_dma source(%dma_start3A_275 : memref<3200xf32, #tpu.memory_space<vmem_shared>>) target(%dma_start3A_274 : memref<3200xf32, #tpu.memory_space<hbm>>) target_semaphore(%run_scoped3A : memref<!tpu.dma_semaphore, #tpu.memory_space<semaphore_mem>>)
      %dma_wait3A_276 = tpu.memref_slice %arg7[%add3A_267] : memref<102400xf32, #tpu.memory_space<hbm>> -> memref<3200xf32, #tpu.memory_space<hbm>>
      %dma_wait3A_277 = tpu.memref_slice %arg26[%mul3A_269] : memref<51200xf32, #tpu.memory_space<vmem_shared>> -> memref<3200xf32, #tpu.memory_space<vmem_shared>>
      tpu.wait_dma2 semaphore(%run_scoped3A : memref<!tpu.dma_semaphore, #tpu.memory_space<semaphore_mem>>) src(%dma_wait3A_277 : memref<3200xf32, #tpu.memory_space<vmem_shared>>) dst(%dma_wait3A_276 : memref<3200xf32, #tpu.memory_space<hbm>>)
      tpu.yield
    }) : () -> ()
    %mul3A_270 = arith.constant 3200 : i32
    %mul3A_271 = arith.muli %arg1, %mul3A_270 : i32
    %add3A_272 = arith.constant 51200 : i32
    %add3A_273 = arith.addi %add3A_267, %add3A_272 : i32
    "tpu.region"() ({
      %run_scoped3A = tpu.sem_alloc : memref<!tpu.dma_semaphore, #tpu.memory_space<semaphore_mem>>
      %dma_start3A_274 = tpu.memref_slice %arg7[%add3A_273] : memref<102400xf32, #tpu.memory_space<hbm>> -> memref<3200xf32, #tpu.memory_space<hbm>>
      %dma_start3A_275 = tpu.memref_slice %arg27[%mul3A_271] : memref<51200xf32, #tpu.memory_space<vmem_shared>> -> memref<3200xf32, #tpu.memory_space<vmem_shared>>
      tpu.enqueue_dma source(%dma_start3A_275 : memref<3200xf32, #tpu.memory_space<vmem_shared>>) target(%dma_start3A_274 : memref<3200xf32, #tpu.memory_space<hbm>>) target_semaphore(%run_scoped3A : memref<!tpu.dma_semaphore, #tpu.memory_space<semaphore_mem>>)
      %dma_wait3A_276 = tpu.memref_slice %arg7[%add3A_273] : memref<102400xf32, #tpu.memory_space<hbm>> -> memref<3200xf32, #tpu.memory_space<hbm>>
      %dma_wait3A_277 = tpu.memref_slice %arg27[%mul3A_271] : memref<51200xf32, #tpu.memory_space<vmem_shared>> -> memref<3200xf32, #tpu.memory_space<vmem_shared>>
      tpu.wait_dma2 semaphore(%run_scoped3A : memref<!tpu.dma_semaphore, #tpu.memory_space<semaphore_mem>>) src(%dma_wait3A_277 : memref<3200xf32, #tpu.memory_space<vmem_shared>>) dst(%dma_wait3A_276 : memref<3200xf32, #tpu.memory_space<hbm>>)
      tpu.yield
    }) : () -> ()
    return
  }
}

module attributes {stable_mosaic.version = 14 : i64} {
  func.func @_tc_expand_body(%arg0: memref<2x51200xf32, #tpu.memory_space<vmem>>, %arg1: memref<2x32xf32, #tpu.memory_space<vmem>>, %arg2: memref<50000x32xf32, #tpu.memory_space<vmem>>) attributes {dimension_semantics = [], scalar_prefetch = 0 : i64, scratch_operands = 0 : i64, tpu.core_type = #tpu.core_type<tc>} {
    %get3A = arith.constant 0 : index
    %get3A_0 = arith.constant 0 : index
    %get3A_1 = vector.load %arg0[%get3A, %get3A_0] : memref<2x51200xf32, #tpu.memory_space<vmem>>, vector<2x50000xf32>
    %get3A_2 = arith.constant 0 : index
    %get3A_3 = arith.constant 0 : index
    %get3A_4 = vector.load %arg1[%get3A_2, %get3A_3] : memref<2x32xf32, #tpu.memory_space<vmem>>, vector<2x32xf32>
    %dot_general3A = arith.constant dense<0.000000e+00> : vector<50000x32xf32>
    %dot_general3A_5 = tpu.matmul %get3A_1, %get3A_4, %dot_general3A {dimension_numbers = #tpu.dot_dimension_numbers<[0], [0], [1], [1], [0, 1, 1, 1], [], []>, transpose_lhs_hint = false} : vector<2x50000xf32>, vector<2x32xf32>, vector<50000x32xf32> -> vector<50000x32xf32>
    %swap3A = arith.constant 0 : index
    %swap3A_6 = arith.constant 0 : index
    %swap3A_7 = vector.load %arg2[%swap3A, %swap3A_6] : memref<50000x32xf32, #tpu.memory_space<vmem>>, vector<50000x32xf32>
    tpu.vector_store %arg2[%swap3A, %swap3A_6], %dot_general3A_5 {strides = array<i32>} : memref<50000x32xf32, #tpu.memory_space<vmem>>, vector<50000x32xf32>,
    return
  }
}

</mosaic_0001>

<sc_bundles>
// kernel: kernel.4.cloned.1.call-start
scs
__scs_entry_jumppad:
0x0: {  	(pc) =	sbr.rel $0x88, $3  }
0x1: {  	(tag) =	ssettag $0x0;
	lr =	simm.s32 $0x1  }
0x2: {  	[smem:$0x3F9D] =	sst lr;
	_ =	strace $0xD0000000  }
0x3: {  	_ = 	snop  }
0x4: {  	_ = 	snop  }
0x5: {  	_ = 	snop  }
0x6: {  	_ = 	snop  }
0x7: {  	_ = 	snop  }
__scs_overlays_trampoline_lowered:
0x8: {  	[smem:$0x3FAC] =	sst s0  }
0x9: {  	[smem:$0x3FAD] =	sst s1  }
0xa: {  	[smem:$0x3FAE] =	sst s2  }
0xb: {  	[smem:$0x3FAF] =	sst s3  }
0xc: {  	[smem:$0x3FB0] =	sst s4  }
0xd: {  	[smem:$0x3FB1] =	sst s5  }
0xe: {  	[smem:$0x3FB2] =	sst s6  }
0xf: {  	[smem:$0x3FB3] =	sst s7  }
0x10: {  	[smem:$0x3FB4] =	sst s8  }
0x11: {  	[smem:$0x3FB5] =	sst s9;
	s0 =	simm.s32 @!p0 $0x0  }
0x12: {  	s1 =	sld [smem:$0x3F9B];
	s0 =	simm.s32 @p0 $0x1  }
0x13: {  	[smem:$0x3FB6] =	sst s0;
	s0 =	simm.s32 @!p1 $0x0  }
0x14: {  	s2 =	sld [smem:$0x3F9A];
	s0 =	simm.s32 @p1 $0x1  }
0x15: {  	[smem:$0x3FB7] =	sst s0;
	s0 =	simm.s32 @!p2 $0x0  }
0x16: {  	s3 =	sld [smem:$0x3FDB];
	s0 =	simm.s32 @p2 $0x1  }
0x17: {  	s4 =	simm.s32 $0x1BF5;
	[smem:$0x3FB9] =	sst s0  }
0x18: {  	s0 =	sld [smem:$0x3F9C];
	_ =	swait.ge [sflag:s4], $0x0  }
0x19: {  	s7 =	sld [smem:$0x3F9D]  }
0x1a: {  	s8 =	sadd.s32 $0xFFFFE003, lr  }
0x1b: {  	s9 =	sadd.s32 $0xFFFFFEF7, lr;
	s5 =	simm.s32 $0xFFFFFFFF;
	p2 =	slt.u32 s8, $0xFFFFF086  }
0x1c: {  	p1 =	slt.u32 s9, $0xF7A;
	s5 =	simm.s32 @!p2 $0x0  }
0x1d: {  	s5 =	simm.s32 @p1 $0x1;
	p0 =	seq.s32 s7, s2  }
0x1e: {  	s7 =	smul.u32 @!p0 $0xF7A, s2;
	p2 =	seq.s32 @!p0 s5, $0x0  }
0x1f: {  	s9 =	smul.u32 $0xF7A, s1;
	s8 =	simm.s32 @!p0 $0x1BF5;
	p2 =	por !p2, p0  }
0x20: {  	[sflag:s8] =	ssyncset.s32 @!p0 $0xFFFFF086;
	s6 =	sadd.s32 @!p0 s3, s7;
	s7 =	simm.s32 @!p0 $0x108  }
0x21: {  	s3 =	sadd.s32 s3, s9;
	s6 =	sadd.s32 @!p0 $0x88, s6;
	s7 =	simm.s32 @p2 $0x1082  }
0x22: {  	[simem:s7], [sflag:s8] =	dma.local @!p0 [hbm:s6], $0xF7A  }
0x23: {  	s9 =	sor.u32 $0xD0000000, s2;
	s6 =	simm.s32 $0x108;
	_ =	swait.ge @!p0 [sflag:s8], $0x0  }
0x24: {  	s3 =	sadd.s32 $0x88, s3;
	s6 =	simm.s32 @!p1 $0x1082;
	[sflag:s4] =	ssyncset.s32 $0xFFFFF086  }
0x25: {  	[simem:s6], [sflag:s4] =	dma.local [hbm:s3], $0xF7A  }
0x26: {  	[smem:$0x3F9D] =	sst s1;
	(tag) =	ssettag s2;
	_ =	strace s9  }
0x27: {  	s1 =	sld [smem:$0x3FAD]  }
0x28: {  	s2 =	sld [smem:$0x3FAE]  }
0x29: {  	s4 =	sld [smem:$0x3FB0]  }
0x2a: {  	p0 =	seq.s32 s5, $0x0;
	s5 =	sld [smem:$0x3FB1]  }
0x2b: {  	s6 =	sld [smem:$0x3FB2]  }
0x2c: {  	s7 =	sld [smem:$0x3FB3]  }
0x2d: {  	s3 =	simm.s32 $0x108;
	s8 =	sld [smem:$0x3FB4]  }
0x2e: {  	s3 =	simm.s32 @!p0 $0x1082;
	s9 =	sld [smem:$0x3FB5]  }
0x2f: {  	lr =	sadd.s32 s0, s3;
	s0 =	sld [smem:$0x3FAC]  }
0x30: {  	s3 =	sld [smem:$0x3FAF]  }
0x31: {  	[smem:$0x3FB8] =	sst s10  }
0x32: {  	s10 =	sld [smem:$0x3FB6];
	_ =	sdelay $0x3  }
0x33: {  	p0 =	seq.s32 s10, $0x1;
	s10 =	sld [smem:$0x3FB8];
	_ =	sdelay $0x3  }
0x34: {  	[smem:$0x3FB8] =	sst s10  }
0x35: {  	s10 =	sld [smem:$0x3FB7];
	_ =	sdelay $0x3  }
0x36: {  	p1 =	seq.s32 s10, $0x1;
	s10 =	sld [smem:$0x3FB8];
	_ =	sdelay $0x3  }
0x37: {  	[smem:$0x3FB8] =	sst s10  }
0x38: {  	s10 =	sld [smem:$0x3FB9]  }
0x39: {  	_ = 	snop;
	(pc) =	sbr.ind lr, $3  }
0x3a: {  	_ = 	snop  }
0x3b: {  	_ = 	snop  }
0x3c: {  	p2 =	seq.s32 s10, $0x1;
	s10 =	sld [smem:$0x3FB8]  }
0x3d: {  	_ =	shalt  }
0x3e: {  	_ =	shalt  }
0x3f: {  	_ =	shalt  }
0x40: {  	_ =	shalt  }
0x41: {  	_ =	shalt  }
0x42: {  	_ =	shalt  }
0x43: {  	_ =	shalt  }
0x44: {  	_ =	shalt  }
0x45: {  	_ =	shalt  }
0x46: {  	_ =	shalt  }
0x47: {  	_ =	shalt  }
0x48: {  	_ =	shalt  }
0x49: {  	_ =	shalt  }
0x4a: {  	_ =	shalt  }
0x4b: {  	_ =	shalt  }
0x4c: {  	_ =	shalt  }
0x4d: {  	_ =	shalt  }
0x4e: {  	_ =	shalt  }
0x4f: {  	_ =	shalt  }
0x50: {  	_ =	shalt  }
0x51: {  	_ =	shalt  }
0x52: {  	_ =	shalt  }
0x53: {  	_ =	shalt  }
0x54: {  	_ =	shalt  }
0x55: {  	_ =	shalt  }
0x56: {  	_ =	shalt  }
0x57: {  	_ =	shalt  }
0x58: {  	_ =	shalt  }
0x59: {  	_ =	shalt  }
0x5a: {  	_ =	shalt  }
0x5b: {  	_ =	shalt  }
0x5c: {  	_ =	shalt  }
0x5d: {  	_ =	shalt  }
0x5e: {  	_ =	shalt  }
0x5f: {  	_ =	shalt  }
0x60: {  	_ =	shalt  }
0x61: {  	_ =	shalt  }
0x62: {  	_ =	shalt  }
0x63: {  	_ =	shalt  }
0x64: {  	_ =	shalt  }
0x65: {  	_ =	shalt  }
0x66: {  	_ =	shalt  }
0x67: {  	_ =	shalt  }
0x68: {  	_ =	shalt  }
0x69: {  	_ =	shalt  }
0x6a: {  	_ =	shalt  }
0x6b: {  	_ =	shalt  }
0x6c: {  	_ =	shalt  }
0x6d: {  	_ =	shalt  }
0x6e: {  	_ =	shalt  }
0x6f: {  	_ =	shalt  }
0x70: {  	_ =	shalt  }
0x71: {  	_ =	shalt  }
0x72: {  	_ =	shalt  }
0x73: {  	_ =	shalt  }
0x74: {  	_ =	shalt  }
0x75: {  	_ =	shalt  }
0x76: {  	_ =	shalt  }
0x77: {  	_ =	shalt  }
0x78: {  	_ =	shalt  }
0x79: {  	_ =	shalt  }
0x7a: {  	_ =	shalt  }
0x7b: {  	_ =	shalt  }
0x7c: {  	_ =	shalt  }
0x7d: {  	_ =	shalt  }
0x7e: {  	_ =	shalt  }
0x7f: {  	_ =	shalt  }
0x80: {  	_ =	shalt  }
0x81: {  	_ =	shalt  }
0x82: {  	_ =	shalt  }
0x83: {  	_ =	shalt  }
0x84: {  	_ =	shalt  }
0x85: {  	_ =	shalt  }
0x86: {  	_ =	shalt  }
0x87: {  	_ =	shalt  }
.Lfunc_end0:
.L_simem_size_0:
called_computation_lowered:
.L_overlay_start_0:
0x88: {  	s0 =	sld [smem:$0x3FD9]  }
0x89: {  	s1 =	sld [smem:$0x3FFE];
	_ =	sdelay $0x3  }
0x8a: {  	s0 =	sadd.s32 s1, s0  }
0x8b: {  	[smem:$0x3FC4] =	sst s0  }
0x8c: {  	_ = 	snop  }
0x8d: {  	s0 =	sld [smem:$0x3FD0];
	(tm) =	ssettm $0x1  }
0x8e: {  	s16 =	sld [smem:$0x3FFB];
	_ =	sdelay $0x3  }
0x8f: {  	_ =	strace s16  }
0x90: {  	s1 =	sld [smem:$0x3FFC];
	_ =	sdelay $0x3  }
0x91: {  	_ =	strace s1  }
0x92: {  	s1 =	sld [smem:$0x3FFD];
	_ =	sdelay $0x3  }
0x93: {  	_ =	strace s1  }
0x94: {  	_ =	strace $0x8FFFFFFF  }
0x95: {  	s17 =	sld [smem:$0x3FDB];
	_ =	sdelay $0x1  }
0x96: {  	s2 =	simm.s32 $_scs_section_size  }
0x97: {  	s3 =	simm.s32 $_size__tile_overlayer_lowered;
	s4 =	simm.s32 $_tile_overlayer_lowered  }
0x98: {  	s20 =	simm.s32 $0x1BFF;
	s19 =	sshll.u32 s4, $0x1;
	s1 =	sadd.s32 s2, s17  }
0x99: {  	s5 =	simm.s32 $0x0;
	s18 =	sshll.u32 s3, $0x1;
	s3 =	sadd.s32 s19, s1  }
0x9a: {  	[timem:s5], [sflag:s20] =	dma.local [hbm:s3], s18  }
0x9b: {  	_ =	swait.ge [sflag:s20], s18  }
0x9c: {  	s2 =	ssub.s32 $0x0, s18;
	[sflag:s20] =	ssyncset.done $0x0  }
0x9d: {  	[sflag:s20] =	ssyncadd.s32 s2;
	_ =	sdelay $0x1  }
0x9e: {  	s21 =	simm.s32 $0x1B8B  }
0x9f: {  	_ =	swait.ge [sflag:s21], $0x1  }
0xa0: {  	[sflag:s21] =	ssyncset.done $0x0  }
0xa1: {  	s23 =	simm.s32 $0x1B8E;
	s22 =	sld [smem:$0x3FFE];
	[sflag:s21] =	ssyncadd.s32 $0xFFFFFFFF  }
0xa2: {  	s24 =	simm.s32 $execute0_lowered;
	[smem:$0x3FD2] =	sst s23  }
0xa3: {  	s3 =	sshll.u32 s24, $0x1;
	_ =	strace $0x80000046;
	[dreg:$0x1] =	wrdreg $0xFFFFFFFF  }
0xa4: {  	s25 =	simm.s32 $_size_execute0_lowered;
	s1 =	sadd.s32 s1, s3;
	[dreg:$0x0] =	wrdreg $0x0  }
0xa5: {  	s3 =	sshll.u32 s25, $0x1;
	[dreg:$0x2] =	wrdreg s1  }
0xa6: {  	[dreg:$0x3] =	wrdreg s3  }
0xa7: {  	[dreg:$0x4] =	wrdreg $0xC0  }
0xa8: {  	_ =	task [dreg:s5], $0x5FFFF  }
0xa9: {  	[dreg:$0x1] =	wrdreg $0xFFFFFFFF  }
0xaa: {  	[dreg:$0x0] =	wrdreg $0x60  }
0xab: {  	[dreg:$0x2] =	wrdreg s22  }
0xac: {  	[dreg:$0x3] =	wrdreg s0  }
0xad: {  	[dreg:$0x4] =	wrdreg $0xE1000  }
0xae: {  	[dreg:$0x5] =	wrdreg $0xED800  }
0xaf: {  	[dreg:$0x6] =	wrdreg $0xFA000  }
0xb0: {  	[dreg:$0x7] =	wrdreg $0x106800  }
0xb1: {  	[dreg:$0x8] =	wrdreg $0x9  }
0xb2: {  	_ =	task.clear_ibuf [dreg:s5], $0x9FFFF;
	_ =	strace $0x90000046  }
0xb3: {  	s26 =	simm.s32 $0x9;
	_ =	strace $0x80000048  }
0xb4: {  	_ =	swait.ge [sflag:s26], $0x1  }
0xb5: {  	[sflag:s26] =	ssyncadd.s32 $0xFFFFFFFF  }
0xb6: {  	_ =	strace $0x90000048  }
0xb7: {  	_ =	sfence  }
0xb8: {  	s28 =	sld [smem:$0x0];
	_ =	sdelay $0x1  }
0xb9: {  	s29 =	srdreg.scid  }
0xba: {  	s30 =	sshll.u32 s29, $0xD;
	s31 =	sshrl.u32 s29, $0x2  }
0xbb: {  	s2 =	sand.u32 $0x4000, s30;
	s1 =	sand.u32 $0x1, s29;
	s0 =	sadd.s32 s31, s28  }
0xbc: {  	s1 =	sor.u32 s2, s1;
	s0 =	sshll.u32 s0, $0x11  }
0xbd: {  	s0 =	sor.u32 s0, s1  }
0xbe: {  	s0 =	sadd.s32 $0x8F2B, s0  }
0xbf: {  	[sflag:s0] =	ssyncadd.remote.s32 $0x1  }
0xc0: {  	_ =	sfence.sel $0xFFFF  }
0xc1: {  	[dreg:$0x0] =	wrdreg $0xFFFFFFFF;
	(pc) =	sbr.abs _section_cstart, $3  }
0xc2: {  	[dreg:$0x1] =	wrdreg $0xFFFFFFFF  }
0xc3: {  	_ =	task.clear_ibuf [dreg:s5], $0x2FFFF;
	_ =	strace $0x9FFFFFFF  }
0xc4: {  	(tm) =	ssettm $0x7FFFFFFF  }
0xc5: {  	_ =	shalt  }
tec
execute0_lowered:
.L_overlay_start_1:
0x0: {  	(tag) =	ssettag $0x1  }
0x1: {  	s7 =	rddreg [dreg:$0x0]  }
0x2: {  	s8 =	rddreg [dreg:$0x2]  }
0x3: {  	s9 =	rddreg [dreg:$0x3];
	s6 =	stileid.u32  }
0x4: {  	s10 =	rddreg [dreg:$0x4];
	s0 =	smul.u32 $0xC80, s6  }
0x5: {  	s11 =	rddreg [dreg:$0x5];
	s1 =	simm.s32 $0x0  }
0x6: {  	s28 =	simm.s32 $0x7;
	[smem:$0x7FF] =	sst s1;
	s2 =	sadd.s32 s0, s8  }
0x7: {  	s3 =	sshll.u32 s6, $0x6;
	s4 =	sadd.s32 $0x67400, s7;
	s2 =	sshrl.u32 s2, $0x3  }
0x8: {  	_ =	strace $0x80000047;
	s12 =	sor.u32 $0x1C07, s3;
	[dreg:$0x8] =	wrdreg s2  }
0x9: {  	[spmem:s2], [sflag:s12] =	dma.local [hbm:s4], $0x190  }
0xa: {  	s29 =	sadd.s32 s0, s9;
	_ =	swait.ge [sflag:s28], $0x190  }
0xb: {  	s3 =	sshrl.u32 s29, $0x3;
	[sflag:s28] =	ssyncset.done $0x0  }
0xc: {  	[dreg:$0x9] =	wrdreg s3;
	[sflag:s28] =	ssyncadd.s32 $0xFFFFFE70  }
0xd: {  	[spmem:s3], [sflag:s12] =	dma.local [hbm:s4], $0x190  }
0xe: {  	s30 =	sshrl.u32 s0, $0x3;
	s31 =	sadd.s32 s0, s10;
	_ =	swait.ge [sflag:s28], $0x190  }
0xf: {  	s3 =	sadd.s32 s30, s7;
	s4 =	sshrl.u32 s31, $0x3;
	[sflag:s28] =	ssyncset.done $0x0  }
0x10: {  	[dreg:$0xa] =	wrdreg s30;
	s5 =	sadd.s32 $0x65A00, s3;
	[sflag:s28] =	ssyncadd.s32 $0xFFFFFE70  }
0x11: {  	[spmem:s4], [sflag:s12] =	dma.local [hbm:s5], $0x190  }
0x12: {  	s0 =	sadd.s32 s0, s11;
	_ =	swait.ge [sflag:s28], $0x190  }
0x13: {  	s0 =	sshrl.u32 s0, $0x3;
	[sflag:s28] =	ssyncset.done $0x0  }
0x14: {  	s3 =	sadd.s32 $0x64000, s3;
	[dreg:$0x7] =	wrdreg s12;
	[sflag:s28] =	ssyncadd.s32 $0xFFFFFE70  }
0x15: {  	[spmem:s0], [sflag:s12] =	dma.local [hbm:s3], $0x190  }
0x16: {  	s0 =	smul.u32 $0x19000, s6;
	_ =	swait.ge [sflag:s28], $0x190  }
0x17: {  	[sflag:s28] =	ssyncset.done $0x0  }
0x18: {  	s12 =	sadd.s32 $0x32000, s7;
	s4 =	sshrl.u32 s0, $0x3;
	[sflag:s28] =	ssyncadd.s32 $0xFFFFFE70  }
0x19: {  	s5 =	sadd.s32 s12, s4;
	[bflag:$0x0] =	sbarrier.arrive $0xFFFF  }
0x1a: {  	[tilespmem:s1], [sflag:$0x5] =	stream.linear.gather [hbm4b:s5+s1], $0xC80, $0x38;
	[tilespmem:$0x11300] =	vst v63  }
0x1b: {  	s13 =	simm.s32 $0x3200;
	s6 =	sadd.s32 s7, s4;
	s3 =	sor.u32 $0x190, s4  }
0x1c: {  	[tilespmem:s13], [sflag:$0x5] =	stream.linear.gather [hbm4b:s6+s1], $0xC80, $0x38;
	[tilespmem:$0x11300] =	vst v63  }
0x1d: {  	s15 =	simm.s32 $0xC80;
	s14 =	sadd.s32 s12, s3  }
0x1e: {  	[tilespmem:s15], [sflag:$0x6] =	stream.linear.gather [hbm4b:s14+s1], $0xC80, $0x38;
	[tilespmem:$0x11300] =	vst v63  }
0x1f: {  	s17 =	simm.s32 $0x3E80;
	s18 =	simm.s32 $0x5;
	s16 =	sadd.s32 s7, s3  }
0x20: {  	[tilespmem:s17], [sflag:$0x6] =	stream.linear.gather [hbm4b:s16+s1], $0xC80, $0x38;
	[tilespmem:$0x11300] =	vst v63  }
0x21: {  	_ =	swait.ge [sflag:s18], $0xC80  }
0x22: {  	[sflag:s18] =	ssyncset.done $0x0  }
0x23: {  	[sflag:s18] =	ssyncadd.s32 $0xFFFFF380  }
0x24: {  	_ =	swait.ge [sflag:s18], $0xC80  }
0x25: {  	[sflag:s18] =	ssyncset.done $0x0  }
0x26: {  	s19 =	simm.s32 $0x6400;
	[sflag:s18] =	ssyncadd.s32 $0xFFFFF380  }
0x27: {  	[tilespmem:s19], [sflag:$0x1] =	stream.indirect.gather [spmem:s10], $0x1, s1, s15, $0xb8;
	[tilespmem:$0x11300] =	vst v63  }
0x28: {  	s20 =	simm.s32 $0x7D00;
	s6 =	sadd.s32 $0x1900, s0  }
0x29: {  	[tilespmem:s20], [sflag:$0x1] =	stream.indirect.gather [spmem:s10], $0x1, s13, s15, $0xb8;
	[tilespmem:$0x11300] =	vst v63  }
0x2a: {  	s22 =	simm.s32 $0x9600;
	s21 =	sshrl.u32 s6, $0x3  }
0x2b: {  	[tilespmem:s22], [sflag:$0x1] =	stream.indirect.gather [spmem:s11], $0x1, s1, s15, $0xb8;
	[tilespmem:$0x11300] =	vst v63  }
0x2c: {  	s24 =	simm.s32 $0x1900;
	s25 =	simm.s32 $0x4B00;
	s23 =	sadd.s32 s12, s21  }
0x2d: {  	[tilespmem:s24], [sflag:$0x5] =	stream.linear.gather [hbm4b:s23+s1], $0xC80, $0x38;
	[tilespmem:$0x11300] =	vst v63  }
0x2e: {  	s26 =	simm.s32 $0x6;
	s2 =	sadd.s32 s7, s21;
	[dreg:$0xb] =	wrdreg s6  }
0x2f: {  	[tilespmem:s25], [sflag:$0x5] =	stream.linear.gather [hbm4b:s2+s1], $0xC80, $0x38;
	[tilespmem:$0x11300] =	vst v63  }
0x30: {  	_ =	swait.ge [sflag:s26], $0xC80  }
0x31: {  	[sflag:s26] =	ssyncset.done $0x0  }
0x32: {  	[sflag:s26] =	ssyncadd.s32 $0xFFFFF380  }
0x33: {  	_ =	swait.ge [sflag:s26], $0xC80  }
0x34: {  	[sflag:s26] =	ssyncset.done $0x0  }
0x35: {  	s28 =	simm.s32 $0x7080;
	[sflag:s26] =	ssyncadd.s32 $0xFFFFF380  }
0x36: {  	[tilespmem:s28], [sflag:$0x2] =	stream.indirect.gather [spmem:s10], $0x1, s15, s15, $0xb8;
	[tilespmem:$0x11300] =	vst v63  }
0x37: {  	s29 =	simm.s32 $0x8980  }
0x38: {  	[tilespmem:s29], [sflag:$0x2] =	stream.indirect.gather [spmem:s10], $0x1, s17, s15, $0xb8;
	[tilespmem:$0x11300] =	vst v63  }
0x39: {  	s31 =	simm.s32 $0x1;
	s30 =	simm.s32 $0xA280  }
0x3a: {  	[tilespmem:s30], [sflag:$0x2] =	stream.indirect.gather [spmem:s11], $0x1, s15, s15, $0xb8;
	[tilespmem:$0x11300] =	vst v63  }
0x3b: {  	_ =	swait.ge [sflag:s31], $0xC80  }
0x3c: {  	[sflag:s31] =	ssyncset.done $0x0  }
0x3d: {  	[sflag:s31] =	ssyncadd.s32 $0xFFFFF380  }
0x3e: {  	_ =	swait.ge [sflag:s31], $0xC80  }
0x3f: {  	[sflag:s31] =	ssyncset.done $0x0  }
0x40: {  	[sflag:s31] =	ssyncadd.s32 $0xFFFFF380  }
0x41: {  	_ =	swait.ge [sflag:s31], $0xC80  }
0x42: {  	[sflag:s31] =	ssyncset.done $0x0  }
0x43: {  	s1 =	simm.s32 $0x0;
	[sflag:s31] =	ssyncadd.s32 $0xFFFFF380  }
0x44: {  	v0 =	vld [tilespmem:s1+$0x6420]  }
0x45: {  	v1 =	vld [tilespmem:s1+$0x7D20]  }
0x46: {  	v2 =	vld [tilespmem:s1+$0x6410]  }
0x47: {  	v3 =	vld [tilespmem:s1+$0x7D10]  }
0x48: {  	v9 =	vld [tilespmem:s1+$0x7D30];
	_ =	sdelay $0x2  }
0x49: {  	v4 =	vld [tilespmem:s1+$0x6430];
	v5 =	vand.u32 $0xFFFF, v1;
	v6 =	vand.u32 $0xFFFF, v0;
	v7 =	vshrl.u32 v2, $0x10  }
0x4a: {  	v8 =	vshrl.u32 v3, $0x10;
	v0 =	vshrl.u32 v0, $0x10;
	v1 =	vshrl.u32 v1, $0x10  }
0x4b: {  	v3 =	vand.u32 $0xFFFF, v3;
	v2 =	vand.u32 $0xFFFF, v2;
	v12 =	vshrl.u32 v9, $0x10  }
0x4c: {  	v9 =	vand.u32 $0xFFFF, v9;
	v5 =	vsub.s32 v5, v6;
	v7 =	vsub.s32 v8, v7  }
0x4d: {  	v6 =	vld [tilespmem:s1+$0x6400];
	v0 =	vsub.s32 v1, v0;
	v2 =	vsub.s32 v3, v2;
	v5 =	vcvt.s32.f32 v5  }
0x4e: {  	v1 =	vshrl.u32 v4, $0x10;
	v7 =	vcvt.s32.f32 v7;
	v2 =	vcvt.s32.f32 v2  }
0x4f: {  	v1 =	vsub.s32 v12, v1;
	v0 =	vcvt.s32.f32 v0;
	v5 =	vmul.f32 $3.051804380e-04, v5  }
0x50: {  	v10 =	vld [tilespmem:s1+$0x9620];
	v8 =	vand.u32 $0xFFFF, v4;
	v1 =	vcvt.s32.f32 v1;
	v7 =	vmul.f32 $3.051804380e-04, v7  }
0x51: {  	v2 =	vmul.f32 $3.051804380e-04, v2;
	v0 =	vmul.f32 $3.051804380e-04, v0;
	v4 =	vadd.f32 $5.000000000e-01, v5;
	v5 =	vld [tilespmem:s1+$0x7D00]  }
0x52: {  	v1 =	vmul.f32 $3.051804380e-04, v1;
	v11 =	vshrl.u32 v6, $0x10;
	v7 =	vadd.f32 $5.000000000e-01, v7  }
0x53: {  	v6 =	vand.u32 $0xFFFF, v6;
	v2 =	vadd.f32 $5.000000000e-01, v2;
	v3 =	vmax.f32 v4, $0.0e+00;
	v4 =	vld [tilespmem:s1+$0x9610]  }
0x54: {  	v0 =	vadd.f32 $5.000000000e-01, v0;
	v1 =	vadd.f32 $5.000000000e-01, v1;
	v3 =	vmin.f32 v3, $1.000000000e+00  }
0x55: {  	v7 =	vmax.f32 v7, $0.0e+00;
	v2 =	vmax.f32 v2, $0.0e+00;
	v3 =	vmul.f32 v3, v10  }
0x56: {  	v13 =	vmax.f32 v0, $0.0e+00;
	v2 =	vmin.f32 v2, $1.000000000e+00;
	v55 =	vand.u32 $0xFFFF, v5  }
0x57: {  	s2 =	simm.s32 $0x40;
	v56 =	vld [tilespmem:s1+$0x9630];
	v5 =	vshrl.u32 v5, $0x10;
	[tilespmem:s1+$0xAF20] =	vst v3;
	v3 =	vmin.f32 v7, $1.000000000e+00;
	v6 =	vsub.s32 v55, v6  }
0x58: {  	v5 =	vsub.s32 v5, v11;
	v3 =	vmul.f32 v3, v4;
	v7 =	vld [tilespmem:s2+$0x6420];
	v6 =	vcvt.s32.f32 v6  }
0x59: {  	v1 =	vmax.f32 v1, $0.0e+00;
	v13 =	vmin.f32 v13, $1.000000000e+00;
	v11 =	vld [tilespmem:s2+$0x7D20];
	v5 =	vcvt.s32.f32 v5  }
0x5a: {  	v10 =	vmul.f32 v13, v10;
	[tilespmem:s1+$0xC810] =	vst v3;
	v3 =	vsub.s32 v9, v8;
	v6 =	vmul.f32 $3.051804380e-04, v6  }
0x5b: {  	v0 =	vmin.f32 v1, $1.000000000e+00;
	v5 =	vmul.f32 $3.051804380e-04, v5;
	v8 =	vld [tilespmem:s2+$0x6430];
	v3 =	vcvt.s32.f32 v3  }
0x5c: {  	v2 =	vmul.f32 v2, v4;
	v4 =	vmul.f32 v0, v56;
	v9 =	vld [tilespmem:s2+$0x6410];
	v6 =	vadd.f32 $5.000000000e-01, v6  }
0x5d: {  	v15 =	vld [tilespmem:s2+$0x7D10];
	v5 =	vadd.f32 $5.000000000e-01, v5;
	v14 =	vmul.f32 $3.051804380e-04, v3;
	v3 =	vshrl.u32 v7, $0x10  }
0x5e: {  	v0 =	vld [tilespmem:s2+$0x7D30];
	v16 =	vand.u32 $0xFFFF, v11;
	v7 =	vand.u32 $0xFFFF, v7;
	v11 =	vshrl.u32 v11, $0x10  }
0x5f: {  	v17 =	vld [tilespmem:s2+$0x6400];
	[tilespmem:s1+$0xC830] =	vst v4;
	v4 =	vsub.s32 v16, v7;
	v3 =	vsub.s32 v11, v3;
	v6 =	vmax.f32 v6, $0.0e+00  }
0x60: {  	v58 =	vmax.f32 v5, $0.0e+00;
	v4 =	vcvt.s32.f32 v4;
	v11 =	vadd.f32 $5.000000000e-01, v14  }
0x61: {  	[tilespmem:s1+$0xAF10] =	vst v2;
	v6 =	vmin.f32 v6, $1.000000000e+00;
	v1 =	vand.u32 $0xFFFF, v8;
	v7 =	vshrl.u32 v8, $0x10  }
0x62: {  	[tilespmem:s1+$0xC820] =	vst v10;
	v2 =	vshrl.u32 v9, $0x10;
	v8 =	vand.u32 $0xFFFF, v15;
	v10 =	vshrl.u32 v15, $0x10  }
0x63: {  	v9 =	vand.u32 $0xFFFF, v9;
	v2 =	vsub.s32 v10, v2;
	v4 =	vmul.f32 $3.051804380e-04, v4;
	v10 =	vld [tilespmem:s1+$0x9600]  }
0x64: {  	v14 =	vmin.f32 v58, $1.000000000e+00;
	v8 =	vsub.s32 v8, v9;
	v57 =	vcvt.s32.f32 v2;
	v2 =	vld [tilespmem:s2+$0x9620]  }
0x65: {  	v59 =	vld [tilespmem:s2+$0x7D00];
	v5 =	vshrl.u32 v17, $0x10;
	v60 =	vcvt.s32.f32 v8;
	v4 =	vadd.f32 $5.000000000e-01, v4  }
0x66: {  	v61 =	vand.u32 $0xFFFF, v17;
	v11 =	vmax.f32 v11, $0.0e+00;
	v9 =	vmul.f32 $3.051804380e-04, v57  }
0x67: {  	v63 =	vmin.f32 v11, $1.000000000e+00;
	v11 =	vmul.f32 $3.051804380e-04, v60;
	v8 =	vmax.f32 v4, $0.0e+00;
	v4 =	vld [tilespmem:s2+$0x9610]  }
0x68: {  	v9 =	vadd.f32 $5.000000000e-01, v9;
	v8 =	vmin.f32 v8, $1.000000000e+00;
	v14 =	vmul.f32 v14, v10  }
0x69: {  	v10 =	vmul.f32 v6, v10;
	v62 =	vmul.f32 v8, v2;
	v8 =	vshrl.u32 v0, $0x10  }
0x6a: {  	v6 =	vand.u32 $0xFFFF, v59;
	v9 =	vmax.f32 v9, $0.0e+00;
	v7 =	vsub.s32 v8, v7;
	[tilespmem:s1+$0xC800] =	vst v14  }
0x6b: {  	v6 =	vsub.s32 v6, v61;
	v8 =	vcvt.s32.f32 v7;
	[tilespmem:s2+$0xAF20] =	vst v62;
	v7 =	vmin.f32 v9, $1.000000000e+00  }
0x6c: {  	s3 =	simm.s32 $0x200;
	v9 =	vmul.f32 v63, v56;
	[tilespmem:s1+$0xAF00] =	vst v10;
	v10 =	vshrl.u32 v59, $0x10;
	v7 =	vmul.f32 v7, v4  }
.LBB2_1:
0x6d: {  	s4 =	sshra.s32 s3, $0x2;
	p0 =	sne.s32 s3, $0x3100;
	s3 =	sadd.s32 $0x100, s3;
	v5 =	vsub.s32 v10, v5;
	v10 =	vadd.f32 $5.000000000e-01, v11;
	v3 =	vcvt.s32.f32 v3;
	v12 =	vld [tilespmem:s2+$0x9630]  }
0x6e: {  	v6 =	vcvt.s32.f32 v6;
	v0 =	vand.u32 $0xFFFF, v0;
	v8 =	vmul.f32 $3.051804380e-04, v8;
	v11 =	vld [tilespmem:s4+$0x6420];
	[tilespmem:s1+$0xAF30] =	vst v9;
	s1 =	smov.u32 s2;
	s2 =	smov.u32 s4  }
0x6f: {  	v0 =	vsub.s32 v0, v1;
	v9 =	vld [tilespmem:s2+$0x7D20];
	v10 =	vmax.f32 v10, $0.0e+00;
	[tilespmem:s1+$0xC810] =	vst v7;
	v3 =	vmul.f32 $3.051804380e-04, v3  }
0x70: {  	v5 =	vcvt.s32.f32 v5;
	v1 =	vmul.f32 $3.051804380e-04, v6;
	v6 =	vadd.f32 $5.000000000e-01, v8;
	v7 =	vld [tilespmem:s2+$0x6430]  }
0x71: {  	v13 =	vcvt.s32.f32 v0;
	v10 =	vmin.f32 v10, $1.000000000e+00;
	v8 =	vld [tilespmem:s2+$0x6410];
	v3 =	vadd.f32 $5.000000000e-01, v3  }
0x72: {  	v5 =	vmul.f32 $3.051804380e-04, v5;
	v14 =	vadd.f32 $5.000000000e-01, v1;
	v1 =	vmax.f32 v6, $0.0e+00;
	v0 =	vld [tilespmem:s2+$0x7D30]  }
0x73: {  	v13 =	vmul.f32 $3.051804380e-04, v13;
	v1 =	vmin.f32 v1, $1.000000000e+00;
	v6 =	vld [tilespmem:s2+$0x7D10];
	v3 =	vmax.f32 v3, $0.0e+00  }
0x74: {  	v4 =	vmul.f32 v10, v4;
	v16 =	vshrl.u32 v11, $0x10;
	v10 =	vmul.f32 v1, v12;
	v15 =	vld [tilespmem:s2+$0x6400]  }
0x75: {  	v17 =	vand.u32 $0xFFFF, v9;
	v3 =	vmin.f32 v3, $1.000000000e+00;
	v1 =	vand.u32 $0xFFFF, v7  }
0x76: {  	v11 =	vand.u32 $0xFFFF, v11;
	v9 =	vshrl.u32 v9, $0x10;
	v2 =	vmul.f32 v3, v2;
	[tilespmem:s1+$0xC830] =	vst v10  }
0x77: {  	v3 =	vsub.s32 v9, v16;
	v7 =	vshrl.u32 v7, $0x10;
	v10 =	vsub.s32 v17, v11;
	[tilespmem:s1+$0xAF10] =	vst v4  }
0x78: {  	v5 =	vadd.f32 $5.000000000e-01, v5;
	v4 =	vshrl.u32 v8, $0x10;
	v9 =	vcvt.s32.f32 v10;
	[tilespmem:s1+$0xC820] =	vst v2  }
0x79: {  	v10 =	vand.u32 $0xFFFF, v6;
	v2 =	vshrl.u32 v6, $0x10;
	v6 =	vadd.f32 $5.000000000e-01, v13  }
0x7a: {  	v2 =	vsub.s32 v2, v4;
	v4 =	vmul.f32 $3.051804380e-04, v9;
	v9 =	vmax.f32 v14, $0.0e+00;
	v11 =	vld [tilespmem:s1+$0x9600]  }
0x7b: {  	v8 =	vand.u32 $0xFFFF, v8;
	v13 =	vcvt.s32.f32 v2;
	v6 =	vmax.f32 v6, $0.0e+00;
	v2 =	vld [tilespmem:s2+$0x9620]  }
0x7c: {  	v14 =	vmax.f32 v5, $0.0e+00;
	v9 =	vmin.f32 v9, $1.000000000e+00;
	v4 =	vadd.f32 $5.000000000e-01, v4  }
0x7d: {  	v5 =	vshrl.u32 v15, $0x10;
	v8 =	vsub.s32 v10, v8;
	v10 =	vmul.f32 $3.051804380e-04, v13;
	v16 =	vld [tilespmem:s2+$0x7D00]  }
0x7e: {  	v14 =	vmin.f32 v14, $1.000000000e+00;
	v13 =	vcvt.s32.f32 v8;
	v8 =	vmax.f32 v4, $0.0e+00  }
0x7f: {  	v10 =	vadd.f32 $5.000000000e-01, v10;
	v8 =	vmin.f32 v8, $1.000000000e+00;
	v4 =	vld [tilespmem:s2+$0x9610];
	v14 =	vmul.f32 v14, v11  }
.Ltmp0:
0x80: {  	v17 =	vshrl.u32 v0, $0x10;
	v15 =	vand.u32 $0xFFFF, v15;
	v8 =	vmul.f32 v8, v2;
	(pc) =	sbr.rel @p0 .LBB2_1-.Ltmp0, $4  }
0x81: {  	v7 =	vsub.s32 v17, v7;
	v9 =	vmul.f32 v9, v11;
	v10 =	vmax.f32 v10, $0.0e+00;
	[tilespmem:s1+$0xC800] =	vst v14  }
0x82: {  	v14 =	vmin.f32 v6, $1.000000000e+00;
	v11 =	vand.u32 $0xFFFF, v16;
	[tilespmem:s2+$0xAF20] =	vst v8;
	v8 =	vcvt.s32.f32 v7  }
0x83: {  	v7 =	vmin.f32 v10, $1.000000000e+00;
	v6 =	vsub.s32 v11, v15;
	v11 =	vmul.f32 $3.051804380e-04, v13;
	[tilespmem:s1+$0xAF00] =	vst v9  }
0x84: {  	v10 =	vshrl.u32 v16, $0x10;
	v9 =	vmul.f32 v14, v12;
	v7 =	vmul.f32 v7, v4  }
0x85: {  	v3 =	vcvt.s32.f32 v3;
	_ =	sdelay $0x1  }
0x86: {  	v3 =	vmul.f32 $3.051804380e-04, v3  }
0x87: {  	v0 =	vand.u32 $0xFFFF, v0  }
0x88: {  	v0 =	vsub.s32 v0, v1;
	v3 =	vadd.f32 $5.000000000e-01, v3  }
0x89: {  	v8 =	vmul.f32 $3.051804380e-04, v8;
	v0 =	vcvt.s32.f32 v0  }
0x8a: {  	v11 =	vadd.f32 $5.000000000e-01, v11;
	v5 =	vsub.s32 v10, v5;
	v3 =	vmax.f32 v3, $0.0e+00  }
0x8b: {  	v5 =	vcvt.s32.f32 v5;
	v0 =	vmul.f32 $3.051804380e-04, v0;
	v3 =	vmin.f32 v3, $1.000000000e+00  }
0x8c: {  	v12 =	vld [tilespmem:s2+$0x9630];
	v2 =	vmul.f32 v3, v2;
	v3 =	vcvt.s32.f32 v6  }
0x8d: {  	[tilespmem:s1+$0xAF30] =	vst v9;
	v8 =	vadd.f32 $5.000000000e-01, v8;
	v11 =	vmax.f32 v11, $0.0e+00;
	v1 =	vmul.f32 $3.051804380e-04, v5  }
0x8e: {  	v9 =	vmin.f32 v11, $1.000000000e+00;
	v0 =	vadd.f32 $5.000000000e-01, v0;
	[tilespmem:s2+$0xC820] =	vst v2;
	v2 =	vmul.f32 $3.051804380e-04, v3;
	v3 =	vld [tilespmem:s2+$0x9600]  }
0x8f: {  	v8 =	vmax.f32 v8, $0.0e+00;
	v4 =	vmul.f32 v9, v4;
	v1 =	vadd.f32 $5.000000000e-01, v1  }
0x90: {  	v8 =	vmin.f32 v8, $1.000000000e+00;
	v0 =	vmax.f32 v0, $0.0e+00;
	v2 =	vadd.f32 $5.000000000e-01, v2  }
0x91: {  	[tilespmem:s2+$0xC810] =	vst v7;
	v8 =	vmul.f32 v8, v12;
	v1 =	vmax.f32 v1, $0.0e+00;
	v0 =	vmin.f32 v0, $1.000000000e+00  }
0x92: {  	[tilespmem:s2+$0xAF10] =	vst v4;
	v1 =	vmin.f32 v1, $1.000000000e+00;
	v0 =	vmul.f32 v0, v12;
	v2 =	vmax.f32 v2, $0.0e+00  }
0x93: {  	[tilespmem:s2+$0xC830] =	vst v8;
	v2 =	vmin.f32 v2, $1.000000000e+00;
	v1 =	vmul.f32 v1, v3  }
0x94: {  	[tilespmem:s2+$0xAF30] =	vst v0;
	v2 =	vmul.f32 v2, v3  }
0x95: {  	s4 =	sadd.s32 $0x2580, s0;
	[tilespmem:s2+$0xC800] =	vst v1  }
0x96: {  	s16 =	simm.s32 $0xC80;
	s17 =	simm.s32 $0x3200;
	s3 =	simm.s32 $0xAF00;
	[tilespmem:s2+$0xAF00] =	vst v2  }
0x97: {  	[spmem:s8] =	stream.indirect.scatter.add.f32 [tilespmem:s3], [sflag:$0x3], $0x1, s17, s16, $0xb8;
	[tilespmem:$0x11300] =	vst v63  }
0x98: {  	s19 =	simm.s32 $0xC800;
	s21 =	simm.s32 $0x0;
	s18 =	sshrl.u32 s4, $0x3  }
0x99: {  	[spmem:s9] =	stream.indirect.scatter.add.f32 [tilespmem:s19], [sflag:$0x3], $0x1, s17, s16, $0xb8;
	[tilespmem:$0x11300] =	vst v63  }
0x9a: {  	s5 =	simm.s32 $0x2580;
	s23 =	simm.s32 $0x5780;
	s20 =	sadd.s32 s12, s18  }
0x9b: {  	[tilespmem:s5], [sflag:$0x6] =	stream.linear.gather [hbm4b:s20+s21], $0xC80, $0x38;
	[tilespmem:$0x11300] =	vst v63  }
0x9c: {  	s24 =	simm.s32 $0x5;
	[dreg:$0xc] =	wrdreg s4;
	s22 =	sadd.s32 s7, s18  }
0x9d: {  	[tilespmem:s23], [sflag:$0x6] =	stream.linear.gather [hbm4b:s22+s21], $0xC80, $0x38;
	[tilespmem:$0x11300] =	vst v63  }
0x9e: {  	_ =	swait.ge [sflag:s24], $0xC80  }
0x9f: {  	[sflag:s24] =	ssyncset.done $0x0  }
0xa0: {  	[sflag:s24] =	ssyncadd.s32 $0xFFFFF380  }
0xa1: {  	_ =	swait.ge [sflag:s24], $0xC80  }
0xa2: {  	[sflag:s24] =	ssyncset.done $0x0  }
0xa3: {  	s25 =	simm.s32 $0x1900;
	s26 =	simm.s32 $0x6400;
	[sflag:s24] =	ssyncadd.s32 $0xFFFFF380  }
0xa4: {  	[tilespmem:s26], [sflag:$0x1] =	stream.indirect.gather [spmem:s10], $0x1, s25, s16, $0xb8;
	[tilespmem:$0x11300] =	vst v63  }
0xa5: {  	s28 =	simm.s32 $0x4B00;
	s29 =	simm.s32 $0x7D00  }
0xa6: {  	[tilespmem:s29], [sflag:$0x1] =	stream.indirect.gather [spmem:s10], $0x1, s28, s16, $0xb8;
	[tilespmem:$0x11300] =	vst v63  }
0xa7: {  	s30 =	simm.s32 $0x9600;
	s31 =	simm.s32 $0x2  }
0xa8: {  	[tilespmem:s30], [sflag:$0x1] =	stream.indirect.gather [spmem:s11], $0x1, s25, s16, $0xb8;
	[tilespmem:$0x11300] =	vst v63  }
0xa9: {  	_ =	swait.ge [sflag:s31], $0xC80  }
0xaa: {  	[sflag:s31] =	ssyncset.done $0x0  }
0xab: {  	[sflag:s31] =	ssyncadd.s32 $0xFFFFF380  }
0xac: {  	_ =	swait.ge [sflag:s31], $0xC80  }
0xad: {  	[sflag:s31] =	ssyncset.done $0x0  }
0xae: {  	[sflag:s31] =	ssyncadd.s32 $0xFFFFF380  }
0xaf: {  	_ =	swait.ge [sflag:s31], $0xC80  }
0xb0: {  	[sflag:s31] =	ssyncset.done $0x0  }
0xb1: {  	s1 =	simm.s32 $0x0;
	[sflag:s31] =	ssyncadd.s32 $0xFFFFF380  }
0xb2: {  	v0 =	vld [tilespmem:s1+$0x70A0]  }
0xb3: {  	v1 =	vld [tilespmem:s1+$0x89A0]  }
0xb4: {  	v2 =	vld [tilespmem:s1+$0x7090]  }
0xb5: {  	v3 =	vld [tilespmem:s1+$0x8990]  }
0xb6: {  	v9 =	vld [tilespmem:s1+$0x89B0];
	_ =	sdelay $0x2  }
0xb7: {  	v4 =	vld [tilespmem:s1+$0x70B0];
	v5 =	vand.u32 $0xFFFF, v1;
	v6 =	vand.u32 $0xFFFF, v0;
	v7 =	vshrl.u32 v2, $0x10  }
0xb8: {  	v8 =	vshrl.u32 v3, $0x10;
	v0 =	vshrl.u32 v0, $0x10;
	v1 =	vshrl.u32 v1, $0x10  }
0xb9: {  	v3 =	vand.u32 $0xFFFF, v3;
	v2 =	vand.u32 $0xFFFF, v2;
	v54 =	vshrl.u32 v9, $0x10  }
0xba: {  	v9 =	vand.u32 $0xFFFF, v9;
	v5 =	vsub.s32 v5, v6;
	v7 =	vsub.s32 v8, v7  }
0xbb: {  	v6 =	vld [tilespmem:s1+$0x7080];
	v0 =	vsub.s32 v1, v0;
	v2 =	vsub.s32 v3, v2;
	v5 =	vcvt.s32.f32 v5  }
0xbc: {  	v1 =	vshrl.u32 v4, $0x10;
	v7 =	vcvt.s32.f32 v7;
	v2 =	vcvt.s32.f32 v2  }
0xbd: {  	v1 =	vsub.s32 v54, v1;
	v0 =	vcvt.s32.f32 v0;
	v5 =	vmul.f32 $3.051804380e-04, v5  }
0xbe: {  	v10 =	vld [tilespmem:s1+$0xA2A0];
	v8 =	vand.u32 $0xFFFF, v4;
	v1 =	vcvt.s32.f32 v1;
	v7 =	vmul.f32 $3.051804380e-04, v7  }
0xbf: {  	v2 =	vmul.f32 $3.051804380e-04, v2;
	v0 =	vmul.f32 $3.051804380e-04, v0;
	v4 =	vadd.f32 $5.000000000e-01, v5;
	v5 =	vld [tilespmem:s1+$0x8980]  }
0xc0: {  	v1 =	vmul.f32 $3.051804380e-04, v1;
	v11 =	vshrl.u32 v6, $0x10;
	v7 =	vadd.f32 $5.000000000e-01, v7  }
0xc1: {  	v6 =	vand.u32 $0xFFFF, v6;
	v2 =	vadd.f32 $5.000000000e-01, v2;
	v3 =	vmax.f32 v4, $0.0e+00;
	v4 =	vld [tilespmem:s1+$0xA290]  }
0xc2: {  	v0 =	vadd.f32 $5.000000000e-01, v0;
	v1 =	vadd.f32 $5.000000000e-01, v1;
	v3 =	vmin.f32 v3, $1.000000000e+00  }
0xc3: {  	v7 =	vmax.f32 v7, $0.0e+00;
	v2 =	vmax.f32 v2, $0.0e+00;
	v3 =	vmul.f32 v3, v10  }
0xc4: {  	v13 =	vmax.f32 v0, $0.0e+00;
	v2 =	vmin.f32 v2, $1.000000000e+00;
	v55 =	vand.u32 $0xFFFF, v5  }
0xc5: {  	s2 =	simm.s32 $0x40;
	v56 =	vld [tilespmem:s1+$0xA2B0];
	v5 =	vshrl.u32 v5, $0x10;
	[tilespmem:s1+$0xBBA0] =	vst v3;
	v3 =	vmin.f32 v7, $1.000000000e+00;
	v6 =	vsub.s32 v55, v6  }
0xc6: {  	v5 =	vsub.s32 v5, v11;
	v3 =	vmul.f32 v3, v4;
	v7 =	vld [tilespmem:s2+$0x70A0];
	v6 =	vcvt.s32.f32 v6  }
0xc7: {  	v1 =	vmax.f32 v1, $0.0e+00;
	v13 =	vmin.f32 v13, $1.000000000e+00;
	v11 =	vld [tilespmem:s2+$0x89A0];
	v5 =	vcvt.s32.f32 v5  }
0xc8: {  	v10 =	vmul.f32 v13, v10;
	[tilespmem:s1+$0xD490] =	vst v3;
	v3 =	vsub.s32 v9, v8;
	v6 =	vmul.f32 $3.051804380e-04, v6  }
0xc9: {  	v0 =	vmin.f32 v1, $1.000000000e+00;
	v5 =	vmul.f32 $3.051804380e-04, v5;
	v8 =	vld [tilespmem:s2+$0x70B0];
	v3 =	vcvt.s32.f32 v3  }
0xca: {  	v2 =	vmul.f32 v2, v4;
	v4 =	vmul.f32 v0, v56;
	v9 =	vld [tilespmem:s2+$0x7090];
	v6 =	vadd.f32 $5.000000000e-01, v6  }
0xcb: {  	v15 =	vld [tilespmem:s2+$0x8990];
	v5 =	vadd.f32 $5.000000000e-01, v5;
	v14 =	vmul.f32 $3.051804380e-04, v3;
	v3 =	vshrl.u32 v7, $0x10  }
0xcc: {  	v0 =	vld [tilespmem:s2+$0x89B0];
	v16 =	vand.u32 $0xFFFF, v11;
	v7 =	vand.u32 $0xFFFF, v7;
	v11 =	vshrl.u32 v11, $0x10  }
0xcd: {  	v17 =	vld [tilespmem:s2+$0x7080];
	[tilespmem:s1+$0xD4B0] =	vst v4;
	v4 =	vsub.s32 v16, v7;
	v3 =	vsub.s32 v11, v3;
	v6 =	vmax.f32 v6, $0.0e+00  }
0xce: {  	v58 =	vmax.f32 v5, $0.0e+00;
	v4 =	vcvt.s32.f32 v4;
	v11 =	vadd.f32 $5.000000000e-01, v14  }
0xcf: {  	[tilespmem:s1+$0xBB90] =	vst v2;
	v6 =	vmin.f32 v6, $1.000000000e+00;
	v1 =	vand.u32 $0xFFFF, v8;
	v7 =	vshrl.u32 v8, $0x10  }
0xd0: {  	[tilespmem:s1+$0xD4A0] =	vst v10;
	v2 =	vshrl.u32 v9, $0x10;
	v8 =	vand.u32 $0xFFFF, v15;
	v10 =	vshrl.u32 v15, $0x10  }
0xd1: {  	v9 =	vand.u32 $0xFFFF, v9;
	v2 =	vsub.s32 v10, v2;
	v4 =	vmul.f32 $3.051804380e-04, v4;
	v10 =	vld [tilespmem:s1+$0xA280]  }
0xd2: {  	v14 =	vmin.f32 v58, $1.000000000e+00;
	v8 =	vsub.s32 v8, v9;
	v57 =	vcvt.s32.f32 v2;
	v2 =	vld [tilespmem:s2+$0xA2A0]  }
0xd3: {  	v59 =	vld [tilespmem:s2+$0x8980];
	v5 =	vshrl.u32 v17, $0x10;
	v60 =	vcvt.s32.f32 v8;
	v4 =	vadd.f32 $5.000000000e-01, v4  }
0xd4: {  	v61 =	vand.u32 $0xFFFF, v17;
	v11 =	vmax.f32 v11, $0.0e+00;
	v9 =	vmul.f32 $3.051804380e-04, v57  }
0xd5: {  	v63 =	vmin.f32 v11, $1.000000000e+00;
	v11 =	vmul.f32 $3.051804380e-04, v60;
	v8 =	vmax.f32 v4, $0.0e+00;
	v4 =	vld [tilespmem:s2+$0xA290]  }
0xd6: {  	v9 =	vadd.f32 $5.000000000e-01, v9;
	v8 =	vmin.f32 v8, $1.000000000e+00;
	v14 =	vmul.f32 v14, v10  }
0xd7: {  	v10 =	vmul.f32 v6, v10;
	v62 =	vmul.f32 v8, v2;
	v8 =	vshrl.u32 v0, $0x10  }
0xd8: {  	v6 =	vand.u32 $0xFFFF, v59;
	v9 =	vmax.f32 v9, $0.0e+00;
	v7 =	vsub.s32 v8, v7;
	[tilespmem:s1+$0xD480] =	vst v14  }
0xd9: {  	v6 =	vsub.s32 v6, v61;
	v8 =	vcvt.s32.f32 v7;
	[tilespmem:s2+$0xBBA0] =	vst v62;
	v7 =	vmin.f32 v9, $1.000000000e+00  }
0xda: {  	s3 =	simm.s32 $0x200;
	v9 =	vmul.f32 v63, v56;
	[tilespmem:s1+$0xBB80] =	vst v10;
	v10 =	vshrl.u32 v59, $0x10;
	v7 =	vmul.f32 v7, v4  }
.LBB2_3:
0xdb: {  	s4 =	sshra.s32 s3, $0x2;
	p0 =	sne.s32 s3, $0x3100;
	s3 =	sadd.s32 $0x100, s3;
	v5 =	vsub.s32 v10, v5;
	v10 =	vadd.f32 $5.000000000e-01, v11;
	v3 =	vcvt.s32.f32 v3;
	v12 =	vld [tilespmem:s2+$0xA2B0]  }
0xdc: {  	v6 =	vcvt.s32.f32 v6;
	v0 =	vand.u32 $0xFFFF, v0;
	v8 =	vmul.f32 $3.051804380e-04, v8;
	v11 =	vld [tilespmem:s4+$0x70A0];
	[tilespmem:s1+$0xBBB0] =	vst v9;
	s1 =	smov.u32 s2;
	s2 =	smov.u32 s4  }
0xdd: {  	v0 =	vsub.s32 v0, v1;
	v9 =	vld [tilespmem:s2+$0x89A0];
	v10 =	vmax.f32 v10, $0.0e+00;
	[tilespmem:s1+$0xD490] =	vst v7;
	v3 =	vmul.f32 $3.051804380e-04, v3  }
0xde: {  	v5 =	vcvt.s32.f32 v5;
	v1 =	vmul.f32 $3.051804380e-04, v6;
	v6 =	vadd.f32 $5.000000000e-01, v8;
	v7 =	vld [tilespmem:s2+$0x70B0]  }
0xdf: {  	v13 =	vcvt.s32.f32 v0;
	v10 =	vmin.f32 v10, $1.000000000e+00;
	v8 =	vld [tilespmem:s2+$0x7090];
	v3 =	vadd.f32 $5.000000000e-01, v3  }
0xe0: {  	v5 =	vmul.f32 $3.051804380e-04, v5;
	v14 =	vadd.f32 $5.000000000e-01, v1;
	v1 =	vmax.f32 v6, $0.0e+00;
	v0 =	vld [tilespmem:s2+$0x89B0]  }
0xe1: {  	v13 =	vmul.f32 $3.051804380e-04, v13;
	v1 =	vmin.f32 v1, $1.000000000e+00;
	v6 =	vld [tilespmem:s2+$0x8990];
	v3 =	vmax.f32 v3, $0.0e+00  }
0xe2: {  	v4 =	vmul.f32 v10, v4;
	v16 =	vshrl.u32 v11, $0x10;
	v10 =	vmul.f32 v1, v12;
	v15 =	vld [tilespmem:s2+$0x7080]  }
0xe3: {  	v17 =	vand.u32 $0xFFFF, v9;
	v3 =	vmin.f32 v3, $1.000000000e+00;
	v1 =	vand.u32 $0xFFFF, v7  }
0xe4: {  	v11 =	vand.u32 $0xFFFF, v11;
	v9 =	vshrl.u32 v9, $0x10;
	v2 =	vmul.f32 v3, v2;
	[tilespmem:s1+$0xD4B0] =	vst v10  }
0xe5: {  	v3 =	vsub.s32 v9, v16;
	v7 =	vshrl.u32 v7, $0x10;
	v10 =	vsub.s32 v17, v11;
	[tilespmem:s1+$0xBB90] =	vst v4  }
0xe6: {  	v5 =	vadd.f32 $5.000000000e-01, v5;
	v4 =	vshrl.u32 v8, $0x10;
	v9 =	vcvt.s32.f32 v10;
	[tilespmem:s1+$0xD4A0] =	vst v2  }
0xe7: {  	v10 =	vand.u32 $0xFFFF, v6;
	v2 =	vshrl.u32 v6, $0x10;
	v6 =	vadd.f32 $5.000000000e-01, v13  }
0xe8: {  	v2 =	vsub.s32 v2, v4;
	v4 =	vmul.f32 $3.051804380e-04, v9;
	v9 =	vmax.f32 v14, $0.0e+00;
	v11 =	vld [tilespmem:s1+$0xA280]  }
0xe9: {  	v8 =	vand.u32 $0xFFFF, v8;
	v13 =	vcvt.s32.f32 v2;
	v6 =	vmax.f32 v6, $0.0e+00;
	v2 =	vld [tilespmem:s2+$0xA2A0]  }
0xea: {  	v14 =	vmax.f32 v5, $0.0e+00;
	v9 =	vmin.f32 v9, $1.000000000e+00;
	v4 =	vadd.f32 $5.000000000e-01, v4  }
0xeb: {  	v5 =	vshrl.u32 v15, $0x10;
	v8 =	vsub.s32 v10, v8;
	v10 =	vmul.f32 $3.051804380e-04, v13;
	v16 =	vld [tilespmem:s2+$0x8980]  }
0xec: {  	v14 =	vmin.f32 v14, $1.000000000e+00;
	v13 =	vcvt.s32.f32 v8;
	v8 =	vmax.f32 v4, $0.0e+00  }
0xed: {  	v10 =	vadd.f32 $5.000000000e-01, v10;
	v8 =	vmin.f32 v8, $1.000000000e+00;
	v4 =	vld [tilespmem:s2+$0xA290];
	v14 =	vmul.f32 v14, v11  }
.Ltmp1:
0xee: {  	v17 =	vshrl.u32 v0, $0x10;
	v15 =	vand.u32 $0xFFFF, v15;
	v8 =	vmul.f32 v8, v2;
	(pc) =	sbr.rel @p0 .LBB2_3-.Ltmp1, $4  }
0xef: {  	v7 =	vsub.s32 v17, v7;
	v9 =	vmul.f32 v9, v11;
	v10 =	vmax.f32 v10, $0.0e+00;
	[tilespmem:s1+$0xD480] =	vst v14  }
0xf0: {  	v14 =	vmin.f32 v6, $1.000000000e+00;
	v11 =	vand.u32 $0xFFFF, v16;
	[tilespmem:s2+$0xBBA0] =	vst v8;
	v8 =	vcvt.s32.f32 v7  }
0xf1: {  	v7 =	vmin.f32 v10, $1.000000000e+00;
	v6 =	vsub.s32 v11, v15;
	v11 =	vmul.f32 $3.051804380e-04, v13;
	[tilespmem:s1+$0xBB80] =	vst v9  }
0xf2: {  	v10 =	vshrl.u32 v16, $0x10;
	v9 =	vmul.f32 v14, v12;
	v7 =	vmul.f32 v7, v4  }
0xf3: {  	v3 =	vcvt.s32.f32 v3;
	_ =	sdelay $0x1  }
0xf4: {  	v3 =	vmul.f32 $3.051804380e-04, v3  }
0xf5: {  	v0 =	vand.u32 $0xFFFF, v0  }
0xf6: {  	v0 =	vsub.s32 v0, v1;
	v3 =	vadd.f32 $5.000000000e-01, v3  }
0xf7: {  	v8 =	vmul.f32 $3.051804380e-04, v8;
	v0 =	vcvt.s32.f32 v0  }
0xf8: {  	v11 =	vadd.f32 $5.000000000e-01, v11;
	v5 =	vsub.s32 v10, v5;
	v3 =	vmax.f32 v3, $0.0e+00  }
0xf9: {  	v5 =	vcvt.s32.f32 v5;
	v0 =	vmul.f32 $3.051804380e-04, v0;
	v3 =	vmin.f32 v3, $1.000000000e+00  }
0xfa: {  	v12 =	vld [tilespmem:s2+$0xA2B0];
	v2 =	vmul.f32 v3, v2;
	v3 =	vcvt.s32.f32 v6  }
0xfb: {  	[tilespmem:s1+$0xBBB0] =	vst v9;
	v8 =	vadd.f32 $5.000000000e-01, v8;
	v11 =	vmax.f32 v11, $0.0e+00;
	v1 =	vmul.f32 $3.051804380e-04, v5  }
0xfc: {  	v9 =	vmin.f32 v11, $1.000000000e+00;
	v0 =	vadd.f32 $5.000000000e-01, v0;
	[tilespmem:s2+$0xD4A0] =	vst v2;
	v2 =	vmul.f32 $3.051804380e-04, v3;
	v3 =	vld [tilespmem:s2+$0xA280]  }
0xfd: {  	v8 =	vmax.f32 v8, $0.0e+00;
	v4 =	vmul.f32 v9, v4;
	v1 =	vadd.f32 $5.000000000e-01, v1  }
0xfe: {  	v8 =	vmin.f32 v8, $1.000000000e+00;
	v0 =	vmax.f32 v0, $0.0e+00;
	v2 =	vadd.f32 $5.000000000e-01, v2  }
0xff: {  	[tilespmem:s2+$0xD490] =	vst v7;
	v8 =	vmul.f32 v8, v12;
	v1 =	vmax.f32 v1, $0.0e+00;
	v0 =	vmin.f32 v0, $1.000000000e+00  }
0x100: {  	[tilespmem:s2+$0xBB90] =	vst v4;
	v1 =	vmin.f32 v1, $1.000000000e+00;
	v0 =	vmul.f32 v0, v12;
	v2 =	vmax.f32 v2, $0.0e+00  }
0x101: {  	[tilespmem:s2+$0xD4B0] =	vst v8;
	v2 =	vmin.f32 v2, $1.000000000e+00;
	v1 =	vmul.f32 v1, v3  }
0x102: {  	[tilespmem:s2+$0xBBB0] =	vst v0;
	v2 =	vmul.f32 v2, v3  }
0x103: {  	[tilespmem:s2+$0xD480] =	vst v1  }
0x104: {  	s17 =	simm.s32 $0xC80;
	s18 =	simm.s32 $0x3E80;
	s3 =	simm.s32 $0xBB80;
	[tilespmem:s2+$0xBB80] =	vst v2  }
0x105: {  	[spmem:s8] =	stream.indirect.scatter.add.f32 [tilespmem:s3], [sflag:$0x4], $0x1, s18, s17, $0xb8;
	[tilespmem:$0x11300] =	vst v63  }
0x106: {  	s19 =	simm.s32 $0xD480;
	s20 =	simm.s32 $0x3  }
0x107: {  	[spmem:s9] =	stream.indirect.scatter.add.f32 [tilespmem:s19], [sflag:$0x4], $0x1, s18, s17, $0xb8;
	[tilespmem:$0x11300] =	vst v63  }
0x108: {  	_ =	swait.ge [sflag:s20], $0xC80  }
0x109: {  	[sflag:s20] =	ssyncset.done $0x0  }
0x10a: {  	[sflag:s20] =	ssyncadd.s32 $0xFFFFF380  }
0x10b: {  	s21 =	sadd.s32 $0x3200, s0;
	_ =	swait.ge [sflag:s20], $0xC80  }
0x10c: {  	s22 =	simm.s32 $0x0;
	s3 =	sshrl.u32 s21, $0x3;
	[sflag:s20] =	ssyncset.done $0x0  }
0x10d: {  	s23 =	simm.s32 $0x3200;
	s4 =	sadd.s32 s12, s3;
	[sflag:s20] =	ssyncadd.s32 $0xFFFFF380  }
0x10e: {  	[tilespmem:s22], [sflag:$0x5] =	stream.linear.gather [hbm4b:s4+s22], $0xC80, $0x38;
	[tilespmem:$0x11300] =	vst v63  }
0x10f: {  	s24 =	simm.s32 $0x6;
	s3 =	sadd.s32 s7, s3;
	[dreg:$0xd] =	wrdreg s21  }
0x110: {  	[tilespmem:s23], [sflag:$0x5] =	stream.linear.gather [hbm4b:s3+s22], $0xC80, $0x38;
	[tilespmem:$0x11300] =	vst v63  }
0x111: {  	_ =	swait.ge [sflag:s24], $0xC80  }
0x112: {  	[sflag:s24] =	ssyncset.done $0x0  }
0x113: {  	[sflag:s24] =	ssyncadd.s32 $0xFFFFF380  }
0x114: {  	_ =	swait.ge [sflag:s24], $0xC80  }
0x115: {  	[sflag:s24] =	ssyncset.done $0x0  }
0x116: {  	s25 =	simm.s32 $0x2580;
	s26 =	simm.s32 $0x7080;
	[sflag:s24] =	ssyncadd.s32 $0xFFFFF380  }
0x117: {  	[tilespmem:s26], [sflag:$0x2] =	stream.indirect.gather [spmem:s10], $0x1, s25, s17, $0xb8;
	[tilespmem:$0x11300] =	vst v63  }
0x118: {  	s28 =	simm.s32 $0x5780;
	s29 =	simm.s32 $0x8980  }
0x119: {  	[tilespmem:s29], [sflag:$0x2] =	stream.indirect.gather [spmem:s10], $0x1, s28, s17, $0xb8;
	[tilespmem:$0x11300] =	vst v63  }
0x11a: {  	s30 =	simm.s32 $0xA280;
	s31 =	simm.s32 $0x1  }
0x11b: {  	[tilespmem:s30], [sflag:$0x2] =	stream.indirect.gather [spmem:s11], $0x1, s25, s17, $0xb8;
	[tilespmem:$0x11300] =	vst v63  }
0x11c: {  	_ =	swait.ge [sflag:s31], $0xC80  }
0x11d: {  	[sflag:s31] =	ssyncset.done $0x0  }
0x11e: {  	[sflag:s31] =	ssyncadd.s32 $0xFFFFF380  }
0x11f: {  	_ =	swait.ge [sflag:s31], $0xC80  }
0x120: {  	[sflag:s31] =	ssyncset.done $0x0  }
0x121: {  	[sflag:s31] =	ssyncadd.s32 $0xFFFFF380  }
0x122: {  	_ =	swait.ge [sflag:s31], $0xC80  }
0x123: {  	[sflag:s31] =	ssyncset.done $0x0  }
0x124: {  	s1 =	simm.s32 $0x0;
	[sflag:s31] =	ssyncadd.s32 $0xFFFFF380  }
0x125: {  	v0 =	vld [tilespmem:s1+$0x6420]  }
0x126: {  	v1 =	vld [tilespmem:s1+$0x7D20]  }
0x127: {  	v2 =	vld [tilespmem:s1+$0x6410]  }
0x128: {  	v3 =	vld [tilespmem:s1+$0x7D10]  }
0x129: {  	v9 =	vld [tilespmem:s1+$0x7D30];
	_ =	sdelay $0x2  }
0x12a: {  	v4 =	vld [tilespmem:s1+$0x6430];
	v5 =	vand.u32 $0xFFFF, v1;
	v6 =	vand.u32 $0xFFFF, v0;
	v7 =	vshrl.u32 v2, $0x10  }
0x12b: {  	v8 =	vshrl.u32 v3, $0x10;
	v0 =	vshrl.u32 v0, $0x10;
	v1 =	vshrl.u32 v1, $0x10  }
0x12c: {  	v3 =	vand.u32 $0xFFFF, v3;
	v2 =	vand.u32 $0xFFFF, v2;
	v54 =	vshrl.u32 v9, $0x10  }
0x12d: {  	v9 =	vand.u32 $0xFFFF, v9;
	v5 =	vsub.s32 v5, v6;
	v7 =	vsub.s32 v8, v7  }
0x12e: {  	v6 =	vld [tilespmem:s1+$0x6400];
	v0 =	vsub.s32 v1, v0;
	v2 =	vsub.s32 v3, v2;
	v5 =	vcvt.s32.f32 v5  }
0x12f: {  	v1 =	vshrl.u32 v4, $0x10;
	v7 =	vcvt.s32.f32 v7;
	v2 =	vcvt.s32.f32 v2  }
0x130: {  	v1 =	vsub.s32 v54, v1;
	v0 =	vcvt.s32.f32 v0;
	v5 =	vmul.f32 $3.051804380e-04, v5  }
0x131: {  	v10 =	vld [tilespmem:s1+$0x9620];
	v8 =	vand.u32 $0xFFFF, v4;
	v1 =	vcvt.s32.f32 v1;
	v7 =	vmul.f32 $3.051804380e-04, v7  }
0x132: {  	v2 =	vmul.f32 $3.051804380e-04, v2;
	v0 =	vmul.f32 $3.051804380e-04, v0;
	v4 =	vadd.f32 $5.000000000e-01, v5;
	v5 =	vld [tilespmem:s1+$0x7D00]  }
0x133: {  	v1 =	vmul.f32 $3.051804380e-04, v1;
	v11 =	vshrl.u32 v6, $0x10;
	v7 =	vadd.f32 $5.000000000e-01, v7  }
0x134: {  	v6 =	vand.u32 $0xFFFF, v6;
	v2 =	vadd.f32 $5.000000000e-01, v2;
	v3 =	vmax.f32 v4, $0.0e+00;
	v4 =	vld [tilespmem:s1+$0x9610]  }
0x135: {  	v0 =	vadd.f32 $5.000000000e-01, v0;
	v1 =	vadd.f32 $5.000000000e-01, v1;
	v3 =	vmin.f32 v3, $1.000000000e+00  }
0x136: {  	v7 =	vmax.f32 v7, $0.0e+00;
	v2 =	vmax.f32 v2, $0.0e+00;
	v3 =	vmul.f32 v3, v10  }
0x137: {  	v13 =	vmax.f32 v0, $0.0e+00;
	v2 =	vmin.f32 v2, $1.000000000e+00;
	v55 =	vand.u32 $0xFFFF, v5  }
0x138: {  	s2 =	simm.s32 $0x40;
	v56 =	vld [tilespmem:s1+$0x9630];
	v5 =	vshrl.u32 v5, $0x10;
	[tilespmem:s1+$0xAF20] =	vst v3;
	v3 =	vmin.f32 v7, $1.000000000e+00;
	v6 =	vsub.s32 v55, v6  }
0x139: {  	v5 =	vsub.s32 v5, v11;
	v3 =	vmul.f32 v3, v4;
	v7 =	vld [tilespmem:s2+$0x6420];
	v6 =	vcvt.s32.f32 v6  }
0x13a: {  	v1 =	vmax.f32 v1, $0.0e+00;
	v13 =	vmin.f32 v13, $1.000000000e+00;
	v11 =	vld [tilespmem:s2+$0x7D20];
	v5 =	vcvt.s32.f32 v5  }
0x13b: {  	v10 =	vmul.f32 v13, v10;
	[tilespmem:s1+$0xC810] =	vst v3;
	v3 =	vsub.s32 v9, v8;
	v6 =	vmul.f32 $3.051804380e-04, v6  }
0x13c: {  	v0 =	vmin.f32 v1, $1.000000000e+00;
	v5 =	vmul.f32 $3.051804380e-04, v5;
	v8 =	vld [tilespmem:s2+$0x6430];
	v3 =	vcvt.s32.f32 v3  }
0x13d: {  	v2 =	vmul.f32 v2, v4;
	v4 =	vmul.f32 v0, v56;
	v9 =	vld [tilespmem:s2+$0x6410];
	v6 =	vadd.f32 $5.000000000e-01, v6  }
0x13e: {  	v15 =	vld [tilespmem:s2+$0x7D10];
	v5 =	vadd.f32 $5.000000000e-01, v5;
	v14 =	vmul.f32 $3.051804380e-04, v3;
	v3 =	vshrl.u32 v7, $0x10  }
0x13f: {  	v0 =	vld [tilespmem:s2+$0x7D30];
	v16 =	vand.u32 $0xFFFF, v11;
	v7 =	vand.u32 $0xFFFF, v7;
	v11 =	vshrl.u32 v11, $0x10  }
0x140: {  	v17 =	vld [tilespmem:s2+$0x6400];
	[tilespmem:s1+$0xC830] =	vst v4;
	v4 =	vsub.s32 v16, v7;
	v3 =	vsub.s32 v11, v3;
	v6 =	vmax.f32 v6, $0.0e+00  }
0x141: {  	v58 =	vmax.f32 v5, $0.0e+00;
	v4 =	vcvt.s32.f32 v4;
	v11 =	vadd.f32 $5.000000000e-01, v14  }
0x142: {  	[tilespmem:s1+$0xAF10] =	vst v2;
	v6 =	vmin.f32 v6, $1.000000000e+00;
	v1 =	vand.u32 $0xFFFF, v8;
	v7 =	vshrl.u32 v8, $0x10  }
0x143: {  	[tilespmem:s1+$0xC820] =	vst v10;
	v2 =	vshrl.u32 v9, $0x10;
	v8 =	vand.u32 $0xFFFF, v15;
	v10 =	vshrl.u32 v15, $0x10  }
0x144: {  	v9 =	vand.u32 $0xFFFF, v9;
	v2 =	vsub.s32 v10, v2;
	v4 =	vmul.f32 $3.051804380e-04, v4;
	v10 =	vld [tilespmem:s1+$0x9600]  }
0x145: {  	v14 =	vmin.f32 v58, $1.000000000e+00;
	v8 =	vsub.s32 v8, v9;
	v57 =	vcvt.s32.f32 v2;
	v2 =	vld [tilespmem:s2+$0x9620]  }
0x146: {  	v59 =	vld [tilespmem:s2+$0x7D00];
	v5 =	vshrl.u32 v17, $0x10;
	v60 =	vcvt.s32.f32 v8;
	v4 =	vadd.f32 $5.000000000e-01, v4  }
0x147: {  	v61 =	vand.u32 $0xFFFF, v17;
	v11 =	vmax.f32 v11, $0.0e+00;
	v9 =	vmul.f32 $3.051804380e-04, v57  }
0x148: {  	v63 =	vmin.f32 v11, $1.000000000e+00;
	v11 =	vmul.f32 $3.051804380e-04, v60;
	v8 =	vmax.f32 v4, $0.0e+00;
	v4 =	vld [tilespmem:s2+$0x9610]  }
0x149: {  	v9 =	vadd.f32 $5.000000000e-01, v9;
	v8 =	vmin.f32 v8, $1.000000000e+00;
	v14 =	vmul.f32 v14, v10  }
0x14a: {  	v10 =	vmul.f32 v6, v10;
	v62 =	vmul.f32 v8, v2;
	v8 =	vshrl.u32 v0, $0x10  }
0x14b: {  	v6 =	vand.u32 $0xFFFF, v59;
	v9 =	vmax.f32 v9, $0.0e+00;
	v7 =	vsub.s32 v8, v7;
	[tilespmem:s1+$0xC800] =	vst v14  }
0x14c: {  	v6 =	vsub.s32 v6, v61;
	v8 =	vcvt.s32.f32 v7;
	[tilespmem:s2+$0xAF20] =	vst v62;
	v7 =	vmin.f32 v9, $1.000000000e+00  }
0x14d: {  	s3 =	simm.s32 $0x200;
	v9 =	vmul.f32 v63, v56;
	[tilespmem:s1+$0xAF00] =	vst v10;
	v10 =	vshrl.u32 v59, $0x10;
	v7 =	vmul.f32 v7, v4  }
.LBB2_5:
0x14e: {  	s4 =	sshra.s32 s3, $0x2;
	p0 =	sne.s32 s3, $0x3100;
	s3 =	sadd.s32 $0x100, s3;
	v5 =	vsub.s32 v10, v5;
	v10 =	vadd.f32 $5.000000000e-01, v11;
	v3 =	vcvt.s32.f32 v3;
	v12 =	vld [tilespmem:s2+$0x9630]  }
0x14f: {  	v6 =	vcvt.s32.f32 v6;
	v0 =	vand.u32 $0xFFFF, v0;
	v8 =	vmul.f32 $3.051804380e-04, v8;
	v11 =	vld [tilespmem:s4+$0x6420];
	[tilespmem:s1+$0xAF30] =	vst v9;
	s1 =	smov.u32 s2;
	s2 =	smov.u32 s4  }
0x150: {  	v0 =	vsub.s32 v0, v1;
	v9 =	vld [tilespmem:s2+$0x7D20];
	v10 =	vmax.f32 v10, $0.0e+00;
	[tilespmem:s1+$0xC810] =	vst v7;
	v3 =	vmul.f32 $3.051804380e-04, v3  }
0x151: {  	v5 =	vcvt.s32.f32 v5;
	v1 =	vmul.f32 $3.051804380e-04, v6;
	v6 =	vadd.f32 $5.000000000e-01, v8;
	v7 =	vld [tilespmem:s2+$0x6430]  }
0x152: {  	v13 =	vcvt.s32.f32 v0;
	v10 =	vmin.f32 v10, $1.000000000e+00;
	v8 =	vld [tilespmem:s2+$0x6410];
	v3 =	vadd.f32 $5.000000000e-01, v3  }
0x153: {  	v5 =	vmul.f32 $3.051804380e-04, v5;
	v14 =	vadd.f32 $5.000000000e-01, v1;
	v1 =	vmax.f32 v6, $0.0e+00;
	v0 =	vld [tilespmem:s2+$0x7D30]  }
0x154: {  	v13 =	vmul.f32 $3.051804380e-04, v13;
	v1 =	vmin.f32 v1, $1.000000000e+00;
	v6 =	vld [tilespmem:s2+$0x7D10];
	v3 =	vmax.f32 v3, $0.0e+00  }
0x155: {  	v4 =	vmul.f32 v10, v4;
	v16 =	vshrl.u32 v11, $0x10;
	v10 =	vmul.f32 v1, v12;
	v15 =	vld [tilespmem:s2+$0x6400]  }
0x156: {  	v17 =	vand.u32 $0xFFFF, v9;
	v3 =	vmin.f32 v3, $1.000000000e+00;
	v1 =	vand.u32 $0xFFFF, v7  }
0x157: {  	v11 =	vand.u32 $0xFFFF, v11;
	v9 =	vshrl.u32 v9, $0x10;
	v2 =	vmul.f32 v3, v2;
	[tilespmem:s1+$0xC830] =	vst v10  }
0x158: {  	v3 =	vsub.s32 v9, v16;
	v7 =	vshrl.u32 v7, $0x10;
	v10 =	vsub.s32 v17, v11;
	[tilespmem:s1+$0xAF10] =	vst v4  }
0x159: {  	v5 =	vadd.f32 $5.000000000e-01, v5;
	v4 =	vshrl.u32 v8, $0x10;
	v9 =	vcvt.s32.f32 v10;
	[tilespmem:s1+$0xC820] =	vst v2  }
0x15a: {  	v10 =	vand.u32 $0xFFFF, v6;
	v2 =	vshrl.u32 v6, $0x10;
	v6 =	vadd.f32 $5.000000000e-01, v13  }
0x15b: {  	v2 =	vsub.s32 v2, v4;
	v4 =	vmul.f32 $3.051804380e-04, v9;
	v9 =	vmax.f32 v14, $0.0e+00;
	v11 =	vld [tilespmem:s1+$0x9600]  }
0x15c: {  	v8 =	vand.u32 $0xFFFF, v8;
	v13 =	vcvt.s32.f32 v2;
	v6 =	vmax.f32 v6, $0.0e+00;
	v2 =	vld [tilespmem:s2+$0x9620]  }
0x15d: {  	v14 =	vmax.f32 v5, $0.0e+00;
	v9 =	vmin.f32 v9, $1.000000000e+00;
	v4 =	vadd.f32 $5.000000000e-01, v4  }
0x15e: {  	v5 =	vshrl.u32 v15, $0x10;
	v8 =	vsub.s32 v10, v8;
	v10 =	vmul.f32 $3.051804380e-04, v13;
	v16 =	vld [tilespmem:s2+$0x7D00]  }
0x15f: {  	v14 =	vmin.f32 v14, $1.000000000e+00;
	v13 =	vcvt.s32.f32 v8;
	v8 =	vmax.f32 v4, $0.0e+00  }
0x160: {  	v10 =	vadd.f32 $5.000000000e-01, v10;
	v8 =	vmin.f32 v8, $1.000000000e+00;
	v4 =	vld [tilespmem:s2+$0x9610];
	v14 =	vmul.f32 v14, v11  }
.Ltmp2:
0x161: {  	v17 =	vshrl.u32 v0, $0x10;
	v15 =	vand.u32 $0xFFFF, v15;
	v8 =	vmul.f32 v8, v2;
	(pc) =	sbr.rel @p0 .LBB2_5-.Ltmp2, $4  }
0x162: {  	v7 =	vsub.s32 v17, v7;
	v9 =	vmul.f32 v9, v11;
	v10 =	vmax.f32 v10, $0.0e+00;
	[tilespmem:s1+$0xC800] =	vst v14  }
0x163: {  	v14 =	vmin.f32 v6, $1.000000000e+00;
	v11 =	vand.u32 $0xFFFF, v16;
	[tilespmem:s2+$0xAF20] =	vst v8;
	v8 =	vcvt.s32.f32 v7  }
0x164: {  	v7 =	vmin.f32 v10, $1.000000000e+00;
	v6 =	vsub.s32 v11, v15;
	v11 =	vmul.f32 $3.051804380e-04, v13;
	[tilespmem:s1+$0xAF00] =	vst v9  }
0x165: {  	v10 =	vshrl.u32 v16, $0x10;
	v9 =	vmul.f32 v14, v12;
	v7 =	vmul.f32 v7, v4  }
0x166: {  	v3 =	vcvt.s32.f32 v3;
	_ =	sdelay $0x1  }
0x167: {  	v3 =	vmul.f32 $3.051804380e-04, v3  }
0x168: {  	v0 =	vand.u32 $0xFFFF, v0  }
0x169: {  	v0 =	vsub.s32 v0, v1;
	v3 =	vadd.f32 $5.000000000e-01, v3  }
0x16a: {  	v8 =	vmul.f32 $3.051804380e-04, v8;
	v0 =	vcvt.s32.f32 v0  }
0x16b: {  	v11 =	vadd.f32 $5.000000000e-01, v11;
	v5 =	vsub.s32 v10, v5;
	v3 =	vmax.f32 v3, $0.0e+00  }
0x16c: {  	v5 =	vcvt.s32.f32 v5;
	v0 =	vmul.f32 $3.051804380e-04, v0;
	v3 =	vmin.f32 v3, $1.000000000e+00  }
0x16d: {  	v12 =	vld [tilespmem:s2+$0x9630];
	v2 =	vmul.f32 v3, v2;
	v3 =	vcvt.s32.f32 v6  }
0x16e: {  	[tilespmem:s1+$0xAF30] =	vst v9;
	v8 =	vadd.f32 $5.000000000e-01, v8;
	v11 =	vmax.f32 v11, $0.0e+00;
	v1 =	vmul.f32 $3.051804380e-04, v5  }
0x16f: {  	v9 =	vmin.f32 v11, $1.000000000e+00;
	v0 =	vadd.f32 $5.000000000e-01, v0;
	[tilespmem:s2+$0xC820] =	vst v2;
	v2 =	vmul.f32 $3.051804380e-04, v3;
	v3 =	vld [tilespmem:s2+$0x9600]  }
0x170: {  	v8 =	vmax.f32 v8, $0.0e+00;
	v4 =	vmul.f32 v9, v4;
	v1 =	vadd.f32 $5.000000000e-01, v1  }
0x171: {  	v8 =	vmin.f32 v8, $1.000000000e+00;
	v0 =	vmax.f32 v0, $0.0e+00;
	v2 =	vadd.f32 $5.000000000e-01, v2  }
0x172: {  	[tilespmem:s2+$0xC810] =	vst v7;
	v8 =	vmul.f32 v8, v12;
	v1 =	vmax.f32 v1, $0.0e+00;
	v0 =	vmin.f32 v0, $1.000000000e+00  }
0x173: {  	[tilespmem:s2+$0xAF10] =	vst v4;
	v1 =	vmin.f32 v1, $1.000000000e+00;
	v0 =	vmul.f32 v0, v12;
	v2 =	vmax.f32 v2, $0.0e+00  }
0x174: {  	[tilespmem:s2+$0xC830] =	vst v8;
	v2 =	vmin.f32 v2, $1.000000000e+00;
	v1 =	vmul.f32 v1, v3  }
0x175: {  	[tilespmem:s2+$0xAF30] =	vst v0;
	v2 =	vmul.f32 v2, v3  }
0x176: {  	[tilespmem:s2+$0xC800] =	vst v1  }
0x177: {  	s18 =	simm.s32 $0xC80;
	s19 =	simm.s32 $0x4B00;
	s3 =	simm.s32 $0xAF00;
	[tilespmem:s2+$0xAF00] =	vst v2  }
0x178: {  	[spmem:s8] =	stream.indirect.scatter.add.f32 [tilespmem:s3], [sflag:$0x3], $0x1, s19, s18, $0xb8;
	[tilespmem:$0x11300] =	vst v63  }
0x179: {  	s20 =	simm.s32 $0xC800;
	s21 =	simm.s32 $0x4  }
0x17a: {  	[spmem:s9] =	stream.indirect.scatter.add.f32 [tilespmem:s20], [sflag:$0x3], $0x1, s19, s18, $0xb8;
	[tilespmem:$0x11300] =	vst v63  }
0x17b: {  	_ =	swait.ge [sflag:s21], $0xC80  }
0x17c: {  	[sflag:s21] =	ssyncset.done $0x0  }
0x17d: {  	[sflag:s21] =	ssyncadd.s32 $0xFFFFF380  }
0x17e: {  	s0 =	sadd.s32 $0x3E80, s0;
	_ =	swait.ge [sflag:s21], $0xC80  }
0x17f: {  	[dreg:$0xe] =	wrdreg s0;
	s0 =	sshrl.u32 s0, $0x3;
	[sflag:s21] =	ssyncset.done $0x0  }
0x180: {  	s23 =	simm.s32 $0x0;
	s22 =	sadd.s32 s12, s0;
	[sflag:s21] =	ssyncadd.s32 $0xFFFFF380  }
0x181: {  	[tilespmem:s18], [sflag:$0x6] =	stream.linear.gather [hbm4b:s22+s23], $0xC80, $0x38;
	[tilespmem:$0x11300] =	vst v63  }
0x182: {  	s24 =	simm.s32 $0x3E80;
	s25 =	simm.s32 $0x5;
	s0 =	sadd.s32 s7, s0  }
0x183: {  	[tilespmem:s24], [sflag:$0x6] =	stream.linear.gather [hbm4b:s0+s23], $0xC80, $0x38;
	[tilespmem:$0x11300] =	vst v63  }
0x184: {  	_ =	swait.ge [sflag:s25], $0xC80  }
0x185: {  	[sflag:s25] =	ssyncset.done $0x0  }
0x186: {  	[sflag:s25] =	ssyncadd.s32 $0xFFFFF380  }
0x187: {  	_ =	swait.ge [sflag:s25], $0xC80  }
0x188: {  	[sflag:s25] =	ssyncset.done $0x0  }
0x189: {  	s26 =	simm.s32 $0x6400;
	[sflag:s25] =	ssyncadd.s32 $0xFFFFF380  }
0x18a: {  	[tilespmem:s26], [sflag:$0x1] =	stream.indirect.gather [spmem:s10], $0x1, s23, s18, $0xb8;
	[tilespmem:$0x11300] =	vst v63  }
0x18b: {  	s28 =	simm.s32 $0x3200;
	s29 =	simm.s32 $0x7D00  }
0x18c: {  	[tilespmem:s29], [sflag:$0x1] =	stream.indirect.gather [spmem:s10], $0x1, s28, s18, $0xb8;
	[tilespmem:$0x11300] =	vst v63  }
0x18d: {  	s30 =	simm.s32 $0x9600;
	s31 =	simm.s32 $0x2  }
0x18e: {  	[tilespmem:s30], [sflag:$0x1] =	stream.indirect.gather [spmem:s11], $0x1, s23, s18, $0xb8;
	[tilespmem:$0x11300] =	vst v63  }
0x18f: {  	_ =	swait.ge [sflag:s31], $0xC80  }
0x190: {  	[sflag:s31] =	ssyncset.done $0x0  }
0x191: {  	[sflag:s31] =	ssyncadd.s32 $0xFFFFF380  }
0x192: {  	_ =	swait.ge [sflag:s31], $0xC80  }
0x193: {  	[sflag:s31] =	ssyncset.done $0x0  }
0x194: {  	[sflag:s31] =	ssyncadd.s32 $0xFFFFF380  }
0x195: {  	_ =	swait.ge [sflag:s31], $0xC80  }
0x196: {  	[sflag:s31] =	ssyncset.done $0x0  }
0x197: {  	s0 =	simm.s32 $0x0;
	[sflag:s31] =	ssyncadd.s32 $0xFFFFF380  }
0x198: {  	v0 =	vld [tilespmem:s0+$0x70A0]  }
0x199: {  	v1 =	vld [tilespmem:s0+$0x89A0]  }
0x19a: {  	v2 =	vld [tilespmem:s0+$0x7090]  }
0x19b: {  	v3 =	vld [tilespmem:s0+$0x8990]  }
0x19c: {  	v9 =	vld [tilespmem:s0+$0x89B0];
	_ =	sdelay $0x2  }
0x19d: {  	v4 =	vld [tilespmem:s0+$0x70B0];
	v5 =	vand.u32 $0xFFFF, v1;
	v6 =	vand.u32 $0xFFFF, v0;
	v7 =	vshrl.u32 v2, $0x10  }
0x19e: {  	v8 =	vshrl.u32 v3, $0x10;
	v0 =	vshrl.u32 v0, $0x10;
	v1 =	vshrl.u32 v1, $0x10  }
0x19f: {  	v3 =	vand.u32 $0xFFFF, v3;
	v2 =	vand.u32 $0xFFFF, v2;
	v54 =	vshrl.u32 v9, $0x10  }
0x1a0: {  	v9 =	vand.u32 $0xFFFF, v9;
	v5 =	vsub.s32 v5, v6;
	v7 =	vsub.s32 v8, v7  }
0x1a1: {  	v6 =	vld [tilespmem:s0+$0x7080];
	v0 =	vsub.s32 v1, v0;
	v2 =	vsub.s32 v3, v2;
	v5 =	vcvt.s32.f32 v5  }
0x1a2: {  	v1 =	vshrl.u32 v4, $0x10;
	v7 =	vcvt.s32.f32 v7;
	v2 =	vcvt.s32.f32 v2  }
0x1a3: {  	v1 =	vsub.s32 v54, v1;
	v0 =	vcvt.s32.f32 v0;
	v5 =	vmul.f32 $3.051804380e-04, v5  }
0x1a4: {  	v10 =	vld [tilespmem:s0+$0xA2A0];
	v8 =	vand.u32 $0xFFFF, v4;
	v1 =	vcvt.s32.f32 v1;
	v7 =	vmul.f32 $3.051804380e-04, v7  }
0x1a5: {  	v2 =	vmul.f32 $3.051804380e-04, v2;
	v0 =	vmul.f32 $3.051804380e-04, v0;
	v4 =	vadd.f32 $5.000000000e-01, v5;
	v5 =	vld [tilespmem:s0+$0x8980]  }
0x1a6: {  	v1 =	vmul.f32 $3.051804380e-04, v1;
	v11 =	vshrl.u32 v6, $0x10;
	v7 =	vadd.f32 $5.000000000e-01, v7  }
0x1a7: {  	v6 =	vand.u32 $0xFFFF, v6;
	v2 =	vadd.f32 $5.000000000e-01, v2;
	v3 =	vmax.f32 v4, $0.0e+00;
	v4 =	vld [tilespmem:s0+$0xA290]  }
0x1a8: {  	v0 =	vadd.f32 $5.000000000e-01, v0;
	v1 =	vadd.f32 $5.000000000e-01, v1;
	v3 =	vmin.f32 v3, $1.000000000e+00  }
0x1a9: {  	v7 =	vmax.f32 v7, $0.0e+00;
	v2 =	vmax.f32 v2, $0.0e+00;
	v3 =	vmul.f32 v3, v10  }
0x1aa: {  	v13 =	vmax.f32 v0, $0.0e+00;
	v2 =	vmin.f32 v2, $1.000000000e+00;
	v55 =	vand.u32 $0xFFFF, v5  }
0x1ab: {  	s1 =	simm.s32 $0x40;
	v56 =	vld [tilespmem:s0+$0xA2B0];
	v5 =	vshrl.u32 v5, $0x10;
	[tilespmem:s0+$0xBBA0] =	vst v3;
	v3 =	vmin.f32 v7, $1.000000000e+00;
	v6 =	vsub.s32 v55, v6  }
0x1ac: {  	v5 =	vsub.s32 v5, v11;
	v3 =	vmul.f32 v3, v4;
	v7 =	vld [tilespmem:s1+$0x70A0];
	v6 =	vcvt.s32.f32 v6  }
0x1ad: {  	v1 =	vmax.f32 v1, $0.0e+00;
	v13 =	vmin.f32 v13, $1.000000000e+00;
	v11 =	vld [tilespmem:s1+$0x89A0];
	v5 =	vcvt.s32.f32 v5  }
0x1ae: {  	v10 =	vmul.f32 v13, v10;
	[tilespmem:s0+$0xD490] =	vst v3;
	v3 =	vsub.s32 v9, v8;
	v6 =	vmul.f32 $3.051804380e-04, v6  }
0x1af: {  	v0 =	vmin.f32 v1, $1.000000000e+00;
	v5 =	vmul.f32 $3.051804380e-04, v5;
	v8 =	vld [tilespmem:s1+$0x70B0];
	v3 =	vcvt.s32.f32 v3  }
0x1b0: {  	v2 =	vmul.f32 v2, v4;
	v4 =	vmul.f32 v0, v56;
	v9 =	vld [tilespmem:s1+$0x7090];
	v6 =	vadd.f32 $5.000000000e-01, v6  }
0x1b1: {  	v15 =	vld [tilespmem:s1+$0x8990];
	v5 =	vadd.f32 $5.000000000e-01, v5;
	v14 =	vmul.f32 $3.051804380e-04, v3;
	v3 =	vshrl.u32 v7, $0x10  }
0x1b2: {  	v0 =	vld [tilespmem:s1+$0x89B0];
	v16 =	vand.u32 $0xFFFF, v11;
	v7 =	vand.u32 $0xFFFF, v7;
	v11 =	vshrl.u32 v11, $0x10  }
0x1b3: {  	v17 =	vld [tilespmem:s1+$0x7080];
	[tilespmem:s0+$0xD4B0] =	vst v4;
	v4 =	vsub.s32 v16, v7;
	v3 =	vsub.s32 v11, v3;
	v6 =	vmax.f32 v6, $0.0e+00  }
0x1b4: {  	v58 =	vmax.f32 v5, $0.0e+00;
	v4 =	vcvt.s32.f32 v4;
	v11 =	vadd.f32 $5.000000000e-01, v14  }
0x1b5: {  	[tilespmem:s0+$0xBB90] =	vst v2;
	v6 =	vmin.f32 v6, $1.000000000e+00;
	v1 =	vand.u32 $0xFFFF, v8;
	v7 =	vshrl.u32 v8, $0x10  }
0x1b6: {  	[tilespmem:s0+$0xD4A0] =	vst v10;
	v2 =	vshrl.u32 v9, $0x10;
	v8 =	vand.u32 $0xFFFF, v15;
	v10 =	vshrl.u32 v15, $0x10  }
0x1b7: {  	v9 =	vand.u32 $0xFFFF, v9;
	v2 =	vsub.s32 v10, v2;
	v4 =	vmul.f32 $3.051804380e-04, v4;
	v10 =	vld [tilespmem:s0+$0xA280]  }
0x1b8: {  	v14 =	vmin.f32 v58, $1.000000000e+00;
	v8 =	vsub.s32 v8, v9;
	v57 =	vcvt.s32.f32 v2;
	v2 =	vld [tilespmem:s1+$0xA2A0]  }
0x1b9: {  	v59 =	vld [tilespmem:s1+$0x8980];
	v5 =	vshrl.u32 v17, $0x10;
	v60 =	vcvt.s32.f32 v8;
	v4 =	vadd.f32 $5.000000000e-01, v4  }
0x1ba: {  	v61 =	vand.u32 $0xFFFF, v17;
	v11 =	vmax.f32 v11, $0.0e+00;
	v9 =	vmul.f32 $3.051804380e-04, v57  }
0x1bb: {  	v63 =	vmin.f32 v11, $1.000000000e+00;
	v11 =	vmul.f32 $3.051804380e-04, v60;
	v8 =	vmax.f32 v4, $0.0e+00;
	v4 =	vld [tilespmem:s1+$0xA290]  }
0x1bc: {  	v9 =	vadd.f32 $5.000000000e-01, v9;
	v8 =	vmin.f32 v8, $1.000000000e+00;
	v14 =	vmul.f32 v14, v10  }
0x1bd: {  	v10 =	vmul.f32 v6, v10;
	v62 =	vmul.f32 v8, v2;
	v8 =	vshrl.u32 v0, $0x10  }
0x1be: {  	v6 =	vand.u32 $0xFFFF, v59;
	v9 =	vmax.f32 v9, $0.0e+00;
	v7 =	vsub.s32 v8, v7;
	[tilespmem:s0+$0xD480] =	vst v14  }
0x1bf: {  	v6 =	vsub.s32 v6, v61;
	v8 =	vcvt.s32.f32 v7;
	[tilespmem:s1+$0xBBA0] =	vst v62;
	v7 =	vmin.f32 v9, $1.000000000e+00  }
0x1c0: {  	s2 =	simm.s32 $0x200;
	v9 =	vmul.f32 v63, v56;
	[tilespmem:s0+$0xBB80] =	vst v10;
	v10 =	vshrl.u32 v59, $0x10;
	v7 =	vmul.f32 v7, v4  }
.LBB2_7:
0x1c1: {  	s3 =	sshra.s32 s2, $0x2;
	p0 =	sne.s32 s2, $0x3100;
	s2 =	sadd.s32 $0x100, s2;
	v5 =	vsub.s32 v10, v5;
	v10 =	vadd.f32 $5.000000000e-01, v11;
	v3 =	vcvt.s32.f32 v3;
	v12 =	vld [tilespmem:s1+$0xA2B0]  }
0x1c2: {  	v6 =	vcvt.s32.f32 v6;
	v0 =	vand.u32 $0xFFFF, v0;
	v8 =	vmul.f32 $3.051804380e-04, v8;
	v11 =	vld [tilespmem:s3+$0x70A0];
	[tilespmem:s0+$0xBBB0] =	vst v9;
	s0 =	smov.u32 s1;
	s1 =	smov.u32 s3  }
0x1c3: {  	v0 =	vsub.s32 v0, v1;
	v9 =	vld [tilespmem:s1+$0x89A0];
	v10 =	vmax.f32 v10, $0.0e+00;
	[tilespmem:s0+$0xD490] =	vst v7;
	v3 =	vmul.f32 $3.051804380e-04, v3  }
0x1c4: {  	v5 =	vcvt.s32.f32 v5;
	v1 =	vmul.f32 $3.051804380e-04, v6;
	v6 =	vadd.f32 $5.000000000e-01, v8;
	v7 =	vld [tilespmem:s1+$0x70B0]  }
0x1c5: {  	v13 =	vcvt.s32.f32 v0;
	v10 =	vmin.f32 v10, $1.000000000e+00;
	v8 =	vld [tilespmem:s1+$0x7090];
	v3 =	vadd.f32 $5.000000000e-01, v3  }
0x1c6: {  	v5 =	vmul.f32 $3.051804380e-04, v5;
	v14 =	vadd.f32 $5.000000000e-01, v1;
	v1 =	vmax.f32 v6, $0.0e+00;
	v0 =	vld [tilespmem:s1+$0x89B0]  }
0x1c7: {  	v13 =	vmul.f32 $3.051804380e-04, v13;
	v1 =	vmin.f32 v1, $1.000000000e+00;
	v6 =	vld [tilespmem:s1+$0x8990];
	v3 =	vmax.f32 v3, $0.0e+00  }
0x1c8: {  	v4 =	vmul.f32 v10, v4;
	v16 =	vshrl.u32 v11, $0x10;
	v10 =	vmul.f32 v1, v12;
	v15 =	vld [tilespmem:s1+$0x7080]  }
0x1c9: {  	v17 =	vand.u32 $0xFFFF, v9;
	v3 =	vmin.f32 v3, $1.000000000e+00;
	v1 =	vand.u32 $0xFFFF, v7  }
0x1ca: {  	v11 =	vand.u32 $0xFFFF, v11;
	v9 =	vshrl.u32 v9, $0x10;
	v2 =	vmul.f32 v3, v2;
	[tilespmem:s0+$0xD4B0] =	vst v10  }
0x1cb: {  	v3 =	vsub.s32 v9, v16;
	v7 =	vshrl.u32 v7, $0x10;
	v10 =	vsub.s32 v17, v11;
	[tilespmem:s0+$0xBB90] =	vst v4  }
0x1cc: {  	v5 =	vadd.f32 $5.000000000e-01, v5;
	v4 =	vshrl.u32 v8, $0x10;
	v9 =	vcvt.s32.f32 v10;
	[tilespmem:s0+$0xD4A0] =	vst v2  }
0x1cd: {  	v10 =	vand.u32 $0xFFFF, v6;
	v2 =	vshrl.u32 v6, $0x10;
	v6 =	vadd.f32 $5.000000000e-01, v13  }
0x1ce: {  	v2 =	vsub.s32 v2, v4;
	v4 =	vmul.f32 $3.051804380e-04, v9;
	v9 =	vmax.f32 v14, $0.0e+00;
	v11 =	vld [tilespmem:s0+$0xA280]  }
0x1cf: {  	v8 =	vand.u32 $0xFFFF, v8;
	v13 =	vcvt.s32.f32 v2;
	v6 =	vmax.f32 v6, $0.0e+00;
	v2 =	vld [tilespmem:s1+$0xA2A0]  }
0x1d0: {  	v14 =	vmax.f32 v5, $0.0e+00;
	v9 =	vmin.f32 v9, $1.000000000e+00;
	v4 =	vadd.f32 $5.000000000e-01, v4  }
0x1d1: {  	v5 =	vshrl.u32 v15, $0x10;
	v8 =	vsub.s32 v10, v8;
	v10 =	vmul.f32 $3.051804380e-04, v13;
	v16 =	vld [tilespmem:s1+$0x8980]  }
0x1d2: {  	v14 =	vmin.f32 v14, $1.000000000e+00;
	v13 =	vcvt.s32.f32 v8;
	v8 =	vmax.f32 v4, $0.0e+00  }
0x1d3: {  	v10 =	vadd.f32 $5.000000000e-01, v10;
	v8 =	vmin.f32 v8, $1.000000000e+00;
	v4 =	vld [tilespmem:s1+$0xA290];
	v14 =	vmul.f32 v14, v11  }
.Ltmp3:
0x1d4: {  	v17 =	vshrl.u32 v0, $0x10;
	v15 =	vand.u32 $0xFFFF, v15;
	v8 =	vmul.f32 v8, v2;
	(pc) =	sbr.rel @p0 .LBB2_7-.Ltmp3, $4  }
0x1d5: {  	v7 =	vsub.s32 v17, v7;
	v9 =	vmul.f32 v9, v11;
	v10 =	vmax.f32 v10, $0.0e+00;
	[tilespmem:s0+$0xD480] =	vst v14  }
0x1d6: {  	v14 =	vmin.f32 v6, $1.000000000e+00;
	v11 =	vand.u32 $0xFFFF, v16;
	[tilespmem:s1+$0xBBA0] =	vst v8;
	v8 =	vcvt.s32.f32 v7  }
0x1d7: {  	v7 =	vmin.f32 v10, $1.000000000e+00;
	v6 =	vsub.s32 v11, v15;
	v11 =	vmul.f32 $3.051804380e-04, v13;
	[tilespmem:s0+$0xBB80] =	vst v9  }
0x1d8: {  	v10 =	vshrl.u32 v16, $0x10;
	v9 =	vmul.f32 v14, v12;
	v7 =	vmul.f32 v7, v4  }
0x1d9: {  	v3 =	vcvt.s32.f32 v3;
	_ =	sdelay $0x1  }
0x1da: {  	v8 =	vmul.f32 $3.051804380e-04, v8;
	v3 =	vmul.f32 $3.051804380e-04, v3  }
0x1db: {  	v11 =	vadd.f32 $5.000000000e-01, v11;
	v5 =	vsub.s32 v10, v5;
	v0 =	vand.u32 $0xFFFF, v0  }
0x1dc: {  	v5 =	vcvt.s32.f32 v5;
	v0 =	vsub.s32 v0, v1;
	v3 =	vadd.f32 $5.000000000e-01, v3  }
0x1dd: {  	v60 =	vcvt.s32.f32 v6;
	v8 =	vadd.f32 $5.000000000e-01, v8;
	v0 =	vcvt.s32.f32 v0  }
0x1de: {  	v12 =	vld [tilespmem:s1+$0xA2B0];
	[tilespmem:s0+$0xBBB0] =	vst v9;
	v11 =	vmax.f32 v11, $0.0e+00;
	v61 =	vmul.f32 $3.051804380e-04, v5;
	v3 =	vmax.f32 v3, $0.0e+00  }
0x1df: {  	v62 =	vmul.f32 $3.051804380e-04, v60;
	v63 =	vld [tilespmem:s1+$0xA280];
	v0 =	vmul.f32 $3.051804380e-04, v0;
	v3 =	vmin.f32 v3, $1.000000000e+00  }
0x1e0: {  	v59 =	vmin.f32 v11, $1.000000000e+00;
	v1 =	vadd.f32 $5.000000000e-01, v61;
	v2 =	vmul.f32 v3, v2  }
0x1e1: {  	v8 =	vmax.f32 v8, $0.0e+00;
	v4 =	vmul.f32 v59, v4;
	v0 =	vadd.f32 $5.000000000e-01, v0  }
0x1e2: {  	v8 =	vmin.f32 v8, $1.000000000e+00;
	v1 =	vmax.f32 v1, $0.0e+00;
	[tilespmem:s1+$0xD4A0] =	vst v2;
	v2 =	vadd.f32 $5.000000000e-01, v62  }
0x1e3: {  	s17 =	simm.s32 $0xC80;
	s18 =	simm.s32 $0x5780;
	[tilespmem:s1+$0xD490] =	vst v7;
	v8 =	vmul.f32 v8, v12;
	v1 =	vmin.f32 v1, $1.000000000e+00;
	v0 =	vmax.f32 v0, $0.0e+00  }
0x1e4: {  	s19 =	simm.s32 $0xBB80;
	s20 =	simm.s32 $0xD480;
	s21 =	simm.s32 $0x1;
	[tilespmem:s1+$0xBB90] =	vst v4;
	v1 =	vmul.f32 v1, v63;
	v0 =	vmin.f32 v0, $1.000000000e+00;
	v2 =	vmax.f32 v2, $0.0e+00  }
0x1e5: {  	s22 =	simm.s32 $0x3;
	s23 =	simm.s32 $0x1900;
	s24 =	simm.s32 $0x4B00;
	[tilespmem:s1+$0xD4B0] =	vst v8;
	v0 =	vmul.f32 v0, v12;
	v2 =	vmin.f32 v2, $1.000000000e+00  }
0x1e6: {  	s25 =	simm.s32 $0x6;
	s28 =	simm.s32 $0x3E80;
	s31 =	simm.s32 $0x3200;
	[tilespmem:s1+$0xD480] =	vst v1;
	v2 =	vmul.f32 v2, v63  }
0x1e7: {  	s2 =	simm.s32 $0xC800;
	s4 =	simm.s32 $0x2580;
	s5 =	simm.s32 $0x5;
	[tilespmem:s1+$0xBBB0] =	vst v0  }
0x1e8: {  	s6 =	simm.s32 $0x6400;
	s3 =	simm.s32 $0x7D00;
	s13 =	simm.s32 $0x9600;
	[tilespmem:s1+$0xBB80] =	vst v2  }
0x1e9: {  	[spmem:s8] =	stream.indirect.scatter.add.f32 [tilespmem:s19], [sflag:$0x4], $0x1, s18, s17, $0xb8;
	[tilespmem:$0x11300] =	vst v63  }
0x1ea: {  	s14 =	simm.s32 $0x2;
	s15 =	simm.s32 $0x1;
	s1 =	simm.s32 $0x4  }
0x1eb: {  	[spmem:s9] =	stream.indirect.scatter.add.f32 [tilespmem:s20], [sflag:$0x4], $0x1, s18, s17, $0xb8;
	[tilespmem:$0x11300] =	vst v63  }
.LBB2_9:
0x1ec: {  	_ =	swait.ge [sflag:s22], $0xC80  }
0x1ed: {  	[sflag:s22] =	ssyncset.done $0x0  }
0x1ee: {  	[sflag:s22] =	ssyncadd.s32 $0xFFFFF380  }
0x1ef: {  	s16 =	smul.u32 $0x3200, s15;
	_ =	swait.ge [sflag:s22], $0xC80  }
0x1f0: {  	s0 =	rddreg [dreg:$0xb]  }
0x1f1: {  	s26 =	sadd.s32 s16, s0  }
0x1f2: {  	[sflag:s22] =	ssyncset.done $0x0;
	s26 =	sshrl.u32 s26, $0x3  }
0x1f3: {  	s30 =	simm.s32 $0x0;
	[sflag:s22] =	ssyncadd.s32 $0xFFFFF380;
	s29 =	sadd.s32 s12, s26  }
0x1f4: {  	[tilespmem:s23], [sflag:$0x5] =	stream.linear.gather [hbm4b:s29+s30], $0xC80, $0x38;
	[tilespmem:$0x11300] =	vst v63  }
0x1f5: {  	s26 =	sadd.s32 s7, s26  }
0x1f6: {  	[tilespmem:s24], [sflag:$0x5] =	stream.linear.gather [hbm4b:s26+s30], $0xC80, $0x38;
	[tilespmem:$0x11300] =	vst v63  }
0x1f7: {  	_ =	swait.ge [sflag:s25], $0xC80  }
0x1f8: {  	[sflag:s25] =	ssyncset.done $0x0  }
0x1f9: {  	[sflag:s25] =	ssyncadd.s32 $0xFFFFF380  }
0x1fa: {  	_ =	swait.ge [sflag:s25], $0xC80  }
0x1fb: {  	[sflag:s25] =	ssyncset.done $0x0  }
0x1fc: {  	s26 =	simm.s32 $0x7080;
	[sflag:s25] =	ssyncadd.s32 $0xFFFFF380  }
0x1fd: {  	[tilespmem:s26], [sflag:$0x2] =	stream.indirect.gather [spmem:s10], $0x1, s17, s17, $0xb8;
	[tilespmem:$0x11300] =	vst v63  }
0x1fe: {  	s26 =	simm.s32 $0x8980  }
0x1ff: {  	[tilespmem:s26], [sflag:$0x2] =	stream.indirect.gather [spmem:s10], $0x1, s28, s17, $0xb8;
	[tilespmem:$0x11300] =	vst v63  }
0x200: {  	s26 =	simm.s32 $0xA280  }
0x201: {  	[tilespmem:s26], [sflag:$0x2] =	stream.indirect.gather [spmem:s11], $0x1, s17, s17, $0xb8;
	[tilespmem:$0x11300] =	vst v63  }
0x202: {  	_ =	swait.ge [sflag:s21], $0xC80  }
0x203: {  	[sflag:s21] =	ssyncset.done $0x0  }
0x204: {  	[sflag:s21] =	ssyncadd.s32 $0xFFFFF380  }
0x205: {  	_ =	swait.ge [sflag:s21], $0xC80  }
0x206: {  	[sflag:s21] =	ssyncset.done $0x0  }
0x207: {  	[sflag:s21] =	ssyncadd.s32 $0xFFFFF380  }
0x208: {  	_ =	swait.ge [sflag:s21], $0xC80  }
0x209: {  	[sflag:s21] =	ssyncset.done $0x0  }
0x20a: {  	s26 =	simm.s32 $0x0;
	[sflag:s21] =	ssyncadd.s32 $0xFFFFF380  }
0x20b: {  	v0 =	vld [tilespmem:s26+$0x6420]  }
0x20c: {  	v1 =	vld [tilespmem:s26+$0x7D20]  }
0x20d: {  	v2 =	vld [tilespmem:s26+$0x6410]  }
0x20e: {  	v3 =	vld [tilespmem:s26+$0x7D10]  }
0x20f: {  	v9 =	vld [tilespmem:s26+$0x7D30];
	_ =	sdelay $0x2  }
0x210: {  	v4 =	vld [tilespmem:s26+$0x6430];
	v5 =	vand.u32 $0xFFFF, v1;
	v6 =	vand.u32 $0xFFFF, v0;
	v7 =	vshrl.u32 v2, $0x10  }
0x211: {  	v8 =	vshrl.u32 v3, $0x10;
	v0 =	vshrl.u32 v0, $0x10;
	v1 =	vshrl.u32 v1, $0x10  }
0x212: {  	v3 =	vand.u32 $0xFFFF, v3;
	v2 =	vand.u32 $0xFFFF, v2;
	v12 =	vshrl.u32 v9, $0x10  }
0x213: {  	v9 =	vand.u32 $0xFFFF, v9;
	v5 =	vsub.s32 v5, v6;
	v7 =	vsub.s32 v8, v7  }
0x214: {  	v6 =	vld [tilespmem:s26+$0x6400];
	v0 =	vsub.s32 v1, v0;
	v2 =	vsub.s32 v3, v2;
	v5 =	vcvt.s32.f32 v5  }
0x215: {  	v1 =	vshrl.u32 v4, $0x10;
	v7 =	vcvt.s32.f32 v7;
	v2 =	vcvt.s32.f32 v2  }
0x216: {  	v1 =	vsub.s32 v12, v1;
	v0 =	vcvt.s32.f32 v0;
	v5 =	vmul.f32 $3.051804380e-04, v5  }
0x217: {  	v10 =	vld [tilespmem:s26+$0x9620];
	v8 =	vand.u32 $0xFFFF, v4;
	v1 =	vcvt.s32.f32 v1;
	v7 =	vmul.f32 $3.051804380e-04, v7  }
0x218: {  	v2 =	vmul.f32 $3.051804380e-04, v2;
	v0 =	vmul.f32 $3.051804380e-04, v0;
	v4 =	vadd.f32 $5.000000000e-01, v5;
	v5 =	vld [tilespmem:s26+$0x7D00]  }
0x219: {  	v1 =	vmul.f32 $3.051804380e-04, v1;
	v11 =	vshrl.u32 v6, $0x10;
	v7 =	vadd.f32 $5.000000000e-01, v7  }
0x21a: {  	v6 =	vand.u32 $0xFFFF, v6;
	v2 =	vadd.f32 $5.000000000e-01, v2;
	v3 =	vmax.f32 v4, $0.0e+00;
	v4 =	vld [tilespmem:s26+$0x9610]  }
0x21b: {  	v0 =	vadd.f32 $5.000000000e-01, v0;
	v1 =	vadd.f32 $5.000000000e-01, v1;
	v3 =	vmin.f32 v3, $1.000000000e+00  }
0x21c: {  	v7 =	vmax.f32 v7, $0.0e+00;
	v2 =	vmax.f32 v2, $0.0e+00;
	v3 =	vmul.f32 v3, v10  }
0x21d: {  	v13 =	vmax.f32 v0, $0.0e+00;
	v2 =	vmin.f32 v2, $1.000000000e+00;
	v55 =	vand.u32 $0xFFFF, v5  }
0x21e: {  	s29 =	simm.s32 $0x40;
	v56 =	vld [tilespmem:s26+$0x9630];
	v5 =	vshrl.u32 v5, $0x10;
	[tilespmem:s26+$0xAF20] =	vst v3;
	v3 =	vmin.f32 v7, $1.000000000e+00;
	v6 =	vsub.s32 v55, v6  }
0x21f: {  	v5 =	vsub.s32 v5, v11;
	v3 =	vmul.f32 v3, v4;
	v7 =	vld [tilespmem:s29+$0x6420];
	v6 =	vcvt.s32.f32 v6  }
0x220: {  	v1 =	vmax.f32 v1, $0.0e+00;
	v13 =	vmin.f32 v13, $1.000000000e+00;
	v11 =	vld [tilespmem:s29+$0x7D20];
	v5 =	vcvt.s32.f32 v5  }
0x221: {  	v10 =	vmul.f32 v13, v10;
	[tilespmem:s26+$0xC810] =	vst v3;
	v3 =	vsub.s32 v9, v8;
	v6 =	vmul.f32 $3.051804380e-04, v6  }
0x222: {  	v0 =	vmin.f32 v1, $1.000000000e+00;
	v5 =	vmul.f32 $3.051804380e-04, v5;
	v8 =	vld [tilespmem:s29+$0x6430];
	v3 =	vcvt.s32.f32 v3  }
0x223: {  	v2 =	vmul.f32 v2, v4;
	v4 =	vmul.f32 v0, v56;
	v9 =	vld [tilespmem:s29+$0x6410];
	v6 =	vadd.f32 $5.000000000e-01, v6  }
0x224: {  	v15 =	vld [tilespmem:s29+$0x7D10];
	v5 =	vadd.f32 $5.000000000e-01, v5;
	v14 =	vmul.f32 $3.051804380e-04, v3;
	v3 =	vshrl.u32 v7, $0x10  }
0x225: {  	v0 =	vld [tilespmem:s29+$0x7D30];
	v16 =	vand.u32 $0xFFFF, v11;
	v7 =	vand.u32 $0xFFFF, v7;
	v11 =	vshrl.u32 v11, $0x10  }
0x226: {  	v17 =	vld [tilespmem:s29+$0x6400];
	[tilespmem:s26+$0xC830] =	vst v4;
	v4 =	vsub.s32 v16, v7;
	v3 =	vsub.s32 v11, v3;
	v6 =	vmax.f32 v6, $0.0e+00  }
0x227: {  	v58 =	vmax.f32 v5, $0.0e+00;
	v4 =	vcvt.s32.f32 v4;
	v11 =	vadd.f32 $5.000000000e-01, v14  }
0x228: {  	[tilespmem:s26+$0xAF10] =	vst v2;
	v6 =	vmin.f32 v6, $1.000000000e+00;
	v1 =	vand.u32 $0xFFFF, v8;
	v7 =	vshrl.u32 v8, $0x10  }
0x229: {  	[tilespmem:s26+$0xC820] =	vst v10;
	v2 =	vshrl.u32 v9, $0x10;
	v8 =	vand.u32 $0xFFFF, v15;
	v10 =	vshrl.u32 v15, $0x10  }
0x22a: {  	v9 =	vand.u32 $0xFFFF, v9;
	v2 =	vsub.s32 v10, v2;
	v4 =	vmul.f32 $3.051804380e-04, v4;
	v10 =	vld [tilespmem:s26+$0x9600]  }
0x22b: {  	v14 =	vmin.f32 v58, $1.000000000e+00;
	v8 =	vsub.s32 v8, v9;
	v57 =	vcvt.s32.f32 v2;
	v2 =	vld [tilespmem:s29+$0x9620]  }
0x22c: {  	v59 =	vld [tilespmem:s29+$0x7D00];
	v5 =	vshrl.u32 v17, $0x10;
	v60 =	vcvt.s32.f32 v8;
	v4 =	vadd.f32 $5.000000000e-01, v4  }
0x22d: {  	v61 =	vand.u32 $0xFFFF, v17;
	v11 =	vmax.f32 v11, $0.0e+00;
	v9 =	vmul.f32 $3.051804380e-04, v57  }
0x22e: {  	v63 =	vmin.f32 v11, $1.000000000e+00;
	v11 =	vmul.f32 $3.051804380e-04, v60;
	v8 =	vmax.f32 v4, $0.0e+00;
	v4 =	vld [tilespmem:s29+$0x9610]  }
0x22f: {  	v9 =	vadd.f32 $5.000000000e-01, v9;
	v8 =	vmin.f32 v8, $1.000000000e+00;
	v14 =	vmul.f32 v14, v10  }
0x230: {  	v10 =	vmul.f32 v6, v10;
	v62 =	vmul.f32 v8, v2;
	v8 =	vshrl.u32 v0, $0x10  }
0x231: {  	v6 =	vand.u32 $0xFFFF, v59;
	v9 =	vmax.f32 v9, $0.0e+00;
	v7 =	vsub.s32 v8, v7;
	[tilespmem:s26+$0xC800] =	vst v14  }
0x232: {  	v6 =	vsub.s32 v6, v61;
	v8 =	vcvt.s32.f32 v7;
	[tilespmem:s29+$0xAF20] =	vst v62;
	v7 =	vmin.f32 v9, $1.000000000e+00  }
0x233: {  	s30 =	simm.s32 $0x200;
	v9 =	vmul.f32 v63, v56;
	[tilespmem:s26+$0xAF00] =	vst v10;
	v10 =	vshrl.u32 v59, $0x10;
	v7 =	vmul.f32 v7, v4  }
.LBB2_10:
0x234: {  	s0 =	sshra.s32 s30, $0x2;
	p0 =	sne.s32 s30, $0x3100;
	s30 =	sadd.s32 $0x100, s30;
	v5 =	vsub.s32 v10, v5;
	v10 =	vadd.f32 $5.000000000e-01, v11;
	v3 =	vcvt.s32.f32 v3;
	v12 =	vld [tilespmem:s29+$0x9630]  }
0x235: {  	v6 =	vcvt.s32.f32 v6;
	v0 =	vand.u32 $0xFFFF, v0;
	v8 =	vmul.f32 $3.051804380e-04, v8;
	v11 =	vld [tilespmem:s0+$0x6420];
	[tilespmem:s26+$0xAF30] =	vst v9;
	s26 =	smov.u32 s29;
	s29 =	smov.u32 s0  }
0x236: {  	v0 =	vsub.s32 v0, v1;
	v9 =	vld [tilespmem:s29+$0x7D20];
	v10 =	vmax.f32 v10, $0.0e+00;
	[tilespmem:s26+$0xC810] =	vst v7;
	v3 =	vmul.f32 $3.051804380e-04, v3  }
0x237: {  	v5 =	vcvt.s32.f32 v5;
	v1 =	vmul.f32 $3.051804380e-04, v6;
	v6 =	vadd.f32 $5.000000000e-01, v8;
	v7 =	vld [tilespmem:s29+$0x6430]  }
0x238: {  	v13 =	vcvt.s32.f32 v0;
	v10 =	vmin.f32 v10, $1.000000000e+00;
	v8 =	vld [tilespmem:s29+$0x6410];
	v3 =	vadd.f32 $5.000000000e-01, v3  }
0x239: {  	v5 =	vmul.f32 $3.051804380e-04, v5;
	v14 =	vadd.f32 $5.000000000e-01, v1;
	v1 =	vmax.f32 v6, $0.0e+00;
	v0 =	vld [tilespmem:s29+$0x7D30]  }
0x23a: {  	v13 =	vmul.f32 $3.051804380e-04, v13;
	v1 =	vmin.f32 v1, $1.000000000e+00;
	v6 =	vld [tilespmem:s29+$0x7D10];
	v3 =	vmax.f32 v3, $0.0e+00  }
0x23b: {  	v4 =	vmul.f32 v10, v4;
	v16 =	vshrl.u32 v11, $0x10;
	v10 =	vmul.f32 v1, v12;
	v15 =	vld [tilespmem:s29+$0x6400]  }
0x23c: {  	v17 =	vand.u32 $0xFFFF, v9;
	v3 =	vmin.f32 v3, $1.000000000e+00;
	v1 =	vand.u32 $0xFFFF, v7  }
0x23d: {  	v11 =	vand.u32 $0xFFFF, v11;
	v9 =	vshrl.u32 v9, $0x10;
	v2 =	vmul.f32 v3, v2;
	[tilespmem:s26+$0xC830] =	vst v10  }
0x23e: {  	v3 =	vsub.s32 v9, v16;
	v7 =	vshrl.u32 v7, $0x10;
	v10 =	vsub.s32 v17, v11;
	[tilespmem:s26+$0xAF10] =	vst v4  }
0x23f: {  	v5 =	vadd.f32 $5.000000000e-01, v5;
	v4 =	vshrl.u32 v8, $0x10;
	v9 =	vcvt.s32.f32 v10;
	[tilespmem:s26+$0xC820] =	vst v2  }
0x240: {  	v10 =	vand.u32 $0xFFFF, v6;
	v2 =	vshrl.u32 v6, $0x10;
	v6 =	vadd.f32 $5.000000000e-01, v13  }
0x241: {  	v2 =	vsub.s32 v2, v4;
	v4 =	vmul.f32 $3.051804380e-04, v9;
	v9 =	vmax.f32 v14, $0.0e+00;
	v11 =	vld [tilespmem:s26+$0x9600]  }
0x242: {  	v8 =	vand.u32 $0xFFFF, v8;
	v13 =	vcvt.s32.f32 v2;
	v6 =	vmax.f32 v6, $0.0e+00;
	v2 =	vld [tilespmem:s29+$0x9620]  }
0x243: {  	v14 =	vmax.f32 v5, $0.0e+00;
	v9 =	vmin.f32 v9, $1.000000000e+00;
	v4 =	vadd.f32 $5.000000000e-01, v4  }
0x244: {  	v5 =	vshrl.u32 v15, $0x10;
	v8 =	vsub.s32 v10, v8;
	v10 =	vmul.f32 $3.051804380e-04, v13;
	v16 =	vld [tilespmem:s29+$0x7D00]  }
0x245: {  	v14 =	vmin.f32 v14, $1.000000000e+00;
	v13 =	vcvt.s32.f32 v8;
	v8 =	vmax.f32 v4, $0.0e+00  }
0x246: {  	v10 =	vadd.f32 $5.000000000e-01, v10;
	v8 =	vmin.f32 v8, $1.000000000e+00;
	v4 =	vld [tilespmem:s29+$0x9610];
	v14 =	vmul.f32 v14, v11  }
.Ltmp4:
0x247: {  	v17 =	vshrl.u32 v0, $0x10;
	v15 =	vand.u32 $0xFFFF, v15;
	v8 =	vmul.f32 v8, v2;
	(pc) =	sbr.rel @p0 .LBB2_10-.Ltmp4, $4  }
0x248: {  	v7 =	vsub.s32 v17, v7;
	v9 =	vmul.f32 v9, v11;
	v10 =	vmax.f32 v10, $0.0e+00;
	[tilespmem:s26+$0xC800] =	vst v14  }
0x249: {  	v14 =	vmin.f32 v6, $1.000000000e+00;
	v11 =	vand.u32 $0xFFFF, v16;
	[tilespmem:s29+$0xAF20] =	vst v8;
	v8 =	vcvt.s32.f32 v7  }
0x24a: {  	v7 =	vmin.f32 v10, $1.000000000e+00;
	v6 =	vsub.s32 v11, v15;
	v11 =	vmul.f32 $3.051804380e-04, v13;
	[tilespmem:s26+$0xAF00] =	vst v9  }
0x24b: {  	v10 =	vshrl.u32 v16, $0x10;
	v9 =	vmul.f32 v14, v12;
	v7 =	vmul.f32 v7, v4  }
0x24c: {  	v3 =	vcvt.s32.f32 v3;
	_ =	sdelay $0x1  }
0x24d: {  	v3 =	vmul.f32 $3.051804380e-04, v3  }
0x24e: {  	v0 =	vand.u32 $0xFFFF, v0  }
0x24f: {  	v0 =	vsub.s32 v0, v1;
	v3 =	vadd.f32 $5.000000000e-01, v3  }
0x250: {  	v8 =	vmul.f32 $3.051804380e-04, v8;
	v0 =	vcvt.s32.f32 v0  }
0x251: {  	v11 =	vadd.f32 $5.000000000e-01, v11;
	v5 =	vsub.s32 v10, v5;
	v3 =	vmax.f32 v3, $0.0e+00  }
0x252: {  	v5 =	vcvt.s32.f32 v5;
	v0 =	vmul.f32 $3.051804380e-04, v0;
	v3 =	vmin.f32 v3, $1.000000000e+00  }
0x253: {  	v12 =	vld [tilespmem:s29+$0x9630];
	v2 =	vmul.f32 v3, v2;
	v3 =	vcvt.s32.f32 v6  }
0x254: {  	[tilespmem:s26+$0xAF30] =	vst v9;
	v8 =	vadd.f32 $5.000000000e-01, v8;
	v11 =	vmax.f32 v11, $0.0e+00;
	v1 =	vmul.f32 $3.051804380e-04, v5  }
0x255: {  	v9 =	vmin.f32 v11, $1.000000000e+00;
	v0 =	vadd.f32 $5.000000000e-01, v0;
	[tilespmem:s29+$0xC820] =	vst v2;
	v2 =	vmul.f32 $3.051804380e-04, v3;
	v3 =	vld [tilespmem:s29+$0x9600]  }
0x256: {  	v8 =	vmax.f32 v8, $0.0e+00;
	v4 =	vmul.f32 v9, v4;
	v1 =	vadd.f32 $5.000000000e-01, v1  }
0x257: {  	v8 =	vmin.f32 v8, $1.000000000e+00;
	v0 =	vmax.f32 v0, $0.0e+00;
	v2 =	vadd.f32 $5.000000000e-01, v2  }
0x258: {  	[tilespmem:s29+$0xC810] =	vst v7;
	v8 =	vmul.f32 v8, v12;
	v1 =	vmax.f32 v1, $0.0e+00;
	v0 =	vmin.f32 v0, $1.000000000e+00  }
0x259: {  	[tilespmem:s29+$0xAF10] =	vst v4;
	v1 =	vmin.f32 v1, $1.000000000e+00;
	v0 =	vmul.f32 v0, v12;
	v2 =	vmax.f32 v2, $0.0e+00  }
0x25a: {  	[tilespmem:s29+$0xC830] =	vst v8;
	v2 =	vmin.f32 v2, $1.000000000e+00;
	v1 =	vmul.f32 v1, v3  }
0x25b: {  	[tilespmem:s29+$0xAF30] =	vst v0;
	v2 =	vmul.f32 v2, v3  }
0x25c: {  	[tilespmem:s29+$0xC800] =	vst v1  }
0x25d: {  	s0 =	simm.s32 $0xAF00;
	[tilespmem:s29+$0xAF00] =	vst v2  }
0x25e: {  	[spmem:s8] =	stream.indirect.scatter.add.f32 [tilespmem:s0], [sflag:$0x3], $0x1, s31, s17, $0xb8;
	[tilespmem:$0x11300] =	vst v63  }
0x25f: {  	_ = 	snop  }
0x260: {  	[spmem:s9] =	stream.indirect.scatter.add.f32 [tilespmem:s2], [sflag:$0x3], $0x1, s31, s17, $0xb8;
	[tilespmem:$0x11300] =	vst v63  }
0x261: {  	_ =	swait.ge [sflag:s1], $0xC80  }
0x262: {  	[sflag:s1] =	ssyncset.done $0x0  }
0x263: {  	[sflag:s1] =	ssyncadd.s32 $0xFFFFF380  }
0x264: {  	_ =	swait.ge [sflag:s1], $0xC80  }
0x265: {  	s30 =	rddreg [dreg:$0xc]  }
0x266: {  	s0 =	sadd.s32 s16, s30  }
0x267: {  	[sflag:s1] =	ssyncset.done $0x0;
	s0 =	sshrl.u32 s0, $0x3  }
0x268: {  	[sflag:s1] =	ssyncadd.s32 $0xFFFFF380;
	s30 =	simm.s32 $0x0;
	s26 =	sadd.s32 s12, s0  }
0x269: {  	[tilespmem:s4], [sflag:$0x6] =	stream.linear.gather [hbm4b:s26+s30], $0xC80, $0x38;
	[tilespmem:$0x11300] =	vst v63  }
0x26a: {  	s0 =	sadd.s32 s7, s0  }
0x26b: {  	[tilespmem:s18], [sflag:$0x6] =	stream.linear.gather [hbm4b:s0+s30], $0xC80, $0x38;
	[tilespmem:$0x11300] =	vst v63  }
0x26c: {  	_ =	swait.ge [sflag:s5], $0xC80  }
0x26d: {  	[sflag:s5] =	ssyncset.done $0x0  }
0x26e: {  	[sflag:s5] =	ssyncadd.s32 $0xFFFFF380  }
0x26f: {  	_ =	swait.ge [sflag:s5], $0xC80  }
0x270: {  	[sflag:s5] =	ssyncset.done $0x0  }
0x271: {  	[sflag:s5] =	ssyncadd.s32 $0xFFFFF380  }
0x272: {  	[tilespmem:s6], [sflag:$0x1] =	stream.indirect.gather [spmem:s10], $0x1, s23, s17, $0xb8;
	[tilespmem:$0x11300] =	vst v63  }
0x273: {  	_ = 	snop  }
0x274: {  	[tilespmem:s3], [sflag:$0x1] =	stream.indirect.gather [spmem:s10], $0x1, s24, s17, $0xb8;
	[tilespmem:$0x11300] =	vst v63  }
0x275: {  	_ = 	snop  }
0x276: {  	[tilespmem:s13], [sflag:$0x1] =	stream.indirect.gather [spmem:s11], $0x1, s23, s17, $0xb8;
	[tilespmem:$0x11300] =	vst v63  }
0x277: {  	_ =	swait.ge [sflag:s14], $0xC80  }
0x278: {  	[sflag:s14] =	ssyncset.done $0x0  }
0x279: {  	[sflag:s14] =	ssyncadd.s32 $0xFFFFF380  }
0x27a: {  	_ =	swait.ge [sflag:s14], $0xC80  }
0x27b: {  	[sflag:s14] =	ssyncset.done $0x0  }
0x27c: {  	[sflag:s14] =	ssyncadd.s32 $0xFFFFF380  }
0x27d: {  	_ =	swait.ge [sflag:s14], $0xC80  }
0x27e: {  	[sflag:s14] =	ssyncset.done $0x0  }
0x27f: {  	s16 =	simm.s32 $0x0;
	[sflag:s14] =	ssyncadd.s32 $0xFFFFF380  }
0x280: {  	v0 =	vld [tilespmem:s16+$0x70A0]  }
0x281: {  	v1 =	vld [tilespmem:s16+$0x89A0]  }
0x282: {  	v2 =	vld [tilespmem:s16+$0x7090]  }
0x283: {  	v3 =	vld [tilespmem:s16+$0x8990]  }
0x284: {  	v9 =	vld [tilespmem:s16+$0x89B0];
	_ =	sdelay $0x2  }
0x285: {  	v4 =	vld [tilespmem:s16+$0x70B0];
	v5 =	vand.u32 $0xFFFF, v1;
	v6 =	vand.u32 $0xFFFF, v0;
	v7 =	vshrl.u32 v2, $0x10  }
0x286: {  	v8 =	vshrl.u32 v3, $0x10;
	v0 =	vshrl.u32 v0, $0x10;
	v1 =	vshrl.u32 v1, $0x10  }
0x287: {  	v3 =	vand.u32 $0xFFFF, v3;
	v2 =	vand.u32 $0xFFFF, v2;
	v54 =	vshrl.u32 v9, $0x10  }
0x288: {  	v9 =	vand.u32 $0xFFFF, v9;
	v5 =	vsub.s32 v5, v6;
	v7 =	vsub.s32 v8, v7  }
0x289: {  	v6 =	vld [tilespmem:s16+$0x7080];
	v0 =	vsub.s32 v1, v0;
	v2 =	vsub.s32 v3, v2;
	v5 =	vcvt.s32.f32 v5  }
0x28a: {  	v1 =	vshrl.u32 v4, $0x10;
	v7 =	vcvt.s32.f32 v7;
	v2 =	vcvt.s32.f32 v2  }
0x28b: {  	v1 =	vsub.s32 v54, v1;
	v0 =	vcvt.s32.f32 v0;
	v5 =	vmul.f32 $3.051804380e-04, v5  }
0x28c: {  	v10 =	vld [tilespmem:s16+$0xA2A0];
	v8 =	vand.u32 $0xFFFF, v4;
	v1 =	vcvt.s32.f32 v1;
	v7 =	vmul.f32 $3.051804380e-04, v7  }
0x28d: {  	v2 =	vmul.f32 $3.051804380e-04, v2;
	v0 =	vmul.f32 $3.051804380e-04, v0;
	v4 =	vadd.f32 $5.000000000e-01, v5;
	v5 =	vld [tilespmem:s16+$0x8980]  }
0x28e: {  	v1 =	vmul.f32 $3.051804380e-04, v1;
	v11 =	vshrl.u32 v6, $0x10;
	v7 =	vadd.f32 $5.000000000e-01, v7  }
0x28f: {  	v6 =	vand.u32 $0xFFFF, v6;
	v2 =	vadd.f32 $5.000000000e-01, v2;
	v3 =	vmax.f32 v4, $0.0e+00;
	v4 =	vld [tilespmem:s16+$0xA290]  }
0x290: {  	v0 =	vadd.f32 $5.000000000e-01, v0;
	v1 =	vadd.f32 $5.000000000e-01, v1;
	v3 =	vmin.f32 v3, $1.000000000e+00  }
0x291: {  	v7 =	vmax.f32 v7, $0.0e+00;
	v2 =	vmax.f32 v2, $0.0e+00;
	v3 =	vmul.f32 v3, v10  }
0x292: {  	v13 =	vmax.f32 v0, $0.0e+00;
	v2 =	vmin.f32 v2, $1.000000000e+00;
	v55 =	vand.u32 $0xFFFF, v5  }
0x293: {  	s26 =	simm.s32 $0x40;
	v56 =	vld [tilespmem:s16+$0xA2B0];
	v5 =	vshrl.u32 v5, $0x10;
	[tilespmem:s16+$0xBBA0] =	vst v3;
	v3 =	vmin.f32 v7, $1.000000000e+00;
	v6 =	vsub.s32 v55, v6  }
0x294: {  	v5 =	vsub.s32 v5, v11;
	v3 =	vmul.f32 v3, v4;
	v7 =	vld [tilespmem:s26+$0x70A0];
	v6 =	vcvt.s32.f32 v6  }
0x295: {  	v1 =	vmax.f32 v1, $0.0e+00;
	v13 =	vmin.f32 v13, $1.000000000e+00;
	v11 =	vld [tilespmem:s26+$0x89A0];
	v5 =	vcvt.s32.f32 v5  }
0x296: {  	v10 =	vmul.f32 v13, v10;
	[tilespmem:s16+$0xD490] =	vst v3;
	v3 =	vsub.s32 v9, v8;
	v6 =	vmul.f32 $3.051804380e-04, v6  }
0x297: {  	v0 =	vmin.f32 v1, $1.000000000e+00;
	v5 =	vmul.f32 $3.051804380e-04, v5;
	v8 =	vld [tilespmem:s26+$0x70B0];
	v3 =	vcvt.s32.f32 v3  }
0x298: {  	v2 =	vmul.f32 v2, v4;
	v4 =	vmul.f32 v0, v56;
	v9 =	vld [tilespmem:s26+$0x7090];
	v6 =	vadd.f32 $5.000000000e-01, v6  }
0x299: {  	v15 =	vld [tilespmem:s26+$0x8990];
	v5 =	vadd.f32 $5.000000000e-01, v5;
	v14 =	vmul.f32 $3.051804380e-04, v3;
	v3 =	vshrl.u32 v7, $0x10  }
0x29a: {  	v0 =	vld [tilespmem:s26+$0x89B0];
	v16 =	vand.u32 $0xFFFF, v11;
	v7 =	vand.u32 $0xFFFF, v7;
	v11 =	vshrl.u32 v11, $0x10  }
0x29b: {  	v17 =	vld [tilespmem:s26+$0x7080];
	[tilespmem:s16+$0xD4B0] =	vst v4;
	v4 =	vsub.s32 v16, v7;
	v3 =	vsub.s32 v11, v3;
	v6 =	vmax.f32 v6, $0.0e+00  }
0x29c: {  	v58 =	vmax.f32 v5, $0.0e+00;
	v4 =	vcvt.s32.f32 v4;
	v11 =	vadd.f32 $5.000000000e-01, v14  }
0x29d: {  	[tilespmem:s16+$0xBB90] =	vst v2;
	v6 =	vmin.f32 v6, $1.000000000e+00;
	v1 =	vand.u32 $0xFFFF, v8;
	v7 =	vshrl.u32 v8, $0x10  }
0x29e: {  	[tilespmem:s16+$0xD4A0] =	vst v10;
	v2 =	vshrl.u32 v9, $0x10;
	v8 =	vand.u32 $0xFFFF, v15;
	v10 =	vshrl.u32 v15, $0x10  }
0x29f: {  	v9 =	vand.u32 $0xFFFF, v9;
	v2 =	vsub.s32 v10, v2;
	v4 =	vmul.f32 $3.051804380e-04, v4;
	v10 =	vld [tilespmem:s16+$0xA280]  }
0x2a0: {  	v14 =	vmin.f32 v58, $1.000000000e+00;
	v8 =	vsub.s32 v8, v9;
	v57 =	vcvt.s32.f32 v2;
	v2 =	vld [tilespmem:s26+$0xA2A0]  }
0x2a1: {  	v59 =	vld [tilespmem:s26+$0x8980];
	v5 =	vshrl.u32 v17, $0x10;
	v60 =	vcvt.s32.f32 v8;
	v4 =	vadd.f32 $5.000000000e-01, v4  }
0x2a2: {  	v61 =	vand.u32 $0xFFFF, v17;
	v11 =	vmax.f32 v11, $0.0e+00;
	v9 =	vmul.f32 $3.051804380e-04, v57  }
0x2a3: {  	v63 =	vmin.f32 v11, $1.000000000e+00;
	v11 =	vmul.f32 $3.051804380e-04, v60;
	v8 =	vmax.f32 v4, $0.0e+00;
	v4 =	vld [tilespmem:s26+$0xA290]  }
0x2a4: {  	v9 =	vadd.f32 $5.000000000e-01, v9;
	v8 =	vmin.f32 v8, $1.000000000e+00;
	v14 =	vmul.f32 v14, v10  }
0x2a5: {  	v10 =	vmul.f32 v6, v10;
	v62 =	vmul.f32 v8, v2;
	v8 =	vshrl.u32 v0, $0x10  }
0x2a6: {  	v6 =	vand.u32 $0xFFFF, v59;
	v9 =	vmax.f32 v9, $0.0e+00;
	v7 =	vsub.s32 v8, v7;
	[tilespmem:s16+$0xD480] =	vst v14  }
0x2a7: {  	v6 =	vsub.s32 v6, v61;
	v8 =	vcvt.s32.f32 v7;
	[tilespmem:s26+$0xBBA0] =	vst v62;
	v7 =	vmin.f32 v9, $1.000000000e+00  }
0x2a8: {  	s29 =	simm.s32 $0x200;
	v9 =	vmul.f32 v63, v56;
	[tilespmem:s16+$0xBB80] =	vst v10;
	v10 =	vshrl.u32 v59, $0x10;
	v7 =	vmul.f32 v7, v4  }
.LBB2_12:
0x2a9: {  	s0 =	sshra.s32 s29, $0x2;
	p0 =	sne.s32 s29, $0x3100;
	s29 =	sadd.s32 $0x100, s29;
	v5 =	vsub.s32 v10, v5;
	v10 =	vadd.f32 $5.000000000e-01, v11;
	v3 =	vcvt.s32.f32 v3;
	v12 =	vld [tilespmem:s26+$0xA2B0]  }
0x2aa: {  	v6 =	vcvt.s32.f32 v6;
	v0 =	vand.u32 $0xFFFF, v0;
	v8 =	vmul.f32 $3.051804380e-04, v8;
	v11 =	vld [tilespmem:s0+$0x70A0];
	[tilespmem:s16+$0xBBB0] =	vst v9;
	s16 =	smov.u32 s26;
	s26 =	smov.u32 s0  }
0x2ab: {  	v0 =	vsub.s32 v0, v1;
	v9 =	vld [tilespmem:s26+$0x89A0];
	v10 =	vmax.f32 v10, $0.0e+00;
	[tilespmem:s16+$0xD490] =	vst v7;
	v3 =	vmul.f32 $3.051804380e-04, v3  }
0x2ac: {  	v5 =	vcvt.s32.f32 v5;
	v1 =	vmul.f32 $3.051804380e-04, v6;
	v6 =	vadd.f32 $5.000000000e-01, v8;
	v7 =	vld [tilespmem:s26+$0x70B0]  }
0x2ad: {  	v13 =	vcvt.s32.f32 v0;
	v10 =	vmin.f32 v10, $1.000000000e+00;
	v8 =	vld [tilespmem:s26+$0x7090];
	v3 =	vadd.f32 $5.000000000e-01, v3  }
0x2ae: {  	v5 =	vmul.f32 $3.051804380e-04, v5;
	v14 =	vadd.f32 $5.000000000e-01, v1;
	v1 =	vmax.f32 v6, $0.0e+00;
	v0 =	vld [tilespmem:s26+$0x89B0]  }
0x2af: {  	v13 =	vmul.f32 $3.051804380e-04, v13;
	v1 =	vmin.f32 v1, $1.000000000e+00;
	v6 =	vld [tilespmem:s26+$0x8990];
	v3 =	vmax.f32 v3, $0.0e+00  }
0x2b0: {  	v4 =	vmul.f32 v10, v4;
	v16 =	vshrl.u32 v11, $0x10;
	v10 =	vmul.f32 v1, v12;
	v15 =	vld [tilespmem:s26+$0x7080]  }
0x2b1: {  	v17 =	vand.u32 $0xFFFF, v9;
	v3 =	vmin.f32 v3, $1.000000000e+00;
	v1 =	vand.u32 $0xFFFF, v7  }
0x2b2: {  	v11 =	vand.u32 $0xFFFF, v11;
	v9 =	vshrl.u32 v9, $0x10;
	v2 =	vmul.f32 v3, v2;
	[tilespmem:s16+$0xD4B0] =	vst v10  }
0x2b3: {  	v3 =	vsub.s32 v9, v16;
	v7 =	vshrl.u32 v7, $0x10;
	v10 =	vsub.s32 v17, v11;
	[tilespmem:s16+$0xBB90] =	vst v4  }
0x2b4: {  	v5 =	vadd.f32 $5.000000000e-01, v5;
	v4 =	vshrl.u32 v8, $0x10;
	v9 =	vcvt.s32.f32 v10;
	[tilespmem:s16+$0xD4A0] =	vst v2  }
0x2b5: {  	v10 =	vand.u32 $0xFFFF, v6;
	v2 =	vshrl.u32 v6, $0x10;
	v6 =	vadd.f32 $5.000000000e-01, v13  }
0x2b6: {  	v2 =	vsub.s32 v2, v4;
	v4 =	vmul.f32 $3.051804380e-04, v9;
	v9 =	vmax.f32 v14, $0.0e+00;
	v11 =	vld [tilespmem:s16+$0xA280]  }
0x2b7: {  	v8 =	vand.u32 $0xFFFF, v8;
	v13 =	vcvt.s32.f32 v2;
	v6 =	vmax.f32 v6, $0.0e+00;
	v2 =	vld [tilespmem:s26+$0xA2A0]  }
0x2b8: {  	v14 =	vmax.f32 v5, $0.0e+00;
	v9 =	vmin.f32 v9, $1.000000000e+00;
	v4 =	vadd.f32 $5.000000000e-01, v4  }
0x2b9: {  	v5 =	vshrl.u32 v15, $0x10;
	v8 =	vsub.s32 v10, v8;
	v10 =	vmul.f32 $3.051804380e-04, v13;
	v16 =	vld [tilespmem:s26+$0x8980]  }
0x2ba: {  	v14 =	vmin.f32 v14, $1.000000000e+00;
	v13 =	vcvt.s32.f32 v8;
	v8 =	vmax.f32 v4, $0.0e+00  }
0x2bb: {  	v10 =	vadd.f32 $5.000000000e-01, v10;
	v8 =	vmin.f32 v8, $1.000000000e+00;
	v4 =	vld [tilespmem:s26+$0xA290];
	v14 =	vmul.f32 v14, v11  }
.Ltmp5:
0x2bc: {  	v17 =	vshrl.u32 v0, $0x10;
	v15 =	vand.u32 $0xFFFF, v15;
	v8 =	vmul.f32 v8, v2;
	(pc) =	sbr.rel @p0 .LBB2_12-.Ltmp5, $4  }
0x2bd: {  	v7 =	vsub.s32 v17, v7;
	v9 =	vmul.f32 v9, v11;
	v10 =	vmax.f32 v10, $0.0e+00;
	[tilespmem:s16+$0xD480] =	vst v14  }
0x2be: {  	v14 =	vmin.f32 v6, $1.000000000e+00;
	v11 =	vand.u32 $0xFFFF, v16;
	[tilespmem:s26+$0xBBA0] =	vst v8;
	v8 =	vcvt.s32.f32 v7  }
0x2bf: {  	v7 =	vmin.f32 v10, $1.000000000e+00;
	v6 =	vsub.s32 v11, v15;
	v11 =	vmul.f32 $3.051804380e-04, v13;
	[tilespmem:s16+$0xBB80] =	vst v9  }
0x2c0: {  	v10 =	vshrl.u32 v16, $0x10;
	v9 =	vmul.f32 v14, v12;
	v7 =	vmul.f32 v7, v4  }
0x2c1: {  	v3 =	vcvt.s32.f32 v3;
	_ =	sdelay $0x1  }
0x2c2: {  	v3 =	vmul.f32 $3.051804380e-04, v3  }
0x2c3: {  	v0 =	vand.u32 $0xFFFF, v0  }
0x2c4: {  	v0 =	vsub.s32 v0, v1;
	v3 =	vadd.f32 $5.000000000e-01, v3  }
0x2c5: {  	v8 =	vmul.f32 $3.051804380e-04, v8;
	v0 =	vcvt.s32.f32 v0  }
0x2c6: {  	v11 =	vadd.f32 $5.000000000e-01, v11;
	v5 =	vsub.s32 v10, v5;
	v3 =	vmax.f32 v3, $0.0e+00  }
0x2c7: {  	v5 =	vcvt.s32.f32 v5;
	v0 =	vmul.f32 $3.051804380e-04, v0;
	v3 =	vmin.f32 v3, $1.000000000e+00  }
0x2c8: {  	v12 =	vld [tilespmem:s26+$0xA2B0];
	v2 =	vmul.f32 v3, v2;
	v3 =	vcvt.s32.f32 v6  }
0x2c9: {  	[tilespmem:s16+$0xBBB0] =	vst v9;
	v8 =	vadd.f32 $5.000000000e-01, v8;
	v11 =	vmax.f32 v11, $0.0e+00;
	v1 =	vmul.f32 $3.051804380e-04, v5  }
0x2ca: {  	v9 =	vmin.f32 v11, $1.000000000e+00;
	v0 =	vadd.f32 $5.000000000e-01, v0;
	[tilespmem:s26+$0xD4A0] =	vst v2;
	v2 =	vmul.f32 $3.051804380e-04, v3;
	v3 =	vld [tilespmem:s26+$0xA280]  }
0x2cb: {  	v8 =	vmax.f32 v8, $0.0e+00;
	v4 =	vmul.f32 v9, v4;
	v1 =	vadd.f32 $5.000000000e-01, v1  }
0x2cc: {  	v8 =	vmin.f32 v8, $1.000000000e+00;
	v0 =	vmax.f32 v0, $0.0e+00;
	v2 =	vadd.f32 $5.000000000e-01, v2  }
0x2cd: {  	[tilespmem:s26+$0xD490] =	vst v7;
	v8 =	vmul.f32 v8, v12;
	v1 =	vmax.f32 v1, $0.0e+00;
	v0 =	vmin.f32 v0, $1.000000000e+00  }
0x2ce: {  	[tilespmem:s26+$0xBB90] =	vst v4;
	v1 =	vmin.f32 v1, $1.000000000e+00;
	v0 =	vmul.f32 v0, v12;
	v2 =	vmax.f32 v2, $0.0e+00  }
0x2cf: {  	[tilespmem:s26+$0xD4B0] =	vst v8;
	v2 =	vmin.f32 v2, $1.000000000e+00;
	v1 =	vmul.f32 v1, v3  }
0x2d0: {  	[tilespmem:s26+$0xBBB0] =	vst v0;
	v2 =	vmul.f32 v2, v3  }
0x2d1: {  	[tilespmem:s26+$0xD480] =	vst v1  }
0x2d2: {  	[tilespmem:s26+$0xBB80] =	vst v2  }
0x2d3: {  	[spmem:s8] =	stream.indirect.scatter.add.f32 [tilespmem:s19], [sflag:$0x4], $0x1, s28, s17, $0xb8;
	[tilespmem:$0x11300] =	vst v63  }
0x2d4: {  	_ = 	snop  }
0x2d5: {  	[spmem:s9] =	stream.indirect.scatter.add.f32 [tilespmem:s20], [sflag:$0x4], $0x1, s28, s17, $0xb8;
	[tilespmem:$0x11300] =	vst v63  }
0x2d6: {  	_ =	swait.ge [sflag:s22], $0xC80  }
0x2d7: {  	s16 =	sshll.u32 s15, $0x2;
	[sflag:s22] =	ssyncset.done $0x0  }
0x2d8: {  	s0 =	smin.u32 s16, $0x1B;
	[sflag:s22] =	ssyncadd.s32 $0xFFFFF380  }
0x2d9: {  	s0 =	smul.u32 $0xC80, s0;
	_ =	swait.ge [sflag:s22], $0xC80  }
0x2da: {  	s26 =	rddreg [dreg:$0xd]  }
0x2db: {  	s0 =	sadd.s32 s0, s26  }
0x2dc: {  	[sflag:s22] =	ssyncset.done $0x0;
	s0 =	sshrl.u32 s0, $0x3  }
0x2dd: {  	s29 =	simm.s32 $0x0;
	[sflag:s22] =	ssyncadd.s32 $0xFFFFF380;
	s26 =	sadd.s32 s12, s0  }
0x2de: {  	[tilespmem:s29], [sflag:$0x5] =	stream.linear.gather [hbm4b:s26+s29], $0xC80, $0x38;
	[tilespmem:$0x11300] =	vst v63  }
0x2df: {  	s0 =	sadd.s32 s7, s0  }
0x2e0: {  	[tilespmem:s31], [sflag:$0x5] =	stream.linear.gather [hbm4b:s0+s29], $0xC80, $0x38;
	[tilespmem:$0x11300] =	vst v63  }
0x2e1: {  	_ =	swait.ge [sflag:s25], $0xC80  }
0x2e2: {  	[sflag:s25] =	ssyncset.done $0x0  }
0x2e3: {  	[sflag:s25] =	ssyncadd.s32 $0xFFFFF380  }
0x2e4: {  	_ =	swait.ge [sflag:s25], $0xC80  }
0x2e5: {  	[sflag:s25] =	ssyncset.done $0x0  }
0x2e6: {  	s26 =	simm.s32 $0x7080;
	[sflag:s25] =	ssyncadd.s32 $0xFFFFF380  }
0x2e7: {  	[tilespmem:s26], [sflag:$0x2] =	stream.indirect.gather [spmem:s10], $0x1, s4, s17, $0xb8;
	[tilespmem:$0x11300] =	vst v63  }
0x2e8: {  	s26 =	simm.s32 $0x8980  }
0x2e9: {  	[tilespmem:s26], [sflag:$0x2] =	stream.indirect.gather [spmem:s10], $0x1, s18, s17, $0xb8;
	[tilespmem:$0x11300] =	vst v63  }
0x2ea: {  	s26 =	simm.s32 $0xA280  }
0x2eb: {  	[tilespmem:s26], [sflag:$0x2] =	stream.indirect.gather [spmem:s11], $0x1, s4, s17, $0xb8;
	[tilespmem:$0x11300] =	vst v63  }
0x2ec: {  	_ =	swait.ge [sflag:s21], $0xC80  }
0x2ed: {  	[sflag:s21] =	ssyncset.done $0x0  }
0x2ee: {  	[sflag:s21] =	ssyncadd.s32 $0xFFFFF380  }
0x2ef: {  	_ =	swait.ge [sflag:s21], $0xC80  }
0x2f0: {  	[sflag:s21] =	ssyncset.done $0x0  }
0x2f1: {  	[sflag:s21] =	ssyncadd.s32 $0xFFFFF380  }
0x2f2: {  	_ =	swait.ge [sflag:s21], $0xC80  }
0x2f3: {  	[sflag:s21] =	ssyncset.done $0x0  }
0x2f4: {  	s26 =	simm.s32 $0x0;
	[sflag:s21] =	ssyncadd.s32 $0xFFFFF380  }
0x2f5: {  	v0 =	vld [tilespmem:s26+$0x6420]  }
0x2f6: {  	v1 =	vld [tilespmem:s26+$0x7D20]  }
0x2f7: {  	v2 =	vld [tilespmem:s26+$0x6410]  }
0x2f8: {  	v3 =	vld [tilespmem:s26+$0x7D10]  }
0x2f9: {  	v9 =	vld [tilespmem:s26+$0x7D30];
	_ =	sdelay $0x2  }
0x2fa: {  	v4 =	vld [tilespmem:s26+$0x6430];
	v5 =	vand.u32 $0xFFFF, v1;
	v6 =	vand.u32 $0xFFFF, v0;
	v7 =	vshrl.u32 v2, $0x10  }
0x2fb: {  	v8 =	vshrl.u32 v3, $0x10;
	v0 =	vshrl.u32 v0, $0x10;
	v1 =	vshrl.u32 v1, $0x10  }
0x2fc: {  	v3 =	vand.u32 $0xFFFF, v3;
	v2 =	vand.u32 $0xFFFF, v2;
	v54 =	vshrl.u32 v9, $0x10  }
0x2fd: {  	v9 =	vand.u32 $0xFFFF, v9;
	v5 =	vsub.s32 v5, v6;
	v7 =	vsub.s32 v8, v7  }
0x2fe: {  	v6 =	vld [tilespmem:s26+$0x6400];
	v0 =	vsub.s32 v1, v0;
	v2 =	vsub.s32 v3, v2;
	v5 =	vcvt.s32.f32 v5  }
0x2ff: {  	v1 =	vshrl.u32 v4, $0x10;
	v7 =	vcvt.s32.f32 v7;
	v2 =	vcvt.s32.f32 v2  }
0x300: {  	v1 =	vsub.s32 v54, v1;
	v0 =	vcvt.s32.f32 v0;
	v5 =	vmul.f32 $3.051804380e-04, v5  }
0x301: {  	v10 =	vld [tilespmem:s26+$0x9620];
	v8 =	vand.u32 $0xFFFF, v4;
	v1 =	vcvt.s32.f32 v1;
	v7 =	vmul.f32 $3.051804380e-04, v7  }
0x302: {  	v2 =	vmul.f32 $3.051804380e-04, v2;
	v0 =	vmul.f32 $3.051804380e-04, v0;
	v4 =	vadd.f32 $5.000000000e-01, v5;
	v5 =	vld [tilespmem:s26+$0x7D00]  }
0x303: {  	v1 =	vmul.f32 $3.051804380e-04, v1;
	v11 =	vshrl.u32 v6, $0x10;
	v7 =	vadd.f32 $5.000000000e-01, v7  }
0x304: {  	v6 =	vand.u32 $0xFFFF, v6;
	v2 =	vadd.f32 $5.000000000e-01, v2;
	v3 =	vmax.f32 v4, $0.0e+00;
	v4 =	vld [tilespmem:s26+$0x9610]  }
0x305: {  	v0 =	vadd.f32 $5.000000000e-01, v0;
	v1 =	vadd.f32 $5.000000000e-01, v1;
	v3 =	vmin.f32 v3, $1.000000000e+00  }
0x306: {  	v7 =	vmax.f32 v7, $0.0e+00;
	v2 =	vmax.f32 v2, $0.0e+00;
	v3 =	vmul.f32 v3, v10  }
0x307: {  	v13 =	vmax.f32 v0, $0.0e+00;
	v2 =	vmin.f32 v2, $1.000000000e+00;
	v55 =	vand.u32 $0xFFFF, v5  }
0x308: {  	s29 =	simm.s32 $0x40;
	v56 =	vld [tilespmem:s26+$0x9630];
	v5 =	vshrl.u32 v5, $0x10;
	[tilespmem:s26+$0xAF20] =	vst v3;
	v3 =	vmin.f32 v7, $1.000000000e+00;
	v6 =	vsub.s32 v55, v6  }
0x309: {  	v5 =	vsub.s32 v5, v11;
	v3 =	vmul.f32 v3, v4;
	v7 =	vld [tilespmem:s29+$0x6420];
	v6 =	vcvt.s32.f32 v6  }
0x30a: {  	v1 =	vmax.f32 v1, $0.0e+00;
	v13 =	vmin.f32 v13, $1.000000000e+00;
	v11 =	vld [tilespmem:s29+$0x7D20];
	v5 =	vcvt.s32.f32 v5  }
0x30b: {  	v10 =	vmul.f32 v13, v10;
	[tilespmem:s26+$0xC810] =	vst v3;
	v3 =	vsub.s32 v9, v8;
	v6 =	vmul.f32 $3.051804380e-04, v6  }
0x30c: {  	v0 =	vmin.f32 v1, $1.000000000e+00;
	v5 =	vmul.f32 $3.051804380e-04, v5;
	v8 =	vld [tilespmem:s29+$0x6430];
	v3 =	vcvt.s32.f32 v3  }
0x30d: {  	v2 =	vmul.f32 v2, v4;
	v4 =	vmul.f32 v0, v56;
	v9 =	vld [tilespmem:s29+$0x6410];
	v6 =	vadd.f32 $5.000000000e-01, v6  }
0x30e: {  	v15 =	vld [tilespmem:s29+$0x7D10];
	v5 =	vadd.f32 $5.000000000e-01, v5;
	v14 =	vmul.f32 $3.051804380e-04, v3;
	v3 =	vshrl.u32 v7, $0x10  }
0x30f: {  	v0 =	vld [tilespmem:s29+$0x7D30];
	v16 =	vand.u32 $0xFFFF, v11;
	v7 =	vand.u32 $0xFFFF, v7;
	v11 =	vshrl.u32 v11, $0x10  }
0x310: {  	v17 =	vld [tilespmem:s29+$0x6400];
	[tilespmem:s26+$0xC830] =	vst v4;
	v4 =	vsub.s32 v16, v7;
	v3 =	vsub.s32 v11, v3;
	v6 =	vmax.f32 v6, $0.0e+00  }
0x311: {  	v58 =	vmax.f32 v5, $0.0e+00;
	v4 =	vcvt.s32.f32 v4;
	v11 =	vadd.f32 $5.000000000e-01, v14  }
0x312: {  	[tilespmem:s26+$0xAF10] =	vst v2;
	v6 =	vmin.f32 v6, $1.000000000e+00;
	v1 =	vand.u32 $0xFFFF, v8;
	v7 =	vshrl.u32 v8, $0x10  }
0x313: {  	[tilespmem:s26+$0xC820] =	vst v10;
	v2 =	vshrl.u32 v9, $0x10;
	v8 =	vand.u32 $0xFFFF, v15;
	v10 =	vshrl.u32 v15, $0x10  }
0x314: {  	v9 =	vand.u32 $0xFFFF, v9;
	v2 =	vsub.s32 v10, v2;
	v4 =	vmul.f32 $3.051804380e-04, v4;
	v10 =	vld [tilespmem:s26+$0x9600]  }
0x315: {  	v14 =	vmin.f32 v58, $1.000000000e+00;
	v8 =	vsub.s32 v8, v9;
	v57 =	vcvt.s32.f32 v2;
	v2 =	vld [tilespmem:s29+$0x9620]  }
0x316: {  	v59 =	vld [tilespmem:s29+$0x7D00];
	v5 =	vshrl.u32 v17, $0x10;
	v60 =	vcvt.s32.f32 v8;
	v4 =	vadd.f32 $5.000000000e-01, v4  }
0x317: {  	v61 =	vand.u32 $0xFFFF, v17;
	v11 =	vmax.f32 v11, $0.0e+00;
	v9 =	vmul.f32 $3.051804380e-04, v57  }
0x318: {  	v63 =	vmin.f32 v11, $1.000000000e+00;
	v11 =	vmul.f32 $3.051804380e-04, v60;
	v8 =	vmax.f32 v4, $0.0e+00;
	v4 =	vld [tilespmem:s29+$0x9610]  }
0x319: {  	v9 =	vadd.f32 $5.000000000e-01, v9;
	v8 =	vmin.f32 v8, $1.000000000e+00;
	v14 =	vmul.f32 v14, v10  }
0x31a: {  	v10 =	vmul.f32 v6, v10;
	v62 =	vmul.f32 v8, v2;
	v8 =	vshrl.u32 v0, $0x10  }
0x31b: {  	v6 =	vand.u32 $0xFFFF, v59;
	v9 =	vmax.f32 v9, $0.0e+00;
	v7 =	vsub.s32 v8, v7;
	[tilespmem:s26+$0xC800] =	vst v14  }
0x31c: {  	v6 =	vsub.s32 v6, v61;
	v8 =	vcvt.s32.f32 v7;
	[tilespmem:s29+$0xAF20] =	vst v62;
	v7 =	vmin.f32 v9, $1.000000000e+00  }
0x31d: {  	s30 =	simm.s32 $0x200;
	v9 =	vmul.f32 v63, v56;
	[tilespmem:s26+$0xAF00] =	vst v10;
	v10 =	vshrl.u32 v59, $0x10;
	v7 =	vmul.f32 v7, v4  }
.LBB2_14:
0x31e: {  	s0 =	sshra.s32 s30, $0x2;
	p0 =	sne.s32 s30, $0x3100;
	s30 =	sadd.s32 $0x100, s30;
	v5 =	vsub.s32 v10, v5;
	v10 =	vadd.f32 $5.000000000e-01, v11;
	v3 =	vcvt.s32.f32 v3;
	v12 =	vld [tilespmem:s29+$0x9630]  }
0x31f: {  	v6 =	vcvt.s32.f32 v6;
	v0 =	vand.u32 $0xFFFF, v0;
	v8 =	vmul.f32 $3.051804380e-04, v8;
	v11 =	vld [tilespmem:s0+$0x6420];
	[tilespmem:s26+$0xAF30] =	vst v9;
	s26 =	smov.u32 s29;
	s29 =	smov.u32 s0  }
0x320: {  	v0 =	vsub.s32 v0, v1;
	v9 =	vld [tilespmem:s29+$0x7D20];
	v10 =	vmax.f32 v10, $0.0e+00;
	[tilespmem:s26+$0xC810] =	vst v7;
	v3 =	vmul.f32 $3.051804380e-04, v3  }
0x321: {  	v5 =	vcvt.s32.f32 v5;
	v1 =	vmul.f32 $3.051804380e-04, v6;
	v6 =	vadd.f32 $5.000000000e-01, v8;
	v7 =	vld [tilespmem:s29+$0x6430]  }
0x322: {  	v13 =	vcvt.s32.f32 v0;
	v10 =	vmin.f32 v10, $1.000000000e+00;
	v8 =	vld [tilespmem:s29+$0x6410];
	v3 =	vadd.f32 $5.000000000e-01, v3  }
0x323: {  	v5 =	vmul.f32 $3.051804380e-04, v5;
	v14 =	vadd.f32 $5.000000000e-01, v1;
	v1 =	vmax.f32 v6, $0.0e+00;
	v0 =	vld [tilespmem:s29+$0x7D30]  }
0x324: {  	v13 =	vmul.f32 $3.051804380e-04, v13;
	v1 =	vmin.f32 v1, $1.000000000e+00;
	v6 =	vld [tilespmem:s29+$0x7D10];
	v3 =	vmax.f32 v3, $0.0e+00  }
0x325: {  	v4 =	vmul.f32 v10, v4;
	v16 =	vshrl.u32 v11, $0x10;
	v10 =	vmul.f32 v1, v12;
	v15 =	vld [tilespmem:s29+$0x6400]  }
0x326: {  	v17 =	vand.u32 $0xFFFF, v9;
	v3 =	vmin.f32 v3, $1.000000000e+00;
	v1 =	vand.u32 $0xFFFF, v7  }
0x327: {  	v11 =	vand.u32 $0xFFFF, v11;
	v9 =	vshrl.u32 v9, $0x10;
	v2 =	vmul.f32 v3, v2;
	[tilespmem:s26+$0xC830] =	vst v10  }
0x328: {  	v3 =	vsub.s32 v9, v16;
	v7 =	vshrl.u32 v7, $0x10;
	v10 =	vsub.s32 v17, v11;
	[tilespmem:s26+$0xAF10] =	vst v4  }
0x329: {  	v5 =	vadd.f32 $5.000000000e-01, v5;
	v4 =	vshrl.u32 v8, $0x10;
	v9 =	vcvt.s32.f32 v10;
	[tilespmem:s26+$0xC820] =	vst v2  }
0x32a: {  	v10 =	vand.u32 $0xFFFF, v6;
	v2 =	vshrl.u32 v6, $0x10;
	v6 =	vadd.f32 $5.000000000e-01, v13  }
0x32b: {  	v2 =	vsub.s32 v2, v4;
	v4 =	vmul.f32 $3.051804380e-04, v9;
	v9 =	vmax.f32 v14, $0.0e+00;
	v11 =	vld [tilespmem:s26+$0x9600]  }
0x32c: {  	v8 =	vand.u32 $0xFFFF, v8;
	v13 =	vcvt.s32.f32 v2;
	v6 =	vmax.f32 v6, $0.0e+00;
	v2 =	vld [tilespmem:s29+$0x9620]  }
0x32d: {  	v14 =	vmax.f32 v5, $0.0e+00;
	v9 =	vmin.f32 v9, $1.000000000e+00;
	v4 =	vadd.f32 $5.000000000e-01, v4  }
0x32e: {  	v5 =	vshrl.u32 v15, $0x10;
	v8 =	vsub.s32 v10, v8;
	v10 =	vmul.f32 $3.051804380e-04, v13;
	v16 =	vld [tilespmem:s29+$0x7D00]  }
0x32f: {  	v14 =	vmin.f32 v14, $1.000000000e+00;
	v13 =	vcvt.s32.f32 v8;
	v8 =	vmax.f32 v4, $0.0e+00  }
0x330: {  	v10 =	vadd.f32 $5.000000000e-01, v10;
	v8 =	vmin.f32 v8, $1.000000000e+00;
	v4 =	vld [tilespmem:s29+$0x9610];
	v14 =	vmul.f32 v14, v11  }
.Ltmp6:
0x331: {  	v17 =	vshrl.u32 v0, $0x10;
	v15 =	vand.u32 $0xFFFF, v15;
	v8 =	vmul.f32 v8, v2;
	(pc) =	sbr.rel @p0 .LBB2_14-.Ltmp6, $4  }
0x332: {  	v7 =	vsub.s32 v17, v7;
	v9 =	vmul.f32 v9, v11;
	v10 =	vmax.f32 v10, $0.0e+00;
	[tilespmem:s26+$0xC800] =	vst v14  }
0x333: {  	v14 =	vmin.f32 v6, $1.000000000e+00;
	v11 =	vand.u32 $0xFFFF, v16;
	[tilespmem:s29+$0xAF20] =	vst v8;
	v8 =	vcvt.s32.f32 v7  }
0x334: {  	v7 =	vmin.f32 v10, $1.000000000e+00;
	v6 =	vsub.s32 v11, v15;
	v11 =	vmul.f32 $3.051804380e-04, v13;
	[tilespmem:s26+$0xAF00] =	vst v9  }
0x335: {  	v10 =	vshrl.u32 v16, $0x10;
	v9 =	vmul.f32 v14, v12;
	v7 =	vmul.f32 v7, v4  }
0x336: {  	v3 =	vcvt.s32.f32 v3;
	_ =	sdelay $0x1  }
0x337: {  	v3 =	vmul.f32 $3.051804380e-04, v3  }
0x338: {  	v0 =	vand.u32 $0xFFFF, v0  }
0x339: {  	v0 =	vsub.s32 v0, v1;
	v3 =	vadd.f32 $5.000000000e-01, v3  }
0x33a: {  	v8 =	vmul.f32 $3.051804380e-04, v8;
	v0 =	vcvt.s32.f32 v0  }
0x33b: {  	v11 =	vadd.f32 $5.000000000e-01, v11;
	v5 =	vsub.s32 v10, v5;
	v3 =	vmax.f32 v3, $0.0e+00  }
0x33c: {  	v5 =	vcvt.s32.f32 v5;
	v0 =	vmul.f32 $3.051804380e-04, v0;
	v3 =	vmin.f32 v3, $1.000000000e+00  }
0x33d: {  	v12 =	vld [tilespmem:s29+$0x9630];
	v2 =	vmul.f32 v3, v2;
	v3 =	vcvt.s32.f32 v6  }
0x33e: {  	[tilespmem:s26+$0xAF30] =	vst v9;
	v8 =	vadd.f32 $5.000000000e-01, v8;
	v11 =	vmax.f32 v11, $0.0e+00;
	v1 =	vmul.f32 $3.051804380e-04, v5  }
0x33f: {  	v9 =	vmin.f32 v11, $1.000000000e+00;
	v0 =	vadd.f32 $5.000000000e-01, v0;
	[tilespmem:s29+$0xC820] =	vst v2;
	v2 =	vmul.f32 $3.051804380e-04, v3;
	v3 =	vld [tilespmem:s29+$0x9600]  }
0x340: {  	v8 =	vmax.f32 v8, $0.0e+00;
	v4 =	vmul.f32 v9, v4;
	v1 =	vadd.f32 $5.000000000e-01, v1  }
0x341: {  	v8 =	vmin.f32 v8, $1.000000000e+00;
	v0 =	vmax.f32 v0, $0.0e+00;
	v2 =	vadd.f32 $5.000000000e-01, v2  }
0x342: {  	[tilespmem:s29+$0xC810] =	vst v7;
	v8 =	vmul.f32 v8, v12;
	v1 =	vmax.f32 v1, $0.0e+00;
	v0 =	vmin.f32 v0, $1.000000000e+00  }
0x343: {  	[tilespmem:s29+$0xAF10] =	vst v4;
	v1 =	vmin.f32 v1, $1.000000000e+00;
	v0 =	vmul.f32 v0, v12;
	v2 =	vmax.f32 v2, $0.0e+00  }
0x344: {  	[tilespmem:s29+$0xC830] =	vst v8;
	v2 =	vmin.f32 v2, $1.000000000e+00;
	v1 =	vmul.f32 v1, v3  }
0x345: {  	[tilespmem:s29+$0xAF30] =	vst v0;
	v2 =	vmul.f32 v2, v3  }
0x346: {  	[tilespmem:s29+$0xC800] =	vst v1  }
0x347: {  	s0 =	simm.s32 $0xAF00;
	[tilespmem:s29+$0xAF00] =	vst v2  }
0x348: {  	[spmem:s8] =	stream.indirect.scatter.add.f32 [tilespmem:s0], [sflag:$0x3], $0x1, s24, s17, $0xb8;
	[tilespmem:$0x11300] =	vst v63  }
0x349: {  	_ = 	snop  }
0x34a: {  	[spmem:s9] =	stream.indirect.scatter.add.f32 [tilespmem:s2], [sflag:$0x3], $0x1, s24, s17, $0xb8;
	[tilespmem:$0x11300] =	vst v63  }
0x34b: {  	_ =	swait.ge [sflag:s1], $0xC80  }
0x34c: {  	[sflag:s1] =	ssyncset.done $0x0  }
0x34d: {  	s26 =	smin.u32 s16, $0x1A;
	[sflag:s1] =	ssyncadd.s32 $0xFFFFF380  }
0x34e: {  	s0 =	smul.u32 $0xC80, s26;
	_ =	swait.ge [sflag:s1], $0xC80  }
0x34f: {  	s30 =	rddreg [dreg:$0xe]  }
0x350: {  	s0 =	sadd.s32 s0, s30  }
0x351: {  	[sflag:s1] =	ssyncset.done $0x0;
	s0 =	sshrl.u32 s0, $0x3  }
0x352: {  	[sflag:s1] =	ssyncadd.s32 $0xFFFFF380;
	s30 =	simm.s32 $0x0;
	s26 =	sadd.s32 s12, s0  }
0x353: {  	[tilespmem:s17], [sflag:$0x6] =	stream.linear.gather [hbm4b:s26+s30], $0xC80, $0x38;
	[tilespmem:$0x11300] =	vst v63  }
0x354: {  	s0 =	sadd.s32 s7, s0  }
0x355: {  	[tilespmem:s28], [sflag:$0x6] =	stream.linear.gather [hbm4b:s0+s30], $0xC80, $0x38;
	[tilespmem:$0x11300] =	vst v63  }
0x356: {  	_ =	swait.ge [sflag:s5], $0xC80  }
0x357: {  	[sflag:s5] =	ssyncset.done $0x0  }
0x358: {  	[sflag:s5] =	ssyncadd.s32 $0xFFFFF380  }
0x359: {  	_ =	swait.ge [sflag:s5], $0xC80  }
0x35a: {  	[sflag:s5] =	ssyncset.done $0x0  }
0x35b: {  	[sflag:s5] =	ssyncadd.s32 $0xFFFFF380  }
0x35c: {  	[tilespmem:s6], [sflag:$0x1] =	stream.indirect.gather [spmem:s10], $0x1, s30, s17, $0xb8;
	[tilespmem:$0x11300] =	vst v63  }
0x35d: {  	_ = 	snop  }
0x35e: {  	[tilespmem:s3], [sflag:$0x1] =	stream.indirect.gather [spmem:s10], $0x1, s31, s17, $0xb8;
	[tilespmem:$0x11300] =	vst v63  }
0x35f: {  	_ = 	snop  }
0x360: {  	[tilespmem:s13], [sflag:$0x1] =	stream.indirect.gather [spmem:s11], $0x1, s30, s17, $0xb8;
	[tilespmem:$0x11300] =	vst v63  }
0x361: {  	_ =	swait.ge [sflag:s14], $0xC80  }
0x362: {  	[sflag:s14] =	ssyncset.done $0x0  }
0x363: {  	[sflag:s14] =	ssyncadd.s32 $0xFFFFF380  }
0x364: {  	_ =	swait.ge [sflag:s14], $0xC80  }
0x365: {  	[sflag:s14] =	ssyncset.done $0x0  }
0x366: {  	[sflag:s14] =	ssyncadd.s32 $0xFFFFF380  }
0x367: {  	_ =	swait.ge [sflag:s14], $0xC80  }
0x368: {  	[sflag:s14] =	ssyncset.done $0x0  }
0x369: {  	s16 =	simm.s32 $0x0;
	[sflag:s14] =	ssyncadd.s32 $0xFFFFF380  }
0x36a: {  	v0 =	vld [tilespmem:s16+$0x70A0]  }
0x36b: {  	v1 =	vld [tilespmem:s16+$0x89A0]  }
0x36c: {  	v2 =	vld [tilespmem:s16+$0x7090]  }
0x36d: {  	v3 =	vld [tilespmem:s16+$0x8990]  }
0x36e: {  	v9 =	vld [tilespmem:s16+$0x89B0];
	_ =	sdelay $0x2  }
0x36f: {  	v4 =	vld [tilespmem:s16+$0x70B0];
	v5 =	vand.u32 $0xFFFF, v1;
	v6 =	vand.u32 $0xFFFF, v0;
	v7 =	vshrl.u32 v2, $0x10  }
0x370: {  	v8 =	vshrl.u32 v3, $0x10;
	v0 =	vshrl.u32 v0, $0x10;
	v1 =	vshrl.u32 v1, $0x10  }
0x371: {  	v3 =	vand.u32 $0xFFFF, v3;
	v2 =	vand.u32 $0xFFFF, v2;
	v54 =	vshrl.u32 v9, $0x10  }
0x372: {  	v9 =	vand.u32 $0xFFFF, v9;
	v5 =	vsub.s32 v5, v6;
	v7 =	vsub.s32 v8, v7  }
0x373: {  	v6 =	vld [tilespmem:s16+$0x7080];
	v0 =	vsub.s32 v1, v0;
	v2 =	vsub.s32 v3, v2;
	v5 =	vcvt.s32.f32 v5  }
0x374: {  	v1 =	vshrl.u32 v4, $0x10;
	v7 =	vcvt.s32.f32 v7;
	v2 =	vcvt.s32.f32 v2  }
0x375: {  	v1 =	vsub.s32 v54, v1;
	v0 =	vcvt.s32.f32 v0;
	v5 =	vmul.f32 $3.051804380e-04, v5  }
0x376: {  	v10 =	vld [tilespmem:s16+$0xA2A0];
	v8 =	vand.u32 $0xFFFF, v4;
	v1 =	vcvt.s32.f32 v1;
	v7 =	vmul.f32 $3.051804380e-04, v7  }
0x377: {  	v2 =	vmul.f32 $3.051804380e-04, v2;
	v0 =	vmul.f32 $3.051804380e-04, v0;
	v4 =	vadd.f32 $5.000000000e-01, v5;
	v5 =	vld [tilespmem:s16+$0x8980]  }
0x378: {  	v1 =	vmul.f32 $3.051804380e-04, v1;
	v11 =	vshrl.u32 v6, $0x10;
	v7 =	vadd.f32 $5.000000000e-01, v7  }
0x379: {  	v6 =	vand.u32 $0xFFFF, v6;
	v2 =	vadd.f32 $5.000000000e-01, v2;
	v3 =	vmax.f32 v4, $0.0e+00;
	v4 =	vld [tilespmem:s16+$0xA290]  }
0x37a: {  	v0 =	vadd.f32 $5.000000000e-01, v0;
	v1 =	vadd.f32 $5.000000000e-01, v1;
	v3 =	vmin.f32 v3, $1.000000000e+00  }
0x37b: {  	v7 =	vmax.f32 v7, $0.0e+00;
	v2 =	vmax.f32 v2, $0.0e+00;
	v3 =	vmul.f32 v3, v10  }
0x37c: {  	v13 =	vmax.f32 v0, $0.0e+00;
	v2 =	vmin.f32 v2, $1.000000000e+00;
	v55 =	vand.u32 $0xFFFF, v5  }
0x37d: {  	s26 =	simm.s32 $0x40;
	v56 =	vld [tilespmem:s16+$0xA2B0];
	v5 =	vshrl.u32 v5, $0x10;
	[tilespmem:s16+$0xBBA0] =	vst v3;
	v3 =	vmin.f32 v7, $1.000000000e+00;
	v6 =	vsub.s32 v55, v6  }
0x37e: {  	v5 =	vsub.s32 v5, v11;
	v3 =	vmul.f32 v3, v4;
	v7 =	vld [tilespmem:s26+$0x70A0];
	v6 =	vcvt.s32.f32 v6  }
0x37f: {  	v1 =	vmax.f32 v1, $0.0e+00;
	v13 =	vmin.f32 v13, $1.000000000e+00;
	v11 =	vld [tilespmem:s26+$0x89A0];
	v5 =	vcvt.s32.f32 v5  }
0x380: {  	v10 =	vmul.f32 v13, v10;
	[tilespmem:s16+$0xD490] =	vst v3;
	v3 =	vsub.s32 v9, v8;
	v6 =	vmul.f32 $3.051804380e-04, v6  }
0x381: {  	v0 =	vmin.f32 v1, $1.000000000e+00;
	v5 =	vmul.f32 $3.051804380e-04, v5;
	v8 =	vld [tilespmem:s26+$0x70B0];
	v3 =	vcvt.s32.f32 v3  }
0x382: {  	v2 =	vmul.f32 v2, v4;
	v4 =	vmul.f32 v0, v56;
	v9 =	vld [tilespmem:s26+$0x7090];
	v6 =	vadd.f32 $5.000000000e-01, v6  }
0x383: {  	v15 =	vld [tilespmem:s26+$0x8990];
	v5 =	vadd.f32 $5.000000000e-01, v5;
	v14 =	vmul.f32 $3.051804380e-04, v3;
	v3 =	vshrl.u32 v7, $0x10  }
0x384: {  	v0 =	vld [tilespmem:s26+$0x89B0];
	v16 =	vand.u32 $0xFFFF, v11;
	v7 =	vand.u32 $0xFFFF, v7;
	v11 =	vshrl.u32 v11, $0x10  }
0x385: {  	v17 =	vld [tilespmem:s26+$0x7080];
	[tilespmem:s16+$0xD4B0] =	vst v4;
	v4 =	vsub.s32 v16, v7;
	v3 =	vsub.s32 v11, v3;
	v6 =	vmax.f32 v6, $0.0e+00  }
0x386: {  	v58 =	vmax.f32 v5, $0.0e+00;
	v4 =	vcvt.s32.f32 v4;
	v11 =	vadd.f32 $5.000000000e-01, v14  }
0x387: {  	[tilespmem:s16+$0xBB90] =	vst v2;
	v6 =	vmin.f32 v6, $1.000000000e+00;
	v1 =	vand.u32 $0xFFFF, v8;
	v7 =	vshrl.u32 v8, $0x10  }
0x388: {  	[tilespmem:s16+$0xD4A0] =	vst v10;
	v2 =	vshrl.u32 v9, $0x10;
	v8 =	vand.u32 $0xFFFF, v15;
	v10 =	vshrl.u32 v15, $0x10  }
0x389: {  	v9 =	vand.u32 $0xFFFF, v9;
	v2 =	vsub.s32 v10, v2;
	v4 =	vmul.f32 $3.051804380e-04, v4;
	v10 =	vld [tilespmem:s16+$0xA280]  }
0x38a: {  	v14 =	vmin.f32 v58, $1.000000000e+00;
	v8 =	vsub.s32 v8, v9;
	v57 =	vcvt.s32.f32 v2;
	v2 =	vld [tilespmem:s26+$0xA2A0]  }
0x38b: {  	v59 =	vld [tilespmem:s26+$0x8980];
	v5 =	vshrl.u32 v17, $0x10;
	v60 =	vcvt.s32.f32 v8;
	v4 =	vadd.f32 $5.000000000e-01, v4  }
0x38c: {  	v61 =	vand.u32 $0xFFFF, v17;
	v11 =	vmax.f32 v11, $0.0e+00;
	v9 =	vmul.f32 $3.051804380e-04, v57  }
0x38d: {  	v63 =	vmin.f32 v11, $1.000000000e+00;
	v11 =	vmul.f32 $3.051804380e-04, v60;
	v8 =	vmax.f32 v4, $0.0e+00;
	v4 =	vld [tilespmem:s26+$0xA290]  }
0x38e: {  	v9 =	vadd.f32 $5.000000000e-01, v9;
	v8 =	vmin.f32 v8, $1.000000000e+00;
	v14 =	vmul.f32 v14, v10  }
0x38f: {  	v10 =	vmul.f32 v6, v10;
	v62 =	vmul.f32 v8, v2;
	v8 =	vshrl.u32 v0, $0x10  }
0x390: {  	v6 =	vand.u32 $0xFFFF, v59;
	v9 =	vmax.f32 v9, $0.0e+00;
	v7 =	vsub.s32 v8, v7;
	[tilespmem:s16+$0xD480] =	vst v14  }
0x391: {  	v6 =	vsub.s32 v6, v61;
	v8 =	vcvt.s32.f32 v7;
	[tilespmem:s26+$0xBBA0] =	vst v62;
	v7 =	vmin.f32 v9, $1.000000000e+00  }
0x392: {  	s29 =	simm.s32 $0x200;
	v9 =	vmul.f32 v63, v56;
	[tilespmem:s16+$0xBB80] =	vst v10;
	v10 =	vshrl.u32 v59, $0x10;
	v7 =	vmul.f32 v7, v4  }
.LBB2_16:
0x393: {  	s0 =	sshra.s32 s29, $0x2;
	p0 =	sne.s32 s29, $0x3100;
	s29 =	sadd.s32 $0x100, s29;
	v5 =	vsub.s32 v10, v5;
	v10 =	vadd.f32 $5.000000000e-01, v11;
	v3 =	vcvt.s32.f32 v3;
	v12 =	vld [tilespmem:s26+$0xA2B0]  }
0x394: {  	v6 =	vcvt.s32.f32 v6;
	v0 =	vand.u32 $0xFFFF, v0;
	v8 =	vmul.f32 $3.051804380e-04, v8;
	v11 =	vld [tilespmem:s0+$0x70A0];
	[tilespmem:s16+$0xBBB0] =	vst v9;
	s16 =	smov.u32 s26;
	s26 =	smov.u32 s0  }
0x395: {  	v0 =	vsub.s32 v0, v1;
	v9 =	vld [tilespmem:s26+$0x89A0];
	v10 =	vmax.f32 v10, $0.0e+00;
	[tilespmem:s16+$0xD490] =	vst v7;
	v3 =	vmul.f32 $3.051804380e-04, v3  }
0x396: {  	v5 =	vcvt.s32.f32 v5;
	v1 =	vmul.f32 $3.051804380e-04, v6;
	v6 =	vadd.f32 $5.000000000e-01, v8;
	v7 =	vld [tilespmem:s26+$0x70B0]  }
0x397: {  	v13 =	vcvt.s32.f32 v0;
	v10 =	vmin.f32 v10, $1.000000000e+00;
	v8 =	vld [tilespmem:s26+$0x7090];
	v3 =	vadd.f32 $5.000000000e-01, v3  }
0x398: {  	v5 =	vmul.f32 $3.051804380e-04, v5;
	v14 =	vadd.f32 $5.000000000e-01, v1;
	v1 =	vmax.f32 v6, $0.0e+00;
	v0 =	vld [tilespmem:s26+$0x89B0]  }
0x399: {  	v13 =	vmul.f32 $3.051804380e-04, v13;
	v1 =	vmin.f32 v1, $1.000000000e+00;
	v6 =	vld [tilespmem:s26+$0x8990];
	v3 =	vmax.f32 v3, $0.0e+00  }
0x39a: {  	v4 =	vmul.f32 v10, v4;
	v16 =	vshrl.u32 v11, $0x10;
	v10 =	vmul.f32 v1, v12;
	v15 =	vld [tilespmem:s26+$0x7080]  }
0x39b: {  	v17 =	vand.u32 $0xFFFF, v9;
	v3 =	vmin.f32 v3, $1.000000000e+00;
	v1 =	vand.u32 $0xFFFF, v7  }
0x39c: {  	v11 =	vand.u32 $0xFFFF, v11;
	v9 =	vshrl.u32 v9, $0x10;
	v2 =	vmul.f32 v3, v2;
	[tilespmem:s16+$0xD4B0] =	vst v10  }
0x39d: {  	v3 =	vsub.s32 v9, v16;
	v7 =	vshrl.u32 v7, $0x10;
	v10 =	vsub.s32 v17, v11;
	[tilespmem:s16+$0xBB90] =	vst v4  }
0x39e: {  	v5 =	vadd.f32 $5.000000000e-01, v5;
	v4 =	vshrl.u32 v8, $0x10;
	v9 =	vcvt.s32.f32 v10;
	[tilespmem:s16+$0xD4A0] =	vst v2  }
0x39f: {  	v10 =	vand.u32 $0xFFFF, v6;
	v2 =	vshrl.u32 v6, $0x10;
	v6 =	vadd.f32 $5.000000000e-01, v13  }
0x3a0: {  	v2 =	vsub.s32 v2, v4;
	v4 =	vmul.f32 $3.051804380e-04, v9;
	v9 =	vmax.f32 v14, $0.0e+00;
	v11 =	vld [tilespmem:s16+$0xA280]  }
0x3a1: {  	v8 =	vand.u32 $0xFFFF, v8;
	v13 =	vcvt.s32.f32 v2;
	v6 =	vmax.f32 v6, $0.0e+00;
	v2 =	vld [tilespmem:s26+$0xA2A0]  }
0x3a2: {  	v14 =	vmax.f32 v5, $0.0e+00;
	v9 =	vmin.f32 v9, $1.000000000e+00;
	v4 =	vadd.f32 $5.000000000e-01, v4  }
0x3a3: {  	v5 =	vshrl.u32 v15, $0x10;
	v8 =	vsub.s32 v10, v8;
	v10 =	vmul.f32 $3.051804380e-04, v13;
	v16 =	vld [tilespmem:s26+$0x8980]  }
0x3a4: {  	v14 =	vmin.f32 v14, $1.000000000e+00;
	v13 =	vcvt.s32.f32 v8;
	v8 =	vmax.f32 v4, $0.0e+00  }
0x3a5: {  	v10 =	vadd.f32 $5.000000000e-01, v10;
	v8 =	vmin.f32 v8, $1.000000000e+00;
	v4 =	vld [tilespmem:s26+$0xA290];
	v14 =	vmul.f32 v14, v11  }
.Ltmp7:
0x3a6: {  	v17 =	vshrl.u32 v0, $0x10;
	v15 =	vand.u32 $0xFFFF, v15;
	v8 =	vmul.f32 v8, v2;
	(pc) =	sbr.rel @p0 .LBB2_16-.Ltmp7, $4  }
0x3a7: {  	v7 =	vsub.s32 v17, v7;
	v9 =	vmul.f32 v9, v11;
	v10 =	vmax.f32 v10, $0.0e+00;
	[tilespmem:s16+$0xD480] =	vst v14  }
0x3a8: {  	v14 =	vmin.f32 v6, $1.000000000e+00;
	v11 =	vand.u32 $0xFFFF, v16;
	[tilespmem:s26+$0xBBA0] =	vst v8;
	v8 =	vcvt.s32.f32 v7  }
0x3a9: {  	v7 =	vmin.f32 v10, $1.000000000e+00;
	v6 =	vsub.s32 v11, v15;
	v11 =	vmul.f32 $3.051804380e-04, v13;
	[tilespmem:s16+$0xBB80] =	vst v9  }
0x3aa: {  	v10 =	vshrl.u32 v16, $0x10;
	v9 =	vmul.f32 v14, v12;
	v7 =	vmul.f32 v7, v4  }
0x3ab: {  	v3 =	vcvt.s32.f32 v3;
	_ =	sdelay $0x1  }
0x3ac: {  	v8 =	vmul.f32 $3.051804380e-04, v8;
	v3 =	vmul.f32 $3.051804380e-04, v3  }
0x3ad: {  	v11 =	vadd.f32 $5.000000000e-01, v11;
	v5 =	vsub.s32 v10, v5;
	v0 =	vand.u32 $0xFFFF, v0  }
0x3ae: {  	v5 =	vcvt.s32.f32 v5;
	v0 =	vsub.s32 v0, v1;
	v3 =	vadd.f32 $5.000000000e-01, v3  }
0x3af: {  	v60 =	vcvt.s32.f32 v6;
	v8 =	vadd.f32 $5.000000000e-01, v8;
	v0 =	vcvt.s32.f32 v0  }
0x3b0: {  	v12 =	vld [tilespmem:s26+$0xA2B0];
	[tilespmem:s16+$0xBBB0] =	vst v9;
	v11 =	vmax.f32 v11, $0.0e+00;
	v61 =	vmul.f32 $3.051804380e-04, v5;
	v3 =	vmax.f32 v3, $0.0e+00  }
0x3b1: {  	v62 =	vmul.f32 $3.051804380e-04, v60;
	v63 =	vld [tilespmem:s26+$0xA280];
	v0 =	vmul.f32 $3.051804380e-04, v0;
	v3 =	vmin.f32 v3, $1.000000000e+00  }
0x3b2: {  	v59 =	vmin.f32 v11, $1.000000000e+00;
	v1 =	vadd.f32 $5.000000000e-01, v61;
	v2 =	vmul.f32 v3, v2  }
0x3b3: {  	v8 =	vmax.f32 v8, $0.0e+00;
	v4 =	vmul.f32 v59, v4;
	v0 =	vadd.f32 $5.000000000e-01, v0  }
0x3b4: {  	v8 =	vmin.f32 v8, $1.000000000e+00;
	v1 =	vmax.f32 v1, $0.0e+00;
	[tilespmem:s26+$0xD4A0] =	vst v2;
	v2 =	vadd.f32 $5.000000000e-01, v62  }
0x3b5: {  	[tilespmem:s26+$0xD490] =	vst v7;
	v8 =	vmul.f32 v8, v12;
	v1 =	vmin.f32 v1, $1.000000000e+00;
	v0 =	vmax.f32 v0, $0.0e+00  }
0x3b6: {  	[tilespmem:s26+$0xBB90] =	vst v4;
	v1 =	vmul.f32 v1, v63;
	v0 =	vmin.f32 v0, $1.000000000e+00;
	v2 =	vmax.f32 v2, $0.0e+00  }
0x3b7: {  	s15 =	sadd.s32 $0x1, s15;
	[tilespmem:s26+$0xD4B0] =	vst v8;
	v0 =	vmul.f32 v0, v12;
	v2 =	vmin.f32 v2, $1.000000000e+00  }
0x3b8: {  	p0 =	sne.s32 s15, $0x8;
	[tilespmem:s26+$0xD480] =	vst v1;
	v2 =	vmul.f32 v2, v63  }
.Ltmp8:
0x3b9: {  	[tilespmem:s26+$0xBBB0] =	vst v0;
	(pc) =	sbr.rel @p0 .LBB2_9-.Ltmp8, $4  }
0x3ba: {  	[tilespmem:s26+$0xBB80] =	vst v2  }
0x3bb: {  	[spmem:s8] =	stream.indirect.scatter.add.f32 [tilespmem:s19], [sflag:$0x4], $0x1, s18, s17, $0xb8;
	[tilespmem:$0x11300] =	vst v63  }
0x3bc: {  	_ = 	snop  }
0x3bd: {  	[spmem:s9] =	stream.indirect.scatter.add.f32 [tilespmem:s20], [sflag:$0x4], $0x1, s18, s17, $0xb8;
	[tilespmem:$0x11300] =	vst v63  }
0x3be: {  	s0 =	simm.s32 $0x3  }
0x3bf: {  	_ =	swait.ge [sflag:s0], $0xC80  }
0x3c0: {  	[sflag:s0] =	ssyncset.done $0x0  }
0x3c1: {  	[sflag:s0] =	ssyncadd.s32 $0xFFFFF380  }
0x3c2: {  	_ =	swait.ge [sflag:s0], $0xC80  }
0x3c3: {  	[sflag:s0] =	ssyncset.done $0x0  }
0x3c4: {  	s25 =	simm.s32 $0x4;
	[sflag:s0] =	ssyncadd.s32 $0xFFFFF380  }
0x3c5: {  	_ =	swait.ge [sflag:s25], $0xC80  }
0x3c6: {  	[sflag:s25] =	ssyncset.done $0x0  }
0x3c7: {  	[sflag:s25] =	ssyncadd.s32 $0xFFFFF380  }
0x3c8: {  	_ =	swait.ge [sflag:s25], $0xC80  }
0x3c9: {  	[sflag:s25] =	ssyncset.done $0x0  }
0x3ca: {  	s26 =	simm.s32 $0x1;
	[sflag:s25] =	ssyncadd.s32 $0xFFFFF380  }
0x3cb: {  	_ =	swait.ge [sflag:s26], $0xC80  }
0x3cc: {  	[sflag:s26] =	ssyncset.done $0x0  }
0x3cd: {  	[sflag:s26] =	ssyncadd.s32 $0xFFFFF380  }
0x3ce: {  	_ =	swait.ge [sflag:s26], $0xC80  }
0x3cf: {  	[sflag:s26] =	ssyncset.done $0x0  }
0x3d0: {  	[sflag:s26] =	ssyncadd.s32 $0xFFFFF380  }
0x3d1: {  	_ =	swait.ge [sflag:s26], $0xC80  }
0x3d2: {  	[sflag:s26] =	ssyncset.done $0x0  }
0x3d3: {  	s28 =	simm.s32 $0x6;
	[sflag:s26] =	ssyncadd.s32 $0xFFFFF380  }
0x3d4: {  	_ =	swait.ge [sflag:s28], $0xC80  }
0x3d5: {  	[sflag:s28] =	ssyncset.done $0x0  }
0x3d6: {  	[sflag:s28] =	ssyncadd.s32 $0xFFFFF380  }
0x3d7: {  	_ =	swait.ge [sflag:s28], $0xC80  }
0x3d8: {  	[sflag:s28] =	ssyncset.done $0x0  }
0x3d9: {  	s1 =	rddreg [dreg:$0xa];
	[sflag:s28] =	ssyncadd.s32 $0xFFFFF380  }
0x3da: {  	s0 =	rddreg [dreg:$0x1];
	[bflag:$0x0] =	sbarrier.arrive $0xFFFF  }
0x3db: {  	s2 =	rddreg [dreg:$0x7]  }
0x3dc: {  	s30 =	simm.s32 $0x7;
	s0 =	sadd.s32 s0, s1;
	s29 =	rddreg [dreg:$0x8]  }
0x3dd: {  	[hbm:s0], [sflag:s2] =	dma.local [spmem:s29], $0x190  }
0x3de: {  	_ =	swait.ge [sflag:s30], $0x190  }
0x3df: {  	[sflag:s30] =	ssyncset.done $0x0  }
0x3e0: {  	s0 =	sadd.s32 $0x1900, s0;
	s3 =	rddreg [dreg:$0x9];
	[sflag:s30] =	ssyncadd.s32 $0xFFFFFE70  }
0x3e1: {  	[hbm:s0], [sflag:s2] =	dma.local [spmem:s3], $0x190  }
0x3e2: {  	_ =	swait.ge [sflag:s30], $0x190  }
0x3e3: {  	[sflag:s30] =	ssyncset.done $0x0  }
0x3e4: {  	[sflag:s30] =	ssyncadd.s32 $0xFFFFFE70  }
0x3e5: {  	_ =	sfence.sel $0x180000  }
0x3e6: {  	[bflag:$0x0] =	sbarrier.arrive $0xFFFF  }
0x3e7: {  	_ =	strace $0x90000047  }
0x3e8: {  	s31 =	stileid.u32;
	[bflag:$0x2] =	sbarrier.arrive $0xFFFF  }
0x3e9: {  	p0 =	sne.s32 s31, $0x0;
	s0 =	rddreg [dreg:$0x6]  }
0x3ea: {  	s0 =	sadd.s32 @!p0 $0x100000, s0  }
0x3eb: {  	[sflag:s0] =	ssyncadd.tile.s32 @!p0 $0x1;
	_ =	shalt  }
.Lfunc_end2:
_tile_overlayer_lowered:
.L_overlay_start_2:
0x3ec: {  	(tag) =	ssettag $0x2  }
0x3ed: {  	s0 =	rddreg [dreg:$0x0];
	s2 =	stileid.u32  }
0x3ee: {  	s1 =	rddreg [dreg:$0x1];
	p0 =	sne.s32 s2, $0x0  }
0x3ef: {  	s3 =	rddreg [dreg:$0x2];
	[bflag:$0x3] =	sbarrier.arrive $0xFFFF;
	s2 =	simm.s32 @!p0 $0x1C07  }
0x3f0: {  	[timem:s3], [sflag:s2] =	dma.local @!p0 [hbm:s0], s1  }
0x3f1: {  	s0 =	simm.s32 @!p0 $0x7  }
0x3f2: {  	_ =	swait.ge @!p0 [sflag:s0], s1  }
0x3f3: {  	s1 =	ssub.s32 @!p0 $0x0, s1;
	[sflag:s0] =	ssyncset.done @!p0 $0x0  }
0x3f4: {  	[sflag:s0] =	ssyncadd.s32 @!p0 s1  }
0x3f5: {  	[bflag:$0x3] =	sbarrier.arrive $0xFFFF  }
0x3f6: {  	_ =	shalt  }

</sc_bundles>
